<compile_context>
chip_gen: v7x
topology: tpu7x:2x2x1
jax: 0.10.2.dev20260603
libtpu: 0.0.44.dev20260713+nightly
codegen_flags: <defaults>
</compile_context>

<pallas_src>
import functools

import jax
import jax.numpy as jnp
from jax import lax
from jax.experimental import pallas as pl
from jax.experimental.pallas import tpu as pltpu, tpu_sc as plsc

_N_VERTS = 16384
_PIXEL_SCALE = 0.2619
_NC = 2
_NS = 16
_NW = _NC * _NS
_LANES = 16
_C = 2048
_UNROLL = 4

_GATHER_DNUMS = lax.GatherDimensionNumbers(
    offset_dims=(), collapsed_slice_dims=(0,), start_index_map=(0,))


def _take16(v, idx):
    return lax.gather(v, idx[:, None], _GATHER_DNUMS, slice_sizes=(1,),
                      mode=lax.GatherScatterMode.PROMISE_IN_BOUNDS)


def _sc_spmv3_body(n_src, n_val, n_chunks, t_start, *refs):
    it = iter(refs)
    srcs_hbm = [next(it) for _ in range(n_src)]
    rows_hbm = next(it)
    cols_hbm = next(it)
    vals2d_hbm = next(it)
    rows_t = next(it)
    cols_t = next(it)
    vals_t = [next(it) for _ in range(n_val)]
    out_hbm = next(it)
    srcs = [next(it) for _ in range(n_src)]
    accs = [next(it) for _ in range(3)]
    nbuf = 3
    rb = [next(it) for _ in range(nbuf)]
    cb = [next(it) for _ in range(nbuf)]
    vb = [[next(it) for _ in range(nbuf)] for _ in range(n_val)]
    sems = [next(it) for _ in range(nbuf)]

    cid = lax.axis_index("c")
    sid = lax.axis_index("s")
    wid = sid * _NC + cid
    per_w = n_chunks * _C

    for s_hbm, s in zip(srcs_hbm, srcs):
        pltpu.sync_copy(s_hbm, s)

    zeros = jnp.zeros((_LANES,), jnp.float32)

    @plsc.parallel_loop(0, _N_VERTS, _LANES, unroll=8)
    def _(off):
        off = pl.multiple_of(off, _LANES)
        for a in accs:
            a[pl.ds(off, _LANES)] = zeros

    def issue(ch, b):
        g_ch = wid * n_chunks + ch
        base = wid * per_w + ch * _C

        @pl.when(g_ch < t_start)
        def _():
            pltpu.async_copy(rows_hbm.at[pl.ds(base, _C)], rb[b], sems[b])
            pltpu.async_copy(cols_hbm.at[pl.ds(base, _C)], cb[b], sems[b])
            for j in range(n_val):
                jr = j + 1 if n_val == 3 else 0
                pltpu.async_copy(vals2d_hbm.at[jr, pl.ds(base, _C)],
                                 vb[j][b], sems[b])

        @pl.when(g_ch >= t_start)
        def _():
            tbase = (g_ch - t_start) * _C
            pltpu.async_copy(rows_t.at[pl.ds(tbase, _C)], rb[b], sems[b])
            pltpu.async_copy(cols_t.at[pl.ds(tbase, _C)], cb[b], sems[b])
            for j in range(n_val):
                pltpu.async_copy(vals_t[j].at[pl.ds(tbase, _C)], vb[j][b],
                                 sems[b])

    def drain(b):
        pltpu.make_async_copy(rows_hbm.at[pl.ds(0, _C)], rb[b],
                              sems[b]).wait()
        pltpu.make_async_copy(cols_hbm.at[pl.ds(0, _C)], cb[b],
                              sems[b]).wait()
        for j in range(n_val):
            pltpu.make_async_copy(rows_hbm.at[pl.ds(0, _C)], vb[j][b],
                                  sems[b]).wait()

    iota = lax.iota(jnp.int32, _LANES)
    inx = jnp.minimum(iota + 1, _LANES - 1)
    last_lane = iota == _LANES - 1

    def compute(b):
        @plsc.parallel_loop(0, _C, _LANES, unroll=_UNROLL)
        def _(off):
            off = pl.multiple_of(off, _LANES)
            r = rb[b][pl.ds(off, _LANES)]
            c = cb[b][pl.ds(off, _LANES)]
            r_next = _take16(r, inx)
            is_last = last_lane | (r != r_next)
            is_mid = is_last & (~last_lane)
            if n_src == 1:
                xg0 = plsc.load_gather(srcs[0], [c])
            for j in range(3):
                xg = xg0 if n_src == 1 else plsc.load_gather(srcs[j], [c])
                v = vb[j if n_val == 3 else 0][b][pl.ds(off, _LANES)]
                csum = plsc.cumsum(v * xg)
                plsc.addupdate_scatter(accs[j], [r], csum, mask=is_last)
                plsc.addupdate_scatter(accs[j], [r_next], -csum, mask=is_mid)

    issue(0, 0)
    issue(1, 1)
    n_main = n_chunks - n_chunks % nbuf

    def ring_body(g, carry):
        ch0 = g * nbuf
        for k in range(nbuf):
            drain(k)
            nxt = ch0 + k + 2

            @pl.when(nxt < n_chunks)
            def _():
                issue(nxt, (k + 2) % nbuf)

            compute(k)
        return carry

    lax.fori_loop(0, n_main // nbuf, ring_body, 0)
    for ch in range(n_main, n_chunks):
        k = ch % nbuf
        drain(k)
        if ch + 2 < n_chunks:
            issue(ch + 2, (k + 2) % nbuf)
        compute(k)

    for j in range(3):
        pltpu.sync_copy(accs[j],
                        out_hbm.at[pl.ds((wid * 3 + j) * _N_VERTS, _N_VERTS)])


def _sc_phase(n_chunks, t_start, srcs, rows, cols, op_vals, vals_t,
              rows_t, cols_t):
    n_src, n_val = len(srcs), len(vals_t)
    mesh = plsc.VectorSubcoreMesh(core_axis_name="c", subcore_axis_name="s")
    body = functools.partial(_sc_spmv3_body, n_src, n_val, n_chunks, t_start)
    return pl.kernel(
        body,
        out_type=jax.ShapeDtypeStruct((_NW * 3 * _N_VERTS,), jnp.float32),
        mesh=mesh,
        compiler_params=pltpu.CompilerParams(needs_layout_passes=False),
        scratch_types=(
            [pltpu.VMEM((_N_VERTS,), jnp.float32) for _ in range(n_src)]
            + [pltpu.VMEM((_N_VERTS,), jnp.float32) for _ in range(3)]
            + [pltpu.VMEM((_C,), jnp.int32) for _ in range(6)]
            + [pltpu.VMEM((_C,), jnp.float32) for _ in range(3 * n_val)]
            + [pltpu.SemaphoreType.DMA] * 3
        ),
    )(*srcs, rows, cols, op_vals, rows_t, cols_t, *vals_t)


def _tc_reduce(partials_flat, scale):
    def body(p_ref, o_ref):
        for j in range(3):
            a = jnp.zeros((_N_VERTS,), jnp.float32)
            for w in range(_NW):
                a = a + p_ref[pl.ds((w * 3 + j) * _N_VERTS, _N_VERTS)]
            o_ref[j, :] = a * scale

    return pl.pallas_call(
        body,
        out_shape=jax.ShapeDtypeStruct((3, _N_VERTS), jnp.float32),
    )(partials_flat)


def kernel(X, op_rows, op_cols, op_vals):
    nnz = op_rows.shape[0]
    n_chunks = -(-nnz // (_NW * _C))
    t_start = nnz // _C
    n_tail = _NW * n_chunks - t_start
    tpad = t_start * _C + n_tail * _C - nnz

    def tail(a):
        return jnp.pad(a[t_start * _C:], (0, tpad))

    x_flat = X.reshape(-1)
    rows_t, cols_t = tail(op_rows), tail(op_cols)
    vtl = op_vals[:, t_start * _C:]
    vt = [jnp.pad(vtl[j], (0, tpad)) for j in range(4)]
    partials_a = _sc_phase(n_chunks, t_start, [x_flat], op_rows, op_cols,
                           op_vals, [vt[1], vt[2], vt[3]], rows_t, cols_t)
    L = _tc_reduce(partials_a, 1.0)
    partials_b = _sc_phase(n_chunks, t_start, [L[0], L[1], L[2]],
                           op_rows, op_cols, op_vals, [vt[0]],
                           rows_t, cols_t)
    grad = _tc_reduce(partials_b, 1.0 / _PIXEL_SCALE)
    return grad.T

# --- scband reference (transcript-rebuilt; emitter-appended) ---
"""Pipeline reference for scband-fenics-gradient-8847632629939 (READ-ONLY COPY).

The authoritative reference and input builder live on the scoring server;
editing this copy changes nothing except your own understanding.
"""

import jax, jax.numpy as jnp
import numpy as np

N_VERTS = 16384
NNZ = 2684354
PIXEL_SCALE = 0.2619


def setup_inputs(seed: int = 0) -> dict:
    key = jax.random.key(seed)
    k1, k2, k3, k4 = jax.random.split(key, 4)
    X = jax.random.normal(k1, (N_VERTS,), dtype=jnp.float32)
    # All four mesh operators (Ainv and the 3 directional gradient operators)
    # share the mesh connectivity sparsity pattern (rows, cols) in COO form.
    op_rows = jnp.sort(jax.random.randint(k2, (NNZ,), 0, N_VERTS, dtype=jnp.int32))
    op_cols = jax.random.randint(k3, (NNZ,), 0, N_VERTS, dtype=jnp.int32)
    # op_vals[0] = Ainv values, op_vals[1:4] = grad_x/grad_y/grad_z values
    op_vals = jax.random.normal(k4, (4, NNZ), dtype=jnp.float32) * 0.1
    return {"X": X, "op_rows": op_rows, "op_cols": op_cols, "op_vals": op_vals}


def reference(X, op_rows, op_cols, op_vals):
    # FenicsGradient.forward -> transform -> grad_scalar path
    # (n_components == prod(X.shape[:-1]) == 1 for a scalar field on the mesh).
    def spmv(vals, x):
        # sparse (COO) mat-vec: gather columns, multiply, scatter-add by row
        return jax.ops.segment_sum(vals * jnp.take(x, op_cols), op_rows,
                                   num_segments=N_VERTS)

    x_flat = X.reshape(-1)
    cols = []
    for i in range(3):
        L = spmv(op_vals[1 + i], x_flat)   # L = grad_sca_[i] @ X.flatten()
        d = spmv(op_vals[0], L)            # d = A_sca_ @ L  (Ainv)
        cols.append(d)
    grad = jnp.stack(cols, axis=-1)        # [N_VERTS, 3]
    return grad / PIXEL_SCALE

if __name__ == "__main__":
    import jax
    _d = setup_inputs()
    print(jax.jit(kernel)(*tuple(_d.values())))

</pallas_src>

<mosaic_0001>
#map = affine_map<(d0, d1) -> (0)>
#map1 = affine_map<(d0, d1) -> (0, 0)>
module attributes {stable_mosaic.version = 14 : i64} {
  func.func @_sc_spmv3_body(%arg0: i32, %arg1: i32, %arg2: memref<16384xf32, #tpu.memory_space<hbm>>, %arg3: memref<16384xf32, #tpu.memory_space<hbm>>, %arg4: memref<16384xf32, #tpu.memory_space<hbm>>, %arg5: memref<2684354xi32, #tpu.memory_space<hbm>>, %arg6: memref<2684354xi32, #tpu.memory_space<hbm>>, %arg7: memref<4x2684354xf32, #tpu.memory_space<hbm>>, %arg8: memref<4096xi32, #tpu.memory_space<hbm>>, %arg9: memref<4096xi32, #tpu.memory_space<hbm>>, %arg10: memref<4096xf32, #tpu.memory_space<hbm>>, %arg11: memref<1572864xf32, #tpu.memory_space<hbm>>, %arg12: memref<16384xf32, #tpu.memory_space<vmem>>, %arg13: memref<16384xf32, #tpu.memory_space<vmem>>, %arg14: memref<16384xf32, #tpu.memory_space<vmem>>, %arg15: memref<16384xf32, #tpu.memory_space<vmem>>, %arg16: memref<16384xf32, #tpu.memory_space<vmem>>, %arg17: memref<16384xf32, #tpu.memory_space<vmem>>, %arg18: memref<2048xi32, #tpu.memory_space<vmem>>, %arg19: memref<2048xi32, #tpu.memory_space<vmem>>, %arg20: memref<2048xi32, #tpu.memory_space<vmem>>, %arg21: memref<2048xi32, #tpu.memory_space<vmem>>, %arg22: memref<2048xi32, #tpu.memory_space<vmem>>, %arg23: memref<2048xi32, #tpu.memory_space<vmem>>, %arg24: memref<2048xf32, #tpu.memory_space<vmem>>, %arg25: memref<2048xf32, #tpu.memory_space<vmem>>, %arg26: memref<2048xf32, #tpu.memory_space<vmem>>, %arg27: memref<!tpu.dma_semaphore, #tpu.memory_space<semaphore_mem>>, %arg28: memref<!tpu.dma_semaphore, #tpu.memory_space<semaphore_mem>>, %arg29: memref<!tpu.dma_semaphore, #tpu.memory_space<semaphore_mem>>) attributes {dimension_semantics = [#tpu.dimension_semantics<core_parallel>, #tpu.dimension_semantics<subcore_parallel>], iteration_bounds = array<i64: 2, 16>, scalar_prefetch = 0 : i64, scratch_operands = 18 : i64, tpu.core_type = #tpu.core_type<sc_vector_subcore>, window_params = [{transform_indices = #map}, {transform_indices = #map}, {transform_indices = #map}, {transform_indices = #map}, {transform_indices = #map}, {transform_indices = #map1}, {transform_indices = #map}, {transform_indices = #map}, {transform_indices = #map}, {transform_indices = #map}]} {
    %mul3A = arith.constant 2 : i32
    %mul3A_0 = arith.muli %arg1, %mul3A : i32
    %add3A = arith.addi %mul3A_0, %arg0 : i32
    "tpu.region"() ({
      %run_scoped3A = tpu.sem_alloc : memref<!tpu.dma_semaphore, #tpu.memory_space<semaphore_mem>>
      tpu.enqueue_dma source(%arg2 : memref<16384xf32, #tpu.memory_space<hbm>>) target(%arg12 : memref<16384xf32, #tpu.memory_space<vmem>>) target_semaphore(%run_scoped3A : memref<!tpu.dma_semaphore, #tpu.memory_space<semaphore_mem>>)
      tpu.wait_dma2 semaphore(%run_scoped3A : memref<!tpu.dma_semaphore, #tpu.memory_space<semaphore_mem>>) src(%arg2 : memref<16384xf32, #tpu.memory_space<hbm>>) dst(%arg12 : memref<16384xf32, #tpu.memory_space<vmem>>)
      tpu.yield
    }) : () -> ()
    "tpu.region"() ({
      %run_scoped3A = tpu.sem_alloc : memref<!tpu.dma_semaphore, #tpu.memory_space<semaphore_mem>>
      tpu.enqueue_dma source(%arg3 : memref<16384xf32, #tpu.memory_space<hbm>>) target(%arg13 : memref<16384xf32, #tpu.memory_space<vmem>>) target_semaphore(%run_scoped3A : memref<!tpu.dma_semaphore, #tpu.memory_space<semaphore_mem>>)
      tpu.wait_dma2 semaphore(%run_scoped3A : memref<!tpu.dma_semaphore, #tpu.memory_space<semaphore_mem>>) src(%arg3 : memref<16384xf32, #tpu.memory_space<hbm>>) dst(%arg13 : memref<16384xf32, #tpu.memory_space<vmem>>)
      tpu.yield
    }) : () -> ()
    "tpu.region"() ({
      %run_scoped3A = tpu.sem_alloc : memref<!tpu.dma_semaphore, #tpu.memory_space<semaphore_mem>>
      tpu.enqueue_dma source(%arg4 : memref<16384xf32, #tpu.memory_space<hbm>>) target(%arg14 : memref<16384xf32, #tpu.memory_space<vmem>>) target_semaphore(%run_scoped3A : memref<!tpu.dma_semaphore, #tpu.memory_space<semaphore_mem>>)
      tpu.wait_dma2 semaphore(%run_scoped3A : memref<!tpu.dma_semaphore, #tpu.memory_space<semaphore_mem>>) src(%arg4 : memref<16384xf32, #tpu.memory_space<hbm>>) dst(%arg14 : memref<16384xf32, #tpu.memory_space<vmem>>)
      tpu.yield
    }) : () -> ()
    %broadcast_in_dim3A = arith.constant 0.000000e+00 : f32
    %broadcast_in_dim3A_1 = vector.broadcast %broadcast_in_dim3A : f32 to vector<16xf32>
    %parallel_loop3A = arith.constant 0 : i32
    %parallel_loop3A_2 = arith.constant 16384 : i32
    %parallel_loop3A_3 = arith.constant 16 : i32
    scf.for %parallel_loop3A_95 = %parallel_loop3A to %parallel_loop3A_2 step %parallel_loop3A_3  : i32 {
      %parallel_loop3A_96 = tpu.assume_multiple %parallel_loop3A_95, 16 : i32
      %parallel_loop3A_97 = arith.index_cast %parallel_loop3A_96 : i32 to index
      %parallel_loop3A_98 = tpu.vector_load %arg15[%parallel_loop3A_97] {strides = array<i32>} : memref<16384xf32, #tpu.memory_space<vmem>>, vector<16xf32>,
      tpu.vector_store %arg15[%parallel_loop3A_97], %broadcast_in_dim3A_1 {strides = array<i32>} : memref<16384xf32, #tpu.memory_space<vmem>>, vector<16xf32>,
      %parallel_loop3A_99 = arith.index_cast %parallel_loop3A_96 : i32 to index
      %parallel_loop3A_100 = tpu.vector_load %arg16[%parallel_loop3A_99] {strides = array<i32>} : memref<16384xf32, #tpu.memory_space<vmem>>, vector<16xf32>,
      tpu.vector_store %arg16[%parallel_loop3A_99], %broadcast_in_dim3A_1 {strides = array<i32>} : memref<16384xf32, #tpu.memory_space<vmem>>, vector<16xf32>,
      %parallel_loop3A_101 = arith.index_cast %parallel_loop3A_96 : i32 to index
      %parallel_loop3A_102 = tpu.vector_load %arg17[%parallel_loop3A_101] {strides = array<i32>} : memref<16384xf32, #tpu.memory_space<vmem>>, vector<16xf32>,
      tpu.vector_store %arg17[%parallel_loop3A_101], %broadcast_in_dim3A_1 {strides = array<i32>} : memref<16384xf32, #tpu.memory_space<vmem>>, vector<16xf32>,
    } {sc.loop_unroll_factor = 8 : i64, sc.parallel_access}
    %iota3A = tpu.iota {dimensions = array<i32: 0>} : vector<16xi32>
    %add3A_4 = arith.constant 1 : i32
    %add3A_5 = vector.broadcast %add3A_4 : i32 to vector<16xi32>
    %add3A_6 = arith.addi %iota3A, %add3A_5 : vector<16xi32>
    %min3A = arith.constant 15 : i32
    %min3A_7 = vector.broadcast %min3A : i32 to vector<16xi32>
    %min3A_8 = arith.minsi %add3A_6, %min3A_7 : vector<16xi32>
    %eq3A = arith.constant 15 : i32
    %eq3A_9 = vector.broadcast %eq3A : i32 to vector<16xi32>
    %eq3A_10 = arith.cmpi eq, %iota3A, %eq3A_9 : vector<16xi32>
    %mul3A_11 = arith.constant 41 : i32
    %mul3A_12 = arith.muli %add3A, %mul3A_11 : i32
    %add3A_13 = arith.constant 0 : i32
    %add3A_14 = arith.addi %mul3A_12, %add3A_13 : i32
    %mul3A_15 = arith.constant 83968 : i32
    %mul3A_16 = arith.muli %add3A, %mul3A_15 : i32
    %add3A_17 = arith.constant 0 : i32
    %add3A_18 = arith.addi %mul3A_16, %add3A_17 : i32
    %lt3A = arith.constant 1310 : i32
    %lt3A_19 = arith.cmpi slt, %add3A_14, %lt3A : i32
    %convert_element_type3A = arith.extui %lt3A_19 : i1 to i32
    %cond3A = arith.constant 0 : i32
    %cond3A_20 = arith.cmpi ne, %convert_element_type3A, %cond3A : i32
    scf.if %cond3A_20 {
      %dma_start3A = tpu.memref_slice %arg5[%add3A_18] : memref<2684354xi32, #tpu.memory_space<hbm>> -> memref<2048xi32, #tpu.memory_space<hbm>>
      %dma_start3A_95 = tpu.memref_slice %arg5[%add3A_18] : memref<2684354xi32, #tpu.memory_space<hbm>> -> memref<2048xi32, #tpu.memory_space<hbm>>
      tpu.enqueue_dma source(%dma_start3A_95 : memref<2048xi32, #tpu.memory_space<hbm>>) target(%arg18 : memref<2048xi32, #tpu.memory_space<vmem>>) target_semaphore(%arg27 : memref<!tpu.dma_semaphore, #tpu.memory_space<semaphore_mem>>)
      %dma_start3A_96 = tpu.memref_slice %arg6[%add3A_18] : memref<2684354xi32, #tpu.memory_space<hbm>> -> memref<2048xi32, #tpu.memory_space<hbm>>
      %dma_start3A_97 = tpu.memref_slice %arg6[%add3A_18] : memref<2684354xi32, #tpu.memory_space<hbm>> -> memref<2048xi32, #tpu.memory_space<hbm>>
      tpu.enqueue_dma source(%dma_start3A_97 : memref<2048xi32, #tpu.memory_space<hbm>>) target(%arg21 : memref<2048xi32, #tpu.memory_space<vmem>>) target_semaphore(%arg27 : memref<!tpu.dma_semaphore, #tpu.memory_space<semaphore_mem>>)
      %dma_start3A_98 = arith.constant 0 : i32
      %dma_start3A_99 = tpu.memref_slice %arg7[%dma_start3A_98, %add3A_18] : memref<4x2684354xf32, #tpu.memory_space<hbm>> -> memref<1x2048xf32, #tpu.memory_space<hbm>>
      %dma_start3A_100 = tpu.memref_squeeze %dma_start3A_99 : memref<1x2048xf32, #tpu.memory_space<hbm>> -> memref<2048xf32, #tpu.memory_space<hbm>>
      %dma_start3A_101 = tpu.memref_slice %arg7[%dma_start3A_98, %add3A_18] : memref<4x2684354xf32, #tpu.memory_space<hbm>> -> memref<1x2048xf32, #tpu.memory_space<hbm>>
      %dma_start3A_102 = tpu.memref_squeeze %dma_start3A_101 : memref<1x2048xf32, #tpu.memory_space<hbm>> -> memref<2048xf32, #tpu.memory_space<hbm>>
      tpu.enqueue_dma source(%dma_start3A_102 : memref<2048xf32, #tpu.memory_space<hbm>>) target(%arg24 : memref<2048xf32, #tpu.memory_space<vmem>>) target_semaphore(%arg27 : memref<!tpu.dma_semaphore, #tpu.memory_space<semaphore_mem>>)
    } else {
    }
    %ge3A = arith.constant 1310 : i32
    %ge3A_21 = arith.cmpi sge, %add3A_14, %ge3A : i32
    %convert_element_type3A_22 = arith.extui %ge3A_21 : i1 to i32
    %cond3A_23 = arith.constant 0 : i32
    %cond3A_24 = arith.cmpi ne, %convert_element_type3A_22, %cond3A_23 : i32
    scf.if %cond3A_24 {
      %sub3A = arith.constant 1310 : i32
      %sub3A_95 = arith.subi %add3A_14, %sub3A : i32
      %mul3A_96 = arith.constant 2048 : i32
      %mul3A_97 = arith.muli %sub3A_95, %mul3A_96 : i32
      %dma_start3A = tpu.memref_slice %arg8[%mul3A_97] : memref<4096xi32, #tpu.memory_space<hbm>> -> memref<2048xi32, #tpu.memory_space<hbm>>
      %dma_start3A_98 = tpu.memref_slice %arg8[%mul3A_97] : memref<4096xi32, #tpu.memory_space<hbm>> -> memref<2048xi32, #tpu.memory_space<hbm>>
      tpu.enqueue_dma source(%dma_start3A_98 : memref<2048xi32, #tpu.memory_space<hbm>>) target(%arg18 : memref<2048xi32, #tpu.memory_space<vmem>>) target_semaphore(%arg27 : memref<!tpu.dma_semaphore, #tpu.memory_space<semaphore_mem>>)
      %dma_start3A_99 = tpu.memref_slice %arg9[%mul3A_97] : memref<4096xi32, #tpu.memory_space<hbm>> -> memref<2048xi32, #tpu.memory_space<hbm>>
      %dma_start3A_100 = tpu.memref_slice %arg9[%mul3A_97] : memref<4096xi32, #tpu.memory_space<hbm>> -> memref<2048xi32, #tpu.memory_space<hbm>>
      tpu.enqueue_dma source(%dma_start3A_100 : memref<2048xi32, #tpu.memory_space<hbm>>) target(%arg21 : memref<2048xi32, #tpu.memory_space<vmem>>) target_semaphore(%arg27 : memref<!tpu.dma_semaphore, #tpu.memory_space<semaphore_mem>>)
      %dma_start3A_101 = tpu.memref_slice %arg10[%mul3A_97] : memref<4096xf32, #tpu.memory_space<hbm>> -> memref<2048xf32, #tpu.memory_space<hbm>>
      %dma_start3A_102 = tpu.memref_slice %arg10[%mul3A_97] : memref<4096xf32, #tpu.memory_space<hbm>> -> memref<2048xf32, #tpu.memory_space<hbm>>
      tpu.enqueue_dma source(%dma_start3A_102 : memref<2048xf32, #tpu.memory_space<hbm>>) target(%arg24 : memref<2048xf32, #tpu.memory_space<vmem>>) target_semaphore(%arg27 : memref<!tpu.dma_semaphore, #tpu.memory_space<semaphore_mem>>)
    } else {
    }
    %mul3A_25 = arith.constant 41 : i32
    %mul3A_26 = arith.muli %add3A, %mul3A_25 : i32
    %add3A_27 = arith.constant 1 : i32
    %add3A_28 = arith.addi %mul3A_26, %add3A_27 : i32
    %mul3A_29 = arith.constant 83968 : i32
    %mul3A_30 = arith.muli %add3A, %mul3A_29 : i32
    %add3A_31 = arith.constant 2048 : i32
    %add3A_32 = arith.addi %mul3A_30, %add3A_31 : i32
    %lt3A_33 = arith.constant 1310 : i32
    %lt3A_34 = arith.cmpi slt, %add3A_28, %lt3A_33 : i32
    %convert_element_type3A_35 = arith.extui %lt3A_34 : i1 to i32
    %cond3A_36 = arith.constant 0 : i32
    %cond3A_37 = arith.cmpi ne, %convert_element_type3A_35, %cond3A_36 : i32
    scf.if %cond3A_37 {
      %dma_start3A = tpu.memref_slice %arg5[%add3A_32] : memref<2684354xi32, #tpu.memory_space<hbm>> -> memref<2048xi32, #tpu.memory_space<hbm>>
      %dma_start3A_95 = tpu.memref_slice %arg5[%add3A_32] : memref<2684354xi32, #tpu.memory_space<hbm>> -> memref<2048xi32, #tpu.memory_space<hbm>>
      tpu.enqueue_dma source(%dma_start3A_95 : memref<2048xi32, #tpu.memory_space<hbm>>) target(%arg19 : memref<2048xi32, #tpu.memory_space<vmem>>) target_semaphore(%arg28 : memref<!tpu.dma_semaphore, #tpu.memory_space<semaphore_mem>>)
      %dma_start3A_96 = tpu.memref_slice %arg6[%add3A_32] : memref<2684354xi32, #tpu.memory_space<hbm>> -> memref<2048xi32, #tpu.memory_space<hbm>>
      %dma_start3A_97 = tpu.memref_slice %arg6[%add3A_32] : memref<2684354xi32, #tpu.memory_space<hbm>> -> memref<2048xi32, #tpu.memory_space<hbm>>
      tpu.enqueue_dma source(%dma_start3A_97 : memref<2048xi32, #tpu.memory_space<hbm>>) target(%arg22 : memref<2048xi32, #tpu.memory_space<vmem>>) target_semaphore(%arg28 : memref<!tpu.dma_semaphore, #tpu.memory_space<semaphore_mem>>)
      %dma_start3A_98 = arith.constant 0 : i32
      %dma_start3A_99 = tpu.memref_slice %arg7[%dma_start3A_98, %add3A_32] : memref<4x2684354xf32, #tpu.memory_space<hbm>> -> memref<1x2048xf32, #tpu.memory_space<hbm>>
      %dma_start3A_100 = tpu.memref_squeeze %dma_start3A_99 : memref<1x2048xf32, #tpu.memory_space<hbm>> -> memref<2048xf32, #tpu.memory_space<hbm>>
      %dma_start3A_101 = tpu.memref_slice %arg7[%dma_start3A_98, %add3A_32] : memref<4x2684354xf32, #tpu.memory_space<hbm>> -> memref<1x2048xf32, #tpu.memory_space<hbm>>
      %dma_start3A_102 = tpu.memref_squeeze %dma_start3A_101 : memref<1x2048xf32, #tpu.memory_space<hbm>> -> memref<2048xf32, #tpu.memory_space<hbm>>
      tpu.enqueue_dma source(%dma_start3A_102 : memref<2048xf32, #tpu.memory_space<hbm>>) target(%arg25 : memref<2048xf32, #tpu.memory_space<vmem>>) target_semaphore(%arg28 : memref<!tpu.dma_semaphore, #tpu.memory_space<semaphore_mem>>)
    } else {
    }
    %ge3A_38 = arith.constant 1310 : i32
    %ge3A_39 = arith.cmpi sge, %add3A_28, %ge3A_38 : i32
    %convert_element_type3A_40 = arith.extui %ge3A_39 : i1 to i32
    %cond3A_41 = arith.constant 0 : i32
    %cond3A_42 = arith.cmpi ne, %convert_element_type3A_40, %cond3A_41 : i32
    scf.if %cond3A_42 {
      %sub3A = arith.constant 1310 : i32
      %sub3A_95 = arith.subi %add3A_28, %sub3A : i32
      %mul3A_96 = arith.constant 2048 : i32
      %mul3A_97 = arith.muli %sub3A_95, %mul3A_96 : i32
      %dma_start3A = tpu.memref_slice %arg8[%mul3A_97] : memref<4096xi32, #tpu.memory_space<hbm>> -> memref<2048xi32, #tpu.memory_space<hbm>>
      %dma_start3A_98 = tpu.memref_slice %arg8[%mul3A_97] : memref<4096xi32, #tpu.memory_space<hbm>> -> memref<2048xi32, #tpu.memory_space<hbm>>
      tpu.enqueue_dma source(%dma_start3A_98 : memref<2048xi32, #tpu.memory_space<hbm>>) target(%arg19 : memref<2048xi32, #tpu.memory_space<vmem>>) target_semaphore(%arg28 : memref<!tpu.dma_semaphore, #tpu.memory_space<semaphore_mem>>)
      %dma_start3A_99 = tpu.memref_slice %arg9[%mul3A_97] : memref<4096xi32, #tpu.memory_space<hbm>> -> memref<2048xi32, #tpu.memory_space<hbm>>
      %dma_start3A_100 = tpu.memref_slice %arg9[%mul3A_97] : memref<4096xi32, #tpu.memory_space<hbm>> -> memref<2048xi32, #tpu.memory_space<hbm>>
      tpu.enqueue_dma source(%dma_start3A_100 : memref<2048xi32, #tpu.memory_space<hbm>>) target(%arg22 : memref<2048xi32, #tpu.memory_space<vmem>>) target_semaphore(%arg28 : memref<!tpu.dma_semaphore, #tpu.memory_space<semaphore_mem>>)
      %dma_start3A_101 = tpu.memref_slice %arg10[%mul3A_97] : memref<4096xf32, #tpu.memory_space<hbm>> -> memref<2048xf32, #tpu.memory_space<hbm>>
      %dma_start3A_102 = tpu.memref_slice %arg10[%mul3A_97] : memref<4096xf32, #tpu.memory_space<hbm>> -> memref<2048xf32, #tpu.memory_space<hbm>>
      tpu.enqueue_dma source(%dma_start3A_102 : memref<2048xf32, #tpu.memory_space<hbm>>) target(%arg25 : memref<2048xf32, #tpu.memory_space<vmem>>) target_semaphore(%arg28 : memref<!tpu.dma_semaphore, #tpu.memory_space<semaphore_mem>>)
    } else {
    }
    %scan3A = arith.constant 0 : i32
    %scan3A_43 = arith.constant 0 : i32
    %scan3A_44 = arith.constant 13 : i32
    %scan3A_45 = arith.addi %scan3A_43, %scan3A_44 : i32
    %scan3A_46 = arith.constant 1 : i32
    scf.for %scan3A_95 = %scan3A_43 to %scan3A_45 step %scan3A_46  : i32 {
      %mul3A_96 = arith.constant 3 : i32
      %mul3A_97 = arith.muli %scan3A_95, %mul3A_96 : i32
      %dma_wait3A_98 = arith.constant 0 : i32
      %dma_wait3A_99 = tpu.memref_slice %arg5[%dma_wait3A_98] : memref<2684354xi32, #tpu.memory_space<hbm>> -> memref<2048xi32, #tpu.memory_space<hbm>>
      %dma_wait3A_100 = arith.constant 0 : i32
      %dma_wait3A_101 = tpu.memref_slice %arg5[%dma_wait3A_100] : memref<2684354xi32, #tpu.memory_space<hbm>> -> memref<2048xi32, #tpu.memory_space<hbm>>
      tpu.wait_dma2 semaphore(%arg27 : memref<!tpu.dma_semaphore, #tpu.memory_space<semaphore_mem>>) src(%dma_wait3A_101 : memref<2048xi32, #tpu.memory_space<hbm>>) dst(%arg18 : memref<2048xi32, #tpu.memory_space<vmem>>)
      %dma_wait3A_102 = arith.constant 0 : i32
      %dma_wait3A_103 = tpu.memref_slice %arg6[%dma_wait3A_102] : memref<2684354xi32, #tpu.memory_space<hbm>> -> memref<2048xi32, #tpu.memory_space<hbm>>
      %dma_wait3A_104 = arith.constant 0 : i32
      %dma_wait3A_105 = tpu.memref_slice %arg6[%dma_wait3A_104] : memref<2684354xi32, #tpu.memory_space<hbm>> -> memref<2048xi32, #tpu.memory_space<hbm>>
      tpu.wait_dma2 semaphore(%arg27 : memref<!tpu.dma_semaphore, #tpu.memory_space<semaphore_mem>>) src(%dma_wait3A_105 : memref<2048xi32, #tpu.memory_space<hbm>>) dst(%arg21 : memref<2048xi32, #tpu.memory_space<vmem>>)
      %dma_wait3A_106 = arith.constant 0 : i32
      %dma_wait3A_107 = tpu.memref_slice %arg5[%dma_wait3A_106] : memref<2684354xi32, #tpu.memory_space<hbm>> -> memref<2048xi32, #tpu.memory_space<hbm>>
      %dma_wait3A_108 = arith.constant 0 : i32
      %dma_wait3A_109 = tpu.memref_slice %arg5[%dma_wait3A_108] : memref<2684354xi32, #tpu.memory_space<hbm>> -> memref<2048xi32, #tpu.memory_space<hbm>>
      tpu.wait_dma2 semaphore(%arg27 : memref<!tpu.dma_semaphore, #tpu.memory_space<semaphore_mem>>) src(%dma_wait3A_109 : memref<2048xi32, #tpu.memory_space<hbm>>) dst(%arg24 : memref<2048xf32, #tpu.memory_space<vmem>>)
      %add3A_110 = arith.constant 0 : i32
      %add3A_111 = arith.addi %mul3A_97, %add3A_110 : i32
      %add3A_112 = arith.constant 2 : i32
      %add3A_113 = arith.addi %add3A_111, %add3A_112 : i32
      %lt3A_114 = arith.constant 41 : i32
      %lt3A_115 = arith.cmpi slt, %add3A_113, %lt3A_114 : i32
      %convert_element_type3A_116 = arith.extui %lt3A_115 : i1 to i32
      %cond3A_117 = arith.constant 0 : i32
      %cond3A_118 = arith.cmpi ne, %convert_element_type3A_116, %cond3A_117 : i32
      scf.if %cond3A_118 {
        %mul3A_170 = arith.constant 41 : i32
        %mul3A_171 = arith.muli %add3A, %mul3A_170 : i32
        %add3A_172 = arith.addi %mul3A_171, %add3A_113 : i32
        %mul3A_173 = arith.constant 83968 : i32
        %mul3A_174 = arith.muli %add3A, %mul3A_173 : i32
        %mul3A_175 = arith.constant 2048 : i32
        %mul3A_176 = arith.muli %add3A_113, %mul3A_175 : i32
        %add3A_177 = arith.addi %mul3A_174, %mul3A_176 : i32
        %lt3A_178 = arith.constant 1310 : i32
        %lt3A_179 = arith.cmpi slt, %add3A_172, %lt3A_178 : i32
        %convert_element_type3A_180 = arith.extui %lt3A_179 : i1 to i32
        %cond3A_181 = arith.constant 0 : i32
        %cond3A_182 = arith.cmpi ne, %convert_element_type3A_180, %cond3A_181 : i32
        scf.if %cond3A_182 {
          %dma_start3A = tpu.memref_slice %arg5[%add3A_177] : memref<2684354xi32, #tpu.memory_space<hbm>> -> memref<2048xi32, #tpu.memory_space<hbm>>
          %dma_start3A_188 = tpu.memref_slice %arg5[%add3A_177] : memref<2684354xi32, #tpu.memory_space<hbm>> -> memref<2048xi32, #tpu.memory_space<hbm>>
          tpu.enqueue_dma source(%dma_start3A_188 : memref<2048xi32, #tpu.memory_space<hbm>>) target(%arg20 : memref<2048xi32, #tpu.memory_space<vmem>>) target_semaphore(%arg29 : memref<!tpu.dma_semaphore, #tpu.memory_space<semaphore_mem>>)
          %dma_start3A_189 = tpu.memref_slice %arg6[%add3A_177] : memref<2684354xi32, #tpu.memory_space<hbm>> -> memref<2048xi32, #tpu.memory_space<hbm>>
          %dma_start3A_190 = tpu.memref_slice %arg6[%add3A_177] : memref<2684354xi32, #tpu.memory_space<hbm>> -> memref<2048xi32, #tpu.memory_space<hbm>>
          tpu.enqueue_dma source(%dma_start3A_190 : memref<2048xi32, #tpu.memory_space<hbm>>) target(%arg23 : memref<2048xi32, #tpu.memory_space<vmem>>) target_semaphore(%arg29 : memref<!tpu.dma_semaphore, #tpu.memory_space<semaphore_mem>>)
          %dma_start3A_191 = arith.constant 0 : i32
          %dma_start3A_192 = tpu.memref_slice %arg7[%dma_start3A_191, %add3A_177] : memref<4x2684354xf32, #tpu.memory_space<hbm>> -> memref<1x2048xf32, #tpu.memory_space<hbm>>
          %dma_start3A_193 = tpu.memref_squeeze %dma_start3A_192 : memref<1x2048xf32, #tpu.memory_space<hbm>> -> memref<2048xf32, #tpu.memory_space<hbm>>
          %dma_start3A_194 = tpu.memref_slice %arg7[%dma_start3A_191, %add3A_177] : memref<4x2684354xf32, #tpu.memory_space<hbm>> -> memref<1x2048xf32, #tpu.memory_space<hbm>>
          %dma_start3A_195 = tpu.memref_squeeze %dma_start3A_194 : memref<1x2048xf32, #tpu.memory_space<hbm>> -> memref<2048xf32, #tpu.memory_space<hbm>>
          tpu.enqueue_dma source(%dma_start3A_195 : memref<2048xf32, #tpu.memory_space<hbm>>) target(%arg26 : memref<2048xf32, #tpu.memory_space<vmem>>) target_semaphore(%arg29 : memref<!tpu.dma_semaphore, #tpu.memory_space<semaphore_mem>>)
        } else {
        }
        %ge3A_183 = arith.constant 1310 : i32
        %ge3A_184 = arith.cmpi sge, %add3A_172, %ge3A_183 : i32
        %convert_element_type3A_185 = arith.extui %ge3A_184 : i1 to i32
        %cond3A_186 = arith.constant 0 : i32
        %cond3A_187 = arith.cmpi ne, %convert_element_type3A_185, %cond3A_186 : i32
        scf.if %cond3A_187 {
          %sub3A = arith.constant 1310 : i32
          %sub3A_188 = arith.subi %add3A_172, %sub3A : i32
          %mul3A_189 = arith.constant 2048 : i32
          %mul3A_190 = arith.muli %sub3A_188, %mul3A_189 : i32
          %dma_start3A = tpu.memref_slice %arg8[%mul3A_190] : memref<4096xi32, #tpu.memory_space<hbm>> -> memref<2048xi32, #tpu.memory_space<hbm>>
          %dma_start3A_191 = tpu.memref_slice %arg8[%mul3A_190] : memref<4096xi32, #tpu.memory_space<hbm>> -> memref<2048xi32, #tpu.memory_space<hbm>>
          tpu.enqueue_dma source(%dma_start3A_191 : memref<2048xi32, #tpu.memory_space<hbm>>) target(%arg20 : memref<2048xi32, #tpu.memory_space<vmem>>) target_semaphore(%arg29 : memref<!tpu.dma_semaphore, #tpu.memory_space<semaphore_mem>>)
          %dma_start3A_192 = tpu.memref_slice %arg9[%mul3A_190] : memref<4096xi32, #tpu.memory_space<hbm>> -> memref<2048xi32, #tpu.memory_space<hbm>>
          %dma_start3A_193 = tpu.memref_slice %arg9[%mul3A_190] : memref<4096xi32, #tpu.memory_space<hbm>> -> memref<2048xi32, #tpu.memory_space<hbm>>
          tpu.enqueue_dma source(%dma_start3A_193 : memref<2048xi32, #tpu.memory_space<hbm>>) target(%arg23 : memref<2048xi32, #tpu.memory_space<vmem>>) target_semaphore(%arg29 : memref<!tpu.dma_semaphore, #tpu.memory_space<semaphore_mem>>)
          %dma_start3A_194 = tpu.memref_slice %arg10[%mul3A_190] : memref<4096xf32, #tpu.memory_space<hbm>> -> memref<2048xf32, #tpu.memory_space<hbm>>
          %dma_start3A_195 = tpu.memref_slice %arg10[%mul3A_190] : memref<4096xf32, #tpu.memory_space<hbm>> -> memref<2048xf32, #tpu.memory_space<hbm>>
          tpu.enqueue_dma source(%dma_start3A_195 : memref<2048xf32, #tpu.memory_space<hbm>>) target(%arg26 : memref<2048xf32, #tpu.memory_space<vmem>>) target_semaphore(%arg29 : memref<!tpu.dma_semaphore, #tpu.memory_space<semaphore_mem>>)
        } else {
        }
      } else {
      }
      %parallel_loop3A_119 = arith.constant 0 : i32
      %parallel_loop3A_120 = arith.constant 2048 : i32
      %parallel_loop3A_121 = arith.constant 16 : i32
      scf.for %parallel_loop3A_170 = %parallel_loop3A_119 to %parallel_loop3A_120 step %parallel_loop3A_121  : i32 {
        %parallel_loop3A_171 = tpu.assume_multiple %parallel_loop3A_170, 16 : i32
        %parallel_loop3A_172 = arith.index_cast %parallel_loop3A_171 : i32 to index
        %parallel_loop3A_173 = tpu.vector_load %arg18[%parallel_loop3A_172] {strides = array<i32>} : memref<2048xi32, #tpu.memory_space<vmem>>, vector<16xi32>,
        %parallel_loop3A_174 = arith.index_cast %parallel_loop3A_171 : i32 to index
        %parallel_loop3A_175 = tpu.vector_load %arg21[%parallel_loop3A_174] {strides = array<i32>} : memref<2048xi32, #tpu.memory_space<vmem>>, vector<16xi32>,
        %parallel_loop3A_176 = vector.shape_cast %min3A_8 : vector<16xi32> to vector<16x1xi32>
        %parallel_loop3A_177 = vector.shape_cast %parallel_loop3A_176 : vector<16x1xi32> to vector<16xi32>
        %parallel_loop3A_178 = tpu.dynamic_gather %parallel_loop3A_173[%parallel_loop3A_177] in [0] : vector<16xi32>, vector<16xi32> -> vector<16xi32>
        %parallel_loop3A_179 = arith.cmpi ne, %parallel_loop3A_173, %parallel_loop3A_178 : vector<16xi32>
        %parallel_loop3A_180 = arith.ori %eq3A_10, %parallel_loop3A_179 : vector<16xi1>
        %parallel_loop3A_181 = arith.constant dense<true> : vector<16xi1>
        %parallel_loop3A_182 = arith.xori %eq3A_10, %parallel_loop3A_181 : vector<16xi1>
        %parallel_loop3A_183 = arith.andi %parallel_loop3A_180, %parallel_loop3A_182 : vector<16xi1>
        %parallel_loop3A_184 = tpu.vector_load_idx %arg12[%parallel_loop3A_175] : memref<16384xf32, #tpu.memory_space<vmem>>[vector<16xi32>], vector<16xf32>,
        %parallel_loop3A_185 = arith.index_cast %parallel_loop3A_171 : i32 to index
        %parallel_loop3A_186 = tpu.vector_load %arg24[%parallel_loop3A_185] {strides = array<i32>} : memref<2048xf32, #tpu.memory_space<vmem>>, vector<16xf32>,
        %parallel_loop3A_187 = arith.mulf %parallel_loop3A_186, %parallel_loop3A_184 : vector<16xf32>
        %parallel_loop3A_188 = arith.constant true
        %parallel_loop3A_189 = vector.broadcast %parallel_loop3A_188 : i1 to vector<16xi1>
        %parallel_loop3A_190 = tpu.scan <sum>, %parallel_loop3A_187 masked %parallel_loop3A_189 : vector<16xf32>, vector<16xi1> -> vector<16xf32>
        tpu.vector_store_idx %arg15[%parallel_loop3A_173], %parallel_loop3A_190 masked %parallel_loop3A_180 {add = true} : memref<16384xf32, #tpu.memory_space<vmem>>[vector<16xi32>], vector<16xf32>, vector<16xi1>
        %parallel_loop3A_191 = arith.constant 0.000000e+00 : f32
        %parallel_loop3A_192 = vector.broadcast %parallel_loop3A_191 : f32 to vector<16xf32>
        %parallel_loop3A_193 = arith.subf %parallel_loop3A_192, %parallel_loop3A_190 : vector<16xf32>
        tpu.vector_store_idx %arg15[%parallel_loop3A_178], %parallel_loop3A_193 masked %parallel_loop3A_183 {add = true} : memref<16384xf32, #tpu.memory_space<vmem>>[vector<16xi32>], vector<16xf32>, vector<16xi1>
        %parallel_loop3A_194 = tpu.vector_load_idx %arg13[%parallel_loop3A_175] : memref<16384xf32, #tpu.memory_space<vmem>>[vector<16xi32>], vector<16xf32>,
        %parallel_loop3A_195 = arith.index_cast %parallel_loop3A_171 : i32 to index
        %parallel_loop3A_196 = tpu.vector_load %arg24[%parallel_loop3A_195] {strides = array<i32>} : memref<2048xf32, #tpu.memory_space<vmem>>, vector<16xf32>,
        %parallel_loop3A_197 = arith.mulf %parallel_loop3A_196, %parallel_loop3A_194 : vector<16xf32>
        %parallel_loop3A_198 = arith.constant true
        %parallel_loop3A_199 = vector.broadcast %parallel_loop3A_198 : i1 to vector<16xi1>
        %parallel_loop3A_200 = tpu.scan <sum>, %parallel_loop3A_197 masked %parallel_loop3A_199 : vector<16xf32>, vector<16xi1> -> vector<16xf32>
        tpu.vector_store_idx %arg16[%parallel_loop3A_173], %parallel_loop3A_200 masked %parallel_loop3A_180 {add = true} : memref<16384xf32, #tpu.memory_space<vmem>>[vector<16xi32>], vector<16xf32>, vector<16xi1>
        %parallel_loop3A_201 = arith.constant 0.000000e+00 : f32
        %parallel_loop3A_202 = vector.broadcast %parallel_loop3A_201 : f32 to vector<16xf32>
        %parallel_loop3A_203 = arith.subf %parallel_loop3A_202, %parallel_loop3A_200 : vector<16xf32>
        tpu.vector_store_idx %arg16[%parallel_loop3A_178], %parallel_loop3A_203 masked %parallel_loop3A_183 {add = true} : memref<16384xf32, #tpu.memory_space<vmem>>[vector<16xi32>], vector<16xf32>, vector<16xi1>
        %parallel_loop3A_204 = tpu.vector_load_idx %arg14[%parallel_loop3A_175] : memref<16384xf32, #tpu.memory_space<vmem>>[vector<16xi32>], vector<16xf32>,
        %parallel_loop3A_205 = arith.index_cast %parallel_loop3A_171 : i32 to index
        %parallel_loop3A_206 = tpu.vector_load %arg24[%parallel_loop3A_205] {strides = array<i32>} : memref<2048xf32, #tpu.memory_space<vmem>>, vector<16xf32>,
        %parallel_loop3A_207 = arith.mulf %parallel_loop3A_206, %parallel_loop3A_204 : vector<16xf32>
        %parallel_loop3A_208 = arith.constant true
        %parallel_loop3A_209 = vector.broadcast %parallel_loop3A_208 : i1 to vector<16xi1>
        %parallel_loop3A_210 = tpu.scan <sum>, %parallel_loop3A_207 masked %parallel_loop3A_209 : vector<16xf32>, vector<16xi1> -> vector<16xf32>
        tpu.vector_store_idx %arg17[%parallel_loop3A_173], %parallel_loop3A_210 masked %parallel_loop3A_180 {add = true} : memref<16384xf32, #tpu.memory_space<vmem>>[vector<16xi32>], vector<16xf32>, vector<16xi1>
        %parallel_loop3A_211 = arith.constant 0.000000e+00 : f32
        %parallel_loop3A_212 = vector.broadcast %parallel_loop3A_211 : f32 to vector<16xf32>
        %parallel_loop3A_213 = arith.subf %parallel_loop3A_212, %parallel_loop3A_210 : vector<16xf32>
        tpu.vector_store_idx %arg17[%parallel_loop3A_178], %parallel_loop3A_213 masked %parallel_loop3A_183 {add = true} : memref<16384xf32, #tpu.memory_space<vmem>>[vector<16xi32>], vector<16xf32>, vector<16xi1>
      } {sc.loop_unroll_factor = 4 : i64, sc.parallel_access}
      %dma_wait3A_122 = arith.constant 0 : i32
      %dma_wait3A_123 = tpu.memref_slice %arg5[%dma_wait3A_122] : memref<2684354xi32, #tpu.memory_space<hbm>> -> memref<2048xi32, #tpu.memory_space<hbm>>
      %dma_wait3A_124 = arith.constant 0 : i32
      %dma_wait3A_125 = tpu.memref_slice %arg5[%dma_wait3A_124] : memref<2684354xi32, #tpu.memory_space<hbm>> -> memref<2048xi32, #tpu.memory_space<hbm>>
      tpu.wait_dma2 semaphore(%arg28 : memref<!tpu.dma_semaphore, #tpu.memory_space<semaphore_mem>>) src(%dma_wait3A_125 : memref<2048xi32, #tpu.memory_space<hbm>>) dst(%arg19 : memref<2048xi32, #tpu.memory_space<vmem>>)
      %dma_wait3A_126 = arith.constant 0 : i32
      %dma_wait3A_127 = tpu.memref_slice %arg6[%dma_wait3A_126] : memref<2684354xi32, #tpu.memory_space<hbm>> -> memref<2048xi32, #tpu.memory_space<hbm>>
      %dma_wait3A_128 = arith.constant 0 : i32
      %dma_wait3A_129 = tpu.memref_slice %arg6[%dma_wait3A_128] : memref<2684354xi32, #tpu.memory_space<hbm>> -> memref<2048xi32, #tpu.memory_space<hbm>>
      tpu.wait_dma2 semaphore(%arg28 : memref<!tpu.dma_semaphore, #tpu.memory_space<semaphore_mem>>) src(%dma_wait3A_129 : memref<2048xi32, #tpu.memory_space<hbm>>) dst(%arg22 : memref<2048xi32, #tpu.memory_space<vmem>>)
      %dma_wait3A_130 = arith.constant 0 : i32
      %dma_wait3A_131 = tpu.memref_slice %arg5[%dma_wait3A_130] : memref<2684354xi32, #tpu.memory_space<hbm>> -> memref<2048xi32, #tpu.memory_space<hbm>>
      %dma_wait3A_132 = arith.constant 0 : i32
      %dma_wait3A_133 = tpu.memref_slice %arg5[%dma_wait3A_132] : memref<2684354xi32, #tpu.memory_space<hbm>> -> memref<2048xi32, #tpu.memory_space<hbm>>
      tpu.wait_dma2 semaphore(%arg28 : memref<!tpu.dma_semaphore, #tpu.memory_space<semaphore_mem>>) src(%dma_wait3A_133 : memref<2048xi32, #tpu.memory_space<hbm>>) dst(%arg25 : memref<2048xf32, #tpu.memory_space<vmem>>)
      %add3A_134 = arith.constant 1 : i32
      %add3A_135 = arith.addi %mul3A_97, %add3A_134 : i32
      %add3A_136 = arith.constant 2 : i32
      %add3A_137 = arith.addi %add3A_135, %add3A_136 : i32
      %lt3A_138 = arith.constant 41 : i32
      %lt3A_139 = arith.cmpi slt, %add3A_137, %lt3A_138 : i32
      %convert_element_type3A_140 = arith.extui %lt3A_139 : i1 to i32
      %cond3A_141 = arith.constant 0 : i32
      %cond3A_142 = arith.cmpi ne, %convert_element_type3A_140, %cond3A_141 : i32
      scf.if %cond3A_142 {
        %mul3A_170 = arith.constant 41 : i32
        %mul3A_171 = arith.muli %add3A, %mul3A_170 : i32
        %add3A_172 = arith.addi %mul3A_171, %add3A_137 : i32
        %mul3A_173 = arith.constant 83968 : i32
        %mul3A_174 = arith.muli %add3A, %mul3A_173 : i32
        %mul3A_175 = arith.constant 2048 : i32
        %mul3A_176 = arith.muli %add3A_137, %mul3A_175 : i32
        %add3A_177 = arith.addi %mul3A_174, %mul3A_176 : i32
        %lt3A_178 = arith.constant 1310 : i32
        %lt3A_179 = arith.cmpi slt, %add3A_172, %lt3A_178 : i32
        %convert_element_type3A_180 = arith.extui %lt3A_179 : i1 to i32
        %cond3A_181 = arith.constant 0 : i32
        %cond3A_182 = arith.cmpi ne, %convert_element_type3A_180, %cond3A_181 : i32
        scf.if %cond3A_182 {
          %dma_start3A = tpu.memref_slice %arg5[%add3A_177] : memref<2684354xi32, #tpu.memory_space<hbm>> -> memref<2048xi32, #tpu.memory_space<hbm>>
          %dma_start3A_188 = tpu.memref_slice %arg5[%add3A_177] : memref<2684354xi32, #tpu.memory_space<hbm>> -> memref<2048xi32, #tpu.memory_space<hbm>>
          tpu.enqueue_dma source(%dma_start3A_188 : memref<2048xi32, #tpu.memory_space<hbm>>) target(%arg18 : memref<2048xi32, #tpu.memory_space<vmem>>) target_semaphore(%arg27 : memref<!tpu.dma_semaphore, #tpu.memory_space<semaphore_mem>>)
          %dma_start3A_189 = tpu.memref_slice %arg6[%add3A_177] : memref<2684354xi32, #tpu.memory_space<hbm>> -> memref<2048xi32, #tpu.memory_space<hbm>>
          %dma_start3A_190 = tpu.memref_slice %arg6[%add3A_177] : memref<2684354xi32, #tpu.memory_space<hbm>> -> memref<2048xi32, #tpu.memory_space<hbm>>
          tpu.enqueue_dma source(%dma_start3A_190 : memref<2048xi32, #tpu.memory_space<hbm>>) target(%arg21 : memref<2048xi32, #tpu.memory_space<vmem>>) target_semaphore(%arg27 : memref<!tpu.dma_semaphore, #tpu.memory_space<semaphore_mem>>)
          %dma_start3A_191 = arith.constant 0 : i32
          %dma_start3A_192 = tpu.memref_slice %arg7[%dma_start3A_191, %add3A_177] : memref<4x2684354xf32, #tpu.memory_space<hbm>> -> memref<1x2048xf32, #tpu.memory_space<hbm>>
          %dma_start3A_193 = tpu.memref_squeeze %dma_start3A_192 : memref<1x2048xf32, #tpu.memory_space<hbm>> -> memref<2048xf32, #tpu.memory_space<hbm>>
          %dma_start3A_194 = tpu.memref_slice %arg7[%dma_start3A_191, %add3A_177] : memref<4x2684354xf32, #tpu.memory_space<hbm>> -> memref<1x2048xf32, #tpu.memory_space<hbm>>
          %dma_start3A_195 = tpu.memref_squeeze %dma_start3A_194 : memref<1x2048xf32, #tpu.memory_space<hbm>> -> memref<2048xf32, #tpu.memory_space<hbm>>
          tpu.enqueue_dma source(%dma_start3A_195 : memref<2048xf32, #tpu.memory_space<hbm>>) target(%arg24 : memref<2048xf32, #tpu.memory_space<vmem>>) target_semaphore(%arg27 : memref<!tpu.dma_semaphore, #tpu.memory_space<semaphore_mem>>)
        } else {
        }
        %ge3A_183 = arith.constant 1310 : i32
        %ge3A_184 = arith.cmpi sge, %add3A_172, %ge3A_183 : i32
        %convert_element_type3A_185 = arith.extui %ge3A_184 : i1 to i32
        %cond3A_186 = arith.constant 0 : i32
        %cond3A_187 = arith.cmpi ne, %convert_element_type3A_185, %cond3A_186 : i32
        scf.if %cond3A_187 {
          %sub3A = arith.constant 1310 : i32
          %sub3A_188 = arith.subi %add3A_172, %sub3A : i32
          %mul3A_189 = arith.constant 2048 : i32
          %mul3A_190 = arith.muli %sub3A_188, %mul3A_189 : i32
          %dma_start3A = tpu.memref_slice %arg8[%mul3A_190] : memref<4096xi32, #tpu.memory_space<hbm>> -> memref<2048xi32, #tpu.memory_space<hbm>>
          %dma_start3A_191 = tpu.memref_slice %arg8[%mul3A_190] : memref<4096xi32, #tpu.memory_space<hbm>> -> memref<2048xi32, #tpu.memory_space<hbm>>
          tpu.enqueue_dma source(%dma_start3A_191 : memref<2048xi32, #tpu.memory_space<hbm>>) target(%arg18 : memref<2048xi32, #tpu.memory_space<vmem>>) target_semaphore(%arg27 : memref<!tpu.dma_semaphore, #tpu.memory_space<semaphore_mem>>)
          %dma_start3A_192 = tpu.memref_slice %arg9[%mul3A_190] : memref<4096xi32, #tpu.memory_space<hbm>> -> memref<2048xi32, #tpu.memory_space<hbm>>
          %dma_start3A_193 = tpu.memref_slice %arg9[%mul3A_190] : memref<4096xi32, #tpu.memory_space<hbm>> -> memref<2048xi32, #tpu.memory_space<hbm>>
          tpu.enqueue_dma source(%dma_start3A_193 : memref<2048xi32, #tpu.memory_space<hbm>>) target(%arg21 : memref<2048xi32, #tpu.memory_space<vmem>>) target_semaphore(%arg27 : memref<!tpu.dma_semaphore, #tpu.memory_space<semaphore_mem>>)
          %dma_start3A_194 = tpu.memref_slice %arg10[%mul3A_190] : memref<4096xf32, #tpu.memory_space<hbm>> -> memref<2048xf32, #tpu.memory_space<hbm>>
          %dma_start3A_195 = tpu.memref_slice %arg10[%mul3A_190] : memref<4096xf32, #tpu.memory_space<hbm>> -> memref<2048xf32, #tpu.memory_space<hbm>>
          tpu.enqueue_dma source(%dma_start3A_195 : memref<2048xf32, #tpu.memory_space<hbm>>) target(%arg24 : memref<2048xf32, #tpu.memory_space<vmem>>) target_semaphore(%arg27 : memref<!tpu.dma_semaphore, #tpu.memory_space<semaphore_mem>>)
        } else {
        }
      } else {
      }
      %parallel_loop3A_143 = arith.constant 0 : i32
      %parallel_loop3A_144 = arith.constant 2048 : i32
      %parallel_loop3A_145 = arith.constant 16 : i32
      scf.for %parallel_loop3A_170 = %parallel_loop3A_143 to %parallel_loop3A_144 step %parallel_loop3A_145  : i32 {
        %parallel_loop3A_171 = tpu.assume_multiple %parallel_loop3A_170, 16 : i32
        %parallel_loop3A_172 = arith.index_cast %parallel_loop3A_171 : i32 to index
        %parallel_loop3A_173 = tpu.vector_load %arg19[%parallel_loop3A_172] {strides = array<i32>} : memref<2048xi32, #tpu.memory_space<vmem>>, vector<16xi32>,
        %parallel_loop3A_174 = arith.index_cast %parallel_loop3A_171 : i32 to index
        %parallel_loop3A_175 = tpu.vector_load %arg22[%parallel_loop3A_174] {strides = array<i32>} : memref<2048xi32, #tpu.memory_space<vmem>>, vector<16xi32>,
        %parallel_loop3A_176 = vector.shape_cast %min3A_8 : vector<16xi32> to vector<16x1xi32>
        %parallel_loop3A_177 = vector.shape_cast %parallel_loop3A_176 : vector<16x1xi32> to vector<16xi32>
        %parallel_loop3A_178 = tpu.dynamic_gather %parallel_loop3A_173[%parallel_loop3A_177] in [0] : vector<16xi32>, vector<16xi32> -> vector<16xi32>
        %parallel_loop3A_179 = arith.cmpi ne, %parallel_loop3A_173, %parallel_loop3A_178 : vector<16xi32>
        %parallel_loop3A_180 = arith.ori %eq3A_10, %parallel_loop3A_179 : vector<16xi1>
        %parallel_loop3A_181 = arith.constant dense<true> : vector<16xi1>
        %parallel_loop3A_182 = arith.xori %eq3A_10, %parallel_loop3A_181 : vector<16xi1>
        %parallel_loop3A_183 = arith.andi %parallel_loop3A_180, %parallel_loop3A_182 : vector<16xi1>
        %parallel_loop3A_184 = tpu.vector_load_idx %arg12[%parallel_loop3A_175] : memref<16384xf32, #tpu.memory_space<vmem>>[vector<16xi32>], vector<16xf32>,
        %parallel_loop3A_185 = arith.index_cast %parallel_loop3A_171 : i32 to index
        %parallel_loop3A_186 = tpu.vector_load %arg25[%parallel_loop3A_185] {strides = array<i32>} : memref<2048xf32, #tpu.memory_space<vmem>>, vector<16xf32>,
        %parallel_loop3A_187 = arith.mulf %parallel_loop3A_186, %parallel_loop3A_184 : vector<16xf32>
        %parallel_loop3A_188 = arith.constant true
        %parallel_loop3A_189 = vector.broadcast %parallel_loop3A_188 : i1 to vector<16xi1>
        %parallel_loop3A_190 = tpu.scan <sum>, %parallel_loop3A_187 masked %parallel_loop3A_189 : vector<16xf32>, vector<16xi1> -> vector<16xf32>
        tpu.vector_store_idx %arg15[%parallel_loop3A_173], %parallel_loop3A_190 masked %parallel_loop3A_180 {add = true} : memref<16384xf32, #tpu.memory_space<vmem>>[vector<16xi32>], vector<16xf32>, vector<16xi1>
        %parallel_loop3A_191 = arith.constant 0.000000e+00 : f32
        %parallel_loop3A_192 = vector.broadcast %parallel_loop3A_191 : f32 to vector<16xf32>
        %parallel_loop3A_193 = arith.subf %parallel_loop3A_192, %parallel_loop3A_190 : vector<16xf32>
        tpu.vector_store_idx %arg15[%parallel_loop3A_178], %parallel_loop3A_193 masked %parallel_loop3A_183 {add = true} : memref<16384xf32, #tpu.memory_space<vmem>>[vector<16xi32>], vector<16xf32>, vector<16xi1>
        %parallel_loop3A_194 = tpu.vector_load_idx %arg13[%parallel_loop3A_175] : memref<16384xf32, #tpu.memory_space<vmem>>[vector<16xi32>], vector<16xf32>,
        %parallel_loop3A_195 = arith.index_cast %parallel_loop3A_171 : i32 to index
        %parallel_loop3A_196 = tpu.vector_load %arg25[%parallel_loop3A_195] {strides = array<i32>} : memref<2048xf32, #tpu.memory_space<vmem>>, vector<16xf32>,
        %parallel_loop3A_197 = arith.mulf %parallel_loop3A_196, %parallel_loop3A_194 : vector<16xf32>
        %parallel_loop3A_198 = arith.constant true
        %parallel_loop3A_199 = vector.broadcast %parallel_loop3A_198 : i1 to vector<16xi1>
        %parallel_loop3A_200 = tpu.scan <sum>, %parallel_loop3A_197 masked %parallel_loop3A_199 : vector<16xf32>, vector<16xi1> -> vector<16xf32>
        tpu.vector_store_idx %arg16[%parallel_loop3A_173], %parallel_loop3A_200 masked %parallel_loop3A_180 {add = true} : memref<16384xf32, #tpu.memory_space<vmem>>[vector<16xi32>], vector<16xf32>, vector<16xi1>
        %parallel_loop3A_201 = arith.constant 0.000000e+00 : f32
        %parallel_loop3A_202 = vector.broadcast %parallel_loop3A_201 : f32 to vector<16xf32>
        %parallel_loop3A_203 = arith.subf %parallel_loop3A_202, %parallel_loop3A_200 : vector<16xf32>
        tpu.vector_store_idx %arg16[%parallel_loop3A_178], %parallel_loop3A_203 masked %parallel_loop3A_183 {add = true} : memref<16384xf32, #tpu.memory_space<vmem>>[vector<16xi32>], vector<16xf32>, vector<16xi1>
        %parallel_loop3A_204 = tpu.vector_load_idx %arg14[%parallel_loop3A_175] : memref<16384xf32, #tpu.memory_space<vmem>>[vector<16xi32>], vector<16xf32>,
        %parallel_loop3A_205 = arith.index_cast %parallel_loop3A_171 : i32 to index
        %parallel_loop3A_206 = tpu.vector_load %arg25[%parallel_loop3A_205] {strides = array<i32>} : memref<2048xf32, #tpu.memory_space<vmem>>, vector<16xf32>,
        %parallel_loop3A_207 = arith.mulf %parallel_loop3A_206, %parallel_loop3A_204 : vector<16xf32>
        %parallel_loop3A_208 = arith.constant true
        %parallel_loop3A_209 = vector.broadcast %parallel_loop3A_208 : i1 to vector<16xi1>
        %parallel_loop3A_210 = tpu.scan <sum>, %parallel_loop3A_207 masked %parallel_loop3A_209 : vector<16xf32>, vector<16xi1> -> vector<16xf32>
        tpu.vector_store_idx %arg17[%parallel_loop3A_173], %parallel_loop3A_210 masked %parallel_loop3A_180 {add = true} : memref<16384xf32, #tpu.memory_space<vmem>>[vector<16xi32>], vector<16xf32>, vector<16xi1>
        %parallel_loop3A_211 = arith.constant 0.000000e+00 : f32
        %parallel_loop3A_212 = vector.broadcast %parallel_loop3A_211 : f32 to vector<16xf32>
        %parallel_loop3A_213 = arith.subf %parallel_loop3A_212, %parallel_loop3A_210 : vector<16xf32>
        tpu.vector_store_idx %arg17[%parallel_loop3A_178], %parallel_loop3A_213 masked %parallel_loop3A_183 {add = true} : memref<16384xf32, #tpu.memory_space<vmem>>[vector<16xi32>], vector<16xf32>, vector<16xi1>
      } {sc.loop_unroll_factor = 4 : i64, sc.parallel_access}
      %dma_wait3A_146 = arith.constant 0 : i32
      %dma_wait3A_147 = tpu.memref_slice %arg5[%dma_wait3A_146] : memref<2684354xi32, #tpu.memory_space<hbm>> -> memref<2048xi32, #tpu.memory_space<hbm>>
      %dma_wait3A_148 = arith.constant 0 : i32
      %dma_wait3A_149 = tpu.memref_slice %arg5[%dma_wait3A_148] : memref<2684354xi32, #tpu.memory_space<hbm>> -> memref<2048xi32, #tpu.memory_space<hbm>>
      tpu.wait_dma2 semaphore(%arg29 : memref<!tpu.dma_semaphore, #tpu.memory_space<semaphore_mem>>) src(%dma_wait3A_149 : memref<2048xi32, #tpu.memory_space<hbm>>) dst(%arg20 : memref<2048xi32, #tpu.memory_space<vmem>>)
      %dma_wait3A_150 = arith.constant 0 : i32
      %dma_wait3A_151 = tpu.memref_slice %arg6[%dma_wait3A_150] : memref<2684354xi32, #tpu.memory_space<hbm>> -> memref<2048xi32, #tpu.memory_space<hbm>>
      %dma_wait3A_152 = arith.constant 0 : i32
      %dma_wait3A_153 = tpu.memref_slice %arg6[%dma_wait3A_152] : memref<2684354xi32, #tpu.memory_space<hbm>> -> memref<2048xi32, #tpu.memory_space<hbm>>
      tpu.wait_dma2 semaphore(%arg29 : memref<!tpu.dma_semaphore, #tpu.memory_space<semaphore_mem>>) src(%dma_wait3A_153 : memref<2048xi32, #tpu.memory_space<hbm>>) dst(%arg23 : memref<2048xi32, #tpu.memory_space<vmem>>)
      %dma_wait3A_154 = arith.constant 0 : i32
      %dma_wait3A_155 = tpu.memref_slice %arg5[%dma_wait3A_154] : memref<2684354xi32, #tpu.memory_space<hbm>> -> memref<2048xi32, #tpu.memory_space<hbm>>
      %dma_wait3A_156 = arith.constant 0 : i32
      %dma_wait3A_157 = tpu.memref_slice %arg5[%dma_wait3A_156] : memref<2684354xi32, #tpu.memory_space<hbm>> -> memref<2048xi32, #tpu.memory_space<hbm>>
      tpu.wait_dma2 semaphore(%arg29 : memref<!tpu.dma_semaphore, #tpu.memory_space<semaphore_mem>>) src(%dma_wait3A_157 : memref<2048xi32, #tpu.memory_space<hbm>>) dst(%arg26 : memref<2048xf32, #tpu.memory_space<vmem>>)
      %add3A_158 = arith.constant 2 : i32
      %add3A_159 = arith.addi %mul3A_97, %add3A_158 : i32
      %add3A_160 = arith.constant 2 : i32
      %add3A_161 = arith.addi %add3A_159, %add3A_160 : i32
      %lt3A_162 = arith.constant 41 : i32
      %lt3A_163 = arith.cmpi slt, %add3A_161, %lt3A_162 : i32
      %convert_element_type3A_164 = arith.extui %lt3A_163 : i1 to i32
      %cond3A_165 = arith.constant 0 : i32
      %cond3A_166 = arith.cmpi ne, %convert_element_type3A_164, %cond3A_165 : i32
      scf.if %cond3A_166 {
        %mul3A_170 = arith.constant 41 : i32
        %mul3A_171 = arith.muli %add3A, %mul3A_170 : i32
        %add3A_172 = arith.addi %mul3A_171, %add3A_161 : i32
        %mul3A_173 = arith.constant 83968 : i32
        %mul3A_174 = arith.muli %add3A, %mul3A_173 : i32
        %mul3A_175 = arith.constant 2048 : i32
        %mul3A_176 = arith.muli %add3A_161, %mul3A_175 : i32
        %add3A_177 = arith.addi %mul3A_174, %mul3A_176 : i32
        %lt3A_178 = arith.constant 1310 : i32
        %lt3A_179 = arith.cmpi slt, %add3A_172, %lt3A_178 : i32
        %convert_element_type3A_180 = arith.extui %lt3A_179 : i1 to i32
        %cond3A_181 = arith.constant 0 : i32
        %cond3A_182 = arith.cmpi ne, %convert_element_type3A_180, %cond3A_181 : i32
        scf.if %cond3A_182 {
          %dma_start3A = tpu.memref_slice %arg5[%add3A_177] : memref<2684354xi32, #tpu.memory_space<hbm>> -> memref<2048xi32, #tpu.memory_space<hbm>>
          %dma_start3A_188 = tpu.memref_slice %arg5[%add3A_177] : memref<2684354xi32, #tpu.memory_space<hbm>> -> memref<2048xi32, #tpu.memory_space<hbm>>
          tpu.enqueue_dma source(%dma_start3A_188 : memref<2048xi32, #tpu.memory_space<hbm>>) target(%arg19 : memref<2048xi32, #tpu.memory_space<vmem>>) target_semaphore(%arg28 : memref<!tpu.dma_semaphore, #tpu.memory_space<semaphore_mem>>)
          %dma_start3A_189 = tpu.memref_slice %arg6[%add3A_177] : memref<2684354xi32, #tpu.memory_space<hbm>> -> memref<2048xi32, #tpu.memory_space<hbm>>
          %dma_start3A_190 = tpu.memref_slice %arg6[%add3A_177] : memref<2684354xi32, #tpu.memory_space<hbm>> -> memref<2048xi32, #tpu.memory_space<hbm>>
          tpu.enqueue_dma source(%dma_start3A_190 : memref<2048xi32, #tpu.memory_space<hbm>>) target(%arg22 : memref<2048xi32, #tpu.memory_space<vmem>>) target_semaphore(%arg28 : memref<!tpu.dma_semaphore, #tpu.memory_space<semaphore_mem>>)
          %dma_start3A_191 = arith.constant 0 : i32
          %dma_start3A_192 = tpu.memref_slice %arg7[%dma_start3A_191, %add3A_177] : memref<4x2684354xf32, #tpu.memory_space<hbm>> -> memref<1x2048xf32, #tpu.memory_space<hbm>>
          %dma_start3A_193 = tpu.memref_squeeze %dma_start3A_192 : memref<1x2048xf32, #tpu.memory_space<hbm>> -> memref<2048xf32, #tpu.memory_space<hbm>>
          %dma_start3A_194 = tpu.memref_slice %arg7[%dma_start3A_191, %add3A_177] : memref<4x2684354xf32, #tpu.memory_space<hbm>> -> memref<1x2048xf32, #tpu.memory_space<hbm>>
          %dma_start3A_195 = tpu.memref_squeeze %dma_start3A_194 : memref<1x2048xf32, #tpu.memory_space<hbm>> -> memref<2048xf32, #tpu.memory_space<hbm>>
          tpu.enqueue_dma source(%dma_start3A_195 : memref<2048xf32, #tpu.memory_space<hbm>>) target(%arg25 : memref<2048xf32, #tpu.memory_space<vmem>>) target_semaphore(%arg28 : memref<!tpu.dma_semaphore, #tpu.memory_space<semaphore_mem>>)
        } else {
        }
        %ge3A_183 = arith.constant 1310 : i32
        %ge3A_184 = arith.cmpi sge, %add3A_172, %ge3A_183 : i32
        %convert_element_type3A_185 = arith.extui %ge3A_184 : i1 to i32
        %cond3A_186 = arith.constant 0 : i32
        %cond3A_187 = arith.cmpi ne, %convert_element_type3A_185, %cond3A_186 : i32
        scf.if %cond3A_187 {
          %sub3A = arith.constant 1310 : i32
          %sub3A_188 = arith.subi %add3A_172, %sub3A : i32
          %mul3A_189 = arith.constant 2048 : i32
          %mul3A_190 = arith.muli %sub3A_188, %mul3A_189 : i32
          %dma_start3A = tpu.memref_slice %arg8[%mul3A_190] : memref<4096xi32, #tpu.memory_space<hbm>> -> memref<2048xi32, #tpu.memory_space<hbm>>
          %dma_start3A_191 = tpu.memref_slice %arg8[%mul3A_190] : memref<4096xi32, #tpu.memory_space<hbm>> -> memref<2048xi32, #tpu.memory_space<hbm>>
          tpu.enqueue_dma source(%dma_start3A_191 : memref<2048xi32, #tpu.memory_space<hbm>>) target(%arg19 : memref<2048xi32, #tpu.memory_space<vmem>>) target_semaphore(%arg28 : memref<!tpu.dma_semaphore, #tpu.memory_space<semaphore_mem>>)
          %dma_start3A_192 = tpu.memref_slice %arg9[%mul3A_190] : memref<4096xi32, #tpu.memory_space<hbm>> -> memref<2048xi32, #tpu.memory_space<hbm>>
          %dma_start3A_193 = tpu.memref_slice %arg9[%mul3A_190] : memref<4096xi32, #tpu.memory_space<hbm>> -> memref<2048xi32, #tpu.memory_space<hbm>>
          tpu.enqueue_dma source(%dma_start3A_193 : memref<2048xi32, #tpu.memory_space<hbm>>) target(%arg22 : memref<2048xi32, #tpu.memory_space<vmem>>) target_semaphore(%arg28 : memref<!tpu.dma_semaphore, #tpu.memory_space<semaphore_mem>>)
          %dma_start3A_194 = tpu.memref_slice %arg10[%mul3A_190] : memref<4096xf32, #tpu.memory_space<hbm>> -> memref<2048xf32, #tpu.memory_space<hbm>>
          %dma_start3A_195 = tpu.memref_slice %arg10[%mul3A_190] : memref<4096xf32, #tpu.memory_space<hbm>> -> memref<2048xf32, #tpu.memory_space<hbm>>
          tpu.enqueue_dma source(%dma_start3A_195 : memref<2048xf32, #tpu.memory_space<hbm>>) target(%arg25 : memref<2048xf32, #tpu.memory_space<vmem>>) target_semaphore(%arg28 : memref<!tpu.dma_semaphore, #tpu.memory_space<semaphore_mem>>)
        } else {
        }
      } else {
      }
      %parallel_loop3A_167 = arith.constant 0 : i32
      %parallel_loop3A_168 = arith.constant 2048 : i32
      %parallel_loop3A_169 = arith.constant 16 : i32
      scf.for %parallel_loop3A_170 = %parallel_loop3A_167 to %parallel_loop3A_168 step %parallel_loop3A_169  : i32 {
        %parallel_loop3A_171 = tpu.assume_multiple %parallel_loop3A_170, 16 : i32
        %parallel_loop3A_172 = arith.index_cast %parallel_loop3A_171 : i32 to index
        %parallel_loop3A_173 = tpu.vector_load %arg20[%parallel_loop3A_172] {strides = array<i32>} : memref<2048xi32, #tpu.memory_space<vmem>>, vector<16xi32>,
        %parallel_loop3A_174 = arith.index_cast %parallel_loop3A_171 : i32 to index
        %parallel_loop3A_175 = tpu.vector_load %arg23[%parallel_loop3A_174] {strides = array<i32>} : memref<2048xi32, #tpu.memory_space<vmem>>, vector<16xi32>,
        %parallel_loop3A_176 = vector.shape_cast %min3A_8 : vector<16xi32> to vector<16x1xi32>
        %parallel_loop3A_177 = vector.shape_cast %parallel_loop3A_176 : vector<16x1xi32> to vector<16xi32>
        %parallel_loop3A_178 = tpu.dynamic_gather %parallel_loop3A_173[%parallel_loop3A_177] in [0] : vector<16xi32>, vector<16xi32> -> vector<16xi32>
        %parallel_loop3A_179 = arith.cmpi ne, %parallel_loop3A_173, %parallel_loop3A_178 : vector<16xi32>
        %parallel_loop3A_180 = arith.ori %eq3A_10, %parallel_loop3A_179 : vector<16xi1>
        %parallel_loop3A_181 = arith.constant dense<true> : vector<16xi1>
        %parallel_loop3A_182 = arith.xori %eq3A_10, %parallel_loop3A_181 : vector<16xi1>
        %parallel_loop3A_183 = arith.andi %parallel_loop3A_180, %parallel_loop3A_182 : vector<16xi1>
        %parallel_loop3A_184 = tpu.vector_load_idx %arg12[%parallel_loop3A_175] : memref<16384xf32, #tpu.memory_space<vmem>>[vector<16xi32>], vector<16xf32>,
        %parallel_loop3A_185 = arith.index_cast %parallel_loop3A_171 : i32 to index
        %parallel_loop3A_186 = tpu.vector_load %arg26[%parallel_loop3A_185] {strides = array<i32>} : memref<2048xf32, #tpu.memory_space<vmem>>, vector<16xf32>,
        %parallel_loop3A_187 = arith.mulf %parallel_loop3A_186, %parallel_loop3A_184 : vector<16xf32>
        %parallel_loop3A_188 = arith.constant true
        %parallel_loop3A_189 = vector.broadcast %parallel_loop3A_188 : i1 to vector<16xi1>
        %parallel_loop3A_190 = tpu.scan <sum>, %parallel_loop3A_187 masked %parallel_loop3A_189 : vector<16xf32>, vector<16xi1> -> vector<16xf32>
        tpu.vector_store_idx %arg15[%parallel_loop3A_173], %parallel_loop3A_190 masked %parallel_loop3A_180 {add = true} : memref<16384xf32, #tpu.memory_space<vmem>>[vector<16xi32>], vector<16xf32>, vector<16xi1>
        %parallel_loop3A_191 = arith.constant 0.000000e+00 : f32
        %parallel_loop3A_192 = vector.broadcast %parallel_loop3A_191 : f32 to vector<16xf32>
        %parallel_loop3A_193 = arith.subf %parallel_loop3A_192, %parallel_loop3A_190 : vector<16xf32>
        tpu.vector_store_idx %arg15[%parallel_loop3A_178], %parallel_loop3A_193 masked %parallel_loop3A_183 {add = true} : memref<16384xf32, #tpu.memory_space<vmem>>[vector<16xi32>], vector<16xf32>, vector<16xi1>
        %parallel_loop3A_194 = tpu.vector_load_idx %arg13[%parallel_loop3A_175] : memref<16384xf32, #tpu.memory_space<vmem>>[vector<16xi32>], vector<16xf32>,
        %parallel_loop3A_195 = arith.index_cast %parallel_loop3A_171 : i32 to index
        %parallel_loop3A_196 = tpu.vector_load %arg26[%parallel_loop3A_195] {strides = array<i32>} : memref<2048xf32, #tpu.memory_space<vmem>>, vector<16xf32>,
        %parallel_loop3A_197 = arith.mulf %parallel_loop3A_196, %parallel_loop3A_194 : vector<16xf32>
        %parallel_loop3A_198 = arith.constant true
        %parallel_loop3A_199 = vector.broadcast %parallel_loop3A_198 : i1 to vector<16xi1>
        %parallel_loop3A_200 = tpu.scan <sum>, %parallel_loop3A_197 masked %parallel_loop3A_199 : vector<16xf32>, vector<16xi1> -> vector<16xf32>
        tpu.vector_store_idx %arg16[%parallel_loop3A_173], %parallel_loop3A_200 masked %parallel_loop3A_180 {add = true} : memref<16384xf32, #tpu.memory_space<vmem>>[vector<16xi32>], vector<16xf32>, vector<16xi1>
        %parallel_loop3A_201 = arith.constant 0.000000e+00 : f32
        %parallel_loop3A_202 = vector.broadcast %parallel_loop3A_201 : f32 to vector<16xf32>
        %parallel_loop3A_203 = arith.subf %parallel_loop3A_202, %parallel_loop3A_200 : vector<16xf32>
        tpu.vector_store_idx %arg16[%parallel_loop3A_178], %parallel_loop3A_203 masked %parallel_loop3A_183 {add = true} : memref<16384xf32, #tpu.memory_space<vmem>>[vector<16xi32>], vector<16xf32>, vector<16xi1>
        %parallel_loop3A_204 = tpu.vector_load_idx %arg14[%parallel_loop3A_175] : memref<16384xf32, #tpu.memory_space<vmem>>[vector<16xi32>], vector<16xf32>,
        %parallel_loop3A_205 = arith.index_cast %parallel_loop3A_171 : i32 to index
        %parallel_loop3A_206 = tpu.vector_load %arg26[%parallel_loop3A_205] {strides = array<i32>} : memref<2048xf32, #tpu.memory_space<vmem>>, vector<16xf32>,
        %parallel_loop3A_207 = arith.mulf %parallel_loop3A_206, %parallel_loop3A_204 : vector<16xf32>
        %parallel_loop3A_208 = arith.constant true
        %parallel_loop3A_209 = vector.broadcast %parallel_loop3A_208 : i1 to vector<16xi1>
        %parallel_loop3A_210 = tpu.scan <sum>, %parallel_loop3A_207 masked %parallel_loop3A_209 : vector<16xf32>, vector<16xi1> -> vector<16xf32>
        tpu.vector_store_idx %arg17[%parallel_loop3A_173], %parallel_loop3A_210 masked %parallel_loop3A_180 {add = true} : memref<16384xf32, #tpu.memory_space<vmem>>[vector<16xi32>], vector<16xf32>, vector<16xi1>
        %parallel_loop3A_211 = arith.constant 0.000000e+00 : f32
        %parallel_loop3A_212 = vector.broadcast %parallel_loop3A_211 : f32 to vector<16xf32>
        %parallel_loop3A_213 = arith.subf %parallel_loop3A_212, %parallel_loop3A_210 : vector<16xf32>
        tpu.vector_store_idx %arg17[%parallel_loop3A_178], %parallel_loop3A_213 masked %parallel_loop3A_183 {add = true} : memref<16384xf32, #tpu.memory_space<vmem>>[vector<16xi32>], vector<16xf32>, vector<16xi1>
      } {sc.loop_unroll_factor = 4 : i64, sc.parallel_access}
    }
    %scan3A_47 = arith.constant 13 : i32
    %dma_wait3A = arith.constant 0 : i32
    %dma_wait3A_48 = tpu.memref_slice %arg5[%dma_wait3A] : memref<2684354xi32, #tpu.memory_space<hbm>> -> memref<2048xi32, #tpu.memory_space<hbm>>
    %dma_wait3A_49 = arith.constant 0 : i32
    %dma_wait3A_50 = tpu.memref_slice %arg5[%dma_wait3A_49] : memref<2684354xi32, #tpu.memory_space<hbm>> -> memref<2048xi32, #tpu.memory_space<hbm>>
    tpu.wait_dma2 semaphore(%arg27 : memref<!tpu.dma_semaphore, #tpu.memory_space<semaphore_mem>>) src(%dma_wait3A_50 : memref<2048xi32, #tpu.memory_space<hbm>>) dst(%arg18 : memref<2048xi32, #tpu.memory_space<vmem>>)
    %dma_wait3A_51 = arith.constant 0 : i32
    %dma_wait3A_52 = tpu.memref_slice %arg6[%dma_wait3A_51] : memref<2684354xi32, #tpu.memory_space<hbm>> -> memref<2048xi32, #tpu.memory_space<hbm>>
    %dma_wait3A_53 = arith.constant 0 : i32
    %dma_wait3A_54 = tpu.memref_slice %arg6[%dma_wait3A_53] : memref<2684354xi32, #tpu.memory_space<hbm>> -> memref<2048xi32, #tpu.memory_space<hbm>>
    tpu.wait_dma2 semaphore(%arg27 : memref<!tpu.dma_semaphore, #tpu.memory_space<semaphore_mem>>) src(%dma_wait3A_54 : memref<2048xi32, #tpu.memory_space<hbm>>) dst(%arg21 : memref<2048xi32, #tpu.memory_space<vmem>>)
    %dma_wait3A_55 = arith.constant 0 : i32
    %dma_wait3A_56 = tpu.memref_slice %arg5[%dma_wait3A_55] : memref<2684354xi32, #tpu.memory_space<hbm>> -> memref<2048xi32, #tpu.memory_space<hbm>>
    %dma_wait3A_57 = arith.constant 0 : i32
    %dma_wait3A_58 = tpu.memref_slice %arg5[%dma_wait3A_57] : memref<2684354xi32, #tpu.memory_space<hbm>> -> memref<2048xi32, #tpu.memory_space<hbm>>
    tpu.wait_dma2 semaphore(%arg27 : memref<!tpu.dma_semaphore, #tpu.memory_space<semaphore_mem>>) src(%dma_wait3A_58 : memref<2048xi32, #tpu.memory_space<hbm>>) dst(%arg24 : memref<2048xf32, #tpu.memory_space<vmem>>)
    %parallel_loop3A_59 = arith.constant 0 : i32
    %parallel_loop3A_60 = arith.constant 2048 : i32
    %parallel_loop3A_61 = arith.constant 16 : i32
    scf.for %parallel_loop3A_95 = %parallel_loop3A_59 to %parallel_loop3A_60 step %parallel_loop3A_61  : i32 {
      %parallel_loop3A_96 = tpu.assume_multiple %parallel_loop3A_95, 16 : i32
      %parallel_loop3A_97 = arith.index_cast %parallel_loop3A_96 : i32 to index
      %parallel_loop3A_98 = tpu.vector_load %arg18[%parallel_loop3A_97] {strides = array<i32>} : memref<2048xi32, #tpu.memory_space<vmem>>, vector<16xi32>,
      %parallel_loop3A_99 = arith.index_cast %parallel_loop3A_96 : i32 to index
      %parallel_loop3A_100 = tpu.vector_load %arg21[%parallel_loop3A_99] {strides = array<i32>} : memref<2048xi32, #tpu.memory_space<vmem>>, vector<16xi32>,
      %parallel_loop3A_101 = vector.shape_cast %min3A_8 : vector<16xi32> to vector<16x1xi32>
      %parallel_loop3A_102 = vector.shape_cast %parallel_loop3A_101 : vector<16x1xi32> to vector<16xi32>
      %parallel_loop3A_103 = tpu.dynamic_gather %parallel_loop3A_98[%parallel_loop3A_102] in [0] : vector<16xi32>, vector<16xi32> -> vector<16xi32>
      %parallel_loop3A_104 = arith.cmpi ne, %parallel_loop3A_98, %parallel_loop3A_103 : vector<16xi32>
      %parallel_loop3A_105 = arith.ori %eq3A_10, %parallel_loop3A_104 : vector<16xi1>
      %parallel_loop3A_106 = arith.constant dense<true> : vector<16xi1>
      %parallel_loop3A_107 = arith.xori %eq3A_10, %parallel_loop3A_106 : vector<16xi1>
      %parallel_loop3A_108 = arith.andi %parallel_loop3A_105, %parallel_loop3A_107 : vector<16xi1>
      %parallel_loop3A_109 = tpu.vector_load_idx %arg12[%parallel_loop3A_100] : memref<16384xf32, #tpu.memory_space<vmem>>[vector<16xi32>], vector<16xf32>,
      %parallel_loop3A_110 = arith.index_cast %parallel_loop3A_96 : i32 to index
      %parallel_loop3A_111 = tpu.vector_load %arg24[%parallel_loop3A_110] {strides = array<i32>} : memref<2048xf32, #tpu.memory_space<vmem>>, vector<16xf32>,
      %parallel_loop3A_112 = arith.mulf %parallel_loop3A_111, %parallel_loop3A_109 : vector<16xf32>
      %parallel_loop3A_113 = arith.constant true
      %parallel_loop3A_114 = vector.broadcast %parallel_loop3A_113 : i1 to vector<16xi1>
      %parallel_loop3A_115 = tpu.scan <sum>, %parallel_loop3A_112 masked %parallel_loop3A_114 : vector<16xf32>, vector<16xi1> -> vector<16xf32>
      tpu.vector_store_idx %arg15[%parallel_loop3A_98], %parallel_loop3A_115 masked %parallel_loop3A_105 {add = true} : memref<16384xf32, #tpu.memory_space<vmem>>[vector<16xi32>], vector<16xf32>, vector<16xi1>
      %parallel_loop3A_116 = arith.constant 0.000000e+00 : f32
      %parallel_loop3A_117 = vector.broadcast %parallel_loop3A_116 : f32 to vector<16xf32>
      %parallel_loop3A_118 = arith.subf %parallel_loop3A_117, %parallel_loop3A_115 : vector<16xf32>
      tpu.vector_store_idx %arg15[%parallel_loop3A_103], %parallel_loop3A_118 masked %parallel_loop3A_108 {add = true} : memref<16384xf32, #tpu.memory_space<vmem>>[vector<16xi32>], vector<16xf32>, vector<16xi1>
      %parallel_loop3A_119 = tpu.vector_load_idx %arg13[%parallel_loop3A_100] : memref<16384xf32, #tpu.memory_space<vmem>>[vector<16xi32>], vector<16xf32>,
      %parallel_loop3A_120 = arith.index_cast %parallel_loop3A_96 : i32 to index
      %parallel_loop3A_121 = tpu.vector_load %arg24[%parallel_loop3A_120] {strides = array<i32>} : memref<2048xf32, #tpu.memory_space<vmem>>, vector<16xf32>,
      %parallel_loop3A_122 = arith.mulf %parallel_loop3A_121, %parallel_loop3A_119 : vector<16xf32>
      %parallel_loop3A_123 = arith.constant true
      %parallel_loop3A_124 = vector.broadcast %parallel_loop3A_123 : i1 to vector<16xi1>
      %parallel_loop3A_125 = tpu.scan <sum>, %parallel_loop3A_122 masked %parallel_loop3A_124 : vector<16xf32>, vector<16xi1> -> vector<16xf32>
      tpu.vector_store_idx %arg16[%parallel_loop3A_98], %parallel_loop3A_125 masked %parallel_loop3A_105 {add = true} : memref<16384xf32, #tpu.memory_space<vmem>>[vector<16xi32>], vector<16xf32>, vector<16xi1>
      %parallel_loop3A_126 = arith.constant 0.000000e+00 : f32
      %parallel_loop3A_127 = vector.broadcast %parallel_loop3A_126 : f32 to vector<16xf32>
      %parallel_loop3A_128 = arith.subf %parallel_loop3A_127, %parallel_loop3A_125 : vector<16xf32>
      tpu.vector_store_idx %arg16[%parallel_loop3A_103], %parallel_loop3A_128 masked %parallel_loop3A_108 {add = true} : memref<16384xf32, #tpu.memory_space<vmem>>[vector<16xi32>], vector<16xf32>, vector<16xi1>
      %parallel_loop3A_129 = tpu.vector_load_idx %arg14[%parallel_loop3A_100] : memref<16384xf32, #tpu.memory_space<vmem>>[vector<16xi32>], vector<16xf32>,
      %parallel_loop3A_130 = arith.index_cast %parallel_loop3A_96 : i32 to index
      %parallel_loop3A_131 = tpu.vector_load %arg24[%parallel_loop3A_130] {strides = array<i32>} : memref<2048xf32, #tpu.memory_space<vmem>>, vector<16xf32>,
      %parallel_loop3A_132 = arith.mulf %parallel_loop3A_131, %parallel_loop3A_129 : vector<16xf32>
      %parallel_loop3A_133 = arith.constant true
      %parallel_loop3A_134 = vector.broadcast %parallel_loop3A_133 : i1 to vector<16xi1>
      %parallel_loop3A_135 = tpu.scan <sum>, %parallel_loop3A_132 masked %parallel_loop3A_134 : vector<16xf32>, vector<16xi1> -> vector<16xf32>
      tpu.vector_store_idx %arg17[%parallel_loop3A_98], %parallel_loop3A_135 masked %parallel_loop3A_105 {add = true} : memref<16384xf32, #tpu.memory_space<vmem>>[vector<16xi32>], vector<16xf32>, vector<16xi1>
      %parallel_loop3A_136 = arith.constant 0.000000e+00 : f32
      %parallel_loop3A_137 = vector.broadcast %parallel_loop3A_136 : f32 to vector<16xf32>
      %parallel_loop3A_138 = arith.subf %parallel_loop3A_137, %parallel_loop3A_135 : vector<16xf32>
      tpu.vector_store_idx %arg17[%parallel_loop3A_103], %parallel_loop3A_138 masked %parallel_loop3A_108 {add = true} : memref<16384xf32, #tpu.memory_space<vmem>>[vector<16xi32>], vector<16xf32>, vector<16xi1>
    } {sc.loop_unroll_factor = 4 : i64, sc.parallel_access}
    %dma_wait3A_62 = arith.constant 0 : i32
    %dma_wait3A_63 = tpu.memref_slice %arg5[%dma_wait3A_62] : memref<2684354xi32, #tpu.memory_space<hbm>> -> memref<2048xi32, #tpu.memory_space<hbm>>
    %dma_wait3A_64 = arith.constant 0 : i32
    %dma_wait3A_65 = tpu.memref_slice %arg5[%dma_wait3A_64] : memref<2684354xi32, #tpu.memory_space<hbm>> -> memref<2048xi32, #tpu.memory_space<hbm>>
    tpu.wait_dma2 semaphore(%arg28 : memref<!tpu.dma_semaphore, #tpu.memory_space<semaphore_mem>>) src(%dma_wait3A_65 : memref<2048xi32, #tpu.memory_space<hbm>>) dst(%arg19 : memref<2048xi32, #tpu.memory_space<vmem>>)
    %dma_wait3A_66 = arith.constant 0 : i32
    %dma_wait3A_67 = tpu.memref_slice %arg6[%dma_wait3A_66] : memref<2684354xi32, #tpu.memory_space<hbm>> -> memref<2048xi32, #tpu.memory_space<hbm>>
    %dma_wait3A_68 = arith.constant 0 : i32
    %dma_wait3A_69 = tpu.memref_slice %arg6[%dma_wait3A_68] : memref<2684354xi32, #tpu.memory_space<hbm>> -> memref<2048xi32, #tpu.memory_space<hbm>>
    tpu.wait_dma2 semaphore(%arg28 : memref<!tpu.dma_semaphore, #tpu.memory_space<semaphore_mem>>) src(%dma_wait3A_69 : memref<2048xi32, #tpu.memory_space<hbm>>) dst(%arg22 : memref<2048xi32, #tpu.memory_space<vmem>>)
    %dma_wait3A_70 = arith.constant 0 : i32
    %dma_wait3A_71 = tpu.memref_slice %arg5[%dma_wait3A_70] : memref<2684354xi32, #tpu.memory_space<hbm>> -> memref<2048xi32, #tpu.memory_space<hbm>>
    %dma_wait3A_72 = arith.constant 0 : i32
    %dma_wait3A_73 = tpu.memref_slice %arg5[%dma_wait3A_72] : memref<2684354xi32, #tpu.memory_space<hbm>> -> memref<2048xi32, #tpu.memory_space<hbm>>
    tpu.wait_dma2 semaphore(%arg28 : memref<!tpu.dma_semaphore, #tpu.memory_space<semaphore_mem>>) src(%dma_wait3A_73 : memref<2048xi32, #tpu.memory_space<hbm>>) dst(%arg25 : memref<2048xf32, #tpu.memory_space<vmem>>)
    %parallel_loop3A_74 = arith.constant 0 : i32
    %parallel_loop3A_75 = arith.constant 2048 : i32
    %parallel_loop3A_76 = arith.constant 16 : i32
    scf.for %parallel_loop3A_95 = %parallel_loop3A_74 to %parallel_loop3A_75 step %parallel_loop3A_76  : i32 {
      %parallel_loop3A_96 = tpu.assume_multiple %parallel_loop3A_95, 16 : i32
      %parallel_loop3A_97 = arith.index_cast %parallel_loop3A_96 : i32 to index
      %parallel_loop3A_98 = tpu.vector_load %arg19[%parallel_loop3A_97] {strides = array<i32>} : memref<2048xi32, #tpu.memory_space<vmem>>, vector<16xi32>,
      %parallel_loop3A_99 = arith.index_cast %parallel_loop3A_96 : i32 to index
      %parallel_loop3A_100 = tpu.vector_load %arg22[%parallel_loop3A_99] {strides = array<i32>} : memref<2048xi32, #tpu.memory_space<vmem>>, vector<16xi32>,
      %parallel_loop3A_101 = vector.shape_cast %min3A_8 : vector<16xi32> to vector<16x1xi32>
      %parallel_loop3A_102 = vector.shape_cast %parallel_loop3A_101 : vector<16x1xi32> to vector<16xi32>
      %parallel_loop3A_103 = tpu.dynamic_gather %parallel_loop3A_98[%parallel_loop3A_102] in [0] : vector<16xi32>, vector<16xi32> -> vector<16xi32>
      %parallel_loop3A_104 = arith.cmpi ne, %parallel_loop3A_98, %parallel_loop3A_103 : vector<16xi32>
      %parallel_loop3A_105 = arith.ori %eq3A_10, %parallel_loop3A_104 : vector<16xi1>
      %parallel_loop3A_106 = arith.constant dense<true> : vector<16xi1>
      %parallel_loop3A_107 = arith.xori %eq3A_10, %parallel_loop3A_106 : vector<16xi1>
      %parallel_loop3A_108 = arith.andi %parallel_loop3A_105, %parallel_loop3A_107 : vector<16xi1>
      %parallel_loop3A_109 = tpu.vector_load_idx %arg12[%parallel_loop3A_100] : memref<16384xf32, #tpu.memory_space<vmem>>[vector<16xi32>], vector<16xf32>,
      %parallel_loop3A_110 = arith.index_cast %parallel_loop3A_96 : i32 to index
      %parallel_loop3A_111 = tpu.vector_load %arg25[%parallel_loop3A_110] {strides = array<i32>} : memref<2048xf32, #tpu.memory_space<vmem>>, vector<16xf32>,
      %parallel_loop3A_112 = arith.mulf %parallel_loop3A_111, %parallel_loop3A_109 : vector<16xf32>
      %parallel_loop3A_113 = arith.constant true
      %parallel_loop3A_114 = vector.broadcast %parallel_loop3A_113 : i1 to vector<16xi1>
      %parallel_loop3A_115 = tpu.scan <sum>, %parallel_loop3A_112 masked %parallel_loop3A_114 : vector<16xf32>, vector<16xi1> -> vector<16xf32>
      tpu.vector_store_idx %arg15[%parallel_loop3A_98], %parallel_loop3A_115 masked %parallel_loop3A_105 {add = true} : memref<16384xf32, #tpu.memory_space<vmem>>[vector<16xi32>], vector<16xf32>, vector<16xi1>
      %parallel_loop3A_116 = arith.constant 0.000000e+00 : f32
      %parallel_loop3A_117 = vector.broadcast %parallel_loop3A_116 : f32 to vector<16xf32>
      %parallel_loop3A_118 = arith.subf %parallel_loop3A_117, %parallel_loop3A_115 : vector<16xf32>
      tpu.vector_store_idx %arg15[%parallel_loop3A_103], %parallel_loop3A_118 masked %parallel_loop3A_108 {add = true} : memref<16384xf32, #tpu.memory_space<vmem>>[vector<16xi32>], vector<16xf32>, vector<16xi1>
      %parallel_loop3A_119 = tpu.vector_load_idx %arg13[%parallel_loop3A_100] : memref<16384xf32, #tpu.memory_space<vmem>>[vector<16xi32>], vector<16xf32>,
      %parallel_loop3A_120 = arith.index_cast %parallel_loop3A_96 : i32 to index
      %parallel_loop3A_121 = tpu.vector_load %arg25[%parallel_loop3A_120] {strides = array<i32>} : memref<2048xf32, #tpu.memory_space<vmem>>, vector<16xf32>,
      %parallel_loop3A_122 = arith.mulf %parallel_loop3A_121, %parallel_loop3A_119 : vector<16xf32>
      %parallel_loop3A_123 = arith.constant true
      %parallel_loop3A_124 = vector.broadcast %parallel_loop3A_123 : i1 to vector<16xi1>
      %parallel_loop3A_125 = tpu.scan <sum>, %parallel_loop3A_122 masked %parallel_loop3A_124 : vector<16xf32>, vector<16xi1> -> vector<16xf32>
      tpu.vector_store_idx %arg16[%parallel_loop3A_98], %parallel_loop3A_125 masked %parallel_loop3A_105 {add = true} : memref<16384xf32, #tpu.memory_space<vmem>>[vector<16xi32>], vector<16xf32>, vector<16xi1>
      %parallel_loop3A_126 = arith.constant 0.000000e+00 : f32
      %parallel_loop3A_127 = vector.broadcast %parallel_loop3A_126 : f32 to vector<16xf32>
      %parallel_loop3A_128 = arith.subf %parallel_loop3A_127, %parallel_loop3A_125 : vector<16xf32>
      tpu.vector_store_idx %arg16[%parallel_loop3A_103], %parallel_loop3A_128 masked %parallel_loop3A_108 {add = true} : memref<16384xf32, #tpu.memory_space<vmem>>[vector<16xi32>], vector<16xf32>, vector<16xi1>
      %parallel_loop3A_129 = tpu.vector_load_idx %arg14[%parallel_loop3A_100] : memref<16384xf32, #tpu.memory_space<vmem>>[vector<16xi32>], vector<16xf32>,
      %parallel_loop3A_130 = arith.index_cast %parallel_loop3A_96 : i32 to index
      %parallel_loop3A_131 = tpu.vector_load %arg25[%parallel_loop3A_130] {strides = array<i32>} : memref<2048xf32, #tpu.memory_space<vmem>>, vector<16xf32>,
      %parallel_loop3A_132 = arith.mulf %parallel_loop3A_131, %parallel_loop3A_129 : vector<16xf32>
      %parallel_loop3A_133 = arith.constant true
      %parallel_loop3A_134 = vector.broadcast %parallel_loop3A_133 : i1 to vector<16xi1>
      %parallel_loop3A_135 = tpu.scan <sum>, %parallel_loop3A_132 masked %parallel_loop3A_134 : vector<16xf32>, vector<16xi1> -> vector<16xf32>
      tpu.vector_store_idx %arg17[%parallel_loop3A_98], %parallel_loop3A_135 masked %parallel_loop3A_105 {add = true} : memref<16384xf32, #tpu.memory_space<vmem>>[vector<16xi32>], vector<16xf32>, vector<16xi1>
      %parallel_loop3A_136 = arith.constant 0.000000e+00 : f32
      %parallel_loop3A_137 = vector.broadcast %parallel_loop3A_136 : f32 to vector<16xf32>
      %parallel_loop3A_138 = arith.subf %parallel_loop3A_137, %parallel_loop3A_135 : vector<16xf32>
      tpu.vector_store_idx %arg17[%parallel_loop3A_103], %parallel_loop3A_138 masked %parallel_loop3A_108 {add = true} : memref<16384xf32, #tpu.memory_space<vmem>>[vector<16xi32>], vector<16xf32>, vector<16xi1>
    } {sc.loop_unroll_factor = 4 : i64, sc.parallel_access}
    %mul3A_77 = arith.constant 3 : i32
    %mul3A_78 = arith.muli %add3A, %mul3A_77 : i32
    %add3A_79 = arith.constant 0 : i32
    %add3A_80 = arith.addi %mul3A_78, %add3A_79 : i32
    %mul3A_81 = arith.constant 16384 : i32
    %mul3A_82 = arith.muli %add3A_80, %mul3A_81 : i32
    "tpu.region"() ({
      %run_scoped3A = tpu.sem_alloc : memref<!tpu.dma_semaphore, #tpu.memory_space<semaphore_mem>>
      %dma_start3A = tpu.memref_slice %arg11[%mul3A_82] : memref<1572864xf32, #tpu.memory_space<hbm>> -> memref<16384xf32, #tpu.memory_space<hbm>>
      %dma_start3A_95 = tpu.memref_slice %arg11[%mul3A_82] : memref<1572864xf32, #tpu.memory_space<hbm>> -> memref<16384xf32, #tpu.memory_space<hbm>>
      tpu.enqueue_dma source(%arg15 : memref<16384xf32, #tpu.memory_space<vmem>>) target(%dma_start3A_95 : memref<16384xf32, #tpu.memory_space<hbm>>) target_semaphore(%run_scoped3A : memref<!tpu.dma_semaphore, #tpu.memory_space<semaphore_mem>>)
      %dma_wait3A_96 = tpu.memref_slice %arg11[%mul3A_82] : memref<1572864xf32, #tpu.memory_space<hbm>> -> memref<16384xf32, #tpu.memory_space<hbm>>
      %dma_wait3A_97 = tpu.memref_slice %arg11[%mul3A_82] : memref<1572864xf32, #tpu.memory_space<hbm>> -> memref<16384xf32, #tpu.memory_space<hbm>>
      tpu.wait_dma2 semaphore(%run_scoped3A : memref<!tpu.dma_semaphore, #tpu.memory_space<semaphore_mem>>) src(%arg15 : memref<16384xf32, #tpu.memory_space<vmem>>) dst(%dma_wait3A_97 : memref<16384xf32, #tpu.memory_space<hbm>>)
      tpu.yield
    }) : () -> ()
    %mul3A_83 = arith.constant 3 : i32
    %mul3A_84 = arith.muli %add3A, %mul3A_83 : i32
    %add3A_85 = arith.constant 1 : i32
    %add3A_86 = arith.addi %mul3A_84, %add3A_85 : i32
    %mul3A_87 = arith.constant 16384 : i32
    %mul3A_88 = arith.muli %add3A_86, %mul3A_87 : i32
    "tpu.region"() ({
      %run_scoped3A = tpu.sem_alloc : memref<!tpu.dma_semaphore, #tpu.memory_space<semaphore_mem>>
      %dma_start3A = tpu.memref_slice %arg11[%mul3A_88] : memref<1572864xf32, #tpu.memory_space<hbm>> -> memref<16384xf32, #tpu.memory_space<hbm>>
      %dma_start3A_95 = tpu.memref_slice %arg11[%mul3A_88] : memref<1572864xf32, #tpu.memory_space<hbm>> -> memref<16384xf32, #tpu.memory_space<hbm>>
      tpu.enqueue_dma source(%arg16 : memref<16384xf32, #tpu.memory_space<vmem>>) target(%dma_start3A_95 : memref<16384xf32, #tpu.memory_space<hbm>>) target_semaphore(%run_scoped3A : memref<!tpu.dma_semaphore, #tpu.memory_space<semaphore_mem>>)
      %dma_wait3A_96 = tpu.memref_slice %arg11[%mul3A_88] : memref<1572864xf32, #tpu.memory_space<hbm>> -> memref<16384xf32, #tpu.memory_space<hbm>>
      %dma_wait3A_97 = tpu.memref_slice %arg11[%mul3A_88] : memref<1572864xf32, #tpu.memory_space<hbm>> -> memref<16384xf32, #tpu.memory_space<hbm>>
      tpu.wait_dma2 semaphore(%run_scoped3A : memref<!tpu.dma_semaphore, #tpu.memory_space<semaphore_mem>>) src(%arg16 : memref<16384xf32, #tpu.memory_space<vmem>>) dst(%dma_wait3A_97 : memref<16384xf32, #tpu.memory_space<hbm>>)
      tpu.yield
    }) : () -> ()
    %mul3A_89 = arith.constant 3 : i32
    %mul3A_90 = arith.muli %add3A, %mul3A_89 : i32
    %add3A_91 = arith.constant 2 : i32
    %add3A_92 = arith.addi %mul3A_90, %add3A_91 : i32
    %mul3A_93 = arith.constant 16384 : i32
    %mul3A_94 = arith.muli %add3A_92, %mul3A_93 : i32
    "tpu.region"() ({
      %run_scoped3A = tpu.sem_alloc : memref<!tpu.dma_semaphore, #tpu.memory_space<semaphore_mem>>
      %dma_start3A = tpu.memref_slice %arg11[%mul3A_94] : memref<1572864xf32, #tpu.memory_space<hbm>> -> memref<16384xf32, #tpu.memory_space<hbm>>
      %dma_start3A_95 = tpu.memref_slice %arg11[%mul3A_94] : memref<1572864xf32, #tpu.memory_space<hbm>> -> memref<16384xf32, #tpu.memory_space<hbm>>
      tpu.enqueue_dma source(%arg17 : memref<16384xf32, #tpu.memory_space<vmem>>) target(%dma_start3A_95 : memref<16384xf32, #tpu.memory_space<hbm>>) target_semaphore(%run_scoped3A : memref<!tpu.dma_semaphore, #tpu.memory_space<semaphore_mem>>)
      %dma_wait3A_96 = tpu.memref_slice %arg11[%mul3A_94] : memref<1572864xf32, #tpu.memory_space<hbm>> -> memref<16384xf32, #tpu.memory_space<hbm>>
      %dma_wait3A_97 = tpu.memref_slice %arg11[%mul3A_94] : memref<1572864xf32, #tpu.memory_space<hbm>> -> memref<16384xf32, #tpu.memory_space<hbm>>
      tpu.wait_dma2 semaphore(%run_scoped3A : memref<!tpu.dma_semaphore, #tpu.memory_space<semaphore_mem>>) src(%arg17 : memref<16384xf32, #tpu.memory_space<vmem>>) dst(%dma_wait3A_97 : memref<16384xf32, #tpu.memory_space<hbm>>)
      tpu.yield
    }) : () -> ()
    return
  }
}

#map = affine_map<(d0, d1) -> (0)>
#map1 = affine_map<(d0, d1) -> (0, 0)>
module attributes {stable_mosaic.version = 14 : i64} {
  func.func @_sc_spmv3_body(%arg0: i32, %arg1: i32, %arg2: memref<16384xf32, #tpu.memory_space<hbm>>, %arg3: memref<2684354xi32, #tpu.memory_space<hbm>>, %arg4: memref<2684354xi32, #tpu.memory_space<hbm>>, %arg5: memref<4x2684354xf32, #tpu.memory_space<hbm>>, %arg6: memref<4096xi32, #tpu.memory_space<hbm>>, %arg7: memref<4096xi32, #tpu.memory_space<hbm>>, %arg8: memref<4096xf32, #tpu.memory_space<hbm>>, %arg9: memref<4096xf32, #tpu.memory_space<hbm>>, %arg10: memref<4096xf32, #tpu.memory_space<hbm>>, %arg11: memref<1572864xf32, #tpu.memory_space<hbm>>, %arg12: memref<16384xf32, #tpu.memory_space<vmem>>, %arg13: memref<16384xf32, #tpu.memory_space<vmem>>, %arg14: memref<16384xf32, #tpu.memory_space<vmem>>, %arg15: memref<16384xf32, #tpu.memory_space<vmem>>, %arg16: memref<2048xi32, #tpu.memory_space<vmem>>, %arg17: memref<2048xi32, #tpu.memory_space<vmem>>, %arg18: memref<2048xi32, #tpu.memory_space<vmem>>, %arg19: memref<2048xi32, #tpu.memory_space<vmem>>, %arg20: memref<2048xi32, #tpu.memory_space<vmem>>, %arg21: memref<2048xi32, #tpu.memory_space<vmem>>, %arg22: memref<2048xf32, #tpu.memory_space<vmem>>, %arg23: memref<2048xf32, #tpu.memory_space<vmem>>, %arg24: memref<2048xf32, #tpu.memory_space<vmem>>, %arg25: memref<2048xf32, #tpu.memory_space<vmem>>, %arg26: memref<2048xf32, #tpu.memory_space<vmem>>, %arg27: memref<2048xf32, #tpu.memory_space<vmem>>, %arg28: memref<2048xf32, #tpu.memory_space<vmem>>, %arg29: memref<2048xf32, #tpu.memory_space<vmem>>, %arg30: memref<2048xf32, #tpu.memory_space<vmem>>, %arg31: memref<!tpu.dma_semaphore, #tpu.memory_space<semaphore_mem>>, %arg32: memref<!tpu.dma_semaphore, #tpu.memory_space<semaphore_mem>>, %arg33: memref<!tpu.dma_semaphore, #tpu.memory_space<semaphore_mem>>) attributes {dimension_semantics = [#tpu.dimension_semantics<core_parallel>, #tpu.dimension_semantics<subcore_parallel>], iteration_bounds = array<i64: 2, 16>, scalar_prefetch = 0 : i64, scratch_operands = 22 : i64, tpu.core_type = #tpu.core_type<sc_vector_subcore>, window_params = [{transform_indices = #map}, {transform_indices = #map}, {transform_indices = #map}, {transform_indices = #map1}, {transform_indices = #map}, {transform_indices = #map}, {transform_indices = #map}, {transform_indices = #map}, {transform_indices = #map}, {transform_indices = #map}]} {
    %mul3A = arith.constant 2 : i32
    %mul3A_0 = arith.muli %arg1, %mul3A : i32
    %add3A = arith.addi %mul3A_0, %arg0 : i32
    "tpu.region"() ({
      %run_scoped3A = tpu.sem_alloc : memref<!tpu.dma_semaphore, #tpu.memory_space<semaphore_mem>>
      tpu.enqueue_dma source(%arg2 : memref<16384xf32, #tpu.memory_space<hbm>>) target(%arg12 : memref<16384xf32, #tpu.memory_space<vmem>>) target_semaphore(%run_scoped3A : memref<!tpu.dma_semaphore, #tpu.memory_space<semaphore_mem>>)
      tpu.wait_dma2 semaphore(%run_scoped3A : memref<!tpu.dma_semaphore, #tpu.memory_space<semaphore_mem>>) src(%arg2 : memref<16384xf32, #tpu.memory_space<hbm>>) dst(%arg12 : memref<16384xf32, #tpu.memory_space<vmem>>)
      tpu.yield
    }) : () -> ()
    %broadcast_in_dim3A = arith.constant 0.000000e+00 : f32
    %broadcast_in_dim3A_1 = vector.broadcast %broadcast_in_dim3A : f32 to vector<16xf32>
    %parallel_loop3A = arith.constant 0 : i32
    %parallel_loop3A_2 = arith.constant 16384 : i32
    %parallel_loop3A_3 = arith.constant 16 : i32
    scf.for %parallel_loop3A_111 = %parallel_loop3A to %parallel_loop3A_2 step %parallel_loop3A_3  : i32 {
      %parallel_loop3A_112 = tpu.assume_multiple %parallel_loop3A_111, 16 : i32
      %parallel_loop3A_113 = arith.index_cast %parallel_loop3A_112 : i32 to index
      %parallel_loop3A_114 = tpu.vector_load %arg13[%parallel_loop3A_113] {strides = array<i32>} : memref<16384xf32, #tpu.memory_space<vmem>>, vector<16xf32>,
      tpu.vector_store %arg13[%parallel_loop3A_113], %broadcast_in_dim3A_1 {strides = array<i32>} : memref<16384xf32, #tpu.memory_space<vmem>>, vector<16xf32>,
      %parallel_loop3A_115 = arith.index_cast %parallel_loop3A_112 : i32 to index
      %parallel_loop3A_116 = tpu.vector_load %arg14[%parallel_loop3A_115] {strides = array<i32>} : memref<16384xf32, #tpu.memory_space<vmem>>, vector<16xf32>,
      tpu.vector_store %arg14[%parallel_loop3A_115], %broadcast_in_dim3A_1 {strides = array<i32>} : memref<16384xf32, #tpu.memory_space<vmem>>, vector<16xf32>,
      %parallel_loop3A_117 = arith.index_cast %parallel_loop3A_112 : i32 to index
      %parallel_loop3A_118 = tpu.vector_load %arg15[%parallel_loop3A_117] {strides = array<i32>} : memref<16384xf32, #tpu.memory_space<vmem>>, vector<16xf32>,
      tpu.vector_store %arg15[%parallel_loop3A_117], %broadcast_in_dim3A_1 {strides = array<i32>} : memref<16384xf32, #tpu.memory_space<vmem>>, vector<16xf32>,
    } {sc.loop_unroll_factor = 8 : i64, sc.parallel_access}
    %iota3A = tpu.iota {dimensions = array<i32: 0>} : vector<16xi32>
    %add3A_4 = arith.constant 1 : i32
    %add3A_5 = vector.broadcast %add3A_4 : i32 to vector<16xi32>
    %add3A_6 = arith.addi %iota3A, %add3A_5 : vector<16xi32>
    %min3A = arith.constant 15 : i32
    %min3A_7 = vector.broadcast %min3A : i32 to vector<16xi32>
    %min3A_8 = arith.minsi %add3A_6, %min3A_7 : vector<16xi32>
    %eq3A = arith.constant 15 : i32
    %eq3A_9 = vector.broadcast %eq3A : i32 to vector<16xi32>
    %eq3A_10 = arith.cmpi eq, %iota3A, %eq3A_9 : vector<16xi32>
    %mul3A_11 = arith.constant 41 : i32
    %mul3A_12 = arith.muli %add3A, %mul3A_11 : i32
    %add3A_13 = arith.constant 0 : i32
    %add3A_14 = arith.addi %mul3A_12, %add3A_13 : i32
    %mul3A_15 = arith.constant 83968 : i32
    %mul3A_16 = arith.muli %add3A, %mul3A_15 : i32
    %add3A_17 = arith.constant 0 : i32
    %add3A_18 = arith.addi %mul3A_16, %add3A_17 : i32
    %lt3A = arith.constant 1310 : i32
    %lt3A_19 = arith.cmpi slt, %add3A_14, %lt3A : i32
    %convert_element_type3A = arith.extui %lt3A_19 : i1 to i32
    %cond3A = arith.constant 0 : i32
    %cond3A_20 = arith.cmpi ne, %convert_element_type3A, %cond3A : i32
    scf.if %cond3A_20 {
      %dma_start3A = tpu.memref_slice %arg3[%add3A_18] : memref<2684354xi32, #tpu.memory_space<hbm>> -> memref<2048xi32, #tpu.memory_space<hbm>>
      %dma_start3A_111 = tpu.memref_slice %arg3[%add3A_18] : memref<2684354xi32, #tpu.memory_space<hbm>> -> memref<2048xi32, #tpu.memory_space<hbm>>
      tpu.enqueue_dma source(%dma_start3A_111 : memref<2048xi32, #tpu.memory_space<hbm>>) target(%arg16 : memref<2048xi32, #tpu.memory_space<vmem>>) target_semaphore(%arg31 : memref<!tpu.dma_semaphore, #tpu.memory_space<semaphore_mem>>)
      %dma_start3A_112 = tpu.memref_slice %arg4[%add3A_18] : memref<2684354xi32, #tpu.memory_space<hbm>> -> memref<2048xi32, #tpu.memory_space<hbm>>
      %dma_start3A_113 = tpu.memref_slice %arg4[%add3A_18] : memref<2684354xi32, #tpu.memory_space<hbm>> -> memref<2048xi32, #tpu.memory_space<hbm>>
      tpu.enqueue_dma source(%dma_start3A_113 : memref<2048xi32, #tpu.memory_space<hbm>>) target(%arg19 : memref<2048xi32, #tpu.memory_space<vmem>>) target_semaphore(%arg31 : memref<!tpu.dma_semaphore, #tpu.memory_space<semaphore_mem>>)
      %dma_start3A_114 = arith.constant 1 : i32
      %dma_start3A_115 = tpu.memref_slice %arg5[%dma_start3A_114, %add3A_18] : memref<4x2684354xf32, #tpu.memory_space<hbm>> -> memref<1x2048xf32, #tpu.memory_space<hbm>>
      %dma_start3A_116 = tpu.memref_squeeze %dma_start3A_115 : memref<1x2048xf32, #tpu.memory_space<hbm>> -> memref<2048xf32, #tpu.memory_space<hbm>>
      %dma_start3A_117 = tpu.memref_slice %arg5[%dma_start3A_114, %add3A_18] : memref<4x2684354xf32, #tpu.memory_space<hbm>> -> memref<1x2048xf32, #tpu.memory_space<hbm>>
      %dma_start3A_118 = tpu.memref_squeeze %dma_start3A_117 : memref<1x2048xf32, #tpu.memory_space<hbm>> -> memref<2048xf32, #tpu.memory_space<hbm>>
      tpu.enqueue_dma source(%dma_start3A_118 : memref<2048xf32, #tpu.memory_space<hbm>>) target(%arg22 : memref<2048xf32, #tpu.memory_space<vmem>>) target_semaphore(%arg31 : memref<!tpu.dma_semaphore, #tpu.memory_space<semaphore_mem>>)
      %dma_start3A_119 = arith.constant 2 : i32
      %dma_start3A_120 = tpu.memref_slice %arg5[%dma_start3A_119, %add3A_18] : memref<4x2684354xf32, #tpu.memory_space<hbm>> -> memref<1x2048xf32, #tpu.memory_space<hbm>>
      %dma_start3A_121 = tpu.memref_squeeze %dma_start3A_120 : memref<1x2048xf32, #tpu.memory_space<hbm>> -> memref<2048xf32, #tpu.memory_space<hbm>>
      %dma_start3A_122 = tpu.memref_slice %arg5[%dma_start3A_119, %add3A_18] : memref<4x2684354xf32, #tpu.memory_space<hbm>> -> memref<1x2048xf32, #tpu.memory_space<hbm>>
      %dma_start3A_123 = tpu.memref_squeeze %dma_start3A_122 : memref<1x2048xf32, #tpu.memory_space<hbm>> -> memref<2048xf32, #tpu.memory_space<hbm>>
      tpu.enqueue_dma source(%dma_start3A_123 : memref<2048xf32, #tpu.memory_space<hbm>>) target(%arg25 : memref<2048xf32, #tpu.memory_space<vmem>>) target_semaphore(%arg31 : memref<!tpu.dma_semaphore, #tpu.memory_space<semaphore_mem>>)
      %dma_start3A_124 = arith.constant 3 : i32
      %dma_start3A_125 = tpu.memref_slice %arg5[%dma_start3A_124, %add3A_18] : memref<4x2684354xf32, #tpu.memory_space<hbm>> -> memref<1x2048xf32, #tpu.memory_space<hbm>>
      %dma_start3A_126 = tpu.memref_squeeze %dma_start3A_125 : memref<1x2048xf32, #tpu.memory_space<hbm>> -> memref<2048xf32, #tpu.memory_space<hbm>>
      %dma_start3A_127 = tpu.memref_slice %arg5[%dma_start3A_124, %add3A_18] : memref<4x2684354xf32, #tpu.memory_space<hbm>> -> memref<1x2048xf32, #tpu.memory_space<hbm>>
      %dma_start3A_128 = tpu.memref_squeeze %dma_start3A_127 : memref<1x2048xf32, #tpu.memory_space<hbm>> -> memref<2048xf32, #tpu.memory_space<hbm>>
      tpu.enqueue_dma source(%dma_start3A_128 : memref<2048xf32, #tpu.memory_space<hbm>>) target(%arg28 : memref<2048xf32, #tpu.memory_space<vmem>>) target_semaphore(%arg31 : memref<!tpu.dma_semaphore, #tpu.memory_space<semaphore_mem>>)
    } else {
    }
    %ge3A = arith.constant 1310 : i32
    %ge3A_21 = arith.cmpi sge, %add3A_14, %ge3A : i32
    %convert_element_type3A_22 = arith.extui %ge3A_21 : i1 to i32
    %cond3A_23 = arith.constant 0 : i32
    %cond3A_24 = arith.cmpi ne, %convert_element_type3A_22, %cond3A_23 : i32
    scf.if %cond3A_24 {
      %sub3A = arith.constant 1310 : i32
      %sub3A_111 = arith.subi %add3A_14, %sub3A : i32
      %mul3A_112 = arith.constant 2048 : i32
      %mul3A_113 = arith.muli %sub3A_111, %mul3A_112 : i32
      %dma_start3A = tpu.memref_slice %arg6[%mul3A_113] : memref<4096xi32, #tpu.memory_space<hbm>> -> memref<2048xi32, #tpu.memory_space<hbm>>
      %dma_start3A_114 = tpu.memref_slice %arg6[%mul3A_113] : memref<4096xi32, #tpu.memory_space<hbm>> -> memref<2048xi32, #tpu.memory_space<hbm>>
      tpu.enqueue_dma source(%dma_start3A_114 : memref<2048xi32, #tpu.memory_space<hbm>>) target(%arg16 : memref<2048xi32, #tpu.memory_space<vmem>>) target_semaphore(%arg31 : memref<!tpu.dma_semaphore, #tpu.memory_space<semaphore_mem>>)
      %dma_start3A_115 = tpu.memref_slice %arg7[%mul3A_113] : memref<4096xi32, #tpu.memory_space<hbm>> -> memref<2048xi32, #tpu.memory_space<hbm>>
      %dma_start3A_116 = tpu.memref_slice %arg7[%mul3A_113] : memref<4096xi32, #tpu.memory_space<hbm>> -> memref<2048xi32, #tpu.memory_space<hbm>>
      tpu.enqueue_dma source(%dma_start3A_116 : memref<2048xi32, #tpu.memory_space<hbm>>) target(%arg19 : memref<2048xi32, #tpu.memory_space<vmem>>) target_semaphore(%arg31 : memref<!tpu.dma_semaphore, #tpu.memory_space<semaphore_mem>>)
      %dma_start3A_117 = tpu.memref_slice %arg8[%mul3A_113] : memref<4096xf32, #tpu.memory_space<hbm>> -> memref<2048xf32, #tpu.memory_space<hbm>>
      %dma_start3A_118 = tpu.memref_slice %arg8[%mul3A_113] : memref<4096xf32, #tpu.memory_space<hbm>> -> memref<2048xf32, #tpu.memory_space<hbm>>
      tpu.enqueue_dma source(%dma_start3A_118 : memref<2048xf32, #tpu.memory_space<hbm>>) target(%arg22 : memref<2048xf32, #tpu.memory_space<vmem>>) target_semaphore(%arg31 : memref<!tpu.dma_semaphore, #tpu.memory_space<semaphore_mem>>)
      %dma_start3A_119 = tpu.memref_slice %arg9[%mul3A_113] : memref<4096xf32, #tpu.memory_space<hbm>> -> memref<2048xf32, #tpu.memory_space<hbm>>
      %dma_start3A_120 = tpu.memref_slice %arg9[%mul3A_113] : memref<4096xf32, #tpu.memory_space<hbm>> -> memref<2048xf32, #tpu.memory_space<hbm>>
      tpu.enqueue_dma source(%dma_start3A_120 : memref<2048xf32, #tpu.memory_space<hbm>>) target(%arg25 : memref<2048xf32, #tpu.memory_space<vmem>>) target_semaphore(%arg31 : memref<!tpu.dma_semaphore, #tpu.memory_space<semaphore_mem>>)
      %dma_start3A_121 = tpu.memref_slice %arg10[%mul3A_113] : memref<4096xf32, #tpu.memory_space<hbm>> -> memref<2048xf32, #tpu.memory_space<hbm>>
      %dma_start3A_122 = tpu.memref_slice %arg10[%mul3A_113] : memref<4096xf32, #tpu.memory_space<hbm>> -> memref<2048xf32, #tpu.memory_space<hbm>>
      tpu.enqueue_dma source(%dma_start3A_122 : memref<2048xf32, #tpu.memory_space<hbm>>) target(%arg28 : memref<2048xf32, #tpu.memory_space<vmem>>) target_semaphore(%arg31 : memref<!tpu.dma_semaphore, #tpu.memory_space<semaphore_mem>>)
    } else {
    }
    %mul3A_25 = arith.constant 41 : i32
    %mul3A_26 = arith.muli %add3A, %mul3A_25 : i32
    %add3A_27 = arith.constant 1 : i32
    %add3A_28 = arith.addi %mul3A_26, %add3A_27 : i32
    %mul3A_29 = arith.constant 83968 : i32
    %mul3A_30 = arith.muli %add3A, %mul3A_29 : i32
    %add3A_31 = arith.constant 2048 : i32
    %add3A_32 = arith.addi %mul3A_30, %add3A_31 : i32
    %lt3A_33 = arith.constant 1310 : i32
    %lt3A_34 = arith.cmpi slt, %add3A_28, %lt3A_33 : i32
    %convert_element_type3A_35 = arith.extui %lt3A_34 : i1 to i32
    %cond3A_36 = arith.constant 0 : i32
    %cond3A_37 = arith.cmpi ne, %convert_element_type3A_35, %cond3A_36 : i32
    scf.if %cond3A_37 {
      %dma_start3A = tpu.memref_slice %arg3[%add3A_32] : memref<2684354xi32, #tpu.memory_space<hbm>> -> memref<2048xi32, #tpu.memory_space<hbm>>
      %dma_start3A_111 = tpu.memref_slice %arg3[%add3A_32] : memref<2684354xi32, #tpu.memory_space<hbm>> -> memref<2048xi32, #tpu.memory_space<hbm>>
      tpu.enqueue_dma source(%dma_start3A_111 : memref<2048xi32, #tpu.memory_space<hbm>>) target(%arg17 : memref<2048xi32, #tpu.memory_space<vmem>>) target_semaphore(%arg32 : memref<!tpu.dma_semaphore, #tpu.memory_space<semaphore_mem>>)
      %dma_start3A_112 = tpu.memref_slice %arg4[%add3A_32] : memref<2684354xi32, #tpu.memory_space<hbm>> -> memref<2048xi32, #tpu.memory_space<hbm>>
      %dma_start3A_113 = tpu.memref_slice %arg4[%add3A_32] : memref<2684354xi32, #tpu.memory_space<hbm>> -> memref<2048xi32, #tpu.memory_space<hbm>>
      tpu.enqueue_dma source(%dma_start3A_113 : memref<2048xi32, #tpu.memory_space<hbm>>) target(%arg20 : memref<2048xi32, #tpu.memory_space<vmem>>) target_semaphore(%arg32 : memref<!tpu.dma_semaphore, #tpu.memory_space<semaphore_mem>>)
      %dma_start3A_114 = arith.constant 1 : i32
      %dma_start3A_115 = tpu.memref_slice %arg5[%dma_start3A_114, %add3A_32] : memref<4x2684354xf32, #tpu.memory_space<hbm>> -> memref<1x2048xf32, #tpu.memory_space<hbm>>
      %dma_start3A_116 = tpu.memref_squeeze %dma_start3A_115 : memref<1x2048xf32, #tpu.memory_space<hbm>> -> memref<2048xf32, #tpu.memory_space<hbm>>
      %dma_start3A_117 = tpu.memref_slice %arg5[%dma_start3A_114, %add3A_32] : memref<4x2684354xf32, #tpu.memory_space<hbm>> -> memref<1x2048xf32, #tpu.memory_space<hbm>>
      %dma_start3A_118 = tpu.memref_squeeze %dma_start3A_117 : memref<1x2048xf32, #tpu.memory_space<hbm>> -> memref<2048xf32, #tpu.memory_space<hbm>>
      tpu.enqueue_dma source(%dma_start3A_118 : memref<2048xf32, #tpu.memory_space<hbm>>) target(%arg23 : memref<2048xf32, #tpu.memory_space<vmem>>) target_semaphore(%arg32 : memref<!tpu.dma_semaphore, #tpu.memory_space<semaphore_mem>>)
      %dma_start3A_119 = arith.constant 2 : i32
      %dma_start3A_120 = tpu.memref_slice %arg5[%dma_start3A_119, %add3A_32] : memref<4x2684354xf32, #tpu.memory_space<hbm>> -> memref<1x2048xf32, #tpu.memory_space<hbm>>
      %dma_start3A_121 = tpu.memref_squeeze %dma_start3A_120 : memref<1x2048xf32, #tpu.memory_space<hbm>> -> memref<2048xf32, #tpu.memory_space<hbm>>
      %dma_start3A_122 = tpu.memref_slice %arg5[%dma_start3A_119, %add3A_32] : memref<4x2684354xf32, #tpu.memory_space<hbm>> -> memref<1x2048xf32, #tpu.memory_space<hbm>>
      %dma_start3A_123 = tpu.memref_squeeze %dma_start3A_122 : memref<1x2048xf32, #tpu.memory_space<hbm>> -> memref<2048xf32, #tpu.memory_space<hbm>>
      tpu.enqueue_dma source(%dma_start3A_123 : memref<2048xf32, #tpu.memory_space<hbm>>) target(%arg26 : memref<2048xf32, #tpu.memory_space<vmem>>) target_semaphore(%arg32 : memref<!tpu.dma_semaphore, #tpu.memory_space<semaphore_mem>>)
      %dma_start3A_124 = arith.constant 3 : i32
      %dma_start3A_125 = tpu.memref_slice %arg5[%dma_start3A_124, %add3A_32] : memref<4x2684354xf32, #tpu.memory_space<hbm>> -> memref<1x2048xf32, #tpu.memory_space<hbm>>
      %dma_start3A_126 = tpu.memref_squeeze %dma_start3A_125 : memref<1x2048xf32, #tpu.memory_space<hbm>> -> memref<2048xf32, #tpu.memory_space<hbm>>
      %dma_start3A_127 = tpu.memref_slice %arg5[%dma_start3A_124, %add3A_32] : memref<4x2684354xf32, #tpu.memory_space<hbm>> -> memref<1x2048xf32, #tpu.memory_space<hbm>>
      %dma_start3A_128 = tpu.memref_squeeze %dma_start3A_127 : memref<1x2048xf32, #tpu.memory_space<hbm>> -> memref<2048xf32, #tpu.memory_space<hbm>>
      tpu.enqueue_dma source(%dma_start3A_128 : memref<2048xf32, #tpu.memory_space<hbm>>) target(%arg29 : memref<2048xf32, #tpu.memory_space<vmem>>) target_semaphore(%arg32 : memref<!tpu.dma_semaphore, #tpu.memory_space<semaphore_mem>>)
    } else {
    }
    %ge3A_38 = arith.constant 1310 : i32
    %ge3A_39 = arith.cmpi sge, %add3A_28, %ge3A_38 : i32
    %convert_element_type3A_40 = arith.extui %ge3A_39 : i1 to i32
    %cond3A_41 = arith.constant 0 : i32
    %cond3A_42 = arith.cmpi ne, %convert_element_type3A_40, %cond3A_41 : i32
    scf.if %cond3A_42 {
      %sub3A = arith.constant 1310 : i32
      %sub3A_111 = arith.subi %add3A_28, %sub3A : i32
      %mul3A_112 = arith.constant 2048 : i32
      %mul3A_113 = arith.muli %sub3A_111, %mul3A_112 : i32
      %dma_start3A = tpu.memref_slice %arg6[%mul3A_113] : memref<4096xi32, #tpu.memory_space<hbm>> -> memref<2048xi32, #tpu.memory_space<hbm>>
      %dma_start3A_114 = tpu.memref_slice %arg6[%mul3A_113] : memref<4096xi32, #tpu.memory_space<hbm>> -> memref<2048xi32, #tpu.memory_space<hbm>>
      tpu.enqueue_dma source(%dma_start3A_114 : memref<2048xi32, #tpu.memory_space<hbm>>) target(%arg17 : memref<2048xi32, #tpu.memory_space<vmem>>) target_semaphore(%arg32 : memref<!tpu.dma_semaphore, #tpu.memory_space<semaphore_mem>>)
      %dma_start3A_115 = tpu.memref_slice %arg7[%mul3A_113] : memref<4096xi32, #tpu.memory_space<hbm>> -> memref<2048xi32, #tpu.memory_space<hbm>>
      %dma_start3A_116 = tpu.memref_slice %arg7[%mul3A_113] : memref<4096xi32, #tpu.memory_space<hbm>> -> memref<2048xi32, #tpu.memory_space<hbm>>
      tpu.enqueue_dma source(%dma_start3A_116 : memref<2048xi32, #tpu.memory_space<hbm>>) target(%arg20 : memref<2048xi32, #tpu.memory_space<vmem>>) target_semaphore(%arg32 : memref<!tpu.dma_semaphore, #tpu.memory_space<semaphore_mem>>)
      %dma_start3A_117 = tpu.memref_slice %arg8[%mul3A_113] : memref<4096xf32, #tpu.memory_space<hbm>> -> memref<2048xf32, #tpu.memory_space<hbm>>
      %dma_start3A_118 = tpu.memref_slice %arg8[%mul3A_113] : memref<4096xf32, #tpu.memory_space<hbm>> -> memref<2048xf32, #tpu.memory_space<hbm>>
      tpu.enqueue_dma source(%dma_start3A_118 : memref<2048xf32, #tpu.memory_space<hbm>>) target(%arg23 : memref<2048xf32, #tpu.memory_space<vmem>>) target_semaphore(%arg32 : memref<!tpu.dma_semaphore, #tpu.memory_space<semaphore_mem>>)
      %dma_start3A_119 = tpu.memref_slice %arg9[%mul3A_113] : memref<4096xf32, #tpu.memory_space<hbm>> -> memref<2048xf32, #tpu.memory_space<hbm>>
      %dma_start3A_120 = tpu.memref_slice %arg9[%mul3A_113] : memref<4096xf32, #tpu.memory_space<hbm>> -> memref<2048xf32, #tpu.memory_space<hbm>>
      tpu.enqueue_dma source(%dma_start3A_120 : memref<2048xf32, #tpu.memory_space<hbm>>) target(%arg26 : memref<2048xf32, #tpu.memory_space<vmem>>) target_semaphore(%arg32 : memref<!tpu.dma_semaphore, #tpu.memory_space<semaphore_mem>>)
      %dma_start3A_121 = tpu.memref_slice %arg10[%mul3A_113] : memref<4096xf32, #tpu.memory_space<hbm>> -> memref<2048xf32, #tpu.memory_space<hbm>>
      %dma_start3A_122 = tpu.memref_slice %arg10[%mul3A_113] : memref<4096xf32, #tpu.memory_space<hbm>> -> memref<2048xf32, #tpu.memory_space<hbm>>
      tpu.enqueue_dma source(%dma_start3A_122 : memref<2048xf32, #tpu.memory_space<hbm>>) target(%arg29 : memref<2048xf32, #tpu.memory_space<vmem>>) target_semaphore(%arg32 : memref<!tpu.dma_semaphore, #tpu.memory_space<semaphore_mem>>)
    } else {
    }
    %scan3A = arith.constant 0 : i32
    %scan3A_43 = arith.constant 0 : i32
    %scan3A_44 = arith.constant 13 : i32
    %scan3A_45 = arith.addi %scan3A_43, %scan3A_44 : i32
    %scan3A_46 = arith.constant 1 : i32
    scf.for %scan3A_111 = %scan3A_43 to %scan3A_45 step %scan3A_46  : i32 {
      %mul3A_112 = arith.constant 3 : i32
      %mul3A_113 = arith.muli %scan3A_111, %mul3A_112 : i32
      %dma_wait3A_114 = arith.constant 0 : i32
      %dma_wait3A_115 = tpu.memref_slice %arg3[%dma_wait3A_114] : memref<2684354xi32, #tpu.memory_space<hbm>> -> memref<2048xi32, #tpu.memory_space<hbm>>
      %dma_wait3A_116 = arith.constant 0 : i32
      %dma_wait3A_117 = tpu.memref_slice %arg3[%dma_wait3A_116] : memref<2684354xi32, #tpu.memory_space<hbm>> -> memref<2048xi32, #tpu.memory_space<hbm>>
      tpu.wait_dma2 semaphore(%arg31 : memref<!tpu.dma_semaphore, #tpu.memory_space<semaphore_mem>>) src(%dma_wait3A_117 : memref<2048xi32, #tpu.memory_space<hbm>>) dst(%arg16 : memref<2048xi32, #tpu.memory_space<vmem>>)
      %dma_wait3A_118 = arith.constant 0 : i32
      %dma_wait3A_119 = tpu.memref_slice %arg4[%dma_wait3A_118] : memref<2684354xi32, #tpu.memory_space<hbm>> -> memref<2048xi32, #tpu.memory_space<hbm>>
      %dma_wait3A_120 = arith.constant 0 : i32
      %dma_wait3A_121 = tpu.memref_slice %arg4[%dma_wait3A_120] : memref<2684354xi32, #tpu.memory_space<hbm>> -> memref<2048xi32, #tpu.memory_space<hbm>>
      tpu.wait_dma2 semaphore(%arg31 : memref<!tpu.dma_semaphore, #tpu.memory_space<semaphore_mem>>) src(%dma_wait3A_121 : memref<2048xi32, #tpu.memory_space<hbm>>) dst(%arg19 : memref<2048xi32, #tpu.memory_space<vmem>>)
      %dma_wait3A_122 = arith.constant 0 : i32
      %dma_wait3A_123 = tpu.memref_slice %arg3[%dma_wait3A_122] : memref<2684354xi32, #tpu.memory_space<hbm>> -> memref<2048xi32, #tpu.memory_space<hbm>>
      %dma_wait3A_124 = arith.constant 0 : i32
      %dma_wait3A_125 = tpu.memref_slice %arg3[%dma_wait3A_124] : memref<2684354xi32, #tpu.memory_space<hbm>> -> memref<2048xi32, #tpu.memory_space<hbm>>
      tpu.wait_dma2 semaphore(%arg31 : memref<!tpu.dma_semaphore, #tpu.memory_space<semaphore_mem>>) src(%dma_wait3A_125 : memref<2048xi32, #tpu.memory_space<hbm>>) dst(%arg22 : memref<2048xf32, #tpu.memory_space<vmem>>)
      %dma_wait3A_126 = arith.constant 0 : i32
      %dma_wait3A_127 = tpu.memref_slice %arg3[%dma_wait3A_126] : memref<2684354xi32, #tpu.memory_space<hbm>> -> memref<2048xi32, #tpu.memory_space<hbm>>
      %dma_wait3A_128 = arith.constant 0 : i32
      %dma_wait3A_129 = tpu.memref_slice %arg3[%dma_wait3A_128] : memref<2684354xi32, #tpu.memory_space<hbm>> -> memref<2048xi32, #tpu.memory_space<hbm>>
      tpu.wait_dma2 semaphore(%arg31 : memref<!tpu.dma_semaphore, #tpu.memory_space<semaphore_mem>>) src(%dma_wait3A_129 : memref<2048xi32, #tpu.memory_space<hbm>>) dst(%arg25 : memref<2048xf32, #tpu.memory_space<vmem>>)
      %dma_wait3A_130 = arith.constant 0 : i32
      %dma_wait3A_131 = tpu.memref_slice %arg3[%dma_wait3A_130] : memref<2684354xi32, #tpu.memory_space<hbm>> -> memref<2048xi32, #tpu.memory_space<hbm>>
      %dma_wait3A_132 = arith.constant 0 : i32
      %dma_wait3A_133 = tpu.memref_slice %arg3[%dma_wait3A_132] : memref<2684354xi32, #tpu.memory_space<hbm>> -> memref<2048xi32, #tpu.memory_space<hbm>>
      tpu.wait_dma2 semaphore(%arg31 : memref<!tpu.dma_semaphore, #tpu.memory_space<semaphore_mem>>) src(%dma_wait3A_133 : memref<2048xi32, #tpu.memory_space<hbm>>) dst(%arg28 : memref<2048xf32, #tpu.memory_space<vmem>>)
      %add3A_134 = arith.constant 0 : i32
      %add3A_135 = arith.addi %mul3A_113, %add3A_134 : i32
      %add3A_136 = arith.constant 2 : i32
      %add3A_137 = arith.addi %add3A_135, %add3A_136 : i32
      %lt3A_138 = arith.constant 41 : i32
      %lt3A_139 = arith.cmpi slt, %add3A_137, %lt3A_138 : i32
      %convert_element_type3A_140 = arith.extui %lt3A_139 : i1 to i32
      %cond3A_141 = arith.constant 0 : i32
      %cond3A_142 = arith.cmpi ne, %convert_element_type3A_140, %cond3A_141 : i32
      scf.if %cond3A_142 {
        %mul3A_210 = arith.constant 41 : i32
        %mul3A_211 = arith.muli %add3A, %mul3A_210 : i32
        %add3A_212 = arith.addi %mul3A_211, %add3A_137 : i32
        %mul3A_213 = arith.constant 83968 : i32
        %mul3A_214 = arith.muli %add3A, %mul3A_213 : i32
        %mul3A_215 = arith.constant 2048 : i32
        %mul3A_216 = arith.muli %add3A_137, %mul3A_215 : i32
        %add3A_217 = arith.addi %mul3A_214, %mul3A_216 : i32
        %lt3A_218 = arith.constant 1310 : i32
        %lt3A_219 = arith.cmpi slt, %add3A_212, %lt3A_218 : i32
        %convert_element_type3A_220 = arith.extui %lt3A_219 : i1 to i32
        %cond3A_221 = arith.constant 0 : i32
        %cond3A_222 = arith.cmpi ne, %convert_element_type3A_220, %cond3A_221 : i32
        scf.if %cond3A_222 {
          %dma_start3A = tpu.memref_slice %arg3[%add3A_217] : memref<2684354xi32, #tpu.memory_space<hbm>> -> memref<2048xi32, #tpu.memory_space<hbm>>
          %dma_start3A_228 = tpu.memref_slice %arg3[%add3A_217] : memref<2684354xi32, #tpu.memory_space<hbm>> -> memref<2048xi32, #tpu.memory_space<hbm>>
          tpu.enqueue_dma source(%dma_start3A_228 : memref<2048xi32, #tpu.memory_space<hbm>>) target(%arg18 : memref<2048xi32, #tpu.memory_space<vmem>>) target_semaphore(%arg33 : memref<!tpu.dma_semaphore, #tpu.memory_space<semaphore_mem>>)
          %dma_start3A_229 = tpu.memref_slice %arg4[%add3A_217] : memref<2684354xi32, #tpu.memory_space<hbm>> -> memref<2048xi32, #tpu.memory_space<hbm>>
          %dma_start3A_230 = tpu.memref_slice %arg4[%add3A_217] : memref<2684354xi32, #tpu.memory_space<hbm>> -> memref<2048xi32, #tpu.memory_space<hbm>>
          tpu.enqueue_dma source(%dma_start3A_230 : memref<2048xi32, #tpu.memory_space<hbm>>) target(%arg21 : memref<2048xi32, #tpu.memory_space<vmem>>) target_semaphore(%arg33 : memref<!tpu.dma_semaphore, #tpu.memory_space<semaphore_mem>>)
          %dma_start3A_231 = arith.constant 1 : i32
          %dma_start3A_232 = tpu.memref_slice %arg5[%dma_start3A_231, %add3A_217] : memref<4x2684354xf32, #tpu.memory_space<hbm>> -> memref<1x2048xf32, #tpu.memory_space<hbm>>
          %dma_start3A_233 = tpu.memref_squeeze %dma_start3A_232 : memref<1x2048xf32, #tpu.memory_space<hbm>> -> memref<2048xf32, #tpu.memory_space<hbm>>
          %dma_start3A_234 = tpu.memref_slice %arg5[%dma_start3A_231, %add3A_217] : memref<4x2684354xf32, #tpu.memory_space<hbm>> -> memref<1x2048xf32, #tpu.memory_space<hbm>>
          %dma_start3A_235 = tpu.memref_squeeze %dma_start3A_234 : memref<1x2048xf32, #tpu.memory_space<hbm>> -> memref<2048xf32, #tpu.memory_space<hbm>>
          tpu.enqueue_dma source(%dma_start3A_235 : memref<2048xf32, #tpu.memory_space<hbm>>) target(%arg24 : memref<2048xf32, #tpu.memory_space<vmem>>) target_semaphore(%arg33 : memref<!tpu.dma_semaphore, #tpu.memory_space<semaphore_mem>>)
          %dma_start3A_236 = arith.constant 2 : i32
          %dma_start3A_237 = tpu.memref_slice %arg5[%dma_start3A_236, %add3A_217] : memref<4x2684354xf32, #tpu.memory_space<hbm>> -> memref<1x2048xf32, #tpu.memory_space<hbm>>
          %dma_start3A_238 = tpu.memref_squeeze %dma_start3A_237 : memref<1x2048xf32, #tpu.memory_space<hbm>> -> memref<2048xf32, #tpu.memory_space<hbm>>
          %dma_start3A_239 = tpu.memref_slice %arg5[%dma_start3A_236, %add3A_217] : memref<4x2684354xf32, #tpu.memory_space<hbm>> -> memref<1x2048xf32, #tpu.memory_space<hbm>>
          %dma_start3A_240 = tpu.memref_squeeze %dma_start3A_239 : memref<1x2048xf32, #tpu.memory_space<hbm>> -> memref<2048xf32, #tpu.memory_space<hbm>>
          tpu.enqueue_dma source(%dma_start3A_240 : memref<2048xf32, #tpu.memory_space<hbm>>) target(%arg27 : memref<2048xf32, #tpu.memory_space<vmem>>) target_semaphore(%arg33 : memref<!tpu.dma_semaphore, #tpu.memory_space<semaphore_mem>>)
          %dma_start3A_241 = arith.constant 3 : i32
          %dma_start3A_242 = tpu.memref_slice %arg5[%dma_start3A_241, %add3A_217] : memref<4x2684354xf32, #tpu.memory_space<hbm>> -> memref<1x2048xf32, #tpu.memory_space<hbm>>
          %dma_start3A_243 = tpu.memref_squeeze %dma_start3A_242 : memref<1x2048xf32, #tpu.memory_space<hbm>> -> memref<2048xf32, #tpu.memory_space<hbm>>
          %dma_start3A_244 = tpu.memref_slice %arg5[%dma_start3A_241, %add3A_217] : memref<4x2684354xf32, #tpu.memory_space<hbm>> -> memref<1x2048xf32, #tpu.memory_space<hbm>>
          %dma_start3A_245 = tpu.memref_squeeze %dma_start3A_244 : memref<1x2048xf32, #tpu.memory_space<hbm>> -> memref<2048xf32, #tpu.memory_space<hbm>>
          tpu.enqueue_dma source(%dma_start3A_245 : memref<2048xf32, #tpu.memory_space<hbm>>) target(%arg30 : memref<2048xf32, #tpu.memory_space<vmem>>) target_semaphore(%arg33 : memref<!tpu.dma_semaphore, #tpu.memory_space<semaphore_mem>>)
        } else {
        }
        %ge3A_223 = arith.constant 1310 : i32
        %ge3A_224 = arith.cmpi sge, %add3A_212, %ge3A_223 : i32
        %convert_element_type3A_225 = arith.extui %ge3A_224 : i1 to i32
        %cond3A_226 = arith.constant 0 : i32
        %cond3A_227 = arith.cmpi ne, %convert_element_type3A_225, %cond3A_226 : i32
        scf.if %cond3A_227 {
          %sub3A = arith.constant 1310 : i32
          %sub3A_228 = arith.subi %add3A_212, %sub3A : i32
          %mul3A_229 = arith.constant 2048 : i32
          %mul3A_230 = arith.muli %sub3A_228, %mul3A_229 : i32
          %dma_start3A = tpu.memref_slice %arg6[%mul3A_230] : memref<4096xi32, #tpu.memory_space<hbm>> -> memref<2048xi32, #tpu.memory_space<hbm>>
          %dma_start3A_231 = tpu.memref_slice %arg6[%mul3A_230] : memref<4096xi32, #tpu.memory_space<hbm>> -> memref<2048xi32, #tpu.memory_space<hbm>>
          tpu.enqueue_dma source(%dma_start3A_231 : memref<2048xi32, #tpu.memory_space<hbm>>) target(%arg18 : memref<2048xi32, #tpu.memory_space<vmem>>) target_semaphore(%arg33 : memref<!tpu.dma_semaphore, #tpu.memory_space<semaphore_mem>>)
          %dma_start3A_232 = tpu.memref_slice %arg7[%mul3A_230] : memref<4096xi32, #tpu.memory_space<hbm>> -> memref<2048xi32, #tpu.memory_space<hbm>>
          %dma_start3A_233 = tpu.memref_slice %arg7[%mul3A_230] : memref<4096xi32, #tpu.memory_space<hbm>> -> memref<2048xi32, #tpu.memory_space<hbm>>
          tpu.enqueue_dma source(%dma_start3A_233 : memref<2048xi32, #tpu.memory_space<hbm>>) target(%arg21 : memref<2048xi32, #tpu.memory_space<vmem>>) target_semaphore(%arg33 : memref<!tpu.dma_semaphore, #tpu.memory_space<semaphore_mem>>)
          %dma_start3A_234 = tpu.memref_slice %arg8[%mul3A_230] : memref<4096xf32, #tpu.memory_space<hbm>> -> memref<2048xf32, #tpu.memory_space<hbm>>
          %dma_start3A_235 = tpu.memref_slice %arg8[%mul3A_230] : memref<4096xf32, #tpu.memory_space<hbm>> -> memref<2048xf32, #tpu.memory_space<hbm>>
          tpu.enqueue_dma source(%dma_start3A_235 : memref<2048xf32, #tpu.memory_space<hbm>>) target(%arg24 : memref<2048xf32, #tpu.memory_space<vmem>>) target_semaphore(%arg33 : memref<!tpu.dma_semaphore, #tpu.memory_space<semaphore_mem>>)
          %dma_start3A_236 = tpu.memref_slice %arg9[%mul3A_230] : memref<4096xf32, #tpu.memory_space<hbm>> -> memref<2048xf32, #tpu.memory_space<hbm>>
          %dma_start3A_237 = tpu.memref_slice %arg9[%mul3A_230] : memref<4096xf32, #tpu.memory_space<hbm>> -> memref<2048xf32, #tpu.memory_space<hbm>>
          tpu.enqueue_dma source(%dma_start3A_237 : memref<2048xf32, #tpu.memory_space<hbm>>) target(%arg27 : memref<2048xf32, #tpu.memory_space<vmem>>) target_semaphore(%arg33 : memref<!tpu.dma_semaphore, #tpu.memory_space<semaphore_mem>>)
          %dma_start3A_238 = tpu.memref_slice %arg10[%mul3A_230] : memref<4096xf32, #tpu.memory_space<hbm>> -> memref<2048xf32, #tpu.memory_space<hbm>>
          %dma_start3A_239 = tpu.memref_slice %arg10[%mul3A_230] : memref<4096xf32, #tpu.memory_space<hbm>> -> memref<2048xf32, #tpu.memory_space<hbm>>
          tpu.enqueue_dma source(%dma_start3A_239 : memref<2048xf32, #tpu.memory_space<hbm>>) target(%arg30 : memref<2048xf32, #tpu.memory_space<vmem>>) target_semaphore(%arg33 : memref<!tpu.dma_semaphore, #tpu.memory_space<semaphore_mem>>)
        } else {
        }
      } else {
      }
      %parallel_loop3A_143 = arith.constant 0 : i32
      %parallel_loop3A_144 = arith.constant 2048 : i32
      %parallel_loop3A_145 = arith.constant 16 : i32
      scf.for %parallel_loop3A_210 = %parallel_loop3A_143 to %parallel_loop3A_144 step %parallel_loop3A_145  : i32 {
        %parallel_loop3A_211 = tpu.assume_multiple %parallel_loop3A_210, 16 : i32
        %parallel_loop3A_212 = arith.index_cast %parallel_loop3A_211 : i32 to index
        %parallel_loop3A_213 = tpu.vector_load %arg16[%parallel_loop3A_212] {strides = array<i32>} : memref<2048xi32, #tpu.memory_space<vmem>>, vector<16xi32>,
        %parallel_loop3A_214 = arith.index_cast %parallel_loop3A_211 : i32 to index
        %parallel_loop3A_215 = tpu.vector_load %arg19[%parallel_loop3A_214] {strides = array<i32>} : memref<2048xi32, #tpu.memory_space<vmem>>, vector<16xi32>,
        %parallel_loop3A_216 = vector.shape_cast %min3A_8 : vector<16xi32> to vector<16x1xi32>
        %parallel_loop3A_217 = vector.shape_cast %parallel_loop3A_216 : vector<16x1xi32> to vector<16xi32>
        %parallel_loop3A_218 = tpu.dynamic_gather %parallel_loop3A_213[%parallel_loop3A_217] in [0] : vector<16xi32>, vector<16xi32> -> vector<16xi32>
        %parallel_loop3A_219 = arith.cmpi ne, %parallel_loop3A_213, %parallel_loop3A_218 : vector<16xi32>
        %parallel_loop3A_220 = arith.ori %eq3A_10, %parallel_loop3A_219 : vector<16xi1>
        %parallel_loop3A_221 = arith.constant dense<true> : vector<16xi1>
        %parallel_loop3A_222 = arith.xori %eq3A_10, %parallel_loop3A_221 : vector<16xi1>
        %parallel_loop3A_223 = arith.andi %parallel_loop3A_220, %parallel_loop3A_222 : vector<16xi1>
        %parallel_loop3A_224 = tpu.vector_load_idx %arg12[%parallel_loop3A_215] : memref<16384xf32, #tpu.memory_space<vmem>>[vector<16xi32>], vector<16xf32>,
        %parallel_loop3A_225 = arith.index_cast %parallel_loop3A_211 : i32 to index
        %parallel_loop3A_226 = tpu.vector_load %arg22[%parallel_loop3A_225] {strides = array<i32>} : memref<2048xf32, #tpu.memory_space<vmem>>, vector<16xf32>,
        %parallel_loop3A_227 = arith.mulf %parallel_loop3A_226, %parallel_loop3A_224 : vector<16xf32>
        %parallel_loop3A_228 = arith.constant true
        %parallel_loop3A_229 = vector.broadcast %parallel_loop3A_228 : i1 to vector<16xi1>
        %parallel_loop3A_230 = tpu.scan <sum>, %parallel_loop3A_227 masked %parallel_loop3A_229 : vector<16xf32>, vector<16xi1> -> vector<16xf32>
        tpu.vector_store_idx %arg13[%parallel_loop3A_213], %parallel_loop3A_230 masked %parallel_loop3A_220 {add = true} : memref<16384xf32, #tpu.memory_space<vmem>>[vector<16xi32>], vector<16xf32>, vector<16xi1>
        %parallel_loop3A_231 = arith.constant 0.000000e+00 : f32
        %parallel_loop3A_232 = vector.broadcast %parallel_loop3A_231 : f32 to vector<16xf32>
        %parallel_loop3A_233 = arith.subf %parallel_loop3A_232, %parallel_loop3A_230 : vector<16xf32>
        tpu.vector_store_idx %arg13[%parallel_loop3A_218], %parallel_loop3A_233 masked %parallel_loop3A_223 {add = true} : memref<16384xf32, #tpu.memory_space<vmem>>[vector<16xi32>], vector<16xf32>, vector<16xi1>
        %parallel_loop3A_234 = arith.index_cast %parallel_loop3A_211 : i32 to index
        %parallel_loop3A_235 = tpu.vector_load %arg25[%parallel_loop3A_234] {strides = array<i32>} : memref<2048xf32, #tpu.memory_space<vmem>>, vector<16xf32>,
        %parallel_loop3A_236 = arith.mulf %parallel_loop3A_235, %parallel_loop3A_224 : vector<16xf32>
        %parallel_loop3A_237 = arith.constant true
        %parallel_loop3A_238 = vector.broadcast %parallel_loop3A_237 : i1 to vector<16xi1>
        %parallel_loop3A_239 = tpu.scan <sum>, %parallel_loop3A_236 masked %parallel_loop3A_238 : vector<16xf32>, vector<16xi1> -> vector<16xf32>
        tpu.vector_store_idx %arg14[%parallel_loop3A_213], %parallel_loop3A_239 masked %parallel_loop3A_220 {add = true} : memref<16384xf32, #tpu.memory_space<vmem>>[vector<16xi32>], vector<16xf32>, vector<16xi1>
        %parallel_loop3A_240 = arith.constant 0.000000e+00 : f32
        %parallel_loop3A_241 = vector.broadcast %parallel_loop3A_240 : f32 to vector<16xf32>
        %parallel_loop3A_242 = arith.subf %parallel_loop3A_241, %parallel_loop3A_239 : vector<16xf32>
        tpu.vector_store_idx %arg14[%parallel_loop3A_218], %parallel_loop3A_242 masked %parallel_loop3A_223 {add = true} : memref<16384xf32, #tpu.memory_space<vmem>>[vector<16xi32>], vector<16xf32>, vector<16xi1>
        %parallel_loop3A_243 = arith.index_cast %parallel_loop3A_211 : i32 to index
        %parallel_loop3A_244 = tpu.vector_load %arg28[%parallel_loop3A_243] {strides = array<i32>} : memref<2048xf32, #tpu.memory_space<vmem>>, vector<16xf32>,
        %parallel_loop3A_245 = arith.mulf %parallel_loop3A_244, %parallel_loop3A_224 : vector<16xf32>
        %parallel_loop3A_246 = arith.constant true
        %parallel_loop3A_247 = vector.broadcast %parallel_loop3A_246 : i1 to vector<16xi1>
        %parallel_loop3A_248 = tpu.scan <sum>, %parallel_loop3A_245 masked %parallel_loop3A_247 : vector<16xf32>, vector<16xi1> -> vector<16xf32>
        tpu.vector_store_idx %arg15[%parallel_loop3A_213], %parallel_loop3A_248 masked %parallel_loop3A_220 {add = true} : memref<16384xf32, #tpu.memory_space<vmem>>[vector<16xi32>], vector<16xf32>, vector<16xi1>
        %parallel_loop3A_249 = arith.constant 0.000000e+00 : f32
        %parallel_loop3A_250 = vector.broadcast %parallel_loop3A_249 : f32 to vector<16xf32>
        %parallel_loop3A_251 = arith.subf %parallel_loop3A_250, %parallel_loop3A_248 : vector<16xf32>
        tpu.vector_store_idx %arg15[%parallel_loop3A_218], %parallel_loop3A_251 masked %parallel_loop3A_223 {add = true} : memref<16384xf32, #tpu.memory_space<vmem>>[vector<16xi32>], vector<16xf32>, vector<16xi1>
      } {sc.loop_unroll_factor = 4 : i64, sc.parallel_access}
      %dma_wait3A_146 = arith.constant 0 : i32
      %dma_wait3A_147 = tpu.memref_slice %arg3[%dma_wait3A_146] : memref<2684354xi32, #tpu.memory_space<hbm>> -> memref<2048xi32, #tpu.memory_space<hbm>>
      %dma_wait3A_148 = arith.constant 0 : i32
      %dma_wait3A_149 = tpu.memref_slice %arg3[%dma_wait3A_148] : memref<2684354xi32, #tpu.memory_space<hbm>> -> memref<2048xi32, #tpu.memory_space<hbm>>
      tpu.wait_dma2 semaphore(%arg32 : memref<!tpu.dma_semaphore, #tpu.memory_space<semaphore_mem>>) src(%dma_wait3A_149 : memref<2048xi32, #tpu.memory_space<hbm>>) dst(%arg17 : memref<2048xi32, #tpu.memory_space<vmem>>)
      %dma_wait3A_150 = arith.constant 0 : i32
      %dma_wait3A_151 = tpu.memref_slice %arg4[%dma_wait3A_150] : memref<2684354xi32, #tpu.memory_space<hbm>> -> memref<2048xi32, #tpu.memory_space<hbm>>
      %dma_wait3A_152 = arith.constant 0 : i32
      %dma_wait3A_153 = tpu.memref_slice %arg4[%dma_wait3A_152] : memref<2684354xi32, #tpu.memory_space<hbm>> -> memref<2048xi32, #tpu.memory_space<hbm>>
      tpu.wait_dma2 semaphore(%arg32 : memref<!tpu.dma_semaphore, #tpu.memory_space<semaphore_mem>>) src(%dma_wait3A_153 : memref<2048xi32, #tpu.memory_space<hbm>>) dst(%arg20 : memref<2048xi32, #tpu.memory_space<vmem>>)
      %dma_wait3A_154 = arith.constant 0 : i32
      %dma_wait3A_155 = tpu.memref_slice %arg3[%dma_wait3A_154] : memref<2684354xi32, #tpu.memory_space<hbm>> -> memref<2048xi32, #tpu.memory_space<hbm>>
      %dma_wait3A_156 = arith.constant 0 : i32
      %dma_wait3A_157 = tpu.memref_slice %arg3[%dma_wait3A_156] : memref<2684354xi32, #tpu.memory_space<hbm>> -> memref<2048xi32, #tpu.memory_space<hbm>>
      tpu.wait_dma2 semaphore(%arg32 : memref<!tpu.dma_semaphore, #tpu.memory_space<semaphore_mem>>) src(%dma_wait3A_157 : memref<2048xi32, #tpu.memory_space<hbm>>) dst(%arg23 : memref<2048xf32, #tpu.memory_space<vmem>>)
      %dma_wait3A_158 = arith.constant 0 : i32
      %dma_wait3A_159 = tpu.memref_slice %arg3[%dma_wait3A_158] : memref<2684354xi32, #tpu.memory_space<hbm>> -> memref<2048xi32, #tpu.memory_space<hbm>>
      %dma_wait3A_160 = arith.constant 0 : i32
      %dma_wait3A_161 = tpu.memref_slice %arg3[%dma_wait3A_160] : memref<2684354xi32, #tpu.memory_space<hbm>> -> memref<2048xi32, #tpu.memory_space<hbm>>
      tpu.wait_dma2 semaphore(%arg32 : memref<!tpu.dma_semaphore, #tpu.memory_space<semaphore_mem>>) src(%dma_wait3A_161 : memref<2048xi32, #tpu.memory_space<hbm>>) dst(%arg26 : memref<2048xf32, #tpu.memory_space<vmem>>)
      %dma_wait3A_162 = arith.constant 0 : i32
      %dma_wait3A_163 = tpu.memref_slice %arg3[%dma_wait3A_162] : memref<2684354xi32, #tpu.memory_space<hbm>> -> memref<2048xi32, #tpu.memory_space<hbm>>
      %dma_wait3A_164 = arith.constant 0 : i32
      %dma_wait3A_165 = tpu.memref_slice %arg3[%dma_wait3A_164] : memref<2684354xi32, #tpu.memory_space<hbm>> -> memref<2048xi32, #tpu.memory_space<hbm>>
      tpu.wait_dma2 semaphore(%arg32 : memref<!tpu.dma_semaphore, #tpu.memory_space<semaphore_mem>>) src(%dma_wait3A_165 : memref<2048xi32, #tpu.memory_space<hbm>>) dst(%arg29 : memref<2048xf32, #tpu.memory_space<vmem>>)
      %add3A_166 = arith.constant 1 : i32
      %add3A_167 = arith.addi %mul3A_113, %add3A_166 : i32
      %add3A_168 = arith.constant 2 : i32
      %add3A_169 = arith.addi %add3A_167, %add3A_168 : i32
      %lt3A_170 = arith.constant 41 : i32
      %lt3A_171 = arith.cmpi slt, %add3A_169, %lt3A_170 : i32
      %convert_element_type3A_172 = arith.extui %lt3A_171 : i1 to i32
      %cond3A_173 = arith.constant 0 : i32
      %cond3A_174 = arith.cmpi ne, %convert_element_type3A_172, %cond3A_173 : i32
      scf.if %cond3A_174 {
        %mul3A_210 = arith.constant 41 : i32
        %mul3A_211 = arith.muli %add3A, %mul3A_210 : i32
        %add3A_212 = arith.addi %mul3A_211, %add3A_169 : i32
        %mul3A_213 = arith.constant 83968 : i32
        %mul3A_214 = arith.muli %add3A, %mul3A_213 : i32
        %mul3A_215 = arith.constant 2048 : i32
        %mul3A_216 = arith.muli %add3A_169, %mul3A_215 : i32
        %add3A_217 = arith.addi %mul3A_214, %mul3A_216 : i32
        %lt3A_218 = arith.constant 1310 : i32
        %lt3A_219 = arith.cmpi slt, %add3A_212, %lt3A_218 : i32
        %convert_element_type3A_220 = arith.extui %lt3A_219 : i1 to i32
        %cond3A_221 = arith.constant 0 : i32
        %cond3A_222 = arith.cmpi ne, %convert_element_type3A_220, %cond3A_221 : i32
        scf.if %cond3A_222 {
          %dma_start3A = tpu.memref_slice %arg3[%add3A_217] : memref<2684354xi32, #tpu.memory_space<hbm>> -> memref<2048xi32, #tpu.memory_space<hbm>>
          %dma_start3A_228 = tpu.memref_slice %arg3[%add3A_217] : memref<2684354xi32, #tpu.memory_space<hbm>> -> memref<2048xi32, #tpu.memory_space<hbm>>
          tpu.enqueue_dma source(%dma_start3A_228 : memref<2048xi32, #tpu.memory_space<hbm>>) target(%arg16 : memref<2048xi32, #tpu.memory_space<vmem>>) target_semaphore(%arg31 : memref<!tpu.dma_semaphore, #tpu.memory_space<semaphore_mem>>)
          %dma_start3A_229 = tpu.memref_slice %arg4[%add3A_217] : memref<2684354xi32, #tpu.memory_space<hbm>> -> memref<2048xi32, #tpu.memory_space<hbm>>
          %dma_start3A_230 = tpu.memref_slice %arg4[%add3A_217] : memref<2684354xi32, #tpu.memory_space<hbm>> -> memref<2048xi32, #tpu.memory_space<hbm>>
          tpu.enqueue_dma source(%dma_start3A_230 : memref<2048xi32, #tpu.memory_space<hbm>>) target(%arg19 : memref<2048xi32, #tpu.memory_space<vmem>>) target_semaphore(%arg31 : memref<!tpu.dma_semaphore, #tpu.memory_space<semaphore_mem>>)
          %dma_start3A_231 = arith.constant 1 : i32
          %dma_start3A_232 = tpu.memref_slice %arg5[%dma_start3A_231, %add3A_217] : memref<4x2684354xf32, #tpu.memory_space<hbm>> -> memref<1x2048xf32, #tpu.memory_space<hbm>>
          %dma_start3A_233 = tpu.memref_squeeze %dma_start3A_232 : memref<1x2048xf32, #tpu.memory_space<hbm>> -> memref<2048xf32, #tpu.memory_space<hbm>>
          %dma_start3A_234 = tpu.memref_slice %arg5[%dma_start3A_231, %add3A_217] : memref<4x2684354xf32, #tpu.memory_space<hbm>> -> memref<1x2048xf32, #tpu.memory_space<hbm>>
          %dma_start3A_235 = tpu.memref_squeeze %dma_start3A_234 : memref<1x2048xf32, #tpu.memory_space<hbm>> -> memref<2048xf32, #tpu.memory_space<hbm>>
          tpu.enqueue_dma source(%dma_start3A_235 : memref<2048xf32, #tpu.memory_space<hbm>>) target(%arg22 : memref<2048xf32, #tpu.memory_space<vmem>>) target_semaphore(%arg31 : memref<!tpu.dma_semaphore, #tpu.memory_space<semaphore_mem>>)
          %dma_start3A_236 = arith.constant 2 : i32
          %dma_start3A_237 = tpu.memref_slice %arg5[%dma_start3A_236, %add3A_217] : memref<4x2684354xf32, #tpu.memory_space<hbm>> -> memref<1x2048xf32, #tpu.memory_space<hbm>>
          %dma_start3A_238 = tpu.memref_squeeze %dma_start3A_237 : memref<1x2048xf32, #tpu.memory_space<hbm>> -> memref<2048xf32, #tpu.memory_space<hbm>>
          %dma_start3A_239 = tpu.memref_slice %arg5[%dma_start3A_236, %add3A_217] : memref<4x2684354xf32, #tpu.memory_space<hbm>> -> memref<1x2048xf32, #tpu.memory_space<hbm>>
          %dma_start3A_240 = tpu.memref_squeeze %dma_start3A_239 : memref<1x2048xf32, #tpu.memory_space<hbm>> -> memref<2048xf32, #tpu.memory_space<hbm>>
          tpu.enqueue_dma source(%dma_start3A_240 : memref<2048xf32, #tpu.memory_space<hbm>>) target(%arg25 : memref<2048xf32, #tpu.memory_space<vmem>>) target_semaphore(%arg31 : memref<!tpu.dma_semaphore, #tpu.memory_space<semaphore_mem>>)
          %dma_start3A_241 = arith.constant 3 : i32
          %dma_start3A_242 = tpu.memref_slice %arg5[%dma_start3A_241, %add3A_217] : memref<4x2684354xf32, #tpu.memory_space<hbm>> -> memref<1x2048xf32, #tpu.memory_space<hbm>>
          %dma_start3A_243 = tpu.memref_squeeze %dma_start3A_242 : memref<1x2048xf32, #tpu.memory_space<hbm>> -> memref<2048xf32, #tpu.memory_space<hbm>>
          %dma_start3A_244 = tpu.memref_slice %arg5[%dma_start3A_241, %add3A_217] : memref<4x2684354xf32, #tpu.memory_space<hbm>> -> memref<1x2048xf32, #tpu.memory_space<hbm>>
          %dma_start3A_245 = tpu.memref_squeeze %dma_start3A_244 : memref<1x2048xf32, #tpu.memory_space<hbm>> -> memref<2048xf32, #tpu.memory_space<hbm>>
          tpu.enqueue_dma source(%dma_start3A_245 : memref<2048xf32, #tpu.memory_space<hbm>>) target(%arg28 : memref<2048xf32, #tpu.memory_space<vmem>>) target_semaphore(%arg31 : memref<!tpu.dma_semaphore, #tpu.memory_space<semaphore_mem>>)
        } else {
        }
        %ge3A_223 = arith.constant 1310 : i32
        %ge3A_224 = arith.cmpi sge, %add3A_212, %ge3A_223 : i32
        %convert_element_type3A_225 = arith.extui %ge3A_224 : i1 to i32
        %cond3A_226 = arith.constant 0 : i32
        %cond3A_227 = arith.cmpi ne, %convert_element_type3A_225, %cond3A_226 : i32
        scf.if %cond3A_227 {
          %sub3A = arith.constant 1310 : i32
          %sub3A_228 = arith.subi %add3A_212, %sub3A : i32
          %mul3A_229 = arith.constant 2048 : i32
          %mul3A_230 = arith.muli %sub3A_228, %mul3A_229 : i32
          %dma_start3A = tpu.memref_slice %arg6[%mul3A_230] : memref<4096xi32, #tpu.memory_space<hbm>> -> memref<2048xi32, #tpu.memory_space<hbm>>
          %dma_start3A_231 = tpu.memref_slice %arg6[%mul3A_230] : memref<4096xi32, #tpu.memory_space<hbm>> -> memref<2048xi32, #tpu.memory_space<hbm>>
          tpu.enqueue_dma source(%dma_start3A_231 : memref<2048xi32, #tpu.memory_space<hbm>>) target(%arg16 : memref<2048xi32, #tpu.memory_space<vmem>>) target_semaphore(%arg31 : memref<!tpu.dma_semaphore, #tpu.memory_space<semaphore_mem>>)
          %dma_start3A_232 = tpu.memref_slice %arg7[%mul3A_230] : memref<4096xi32, #tpu.memory_space<hbm>> -> memref<2048xi32, #tpu.memory_space<hbm>>
          %dma_start3A_233 = tpu.memref_slice %arg7[%mul3A_230] : memref<4096xi32, #tpu.memory_space<hbm>> -> memref<2048xi32, #tpu.memory_space<hbm>>
          tpu.enqueue_dma source(%dma_start3A_233 : memref<2048xi32, #tpu.memory_space<hbm>>) target(%arg19 : memref<2048xi32, #tpu.memory_space<vmem>>) target_semaphore(%arg31 : memref<!tpu.dma_semaphore, #tpu.memory_space<semaphore_mem>>)
          %dma_start3A_234 = tpu.memref_slice %arg8[%mul3A_230] : memref<4096xf32, #tpu.memory_space<hbm>> -> memref<2048xf32, #tpu.memory_space<hbm>>
          %dma_start3A_235 = tpu.memref_slice %arg8[%mul3A_230] : memref<4096xf32, #tpu.memory_space<hbm>> -> memref<2048xf32, #tpu.memory_space<hbm>>
          tpu.enqueue_dma source(%dma_start3A_235 : memref<2048xf32, #tpu.memory_space<hbm>>) target(%arg22 : memref<2048xf32, #tpu.memory_space<vmem>>) target_semaphore(%arg31 : memref<!tpu.dma_semaphore, #tpu.memory_space<semaphore_mem>>)
          %dma_start3A_236 = tpu.memref_slice %arg9[%mul3A_230] : memref<4096xf32, #tpu.memory_space<hbm>> -> memref<2048xf32, #tpu.memory_space<hbm>>
          %dma_start3A_237 = tpu.memref_slice %arg9[%mul3A_230] : memref<4096xf32, #tpu.memory_space<hbm>> -> memref<2048xf32, #tpu.memory_space<hbm>>
          tpu.enqueue_dma source(%dma_start3A_237 : memref<2048xf32, #tpu.memory_space<hbm>>) target(%arg25 : memref<2048xf32, #tpu.memory_space<vmem>>) target_semaphore(%arg31 : memref<!tpu.dma_semaphore, #tpu.memory_space<semaphore_mem>>)
          %dma_start3A_238 = tpu.memref_slice %arg10[%mul3A_230] : memref<4096xf32, #tpu.memory_space<hbm>> -> memref<2048xf32, #tpu.memory_space<hbm>>
          %dma_start3A_239 = tpu.memref_slice %arg10[%mul3A_230] : memref<4096xf32, #tpu.memory_space<hbm>> -> memref<2048xf32, #tpu.memory_space<hbm>>
          tpu.enqueue_dma source(%dma_start3A_239 : memref<2048xf32, #tpu.memory_space<hbm>>) target(%arg28 : memref<2048xf32, #tpu.memory_space<vmem>>) target_semaphore(%arg31 : memref<!tpu.dma_semaphore, #tpu.memory_space<semaphore_mem>>)
        } else {
        }
      } else {
      }
      %parallel_loop3A_175 = arith.constant 0 : i32
      %parallel_loop3A_176 = arith.constant 2048 : i32
      %parallel_loop3A_177 = arith.constant 16 : i32
      scf.for %parallel_loop3A_210 = %parallel_loop3A_175 to %parallel_loop3A_176 step %parallel_loop3A_177  : i32 {
        %parallel_loop3A_211 = tpu.assume_multiple %parallel_loop3A_210, 16 : i32
        %parallel_loop3A_212 = arith.index_cast %parallel_loop3A_211 : i32 to index
        %parallel_loop3A_213 = tpu.vector_load %arg17[%parallel_loop3A_212] {strides = array<i32>} : memref<2048xi32, #tpu.memory_space<vmem>>, vector<16xi32>,
        %parallel_loop3A_214 = arith.index_cast %parallel_loop3A_211 : i32 to index
        %parallel_loop3A_215 = tpu.vector_load %arg20[%parallel_loop3A_214] {strides = array<i32>} : memref<2048xi32, #tpu.memory_space<vmem>>, vector<16xi32>,
        %parallel_loop3A_216 = vector.shape_cast %min3A_8 : vector<16xi32> to vector<16x1xi32>
        %parallel_loop3A_217 = vector.shape_cast %parallel_loop3A_216 : vector<16x1xi32> to vector<16xi32>
        %parallel_loop3A_218 = tpu.dynamic_gather %parallel_loop3A_213[%parallel_loop3A_217] in [0] : vector<16xi32>, vector<16xi32> -> vector<16xi32>
        %parallel_loop3A_219 = arith.cmpi ne, %parallel_loop3A_213, %parallel_loop3A_218 : vector<16xi32>
        %parallel_loop3A_220 = arith.ori %eq3A_10, %parallel_loop3A_219 : vector<16xi1>
        %parallel_loop3A_221 = arith.constant dense<true> : vector<16xi1>
        %parallel_loop3A_222 = arith.xori %eq3A_10, %parallel_loop3A_221 : vector<16xi1>
        %parallel_loop3A_223 = arith.andi %parallel_loop3A_220, %parallel_loop3A_222 : vector<16xi1>
        %parallel_loop3A_224 = tpu.vector_load_idx %arg12[%parallel_loop3A_215] : memref<16384xf32, #tpu.memory_space<vmem>>[vector<16xi32>], vector<16xf32>,
        %parallel_loop3A_225 = arith.index_cast %parallel_loop3A_211 : i32 to index
        %parallel_loop3A_226 = tpu.vector_load %arg23[%parallel_loop3A_225] {strides = array<i32>} : memref<2048xf32, #tpu.memory_space<vmem>>, vector<16xf32>,
        %parallel_loop3A_227 = arith.mulf %parallel_loop3A_226, %parallel_loop3A_224 : vector<16xf32>
        %parallel_loop3A_228 = arith.constant true
        %parallel_loop3A_229 = vector.broadcast %parallel_loop3A_228 : i1 to vector<16xi1>
        %parallel_loop3A_230 = tpu.scan <sum>, %parallel_loop3A_227 masked %parallel_loop3A_229 : vector<16xf32>, vector<16xi1> -> vector<16xf32>
        tpu.vector_store_idx %arg13[%parallel_loop3A_213], %parallel_loop3A_230 masked %parallel_loop3A_220 {add = true} : memref<16384xf32, #tpu.memory_space<vmem>>[vector<16xi32>], vector<16xf32>, vector<16xi1>
        %parallel_loop3A_231 = arith.constant 0.000000e+00 : f32
        %parallel_loop3A_232 = vector.broadcast %parallel_loop3A_231 : f32 to vector<16xf32>
        %parallel_loop3A_233 = arith.subf %parallel_loop3A_232, %parallel_loop3A_230 : vector<16xf32>
        tpu.vector_store_idx %arg13[%parallel_loop3A_218], %parallel_loop3A_233 masked %parallel_loop3A_223 {add = true} : memref<16384xf32, #tpu.memory_space<vmem>>[vector<16xi32>], vector<16xf32>, vector<16xi1>
        %parallel_loop3A_234 = arith.index_cast %parallel_loop3A_211 : i32 to index
        %parallel_loop3A_235 = tpu.vector_load %arg26[%parallel_loop3A_234] {strides = array<i32>} : memref<2048xf32, #tpu.memory_space<vmem>>, vector<16xf32>,
        %parallel_loop3A_236 = arith.mulf %parallel_loop3A_235, %parallel_loop3A_224 : vector<16xf32>
        %parallel_loop3A_237 = arith.constant true
        %parallel_loop3A_238 = vector.broadcast %parallel_loop3A_237 : i1 to vector<16xi1>
        %parallel_loop3A_239 = tpu.scan <sum>, %parallel_loop3A_236 masked %parallel_loop3A_238 : vector<16xf32>, vector<16xi1> -> vector<16xf32>
        tpu.vector_store_idx %arg14[%parallel_loop3A_213], %parallel_loop3A_239 masked %parallel_loop3A_220 {add = true} : memref<16384xf32, #tpu.memory_space<vmem>>[vector<16xi32>], vector<16xf32>, vector<16xi1>
        %parallel_loop3A_240 = arith.constant 0.000000e+00 : f32
        %parallel_loop3A_241 = vector.broadcast %parallel_loop3A_240 : f32 to vector<16xf32>
        %parallel_loop3A_242 = arith.subf %parallel_loop3A_241, %parallel_loop3A_239 : vector<16xf32>
        tpu.vector_store_idx %arg14[%parallel_loop3A_218], %parallel_loop3A_242 masked %parallel_loop3A_223 {add = true} : memref<16384xf32, #tpu.memory_space<vmem>>[vector<16xi32>], vector<16xf32>, vector<16xi1>
        %parallel_loop3A_243 = arith.index_cast %parallel_loop3A_211 : i32 to index
        %parallel_loop3A_244 = tpu.vector_load %arg29[%parallel_loop3A_243] {strides = array<i32>} : memref<2048xf32, #tpu.memory_space<vmem>>, vector<16xf32>,
        %parallel_loop3A_245 = arith.mulf %parallel_loop3A_244, %parallel_loop3A_224 : vector<16xf32>
        %parallel_loop3A_246 = arith.constant true
        %parallel_loop3A_247 = vector.broadcast %parallel_loop3A_246 : i1 to vector<16xi1>
        %parallel_loop3A_248 = tpu.scan <sum>, %parallel_loop3A_245 masked %parallel_loop3A_247 : vector<16xf32>, vector<16xi1> -> vector<16xf32>
        tpu.vector_store_idx %arg15[%parallel_loop3A_213], %parallel_loop3A_248 masked %parallel_loop3A_220 {add = true} : memref<16384xf32, #tpu.memory_space<vmem>>[vector<16xi32>], vector<16xf32>, vector<16xi1>
        %parallel_loop3A_249 = arith.constant 0.000000e+00 : f32
        %parallel_loop3A_250 = vector.broadcast %parallel_loop3A_249 : f32 to vector<16xf32>
        %parallel_loop3A_251 = arith.subf %parallel_loop3A_250, %parallel_loop3A_248 : vector<16xf32>
        tpu.vector_store_idx %arg15[%parallel_loop3A_218], %parallel_loop3A_251 masked %parallel_loop3A_223 {add = true} : memref<16384xf32, #tpu.memory_space<vmem>>[vector<16xi32>], vector<16xf32>, vector<16xi1>
      } {sc.loop_unroll_factor = 4 : i64, sc.parallel_access}
      %dma_wait3A_178 = arith.constant 0 : i32
      %dma_wait3A_179 = tpu.memref_slice %arg3[%dma_wait3A_178] : memref<2684354xi32, #tpu.memory_space<hbm>> -> memref<2048xi32, #tpu.memory_space<hbm>>
      %dma_wait3A_180 = arith.constant 0 : i32
      %dma_wait3A_181 = tpu.memref_slice %arg3[%dma_wait3A_180] : memref<2684354xi32, #tpu.memory_space<hbm>> -> memref<2048xi32, #tpu.memory_space<hbm>>
      tpu.wait_dma2 semaphore(%arg33 : memref<!tpu.dma_semaphore, #tpu.memory_space<semaphore_mem>>) src(%dma_wait3A_181 : memref<2048xi32, #tpu.memory_space<hbm>>) dst(%arg18 : memref<2048xi32, #tpu.memory_space<vmem>>)
      %dma_wait3A_182 = arith.constant 0 : i32
      %dma_wait3A_183 = tpu.memref_slice %arg4[%dma_wait3A_182] : memref<2684354xi32, #tpu.memory_space<hbm>> -> memref<2048xi32, #tpu.memory_space<hbm>>
      %dma_wait3A_184 = arith.constant 0 : i32
      %dma_wait3A_185 = tpu.memref_slice %arg4[%dma_wait3A_184] : memref<2684354xi32, #tpu.memory_space<hbm>> -> memref<2048xi32, #tpu.memory_space<hbm>>
      tpu.wait_dma2 semaphore(%arg33 : memref<!tpu.dma_semaphore, #tpu.memory_space<semaphore_mem>>) src(%dma_wait3A_185 : memref<2048xi32, #tpu.memory_space<hbm>>) dst(%arg21 : memref<2048xi32, #tpu.memory_space<vmem>>)
      %dma_wait3A_186 = arith.constant 0 : i32
      %dma_wait3A_187 = tpu.memref_slice %arg3[%dma_wait3A_186] : memref<2684354xi32, #tpu.memory_space<hbm>> -> memref<2048xi32, #tpu.memory_space<hbm>>
      %dma_wait3A_188 = arith.constant 0 : i32
      %dma_wait3A_189 = tpu.memref_slice %arg3[%dma_wait3A_188] : memref<2684354xi32, #tpu.memory_space<hbm>> -> memref<2048xi32, #tpu.memory_space<hbm>>
      tpu.wait_dma2 semaphore(%arg33 : memref<!tpu.dma_semaphore, #tpu.memory_space<semaphore_mem>>) src(%dma_wait3A_189 : memref<2048xi32, #tpu.memory_space<hbm>>) dst(%arg24 : memref<2048xf32, #tpu.memory_space<vmem>>)
      %dma_wait3A_190 = arith.constant 0 : i32
      %dma_wait3A_191 = tpu.memref_slice %arg3[%dma_wait3A_190] : memref<2684354xi32, #tpu.memory_space<hbm>> -> memref<2048xi32, #tpu.memory_space<hbm>>
      %dma_wait3A_192 = arith.constant 0 : i32
      %dma_wait3A_193 = tpu.memref_slice %arg3[%dma_wait3A_192] : memref<2684354xi32, #tpu.memory_space<hbm>> -> memref<2048xi32, #tpu.memory_space<hbm>>
      tpu.wait_dma2 semaphore(%arg33 : memref<!tpu.dma_semaphore, #tpu.memory_space<semaphore_mem>>) src(%dma_wait3A_193 : memref<2048xi32, #tpu.memory_space<hbm>>) dst(%arg27 : memref<2048xf32, #tpu.memory_space<vmem>>)
      %dma_wait3A_194 = arith.constant 0 : i32
      %dma_wait3A_195 = tpu.memref_slice %arg3[%dma_wait3A_194] : memref<2684354xi32, #tpu.memory_space<hbm>> -> memref<2048xi32, #tpu.memory_space<hbm>>
      %dma_wait3A_196 = arith.constant 0 : i32
      %dma_wait3A_197 = tpu.memref_slice %arg3[%dma_wait3A_196] : memref<2684354xi32, #tpu.memory_space<hbm>> -> memref<2048xi32, #tpu.memory_space<hbm>>
      tpu.wait_dma2 semaphore(%arg33 : memref<!tpu.dma_semaphore, #tpu.memory_space<semaphore_mem>>) src(%dma_wait3A_197 : memref<2048xi32, #tpu.memory_space<hbm>>) dst(%arg30 : memref<2048xf32, #tpu.memory_space<vmem>>)
      %add3A_198 = arith.constant 2 : i32
      %add3A_199 = arith.addi %mul3A_113, %add3A_198 : i32
      %add3A_200 = arith.constant 2 : i32
      %add3A_201 = arith.addi %add3A_199, %add3A_200 : i32
      %lt3A_202 = arith.constant 41 : i32
      %lt3A_203 = arith.cmpi slt, %add3A_201, %lt3A_202 : i32
      %convert_element_type3A_204 = arith.extui %lt3A_203 : i1 to i32
      %cond3A_205 = arith.constant 0 : i32
      %cond3A_206 = arith.cmpi ne, %convert_element_type3A_204, %cond3A_205 : i32
      scf.if %cond3A_206 {
        %mul3A_210 = arith.constant 41 : i32
        %mul3A_211 = arith.muli %add3A, %mul3A_210 : i32
        %add3A_212 = arith.addi %mul3A_211, %add3A_201 : i32
        %mul3A_213 = arith.constant 83968 : i32
        %mul3A_214 = arith.muli %add3A, %mul3A_213 : i32
        %mul3A_215 = arith.constant 2048 : i32
        %mul3A_216 = arith.muli %add3A_201, %mul3A_215 : i32
        %add3A_217 = arith.addi %mul3A_214, %mul3A_216 : i32
        %lt3A_218 = arith.constant 1310 : i32
        %lt3A_219 = arith.cmpi slt, %add3A_212, %lt3A_218 : i32
        %convert_element_type3A_220 = arith.extui %lt3A_219 : i1 to i32
        %cond3A_221 = arith.constant 0 : i32
        %cond3A_222 = arith.cmpi ne, %convert_element_type3A_220, %cond3A_221 : i32
        scf.if %cond3A_222 {
          %dma_start3A = tpu.memref_slice %arg3[%add3A_217] : memref<2684354xi32, #tpu.memory_space<hbm>> -> memref<2048xi32, #tpu.memory_space<hbm>>
          %dma_start3A_228 = tpu.memref_slice %arg3[%add3A_217] : memref<2684354xi32, #tpu.memory_space<hbm>> -> memref<2048xi32, #tpu.memory_space<hbm>>
          tpu.enqueue_dma source(%dma_start3A_228 : memref<2048xi32, #tpu.memory_space<hbm>>) target(%arg17 : memref<2048xi32, #tpu.memory_space<vmem>>) target_semaphore(%arg32 : memref<!tpu.dma_semaphore, #tpu.memory_space<semaphore_mem>>)
          %dma_start3A_229 = tpu.memref_slice %arg4[%add3A_217] : memref<2684354xi32, #tpu.memory_space<hbm>> -> memref<2048xi32, #tpu.memory_space<hbm>>
          %dma_start3A_230 = tpu.memref_slice %arg4[%add3A_217] : memref<2684354xi32, #tpu.memory_space<hbm>> -> memref<2048xi32, #tpu.memory_space<hbm>>
          tpu.enqueue_dma source(%dma_start3A_230 : memref<2048xi32, #tpu.memory_space<hbm>>) target(%arg20 : memref<2048xi32, #tpu.memory_space<vmem>>) target_semaphore(%arg32 : memref<!tpu.dma_semaphore, #tpu.memory_space<semaphore_mem>>)
          %dma_start3A_231 = arith.constant 1 : i32
          %dma_start3A_232 = tpu.memref_slice %arg5[%dma_start3A_231, %add3A_217] : memref<4x2684354xf32, #tpu.memory_space<hbm>> -> memref<1x2048xf32, #tpu.memory_space<hbm>>
          %dma_start3A_233 = tpu.memref_squeeze %dma_start3A_232 : memref<1x2048xf32, #tpu.memory_space<hbm>> -> memref<2048xf32, #tpu.memory_space<hbm>>
          %dma_start3A_234 = tpu.memref_slice %arg5[%dma_start3A_231, %add3A_217] : memref<4x2684354xf32, #tpu.memory_space<hbm>> -> memref<1x2048xf32, #tpu.memory_space<hbm>>
          %dma_start3A_235 = tpu.memref_squeeze %dma_start3A_234 : memref<1x2048xf32, #tpu.memory_space<hbm>> -> memref<2048xf32, #tpu.memory_space<hbm>>
          tpu.enqueue_dma source(%dma_start3A_235 : memref<2048xf32, #tpu.memory_space<hbm>>) target(%arg23 : memref<2048xf32, #tpu.memory_space<vmem>>) target_semaphore(%arg32 : memref<!tpu.dma_semaphore, #tpu.memory_space<semaphore_mem>>)
          %dma_start3A_236 = arith.constant 2 : i32
          %dma_start3A_237 = tpu.memref_slice %arg5[%dma_start3A_236, %add3A_217] : memref<4x2684354xf32, #tpu.memory_space<hbm>> -> memref<1x2048xf32, #tpu.memory_space<hbm>>
          %dma_start3A_238 = tpu.memref_squeeze %dma_start3A_237 : memref<1x2048xf32, #tpu.memory_space<hbm>> -> memref<2048xf32, #tpu.memory_space<hbm>>
          %dma_start3A_239 = tpu.memref_slice %arg5[%dma_start3A_236, %add3A_217] : memref<4x2684354xf32, #tpu.memory_space<hbm>> -> memref<1x2048xf32, #tpu.memory_space<hbm>>
          %dma_start3A_240 = tpu.memref_squeeze %dma_start3A_239 : memref<1x2048xf32, #tpu.memory_space<hbm>> -> memref<2048xf32, #tpu.memory_space<hbm>>
          tpu.enqueue_dma source(%dma_start3A_240 : memref<2048xf32, #tpu.memory_space<hbm>>) target(%arg26 : memref<2048xf32, #tpu.memory_space<vmem>>) target_semaphore(%arg32 : memref<!tpu.dma_semaphore, #tpu.memory_space<semaphore_mem>>)
          %dma_start3A_241 = arith.constant 3 : i32
          %dma_start3A_242 = tpu.memref_slice %arg5[%dma_start3A_241, %add3A_217] : memref<4x2684354xf32, #tpu.memory_space<hbm>> -> memref<1x2048xf32, #tpu.memory_space<hbm>>
          %dma_start3A_243 = tpu.memref_squeeze %dma_start3A_242 : memref<1x2048xf32, #tpu.memory_space<hbm>> -> memref<2048xf32, #tpu.memory_space<hbm>>
          %dma_start3A_244 = tpu.memref_slice %arg5[%dma_start3A_241, %add3A_217] : memref<4x2684354xf32, #tpu.memory_space<hbm>> -> memref<1x2048xf32, #tpu.memory_space<hbm>>
          %dma_start3A_245 = tpu.memref_squeeze %dma_start3A_244 : memref<1x2048xf32, #tpu.memory_space<hbm>> -> memref<2048xf32, #tpu.memory_space<hbm>>
          tpu.enqueue_dma source(%dma_start3A_245 : memref<2048xf32, #tpu.memory_space<hbm>>) target(%arg29 : memref<2048xf32, #tpu.memory_space<vmem>>) target_semaphore(%arg32 : memref<!tpu.dma_semaphore, #tpu.memory_space<semaphore_mem>>)
        } else {
        }
        %ge3A_223 = arith.constant 1310 : i32
        %ge3A_224 = arith.cmpi sge, %add3A_212, %ge3A_223 : i32
        %convert_element_type3A_225 = arith.extui %ge3A_224 : i1 to i32
        %cond3A_226 = arith.constant 0 : i32
        %cond3A_227 = arith.cmpi ne, %convert_element_type3A_225, %cond3A_226 : i32
        scf.if %cond3A_227 {
          %sub3A = arith.constant 1310 : i32
          %sub3A_228 = arith.subi %add3A_212, %sub3A : i32
          %mul3A_229 = arith.constant 2048 : i32
          %mul3A_230 = arith.muli %sub3A_228, %mul3A_229 : i32
          %dma_start3A = tpu.memref_slice %arg6[%mul3A_230] : memref<4096xi32, #tpu.memory_space<hbm>> -> memref<2048xi32, #tpu.memory_space<hbm>>
          %dma_start3A_231 = tpu.memref_slice %arg6[%mul3A_230] : memref<4096xi32, #tpu.memory_space<hbm>> -> memref<2048xi32, #tpu.memory_space<hbm>>
          tpu.enqueue_dma source(%dma_start3A_231 : memref<2048xi32, #tpu.memory_space<hbm>>) target(%arg17 : memref<2048xi32, #tpu.memory_space<vmem>>) target_semaphore(%arg32 : memref<!tpu.dma_semaphore, #tpu.memory_space<semaphore_mem>>)
          %dma_start3A_232 = tpu.memref_slice %arg7[%mul3A_230] : memref<4096xi32, #tpu.memory_space<hbm>> -> memref<2048xi32, #tpu.memory_space<hbm>>
          %dma_start3A_233 = tpu.memref_slice %arg7[%mul3A_230] : memref<4096xi32, #tpu.memory_space<hbm>> -> memref<2048xi32, #tpu.memory_space<hbm>>
          tpu.enqueue_dma source(%dma_start3A_233 : memref<2048xi32, #tpu.memory_space<hbm>>) target(%arg20 : memref<2048xi32, #tpu.memory_space<vmem>>) target_semaphore(%arg32 : memref<!tpu.dma_semaphore, #tpu.memory_space<semaphore_mem>>)
          %dma_start3A_234 = tpu.memref_slice %arg8[%mul3A_230] : memref<4096xf32, #tpu.memory_space<hbm>> -> memref<2048xf32, #tpu.memory_space<hbm>>
          %dma_start3A_235 = tpu.memref_slice %arg8[%mul3A_230] : memref<4096xf32, #tpu.memory_space<hbm>> -> memref<2048xf32, #tpu.memory_space<hbm>>
          tpu.enqueue_dma source(%dma_start3A_235 : memref<2048xf32, #tpu.memory_space<hbm>>) target(%arg23 : memref<2048xf32, #tpu.memory_space<vmem>>) target_semaphore(%arg32 : memref<!tpu.dma_semaphore, #tpu.memory_space<semaphore_mem>>)
          %dma_start3A_236 = tpu.memref_slice %arg9[%mul3A_230] : memref<4096xf32, #tpu.memory_space<hbm>> -> memref<2048xf32, #tpu.memory_space<hbm>>
          %dma_start3A_237 = tpu.memref_slice %arg9[%mul3A_230] : memref<4096xf32, #tpu.memory_space<hbm>> -> memref<2048xf32, #tpu.memory_space<hbm>>
          tpu.enqueue_dma source(%dma_start3A_237 : memref<2048xf32, #tpu.memory_space<hbm>>) target(%arg26 : memref<2048xf32, #tpu.memory_space<vmem>>) target_semaphore(%arg32 : memref<!tpu.dma_semaphore, #tpu.memory_space<semaphore_mem>>)
          %dma_start3A_238 = tpu.memref_slice %arg10[%mul3A_230] : memref<4096xf32, #tpu.memory_space<hbm>> -> memref<2048xf32, #tpu.memory_space<hbm>>
          %dma_start3A_239 = tpu.memref_slice %arg10[%mul3A_230] : memref<4096xf32, #tpu.memory_space<hbm>> -> memref<2048xf32, #tpu.memory_space<hbm>>
          tpu.enqueue_dma source(%dma_start3A_239 : memref<2048xf32, #tpu.memory_space<hbm>>) target(%arg29 : memref<2048xf32, #tpu.memory_space<vmem>>) target_semaphore(%arg32 : memref<!tpu.dma_semaphore, #tpu.memory_space<semaphore_mem>>)
        } else {
        }
      } else {
      }
      %parallel_loop3A_207 = arith.constant 0 : i32
      %parallel_loop3A_208 = arith.constant 2048 : i32
      %parallel_loop3A_209 = arith.constant 16 : i32
      scf.for %parallel_loop3A_210 = %parallel_loop3A_207 to %parallel_loop3A_208 step %parallel_loop3A_209  : i32 {
        %parallel_loop3A_211 = tpu.assume_multiple %parallel_loop3A_210, 16 : i32
        %parallel_loop3A_212 = arith.index_cast %parallel_loop3A_211 : i32 to index
        %parallel_loop3A_213 = tpu.vector_load %arg18[%parallel_loop3A_212] {strides = array<i32>} : memref<2048xi32, #tpu.memory_space<vmem>>, vector<16xi32>,
        %parallel_loop3A_214 = arith.index_cast %parallel_loop3A_211 : i32 to index
        %parallel_loop3A_215 = tpu.vector_load %arg21[%parallel_loop3A_214] {strides = array<i32>} : memref<2048xi32, #tpu.memory_space<vmem>>, vector<16xi32>,
        %parallel_loop3A_216 = vector.shape_cast %min3A_8 : vector<16xi32> to vector<16x1xi32>
        %parallel_loop3A_217 = vector.shape_cast %parallel_loop3A_216 : vector<16x1xi32> to vector<16xi32>
        %parallel_loop3A_218 = tpu.dynamic_gather %parallel_loop3A_213[%parallel_loop3A_217] in [0] : vector<16xi32>, vector<16xi32> -> vector<16xi32>
        %parallel_loop3A_219 = arith.cmpi ne, %parallel_loop3A_213, %parallel_loop3A_218 : vector<16xi32>
        %parallel_loop3A_220 = arith.ori %eq3A_10, %parallel_loop3A_219 : vector<16xi1>
        %parallel_loop3A_221 = arith.constant dense<true> : vector<16xi1>
        %parallel_loop3A_222 = arith.xori %eq3A_10, %parallel_loop3A_221 : vector<16xi1>
        %parallel_loop3A_223 = arith.andi %parallel_loop3A_220, %parallel_loop3A_222 : vector<16xi1>
        %parallel_loop3A_224 = tpu.vector_load_idx %arg12[%parallel_loop3A_215] : memref<16384xf32, #tpu.memory_space<vmem>>[vector<16xi32>], vector<16xf32>,
        %parallel_loop3A_225 = arith.index_cast %parallel_loop3A_211 : i32 to index
        %parallel_loop3A_226 = tpu.vector_load %arg24[%parallel_loop3A_225] {strides = array<i32>} : memref<2048xf32, #tpu.memory_space<vmem>>, vector<16xf32>,
        %parallel_loop3A_227 = arith.mulf %parallel_loop3A_226, %parallel_loop3A_224 : vector<16xf32>
        %parallel_loop3A_228 = arith.constant true
        %parallel_loop3A_229 = vector.broadcast %parallel_loop3A_228 : i1 to vector<16xi1>
        %parallel_loop3A_230 = tpu.scan <sum>, %parallel_loop3A_227 masked %parallel_loop3A_229 : vector<16xf32>, vector<16xi1> -> vector<16xf32>
        tpu.vector_store_idx %arg13[%parallel_loop3A_213], %parallel_loop3A_230 masked %parallel_loop3A_220 {add = true} : memref<16384xf32, #tpu.memory_space<vmem>>[vector<16xi32>], vector<16xf32>, vector<16xi1>
        %parallel_loop3A_231 = arith.constant 0.000000e+00 : f32
        %parallel_loop3A_232 = vector.broadcast %parallel_loop3A_231 : f32 to vector<16xf32>
        %parallel_loop3A_233 = arith.subf %parallel_loop3A_232, %parallel_loop3A_230 : vector<16xf32>
        tpu.vector_store_idx %arg13[%parallel_loop3A_218], %parallel_loop3A_233 masked %parallel_loop3A_223 {add = true} : memref<16384xf32, #tpu.memory_space<vmem>>[vector<16xi32>], vector<16xf32>, vector<16xi1>
        %parallel_loop3A_234 = arith.index_cast %parallel_loop3A_211 : i32 to index
        %parallel_loop3A_235 = tpu.vector_load %arg27[%parallel_loop3A_234] {strides = array<i32>} : memref<2048xf32, #tpu.memory_space<vmem>>, vector<16xf32>,
        %parallel_loop3A_236 = arith.mulf %parallel_loop3A_235, %parallel_loop3A_224 : vector<16xf32>
        %parallel_loop3A_237 = arith.constant true
        %parallel_loop3A_238 = vector.broadcast %parallel_loop3A_237 : i1 to vector<16xi1>
        %parallel_loop3A_239 = tpu.scan <sum>, %parallel_loop3A_236 masked %parallel_loop3A_238 : vector<16xf32>, vector<16xi1> -> vector<16xf32>
        tpu.vector_store_idx %arg14[%parallel_loop3A_213], %parallel_loop3A_239 masked %parallel_loop3A_220 {add = true} : memref<16384xf32, #tpu.memory_space<vmem>>[vector<16xi32>], vector<16xf32>, vector<16xi1>
        %parallel_loop3A_240 = arith.constant 0.000000e+00 : f32
        %parallel_loop3A_241 = vector.broadcast %parallel_loop3A_240 : f32 to vector<16xf32>
        %parallel_loop3A_242 = arith.subf %parallel_loop3A_241, %parallel_loop3A_239 : vector<16xf32>
        tpu.vector_store_idx %arg14[%parallel_loop3A_218], %parallel_loop3A_242 masked %parallel_loop3A_223 {add = true} : memref<16384xf32, #tpu.memory_space<vmem>>[vector<16xi32>], vector<16xf32>, vector<16xi1>
        %parallel_loop3A_243 = arith.index_cast %parallel_loop3A_211 : i32 to index
        %parallel_loop3A_244 = tpu.vector_load %arg30[%parallel_loop3A_243] {strides = array<i32>} : memref<2048xf32, #tpu.memory_space<vmem>>, vector<16xf32>,
        %parallel_loop3A_245 = arith.mulf %parallel_loop3A_244, %parallel_loop3A_224 : vector<16xf32>
        %parallel_loop3A_246 = arith.constant true
        %parallel_loop3A_247 = vector.broadcast %parallel_loop3A_246 : i1 to vector<16xi1>
        %parallel_loop3A_248 = tpu.scan <sum>, %parallel_loop3A_245 masked %parallel_loop3A_247 : vector<16xf32>, vector<16xi1> -> vector<16xf32>
        tpu.vector_store_idx %arg15[%parallel_loop3A_213], %parallel_loop3A_248 masked %parallel_loop3A_220 {add = true} : memref<16384xf32, #tpu.memory_space<vmem>>[vector<16xi32>], vector<16xf32>, vector<16xi1>
        %parallel_loop3A_249 = arith.constant 0.000000e+00 : f32
        %parallel_loop3A_250 = vector.broadcast %parallel_loop3A_249 : f32 to vector<16xf32>
        %parallel_loop3A_251 = arith.subf %parallel_loop3A_250, %parallel_loop3A_248 : vector<16xf32>
        tpu.vector_store_idx %arg15[%parallel_loop3A_218], %parallel_loop3A_251 masked %parallel_loop3A_223 {add = true} : memref<16384xf32, #tpu.memory_space<vmem>>[vector<16xi32>], vector<16xf32>, vector<16xi1>
      } {sc.loop_unroll_factor = 4 : i64, sc.parallel_access}
    }
    %scan3A_47 = arith.constant 13 : i32
    %dma_wait3A = arith.constant 0 : i32
    %dma_wait3A_48 = tpu.memref_slice %arg3[%dma_wait3A] : memref<2684354xi32, #tpu.memory_space<hbm>> -> memref<2048xi32, #tpu.memory_space<hbm>>
    %dma_wait3A_49 = arith.constant 0 : i32
    %dma_wait3A_50 = tpu.memref_slice %arg3[%dma_wait3A_49] : memref<2684354xi32, #tpu.memory_space<hbm>> -> memref<2048xi32, #tpu.memory_space<hbm>>
    tpu.wait_dma2 semaphore(%arg31 : memref<!tpu.dma_semaphore, #tpu.memory_space<semaphore_mem>>) src(%dma_wait3A_50 : memref<2048xi32, #tpu.memory_space<hbm>>) dst(%arg16 : memref<2048xi32, #tpu.memory_space<vmem>>)
    %dma_wait3A_51 = arith.constant 0 : i32
    %dma_wait3A_52 = tpu.memref_slice %arg4[%dma_wait3A_51] : memref<2684354xi32, #tpu.memory_space<hbm>> -> memref<2048xi32, #tpu.memory_space<hbm>>
    %dma_wait3A_53 = arith.constant 0 : i32
    %dma_wait3A_54 = tpu.memref_slice %arg4[%dma_wait3A_53] : memref<2684354xi32, #tpu.memory_space<hbm>> -> memref<2048xi32, #tpu.memory_space<hbm>>
    tpu.wait_dma2 semaphore(%arg31 : memref<!tpu.dma_semaphore, #tpu.memory_space<semaphore_mem>>) src(%dma_wait3A_54 : memref<2048xi32, #tpu.memory_space<hbm>>) dst(%arg19 : memref<2048xi32, #tpu.memory_space<vmem>>)
    %dma_wait3A_55 = arith.constant 0 : i32
    %dma_wait3A_56 = tpu.memref_slice %arg3[%dma_wait3A_55] : memref<2684354xi32, #tpu.memory_space<hbm>> -> memref<2048xi32, #tpu.memory_space<hbm>>
    %dma_wait3A_57 = arith.constant 0 : i32
    %dma_wait3A_58 = tpu.memref_slice %arg3[%dma_wait3A_57] : memref<2684354xi32, #tpu.memory_space<hbm>> -> memref<2048xi32, #tpu.memory_space<hbm>>
    tpu.wait_dma2 semaphore(%arg31 : memref<!tpu.dma_semaphore, #tpu.memory_space<semaphore_mem>>) src(%dma_wait3A_58 : memref<2048xi32, #tpu.memory_space<hbm>>) dst(%arg22 : memref<2048xf32, #tpu.memory_space<vmem>>)
    %dma_wait3A_59 = arith.constant 0 : i32
    %dma_wait3A_60 = tpu.memref_slice %arg3[%dma_wait3A_59] : memref<2684354xi32, #tpu.memory_space<hbm>> -> memref<2048xi32, #tpu.memory_space<hbm>>
    %dma_wait3A_61 = arith.constant 0 : i32
    %dma_wait3A_62 = tpu.memref_slice %arg3[%dma_wait3A_61] : memref<2684354xi32, #tpu.memory_space<hbm>> -> memref<2048xi32, #tpu.memory_space<hbm>>
    tpu.wait_dma2 semaphore(%arg31 : memref<!tpu.dma_semaphore, #tpu.memory_space<semaphore_mem>>) src(%dma_wait3A_62 : memref<2048xi32, #tpu.memory_space<hbm>>) dst(%arg25 : memref<2048xf32, #tpu.memory_space<vmem>>)
    %dma_wait3A_63 = arith.constant 0 : i32
    %dma_wait3A_64 = tpu.memref_slice %arg3[%dma_wait3A_63] : memref<2684354xi32, #tpu.memory_space<hbm>> -> memref<2048xi32, #tpu.memory_space<hbm>>
    %dma_wait3A_65 = arith.constant 0 : i32
    %dma_wait3A_66 = tpu.memref_slice %arg3[%dma_wait3A_65] : memref<2684354xi32, #tpu.memory_space<hbm>> -> memref<2048xi32, #tpu.memory_space<hbm>>
    tpu.wait_dma2 semaphore(%arg31 : memref<!tpu.dma_semaphore, #tpu.memory_space<semaphore_mem>>) src(%dma_wait3A_66 : memref<2048xi32, #tpu.memory_space<hbm>>) dst(%arg28 : memref<2048xf32, #tpu.memory_space<vmem>>)
    %parallel_loop3A_67 = arith.constant 0 : i32
    %parallel_loop3A_68 = arith.constant 2048 : i32
    %parallel_loop3A_69 = arith.constant 16 : i32
    scf.for %parallel_loop3A_111 = %parallel_loop3A_67 to %parallel_loop3A_68 step %parallel_loop3A_69  : i32 {
      %parallel_loop3A_112 = tpu.assume_multiple %parallel_loop3A_111, 16 : i32
      %parallel_loop3A_113 = arith.index_cast %parallel_loop3A_112 : i32 to index
      %parallel_loop3A_114 = tpu.vector_load %arg16[%parallel_loop3A_113] {strides = array<i32>} : memref<2048xi32, #tpu.memory_space<vmem>>, vector<16xi32>,
      %parallel_loop3A_115 = arith.index_cast %parallel_loop3A_112 : i32 to index
      %parallel_loop3A_116 = tpu.vector_load %arg19[%parallel_loop3A_115] {strides = array<i32>} : memref<2048xi32, #tpu.memory_space<vmem>>, vector<16xi32>,
      %parallel_loop3A_117 = vector.shape_cast %min3A_8 : vector<16xi32> to vector<16x1xi32>
      %parallel_loop3A_118 = vector.shape_cast %parallel_loop3A_117 : vector<16x1xi32> to vector<16xi32>
      %parallel_loop3A_119 = tpu.dynamic_gather %parallel_loop3A_114[%parallel_loop3A_118] in [0] : vector<16xi32>, vector<16xi32> -> vector<16xi32>
      %parallel_loop3A_120 = arith.cmpi ne, %parallel_loop3A_114, %parallel_loop3A_119 : vector<16xi32>
      %parallel_loop3A_121 = arith.ori %eq3A_10, %parallel_loop3A_120 : vector<16xi1>
      %parallel_loop3A_122 = arith.constant dense<true> : vector<16xi1>
      %parallel_loop3A_123 = arith.xori %eq3A_10, %parallel_loop3A_122 : vector<16xi1>
      %parallel_loop3A_124 = arith.andi %parallel_loop3A_121, %parallel_loop3A_123 : vector<16xi1>
      %parallel_loop3A_125 = tpu.vector_load_idx %arg12[%parallel_loop3A_116] : memref<16384xf32, #tpu.memory_space<vmem>>[vector<16xi32>], vector<16xf32>,
      %parallel_loop3A_126 = arith.index_cast %parallel_loop3A_112 : i32 to index
      %parallel_loop3A_127 = tpu.vector_load %arg22[%parallel_loop3A_126] {strides = array<i32>} : memref<2048xf32, #tpu.memory_space<vmem>>, vector<16xf32>,
      %parallel_loop3A_128 = arith.mulf %parallel_loop3A_127, %parallel_loop3A_125 : vector<16xf32>
      %parallel_loop3A_129 = arith.constant true
      %parallel_loop3A_130 = vector.broadcast %parallel_loop3A_129 : i1 to vector<16xi1>
      %parallel_loop3A_131 = tpu.scan <sum>, %parallel_loop3A_128 masked %parallel_loop3A_130 : vector<16xf32>, vector<16xi1> -> vector<16xf32>
      tpu.vector_store_idx %arg13[%parallel_loop3A_114], %parallel_loop3A_131 masked %parallel_loop3A_121 {add = true} : memref<16384xf32, #tpu.memory_space<vmem>>[vector<16xi32>], vector<16xf32>, vector<16xi1>
      %parallel_loop3A_132 = arith.constant 0.000000e+00 : f32
      %parallel_loop3A_133 = vector.broadcast %parallel_loop3A_132 : f32 to vector<16xf32>
      %parallel_loop3A_134 = arith.subf %parallel_loop3A_133, %parallel_loop3A_131 : vector<16xf32>
      tpu.vector_store_idx %arg13[%parallel_loop3A_119], %parallel_loop3A_134 masked %parallel_loop3A_124 {add = true} : memref<16384xf32, #tpu.memory_space<vmem>>[vector<16xi32>], vector<16xf32>, vector<16xi1>
      %parallel_loop3A_135 = arith.index_cast %parallel_loop3A_112 : i32 to index
      %parallel_loop3A_136 = tpu.vector_load %arg25[%parallel_loop3A_135] {strides = array<i32>} : memref<2048xf32, #tpu.memory_space<vmem>>, vector<16xf32>,
      %parallel_loop3A_137 = arith.mulf %parallel_loop3A_136, %parallel_loop3A_125 : vector<16xf32>
      %parallel_loop3A_138 = arith.constant true
      %parallel_loop3A_139 = vector.broadcast %parallel_loop3A_138 : i1 to vector<16xi1>
      %parallel_loop3A_140 = tpu.scan <sum>, %parallel_loop3A_137 masked %parallel_loop3A_139 : vector<16xf32>, vector<16xi1> -> vector<16xf32>
      tpu.vector_store_idx %arg14[%parallel_loop3A_114], %parallel_loop3A_140 masked %parallel_loop3A_121 {add = true} : memref<16384xf32, #tpu.memory_space<vmem>>[vector<16xi32>], vector<16xf32>, vector<16xi1>
      %parallel_loop3A_141 = arith.constant 0.000000e+00 : f32
      %parallel_loop3A_142 = vector.broadcast %parallel_loop3A_141 : f32 to vector<16xf32>
      %parallel_loop3A_143 = arith.subf %parallel_loop3A_142, %parallel_loop3A_140 : vector<16xf32>
      tpu.vector_store_idx %arg14[%parallel_loop3A_119], %parallel_loop3A_143 masked %parallel_loop3A_124 {add = true} : memref<16384xf32, #tpu.memory_space<vmem>>[vector<16xi32>], vector<16xf32>, vector<16xi1>
      %parallel_loop3A_144 = arith.index_cast %parallel_loop3A_112 : i32 to index
      %parallel_loop3A_145 = tpu.vector_load %arg28[%parallel_loop3A_144] {strides = array<i32>} : memref<2048xf32, #tpu.memory_space<vmem>>, vector<16xf32>,
      %parallel_loop3A_146 = arith.mulf %parallel_loop3A_145, %parallel_loop3A_125 : vector<16xf32>
      %parallel_loop3A_147 = arith.constant true
      %parallel_loop3A_148 = vector.broadcast %parallel_loop3A_147 : i1 to vector<16xi1>
      %parallel_loop3A_149 = tpu.scan <sum>, %parallel_loop3A_146 masked %parallel_loop3A_148 : vector<16xf32>, vector<16xi1> -> vector<16xf32>
      tpu.vector_store_idx %arg15[%parallel_loop3A_114], %parallel_loop3A_149 masked %parallel_loop3A_121 {add = true} : memref<16384xf32, #tpu.memory_space<vmem>>[vector<16xi32>], vector<16xf32>, vector<16xi1>
      %parallel_loop3A_150 = arith.constant 0.000000e+00 : f32
      %parallel_loop3A_151 = vector.broadcast %parallel_loop3A_150 : f32 to vector<16xf32>
      %parallel_loop3A_152 = arith.subf %parallel_loop3A_151, %parallel_loop3A_149 : vector<16xf32>
      tpu.vector_store_idx %arg15[%parallel_loop3A_119], %parallel_loop3A_152 masked %parallel_loop3A_124 {add = true} : memref<16384xf32, #tpu.memory_space<vmem>>[vector<16xi32>], vector<16xf32>, vector<16xi1>
    } {sc.loop_unroll_factor = 4 : i64, sc.parallel_access}
    %dma_wait3A_70 = arith.constant 0 : i32
    %dma_wait3A_71 = tpu.memref_slice %arg3[%dma_wait3A_70] : memref<2684354xi32, #tpu.memory_space<hbm>> -> memref<2048xi32, #tpu.memory_space<hbm>>
    %dma_wait3A_72 = arith.constant 0 : i32
    %dma_wait3A_73 = tpu.memref_slice %arg3[%dma_wait3A_72] : memref<2684354xi32, #tpu.memory_space<hbm>> -> memref<2048xi32, #tpu.memory_space<hbm>>
    tpu.wait_dma2 semaphore(%arg32 : memref<!tpu.dma_semaphore, #tpu.memory_space<semaphore_mem>>) src(%dma_wait3A_73 : memref<2048xi32, #tpu.memory_space<hbm>>) dst(%arg17 : memref<2048xi32, #tpu.memory_space<vmem>>)
    %dma_wait3A_74 = arith.constant 0 : i32
    %dma_wait3A_75 = tpu.memref_slice %arg4[%dma_wait3A_74] : memref<2684354xi32, #tpu.memory_space<hbm>> -> memref<2048xi32, #tpu.memory_space<hbm>>
    %dma_wait3A_76 = arith.constant 0 : i32
    %dma_wait3A_77 = tpu.memref_slice %arg4[%dma_wait3A_76] : memref<2684354xi32, #tpu.memory_space<hbm>> -> memref<2048xi32, #tpu.memory_space<hbm>>
    tpu.wait_dma2 semaphore(%arg32 : memref<!tpu.dma_semaphore, #tpu.memory_space<semaphore_mem>>) src(%dma_wait3A_77 : memref<2048xi32, #tpu.memory_space<hbm>>) dst(%arg20 : memref<2048xi32, #tpu.memory_space<vmem>>)
    %dma_wait3A_78 = arith.constant 0 : i32
    %dma_wait3A_79 = tpu.memref_slice %arg3[%dma_wait3A_78] : memref<2684354xi32, #tpu.memory_space<hbm>> -> memref<2048xi32, #tpu.memory_space<hbm>>
    %dma_wait3A_80 = arith.constant 0 : i32
    %dma_wait3A_81 = tpu.memref_slice %arg3[%dma_wait3A_80] : memref<2684354xi32, #tpu.memory_space<hbm>> -> memref<2048xi32, #tpu.memory_space<hbm>>
    tpu.wait_dma2 semaphore(%arg32 : memref<!tpu.dma_semaphore, #tpu.memory_space<semaphore_mem>>) src(%dma_wait3A_81 : memref<2048xi32, #tpu.memory_space<hbm>>) dst(%arg23 : memref<2048xf32, #tpu.memory_space<vmem>>)
    %dma_wait3A_82 = arith.constant 0 : i32
    %dma_wait3A_83 = tpu.memref_slice %arg3[%dma_wait3A_82] : memref<2684354xi32, #tpu.memory_space<hbm>> -> memref<2048xi32, #tpu.memory_space<hbm>>
    %dma_wait3A_84 = arith.constant 0 : i32
    %dma_wait3A_85 = tpu.memref_slice %arg3[%dma_wait3A_84] : memref<2684354xi32, #tpu.memory_space<hbm>> -> memref<2048xi32, #tpu.memory_space<hbm>>
    tpu.wait_dma2 semaphore(%arg32 : memref<!tpu.dma_semaphore, #tpu.memory_space<semaphore_mem>>) src(%dma_wait3A_85 : memref<2048xi32, #tpu.memory_space<hbm>>) dst(%arg26 : memref<2048xf32, #tpu.memory_space<vmem>>)
    %dma_wait3A_86 = arith.constant 0 : i32
    %dma_wait3A_87 = tpu.memref_slice %arg3[%dma_wait3A_86] : memref<2684354xi32, #tpu.memory_space<hbm>> -> memref<2048xi32, #tpu.memory_space<hbm>>
    %dma_wait3A_88 = arith.constant 0 : i32
    %dma_wait3A_89 = tpu.memref_slice %arg3[%dma_wait3A_88] : memref<2684354xi32, #tpu.memory_space<hbm>> -> memref<2048xi32, #tpu.memory_space<hbm>>
    tpu.wait_dma2 semaphore(%arg32 : memref<!tpu.dma_semaphore, #tpu.memory_space<semaphore_mem>>) src(%dma_wait3A_89 : memref<2048xi32, #tpu.memory_space<hbm>>) dst(%arg29 : memref<2048xf32, #tpu.memory_space<vmem>>)
    %parallel_loop3A_90 = arith.constant 0 : i32
    %parallel_loop3A_91 = arith.constant 2048 : i32
    %parallel_loop3A_92 = arith.constant 16 : i32
    scf.for %parallel_loop3A_111 = %parallel_loop3A_90 to %parallel_loop3A_91 step %parallel_loop3A_92  : i32 {
      %parallel_loop3A_112 = tpu.assume_multiple %parallel_loop3A_111, 16 : i32
      %parallel_loop3A_113 = arith.index_cast %parallel_loop3A_112 : i32 to index
      %parallel_loop3A_114 = tpu.vector_load %arg17[%parallel_loop3A_113] {strides = array<i32>} : memref<2048xi32, #tpu.memory_space<vmem>>, vector<16xi32>,
      %parallel_loop3A_115 = arith.index_cast %parallel_loop3A_112 : i32 to index
      %parallel_loop3A_116 = tpu.vector_load %arg20[%parallel_loop3A_115] {strides = array<i32>} : memref<2048xi32, #tpu.memory_space<vmem>>, vector<16xi32>,
      %parallel_loop3A_117 = vector.shape_cast %min3A_8 : vector<16xi32> to vector<16x1xi32>
      %parallel_loop3A_118 = vector.shape_cast %parallel_loop3A_117 : vector<16x1xi32> to vector<16xi32>
      %parallel_loop3A_119 = tpu.dynamic_gather %parallel_loop3A_114[%parallel_loop3A_118] in [0] : vector<16xi32>, vector<16xi32> -> vector<16xi32>
      %parallel_loop3A_120 = arith.cmpi ne, %parallel_loop3A_114, %parallel_loop3A_119 : vector<16xi32>
      %parallel_loop3A_121 = arith.ori %eq3A_10, %parallel_loop3A_120 : vector<16xi1>
      %parallel_loop3A_122 = arith.constant dense<true> : vector<16xi1>
      %parallel_loop3A_123 = arith.xori %eq3A_10, %parallel_loop3A_122 : vector<16xi1>
      %parallel_loop3A_124 = arith.andi %parallel_loop3A_121, %parallel_loop3A_123 : vector<16xi1>
      %parallel_loop3A_125 = tpu.vector_load_idx %arg12[%parallel_loop3A_116] : memref<16384xf32, #tpu.memory_space<vmem>>[vector<16xi32>], vector<16xf32>,
      %parallel_loop3A_126 = arith.index_cast %parallel_loop3A_112 : i32 to index
      %parallel_loop3A_127 = tpu.vector_load %arg23[%parallel_loop3A_126] {strides = array<i32>} : memref<2048xf32, #tpu.memory_space<vmem>>, vector<16xf32>,
      %parallel_loop3A_128 = arith.mulf %parallel_loop3A_127, %parallel_loop3A_125 : vector<16xf32>
      %parallel_loop3A_129 = arith.constant true
      %parallel_loop3A_130 = vector.broadcast %parallel_loop3A_129 : i1 to vector<16xi1>
      %parallel_loop3A_131 = tpu.scan <sum>, %parallel_loop3A_128 masked %parallel_loop3A_130 : vector<16xf32>, vector<16xi1> -> vector<16xf32>
      tpu.vector_store_idx %arg13[%parallel_loop3A_114], %parallel_loop3A_131 masked %parallel_loop3A_121 {add = true} : memref<16384xf32, #tpu.memory_space<vmem>>[vector<16xi32>], vector<16xf32>, vector<16xi1>
      %parallel_loop3A_132 = arith.constant 0.000000e+00 : f32
      %parallel_loop3A_133 = vector.broadcast %parallel_loop3A_132 : f32 to vector<16xf32>
      %parallel_loop3A_134 = arith.subf %parallel_loop3A_133, %parallel_loop3A_131 : vector<16xf32>
      tpu.vector_store_idx %arg13[%parallel_loop3A_119], %parallel_loop3A_134 masked %parallel_loop3A_124 {add = true} : memref<16384xf32, #tpu.memory_space<vmem>>[vector<16xi32>], vector<16xf32>, vector<16xi1>
      %parallel_loop3A_135 = arith.index_cast %parallel_loop3A_112 : i32 to index
      %parallel_loop3A_136 = tpu.vector_load %arg26[%parallel_loop3A_135] {strides = array<i32>} : memref<2048xf32, #tpu.memory_space<vmem>>, vector<16xf32>,
      %parallel_loop3A_137 = arith.mulf %parallel_loop3A_136, %parallel_loop3A_125 : vector<16xf32>
      %parallel_loop3A_138 = arith.constant true
      %parallel_loop3A_139 = vector.broadcast %parallel_loop3A_138 : i1 to vector<16xi1>
      %parallel_loop3A_140 = tpu.scan <sum>, %parallel_loop3A_137 masked %parallel_loop3A_139 : vector<16xf32>, vector<16xi1> -> vector<16xf32>
      tpu.vector_store_idx %arg14[%parallel_loop3A_114], %parallel_loop3A_140 masked %parallel_loop3A_121 {add = true} : memref<16384xf32, #tpu.memory_space<vmem>>[vector<16xi32>], vector<16xf32>, vector<16xi1>
      %parallel_loop3A_141 = arith.constant 0.000000e+00 : f32
      %parallel_loop3A_142 = vector.broadcast %parallel_loop3A_141 : f32 to vector<16xf32>
      %parallel_loop3A_143 = arith.subf %parallel_loop3A_142, %parallel_loop3A_140 : vector<16xf32>
      tpu.vector_store_idx %arg14[%parallel_loop3A_119], %parallel_loop3A_143 masked %parallel_loop3A_124 {add = true} : memref<16384xf32, #tpu.memory_space<vmem>>[vector<16xi32>], vector<16xf32>, vector<16xi1>
      %parallel_loop3A_144 = arith.index_cast %parallel_loop3A_112 : i32 to index
      %parallel_loop3A_145 = tpu.vector_load %arg29[%parallel_loop3A_144] {strides = array<i32>} : memref<2048xf32, #tpu.memory_space<vmem>>, vector<16xf32>,
      %parallel_loop3A_146 = arith.mulf %parallel_loop3A_145, %parallel_loop3A_125 : vector<16xf32>
      %parallel_loop3A_147 = arith.constant true
      %parallel_loop3A_148 = vector.broadcast %parallel_loop3A_147 : i1 to vector<16xi1>
      %parallel_loop3A_149 = tpu.scan <sum>, %parallel_loop3A_146 masked %parallel_loop3A_148 : vector<16xf32>, vector<16xi1> -> vector<16xf32>
      tpu.vector_store_idx %arg15[%parallel_loop3A_114], %parallel_loop3A_149 masked %parallel_loop3A_121 {add = true} : memref<16384xf32, #tpu.memory_space<vmem>>[vector<16xi32>], vector<16xf32>, vector<16xi1>
      %parallel_loop3A_150 = arith.constant 0.000000e+00 : f32
      %parallel_loop3A_151 = vector.broadcast %parallel_loop3A_150 : f32 to vector<16xf32>
      %parallel_loop3A_152 = arith.subf %parallel_loop3A_151, %parallel_loop3A_149 : vector<16xf32>
      tpu.vector_store_idx %arg15[%parallel_loop3A_119], %parallel_loop3A_152 masked %parallel_loop3A_124 {add = true} : memref<16384xf32, #tpu.memory_space<vmem>>[vector<16xi32>], vector<16xf32>, vector<16xi1>
    } {sc.loop_unroll_factor = 4 : i64, sc.parallel_access}
    %mul3A_93 = arith.constant 3 : i32
    %mul3A_94 = arith.muli %add3A, %mul3A_93 : i32
    %add3A_95 = arith.constant 0 : i32
    %add3A_96 = arith.addi %mul3A_94, %add3A_95 : i32
    %mul3A_97 = arith.constant 16384 : i32
    %mul3A_98 = arith.muli %add3A_96, %mul3A_97 : i32
    "tpu.region"() ({
      %run_scoped3A = tpu.sem_alloc : memref<!tpu.dma_semaphore, #tpu.memory_space<semaphore_mem>>
      %dma_start3A = tpu.memref_slice %arg11[%mul3A_98] : memref<1572864xf32, #tpu.memory_space<hbm>> -> memref<16384xf32, #tpu.memory_space<hbm>>
      %dma_start3A_111 = tpu.memref_slice %arg11[%mul3A_98] : memref<1572864xf32, #tpu.memory_space<hbm>> -> memref<16384xf32, #tpu.memory_space<hbm>>
      tpu.enqueue_dma source(%arg13 : memref<16384xf32, #tpu.memory_space<vmem>>) target(%dma_start3A_111 : memref<16384xf32, #tpu.memory_space<hbm>>) target_semaphore(%run_scoped3A : memref<!tpu.dma_semaphore, #tpu.memory_space<semaphore_mem>>)
      %dma_wait3A_112 = tpu.memref_slice %arg11[%mul3A_98] : memref<1572864xf32, #tpu.memory_space<hbm>> -> memref<16384xf32, #tpu.memory_space<hbm>>
      %dma_wait3A_113 = tpu.memref_slice %arg11[%mul3A_98] : memref<1572864xf32, #tpu.memory_space<hbm>> -> memref<16384xf32, #tpu.memory_space<hbm>>
      tpu.wait_dma2 semaphore(%run_scoped3A : memref<!tpu.dma_semaphore, #tpu.memory_space<semaphore_mem>>) src(%arg13 : memref<16384xf32, #tpu.memory_space<vmem>>) dst(%dma_wait3A_113 : memref<16384xf32, #tpu.memory_space<hbm>>)
      tpu.yield
    }) : () -> ()
    %mul3A_99 = arith.constant 3 : i32
    %mul3A_100 = arith.muli %add3A, %mul3A_99 : i32
    %add3A_101 = arith.constant 1 : i32
    %add3A_102 = arith.addi %mul3A_100, %add3A_101 : i32
    %mul3A_103 = arith.constant 16384 : i32
    %mul3A_104 = arith.muli %add3A_102, %mul3A_103 : i32
    "tpu.region"() ({
      %run_scoped3A = tpu.sem_alloc : memref<!tpu.dma_semaphore, #tpu.memory_space<semaphore_mem>>
      %dma_start3A = tpu.memref_slice %arg11[%mul3A_104] : memref<1572864xf32, #tpu.memory_space<hbm>> -> memref<16384xf32, #tpu.memory_space<hbm>>
      %dma_start3A_111 = tpu.memref_slice %arg11[%mul3A_104] : memref<1572864xf32, #tpu.memory_space<hbm>> -> memref<16384xf32, #tpu.memory_space<hbm>>
      tpu.enqueue_dma source(%arg14 : memref<16384xf32, #tpu.memory_space<vmem>>) target(%dma_start3A_111 : memref<16384xf32, #tpu.memory_space<hbm>>) target_semaphore(%run_scoped3A : memref<!tpu.dma_semaphore, #tpu.memory_space<semaphore_mem>>)
      %dma_wait3A_112 = tpu.memref_slice %arg11[%mul3A_104] : memref<1572864xf32, #tpu.memory_space<hbm>> -> memref<16384xf32, #tpu.memory_space<hbm>>
      %dma_wait3A_113 = tpu.memref_slice %arg11[%mul3A_104] : memref<1572864xf32, #tpu.memory_space<hbm>> -> memref<16384xf32, #tpu.memory_space<hbm>>
      tpu.wait_dma2 semaphore(%run_scoped3A : memref<!tpu.dma_semaphore, #tpu.memory_space<semaphore_mem>>) src(%arg14 : memref<16384xf32, #tpu.memory_space<vmem>>) dst(%dma_wait3A_113 : memref<16384xf32, #tpu.memory_space<hbm>>)
      tpu.yield
    }) : () -> ()
    %mul3A_105 = arith.constant 3 : i32
    %mul3A_106 = arith.muli %add3A, %mul3A_105 : i32
    %add3A_107 = arith.constant 2 : i32
    %add3A_108 = arith.addi %mul3A_106, %add3A_107 : i32
    %mul3A_109 = arith.constant 16384 : i32
    %mul3A_110 = arith.muli %add3A_108, %mul3A_109 : i32
    "tpu.region"() ({
      %run_scoped3A = tpu.sem_alloc : memref<!tpu.dma_semaphore, #tpu.memory_space<semaphore_mem>>
      %dma_start3A = tpu.memref_slice %arg11[%mul3A_110] : memref<1572864xf32, #tpu.memory_space<hbm>> -> memref<16384xf32, #tpu.memory_space<hbm>>
      %dma_start3A_111 = tpu.memref_slice %arg11[%mul3A_110] : memref<1572864xf32, #tpu.memory_space<hbm>> -> memref<16384xf32, #tpu.memory_space<hbm>>
      tpu.enqueue_dma source(%arg15 : memref<16384xf32, #tpu.memory_space<vmem>>) target(%dma_start3A_111 : memref<16384xf32, #tpu.memory_space<hbm>>) target_semaphore(%run_scoped3A : memref<!tpu.dma_semaphore, #tpu.memory_space<semaphore_mem>>)
      %dma_wait3A_112 = tpu.memref_slice %arg11[%mul3A_110] : memref<1572864xf32, #tpu.memory_space<hbm>> -> memref<16384xf32, #tpu.memory_space<hbm>>
      %dma_wait3A_113 = tpu.memref_slice %arg11[%mul3A_110] : memref<1572864xf32, #tpu.memory_space<hbm>> -> memref<16384xf32, #tpu.memory_space<hbm>>
      tpu.wait_dma2 semaphore(%run_scoped3A : memref<!tpu.dma_semaphore, #tpu.memory_space<semaphore_mem>>) src(%arg15 : memref<16384xf32, #tpu.memory_space<vmem>>) dst(%dma_wait3A_113 : memref<16384xf32, #tpu.memory_space<hbm>>)
      tpu.yield
    }) : () -> ()
    return
  }
}

module attributes {stable_mosaic.version = 14 : i64} {
  func.func @body(%arg0: memref<1572864xf32, #tpu.memory_space<vmem>>, %arg1: memref<3x16384xf32, #tpu.memory_space<vmem>>) attributes {dimension_semantics = [], scalar_prefetch = 0 : i64, scratch_operands = 0 : i64, tpu.core_type = #tpu.core_type<tc>} {
    %broadcast_in_dim3A = arith.constant 0.000000e+00 : f32
    %broadcast_in_dim3A_0 = vector.broadcast %broadcast_in_dim3A : f32 to vector<16384xf32>
    %get3A = arith.constant 0 : index
    %get3A_1 = vector.load %arg0[%get3A] : memref<1572864xf32, #tpu.memory_space<vmem>>, vector<16384xf32>
    %add3A = arith.addf %broadcast_in_dim3A_0, %get3A_1 : vector<16384xf32>
    %get3A_2 = arith.constant 49152 : index
    %get3A_3 = vector.load %arg0[%get3A_2] : memref<1572864xf32, #tpu.memory_space<vmem>>, vector<16384xf32>
    %add3A_4 = arith.addf %add3A, %get3A_3 : vector<16384xf32>
    %get3A_5 = arith.constant 98304 : index
    %get3A_6 = vector.load %arg0[%get3A_5] : memref<1572864xf32, #tpu.memory_space<vmem>>, vector<16384xf32>
    %add3A_7 = arith.addf %add3A_4, %get3A_6 : vector<16384xf32>
    %get3A_8 = arith.constant 147456 : index
    %get3A_9 = vector.load %arg0[%get3A_8] : memref<1572864xf32, #tpu.memory_space<vmem>>, vector<16384xf32>
    %add3A_10 = arith.addf %add3A_7, %get3A_9 : vector<16384xf32>
    %get3A_11 = arith.constant 196608 : index
    %get3A_12 = vector.load %arg0[%get3A_11] : memref<1572864xf32, #tpu.memory_space<vmem>>, vector<16384xf32>
    %add3A_13 = arith.addf %add3A_10, %get3A_12 : vector<16384xf32>
    %get3A_14 = arith.constant 245760 : index
    %get3A_15 = vector.load %arg0[%get3A_14] : memref<1572864xf32, #tpu.memory_space<vmem>>, vector<16384xf32>
    %add3A_16 = arith.addf %add3A_13, %get3A_15 : vector<16384xf32>
    %get3A_17 = arith.constant 294912 : index
    %get3A_18 = vector.load %arg0[%get3A_17] : memref<1572864xf32, #tpu.memory_space<vmem>>, vector<16384xf32>
    %add3A_19 = arith.addf %add3A_16, %get3A_18 : vector<16384xf32>
    %get3A_20 = arith.constant 344064 : index
    %get3A_21 = vector.load %arg0[%get3A_20] : memref<1572864xf32, #tpu.memory_space<vmem>>, vector<16384xf32>
    %add3A_22 = arith.addf %add3A_19, %get3A_21 : vector<16384xf32>
    %get3A_23 = arith.constant 393216 : index
    %get3A_24 = vector.load %arg0[%get3A_23] : memref<1572864xf32, #tpu.memory_space<vmem>>, vector<16384xf32>
    %add3A_25 = arith.addf %add3A_22, %get3A_24 : vector<16384xf32>
    %get3A_26 = arith.constant 442368 : index
    %get3A_27 = vector.load %arg0[%get3A_26] : memref<1572864xf32, #tpu.memory_space<vmem>>, vector<16384xf32>
    %add3A_28 = arith.addf %add3A_25, %get3A_27 : vector<16384xf32>
    %get3A_29 = arith.constant 491520 : index
    %get3A_30 = vector.load %arg0[%get3A_29] : memref<1572864xf32, #tpu.memory_space<vmem>>, vector<16384xf32>
    %add3A_31 = arith.addf %add3A_28, %get3A_30 : vector<16384xf32>
    %get3A_32 = arith.constant 540672 : index
    %get3A_33 = vector.load %arg0[%get3A_32] : memref<1572864xf32, #tpu.memory_space<vmem>>, vector<16384xf32>
    %add3A_34 = arith.addf %add3A_31, %get3A_33 : vector<16384xf32>
    %get3A_35 = arith.constant 589824 : index
    %get3A_36 = vector.load %arg0[%get3A_35] : memref<1572864xf32, #tpu.memory_space<vmem>>, vector<16384xf32>
    %add3A_37 = arith.addf %add3A_34, %get3A_36 : vector<16384xf32>
    %get3A_38 = arith.constant 638976 : index
    %get3A_39 = vector.load %arg0[%get3A_38] : memref<1572864xf32, #tpu.memory_space<vmem>>, vector<16384xf32>
    %add3A_40 = arith.addf %add3A_37, %get3A_39 : vector<16384xf32>
    %get3A_41 = arith.constant 688128 : index
    %get3A_42 = vector.load %arg0[%get3A_41] : memref<1572864xf32, #tpu.memory_space<vmem>>, vector<16384xf32>
    %add3A_43 = arith.addf %add3A_40, %get3A_42 : vector<16384xf32>
    %get3A_44 = arith.constant 737280 : index
    %get3A_45 = vector.load %arg0[%get3A_44] : memref<1572864xf32, #tpu.memory_space<vmem>>, vector<16384xf32>
    %add3A_46 = arith.addf %add3A_43, %get3A_45 : vector<16384xf32>
    %get3A_47 = arith.constant 786432 : index
    %get3A_48 = vector.load %arg0[%get3A_47] : memref<1572864xf32, #tpu.memory_space<vmem>>, vector<16384xf32>
    %add3A_49 = arith.addf %add3A_46, %get3A_48 : vector<16384xf32>
    %get3A_50 = arith.constant 835584 : index
    %get3A_51 = vector.load %arg0[%get3A_50] : memref<1572864xf32, #tpu.memory_space<vmem>>, vector<16384xf32>
    %add3A_52 = arith.addf %add3A_49, %get3A_51 : vector<16384xf32>
    %get3A_53 = arith.constant 884736 : index
    %get3A_54 = vector.load %arg0[%get3A_53] : memref<1572864xf32, #tpu.memory_space<vmem>>, vector<16384xf32>
    %add3A_55 = arith.addf %add3A_52, %get3A_54 : vector<16384xf32>
    %get3A_56 = arith.constant 933888 : index
    %get3A_57 = vector.load %arg0[%get3A_56] : memref<1572864xf32, #tpu.memory_space<vmem>>, vector<16384xf32>
    %add3A_58 = arith.addf %add3A_55, %get3A_57 : vector<16384xf32>
    %get3A_59 = arith.constant 983040 : index
    %get3A_60 = vector.load %arg0[%get3A_59] : memref<1572864xf32, #tpu.memory_space<vmem>>, vector<16384xf32>
    %add3A_61 = arith.addf %add3A_58, %get3A_60 : vector<16384xf32>
    %get3A_62 = arith.constant 1032192 : index
    %get3A_63 = vector.load %arg0[%get3A_62] : memref<1572864xf32, #tpu.memory_space<vmem>>, vector<16384xf32>
    %add3A_64 = arith.addf %add3A_61, %get3A_63 : vector<16384xf32>
    %get3A_65 = arith.constant 1081344 : index
    %get3A_66 = vector.load %arg0[%get3A_65] : memref<1572864xf32, #tpu.memory_space<vmem>>, vector<16384xf32>
    %add3A_67 = arith.addf %add3A_64, %get3A_66 : vector<16384xf32>
    %get3A_68 = arith.constant 1130496 : index
    %get3A_69 = vector.load %arg0[%get3A_68] : memref<1572864xf32, #tpu.memory_space<vmem>>, vector<16384xf32>
    %add3A_70 = arith.addf %add3A_67, %get3A_69 : vector<16384xf32>
    %get3A_71 = arith.constant 1179648 : index
    %get3A_72 = vector.load %arg0[%get3A_71] : memref<1572864xf32, #tpu.memory_space<vmem>>, vector<16384xf32>
    %add3A_73 = arith.addf %add3A_70, %get3A_72 : vector<16384xf32>
    %get3A_74 = arith.constant 1228800 : index
    %get3A_75 = vector.load %arg0[%get3A_74] : memref<1572864xf32, #tpu.memory_space<vmem>>, vector<16384xf32>
    %add3A_76 = arith.addf %add3A_73, %get3A_75 : vector<16384xf32>
    %get3A_77 = arith.constant 1277952 : index
    %get3A_78 = vector.load %arg0[%get3A_77] : memref<1572864xf32, #tpu.memory_space<vmem>>, vector<16384xf32>
    %add3A_79 = arith.addf %add3A_76, %get3A_78 : vector<16384xf32>
    %get3A_80 = arith.constant 1327104 : index
    %get3A_81 = vector.load %arg0[%get3A_80] : memref<1572864xf32, #tpu.memory_space<vmem>>, vector<16384xf32>
    %add3A_82 = arith.addf %add3A_79, %get3A_81 : vector<16384xf32>
    %get3A_83 = arith.constant 1376256 : index
    %get3A_84 = vector.load %arg0[%get3A_83] : memref<1572864xf32, #tpu.memory_space<vmem>>, vector<16384xf32>
    %add3A_85 = arith.addf %add3A_82, %get3A_84 : vector<16384xf32>
    %get3A_86 = arith.constant 1425408 : index
    %get3A_87 = vector.load %arg0[%get3A_86] : memref<1572864xf32, #tpu.memory_space<vmem>>, vector<16384xf32>
    %add3A_88 = arith.addf %add3A_85, %get3A_87 : vector<16384xf32>
    %get3A_89 = arith.constant 1474560 : index
    %get3A_90 = vector.load %arg0[%get3A_89] : memref<1572864xf32, #tpu.memory_space<vmem>>, vector<16384xf32>
    %add3A_91 = arith.addf %add3A_88, %get3A_90 : vector<16384xf32>
    %get3A_92 = arith.constant 1523712 : index
    %get3A_93 = vector.load %arg0[%get3A_92] : memref<1572864xf32, #tpu.memory_space<vmem>>, vector<16384xf32>
    %add3A_94 = arith.addf %add3A_91, %get3A_93 : vector<16384xf32>
    %mul3A = arith.constant 1.000000e+00 : f32
    %mul3A_95 = vector.broadcast %mul3A : f32 to vector<16384xf32>
    %mul3A_96 = arith.mulf %add3A_94, %mul3A_95 : vector<16384xf32>
    %swap3A = arith.constant 0 : index
    %swap3A_97 = arith.constant 0 : index
    %swap3A_98 = vector.load %arg1[%swap3A, %swap3A_97] : memref<3x16384xf32, #tpu.memory_space<vmem>>, vector<1x16384xf32>
    %swap3A_99 = vector.shape_cast %swap3A_98 : vector<1x16384xf32> to vector<16384xf32>
    %swap3A_100 = vector.shape_cast %mul3A_96 : vector<16384xf32> to vector<1x16384xf32>
    tpu.vector_store %arg1[%swap3A, %swap3A_97], %swap3A_100 {strides = array<i32>} : memref<3x16384xf32, #tpu.memory_space<vmem>>, vector<1x16384xf32>,
    %broadcast_in_dim3A_101 = arith.constant 0.000000e+00 : f32
    %broadcast_in_dim3A_102 = vector.broadcast %broadcast_in_dim3A_101 : f32 to vector<16384xf32>
    %get3A_103 = arith.constant 16384 : index
    %get3A_104 = vector.load %arg0[%get3A_103] : memref<1572864xf32, #tpu.memory_space<vmem>>, vector<16384xf32>
    %add3A_105 = arith.addf %broadcast_in_dim3A_102, %get3A_104 : vector<16384xf32>
    %get3A_106 = arith.constant 65536 : index
    %get3A_107 = vector.load %arg0[%get3A_106] : memref<1572864xf32, #tpu.memory_space<vmem>>, vector<16384xf32>
    %add3A_108 = arith.addf %add3A_105, %get3A_107 : vector<16384xf32>
    %get3A_109 = arith.constant 114688 : index
    %get3A_110 = vector.load %arg0[%get3A_109] : memref<1572864xf32, #tpu.memory_space<vmem>>, vector<16384xf32>
    %add3A_111 = arith.addf %add3A_108, %get3A_110 : vector<16384xf32>
    %get3A_112 = arith.constant 163840 : index
    %get3A_113 = vector.load %arg0[%get3A_112] : memref<1572864xf32, #tpu.memory_space<vmem>>, vector<16384xf32>
    %add3A_114 = arith.addf %add3A_111, %get3A_113 : vector<16384xf32>
    %get3A_115 = arith.constant 212992 : index
    %get3A_116 = vector.load %arg0[%get3A_115] : memref<1572864xf32, #tpu.memory_space<vmem>>, vector<16384xf32>
    %add3A_117 = arith.addf %add3A_114, %get3A_116 : vector<16384xf32>
    %get3A_118 = arith.constant 262144 : index
    %get3A_119 = vector.load %arg0[%get3A_118] : memref<1572864xf32, #tpu.memory_space<vmem>>, vector<16384xf32>
    %add3A_120 = arith.addf %add3A_117, %get3A_119 : vector<16384xf32>
    %get3A_121 = arith.constant 311296 : index
    %get3A_122 = vector.load %arg0[%get3A_121] : memref<1572864xf32, #tpu.memory_space<vmem>>, vector<16384xf32>
    %add3A_123 = arith.addf %add3A_120, %get3A_122 : vector<16384xf32>
    %get3A_124 = arith.constant 360448 : index
    %get3A_125 = vector.load %arg0[%get3A_124] : memref<1572864xf32, #tpu.memory_space<vmem>>, vector<16384xf32>
    %add3A_126 = arith.addf %add3A_123, %get3A_125 : vector<16384xf32>
    %get3A_127 = arith.constant 409600 : index
    %get3A_128 = vector.load %arg0[%get3A_127] : memref<1572864xf32, #tpu.memory_space<vmem>>, vector<16384xf32>
    %add3A_129 = arith.addf %add3A_126, %get3A_128 : vector<16384xf32>
    %get3A_130 = arith.constant 458752 : index
    %get3A_131 = vector.load %arg0[%get3A_130] : memref<1572864xf32, #tpu.memory_space<vmem>>, vector<16384xf32>
    %add3A_132 = arith.addf %add3A_129, %get3A_131 : vector<16384xf32>
    %get3A_133 = arith.constant 507904 : index
    %get3A_134 = vector.load %arg0[%get3A_133] : memref<1572864xf32, #tpu.memory_space<vmem>>, vector<16384xf32>
    %add3A_135 = arith.addf %add3A_132, %get3A_134 : vector<16384xf32>
    %get3A_136 = arith.constant 557056 : index
    %get3A_137 = vector.load %arg0[%get3A_136] : memref<1572864xf32, #tpu.memory_space<vmem>>, vector<16384xf32>
    %add3A_138 = arith.addf %add3A_135, %get3A_137 : vector<16384xf32>
    %get3A_139 = arith.constant 606208 : index
    %get3A_140 = vector.load %arg0[%get3A_139] : memref<1572864xf32, #tpu.memory_space<vmem>>, vector<16384xf32>
    %add3A_141 = arith.addf %add3A_138, %get3A_140 : vector<16384xf32>
    %get3A_142 = arith.constant 655360 : index
    %get3A_143 = vector.load %arg0[%get3A_142] : memref<1572864xf32, #tpu.memory_space<vmem>>, vector<16384xf32>
    %add3A_144 = arith.addf %add3A_141, %get3A_143 : vector<16384xf32>
    %get3A_145 = arith.constant 704512 : index
    %get3A_146 = vector.load %arg0[%get3A_145] : memref<1572864xf32, #tpu.memory_space<vmem>>, vector<16384xf32>
    %add3A_147 = arith.addf %add3A_144, %get3A_146 : vector<16384xf32>
    %get3A_148 = arith.constant 753664 : index
    %get3A_149 = vector.load %arg0[%get3A_148] : memref<1572864xf32, #tpu.memory_space<vmem>>, vector<16384xf32>
    %add3A_150 = arith.addf %add3A_147, %get3A_149 : vector<16384xf32>
    %get3A_151 = arith.constant 802816 : index
    %get3A_152 = vector.load %arg0[%get3A_151] : memref<1572864xf32, #tpu.memory_space<vmem>>, vector<16384xf32>
    %add3A_153 = arith.addf %add3A_150, %get3A_152 : vector<16384xf32>
    %get3A_154 = arith.constant 851968 : index
    %get3A_155 = vector.load %arg0[%get3A_154] : memref<1572864xf32, #tpu.memory_space<vmem>>, vector<16384xf32>
    %add3A_156 = arith.addf %add3A_153, %get3A_155 : vector<16384xf32>
    %get3A_157 = arith.constant 901120 : index
    %get3A_158 = vector.load %arg0[%get3A_157] : memref<1572864xf32, #tpu.memory_space<vmem>>, vector<16384xf32>
    %add3A_159 = arith.addf %add3A_156, %get3A_158 : vector<16384xf32>
    %get3A_160 = arith.constant 950272 : index
    %get3A_161 = vector.load %arg0[%get3A_160] : memref<1572864xf32, #tpu.memory_space<vmem>>, vector<16384xf32>
    %add3A_162 = arith.addf %add3A_159, %get3A_161 : vector<16384xf32>
    %get3A_163 = arith.constant 999424 : index
    %get3A_164 = vector.load %arg0[%get3A_163] : memref<1572864xf32, #tpu.memory_space<vmem>>, vector<16384xf32>
    %add3A_165 = arith.addf %add3A_162, %get3A_164 : vector<16384xf32>
    %get3A_166 = arith.constant 1048576 : index
    %get3A_167 = vector.load %arg0[%get3A_166] : memref<1572864xf32, #tpu.memory_space<vmem>>, vector<16384xf32>
    %add3A_168 = arith.addf %add3A_165, %get3A_167 : vector<16384xf32>
    %get3A_169 = arith.constant 1097728 : index
    %get3A_170 = vector.load %arg0[%get3A_169] : memref<1572864xf32, #tpu.memory_space<vmem>>, vector<16384xf32>
    %add3A_171 = arith.addf %add3A_168, %get3A_170 : vector<16384xf32>
    %get3A_172 = arith.constant 1146880 : index
    %get3A_173 = vector.load %arg0[%get3A_172] : memref<1572864xf32, #tpu.memory_space<vmem>>, vector<16384xf32>
    %add3A_174 = arith.addf %add3A_171, %get3A_173 : vector<16384xf32>
    %get3A_175 = arith.constant 1196032 : index
    %get3A_176 = vector.load %arg0[%get3A_175] : memref<1572864xf32, #tpu.memory_space<vmem>>, vector<16384xf32>
    %add3A_177 = arith.addf %add3A_174, %get3A_176 : vector<16384xf32>
    %get3A_178 = arith.constant 1245184 : index
    %get3A_179 = vector.load %arg0[%get3A_178] : memref<1572864xf32, #tpu.memory_space<vmem>>, vector<16384xf32>
    %add3A_180 = arith.addf %add3A_177, %get3A_179 : vector<16384xf32>
    %get3A_181 = arith.constant 1294336 : index
    %get3A_182 = vector.load %arg0[%get3A_181] : memref<1572864xf32, #tpu.memory_space<vmem>>, vector<16384xf32>
    %add3A_183 = arith.addf %add3A_180, %get3A_182 : vector<16384xf32>
    %get3A_184 = arith.constant 1343488 : index
    %get3A_185 = vector.load %arg0[%get3A_184] : memref<1572864xf32, #tpu.memory_space<vmem>>, vector<16384xf32>
    %add3A_186 = arith.addf %add3A_183, %get3A_185 : vector<16384xf32>
    %get3A_187 = arith.constant 1392640 : index
    %get3A_188 = vector.load %arg0[%get3A_187] : memref<1572864xf32, #tpu.memory_space<vmem>>, vector<16384xf32>
    %add3A_189 = arith.addf %add3A_186, %get3A_188 : vector<16384xf32>
    %get3A_190 = arith.constant 1441792 : index
    %get3A_191 = vector.load %arg0[%get3A_190] : memref<1572864xf32, #tpu.memory_space<vmem>>, vector<16384xf32>
    %add3A_192 = arith.addf %add3A_189, %get3A_191 : vector<16384xf32>
    %get3A_193 = arith.constant 1490944 : index
    %get3A_194 = vector.load %arg0[%get3A_193] : memref<1572864xf32, #tpu.memory_space<vmem>>, vector<16384xf32>
    %add3A_195 = arith.addf %add3A_192, %get3A_194 : vector<16384xf32>
    %get3A_196 = arith.constant 1540096 : index
    %get3A_197 = vector.load %arg0[%get3A_196] : memref<1572864xf32, #tpu.memory_space<vmem>>, vector<16384xf32>
    %add3A_198 = arith.addf %add3A_195, %get3A_197 : vector<16384xf32>
    %mul3A_199 = arith.constant 1.000000e+00 : f32
    %mul3A_200 = vector.broadcast %mul3A_199 : f32 to vector<16384xf32>
    %mul3A_201 = arith.mulf %add3A_198, %mul3A_200 : vector<16384xf32>
    %swap3A_202 = arith.constant 1 : index
    %swap3A_203 = arith.constant 0 : index
    %swap3A_204 = vector.load %arg1[%swap3A_202, %swap3A_203] : memref<3x16384xf32, #tpu.memory_space<vmem>>, vector<1x16384xf32>
    %swap3A_205 = vector.shape_cast %swap3A_204 : vector<1x16384xf32> to vector<16384xf32>
    %swap3A_206 = vector.shape_cast %mul3A_201 : vector<16384xf32> to vector<1x16384xf32>
    tpu.vector_store %arg1[%swap3A_202, %swap3A_203], %swap3A_206 {strides = array<i32>} : memref<3x16384xf32, #tpu.memory_space<vmem>>, vector<1x16384xf32>,
    %broadcast_in_dim3A_207 = arith.constant 0.000000e+00 : f32
    %broadcast_in_dim3A_208 = vector.broadcast %broadcast_in_dim3A_207 : f32 to vector<16384xf32>
    %get3A_209 = arith.constant 32768 : index
    %get3A_210 = vector.load %arg0[%get3A_209] : memref<1572864xf32, #tpu.memory_space<vmem>>, vector<16384xf32>
    %add3A_211 = arith.addf %broadcast_in_dim3A_208, %get3A_210 : vector<16384xf32>
    %get3A_212 = arith.constant 81920 : index
    %get3A_213 = vector.load %arg0[%get3A_212] : memref<1572864xf32, #tpu.memory_space<vmem>>, vector<16384xf32>
    %add3A_214 = arith.addf %add3A_211, %get3A_213 : vector<16384xf32>
    %get3A_215 = arith.constant 131072 : index
    %get3A_216 = vector.load %arg0[%get3A_215] : memref<1572864xf32, #tpu.memory_space<vmem>>, vector<16384xf32>
    %add3A_217 = arith.addf %add3A_214, %get3A_216 : vector<16384xf32>
    %get3A_218 = arith.constant 180224 : index
    %get3A_219 = vector.load %arg0[%get3A_218] : memref<1572864xf32, #tpu.memory_space<vmem>>, vector<16384xf32>
    %add3A_220 = arith.addf %add3A_217, %get3A_219 : vector<16384xf32>
    %get3A_221 = arith.constant 229376 : index
    %get3A_222 = vector.load %arg0[%get3A_221] : memref<1572864xf32, #tpu.memory_space<vmem>>, vector<16384xf32>
    %add3A_223 = arith.addf %add3A_220, %get3A_222 : vector<16384xf32>
    %get3A_224 = arith.constant 278528 : index
    %get3A_225 = vector.load %arg0[%get3A_224] : memref<1572864xf32, #tpu.memory_space<vmem>>, vector<16384xf32>
    %add3A_226 = arith.addf %add3A_223, %get3A_225 : vector<16384xf32>
    %get3A_227 = arith.constant 327680 : index
    %get3A_228 = vector.load %arg0[%get3A_227] : memref<1572864xf32, #tpu.memory_space<vmem>>, vector<16384xf32>
    %add3A_229 = arith.addf %add3A_226, %get3A_228 : vector<16384xf32>
    %get3A_230 = arith.constant 376832 : index
    %get3A_231 = vector.load %arg0[%get3A_230] : memref<1572864xf32, #tpu.memory_space<vmem>>, vector<16384xf32>
    %add3A_232 = arith.addf %add3A_229, %get3A_231 : vector<16384xf32>
    %get3A_233 = arith.constant 425984 : index
    %get3A_234 = vector.load %arg0[%get3A_233] : memref<1572864xf32, #tpu.memory_space<vmem>>, vector<16384xf32>
    %add3A_235 = arith.addf %add3A_232, %get3A_234 : vector<16384xf32>
    %get3A_236 = arith.constant 475136 : index
    %get3A_237 = vector.load %arg0[%get3A_236] : memref<1572864xf32, #tpu.memory_space<vmem>>, vector<16384xf32>
    %add3A_238 = arith.addf %add3A_235, %get3A_237 : vector<16384xf32>
    %get3A_239 = arith.constant 524288 : index
    %get3A_240 = vector.load %arg0[%get3A_239] : memref<1572864xf32, #tpu.memory_space<vmem>>, vector<16384xf32>
    %add3A_241 = arith.addf %add3A_238, %get3A_240 : vector<16384xf32>
    %get3A_242 = arith.constant 573440 : index
    %get3A_243 = vector.load %arg0[%get3A_242] : memref<1572864xf32, #tpu.memory_space<vmem>>, vector<16384xf32>
    %add3A_244 = arith.addf %add3A_241, %get3A_243 : vector<16384xf32>
    %get3A_245 = arith.constant 622592 : index
    %get3A_246 = vector.load %arg0[%get3A_245] : memref<1572864xf32, #tpu.memory_space<vmem>>, vector<16384xf32>
    %add3A_247 = arith.addf %add3A_244, %get3A_246 : vector<16384xf32>
    %get3A_248 = arith.constant 671744 : index
    %get3A_249 = vector.load %arg0[%get3A_248] : memref<1572864xf32, #tpu.memory_space<vmem>>, vector<16384xf32>
    %add3A_250 = arith.addf %add3A_247, %get3A_249 : vector<16384xf32>
    %get3A_251 = arith.constant 720896 : index
    %get3A_252 = vector.load %arg0[%get3A_251] : memref<1572864xf32, #tpu.memory_space<vmem>>, vector<16384xf32>
    %add3A_253 = arith.addf %add3A_250, %get3A_252 : vector<16384xf32>
    %get3A_254 = arith.constant 770048 : index
    %get3A_255 = vector.load %arg0[%get3A_254] : memref<1572864xf32, #tpu.memory_space<vmem>>, vector<16384xf32>
    %add3A_256 = arith.addf %add3A_253, %get3A_255 : vector<16384xf32>
    %get3A_257 = arith.constant 819200 : index
    %get3A_258 = vector.load %arg0[%get3A_257] : memref<1572864xf32, #tpu.memory_space<vmem>>, vector<16384xf32>
    %add3A_259 = arith.addf %add3A_256, %get3A_258 : vector<16384xf32>
    %get3A_260 = arith.constant 868352 : index
    %get3A_261 = vector.load %arg0[%get3A_260] : memref<1572864xf32, #tpu.memory_space<vmem>>, vector<16384xf32>
    %add3A_262 = arith.addf %add3A_259, %get3A_261 : vector<16384xf32>
    %get3A_263 = arith.constant 917504 : index
    %get3A_264 = vector.load %arg0[%get3A_263] : memref<1572864xf32, #tpu.memory_space<vmem>>, vector<16384xf32>
    %add3A_265 = arith.addf %add3A_262, %get3A_264 : vector<16384xf32>
    %get3A_266 = arith.constant 966656 : index
    %get3A_267 = vector.load %arg0[%get3A_266] : memref<1572864xf32, #tpu.memory_space<vmem>>, vector<16384xf32>
    %add3A_268 = arith.addf %add3A_265, %get3A_267 : vector<16384xf32>
    %get3A_269 = arith.constant 1015808 : index
    %get3A_270 = vector.load %arg0[%get3A_269] : memref<1572864xf32, #tpu.memory_space<vmem>>, vector<16384xf32>
    %add3A_271 = arith.addf %add3A_268, %get3A_270 : vector<16384xf32>
    %get3A_272 = arith.constant 1064960 : index
    %get3A_273 = vector.load %arg0[%get3A_272] : memref<1572864xf32, #tpu.memory_space<vmem>>, vector<16384xf32>
    %add3A_274 = arith.addf %add3A_271, %get3A_273 : vector<16384xf32>
    %get3A_275 = arith.constant 1114112 : index
    %get3A_276 = vector.load %arg0[%get3A_275] : memref<1572864xf32, #tpu.memory_space<vmem>>, vector<16384xf32>
    %add3A_277 = arith.addf %add3A_274, %get3A_276 : vector<16384xf32>
    %get3A_278 = arith.constant 1163264 : index
    %get3A_279 = vector.load %arg0[%get3A_278] : memref<1572864xf32, #tpu.memory_space<vmem>>, vector<16384xf32>
    %add3A_280 = arith.addf %add3A_277, %get3A_279 : vector<16384xf32>
    %get3A_281 = arith.constant 1212416 : index
    %get3A_282 = vector.load %arg0[%get3A_281] : memref<1572864xf32, #tpu.memory_space<vmem>>, vector<16384xf32>
    %add3A_283 = arith.addf %add3A_280, %get3A_282 : vector<16384xf32>
    %get3A_284 = arith.constant 1261568 : index
    %get3A_285 = vector.load %arg0[%get3A_284] : memref<1572864xf32, #tpu.memory_space<vmem>>, vector<16384xf32>
    %add3A_286 = arith.addf %add3A_283, %get3A_285 : vector<16384xf32>
    %get3A_287 = arith.constant 1310720 : index
    %get3A_288 = vector.load %arg0[%get3A_287] : memref<1572864xf32, #tpu.memory_space<vmem>>, vector<16384xf32>
    %add3A_289 = arith.addf %add3A_286, %get3A_288 : vector<16384xf32>
    %get3A_290 = arith.constant 1359872 : index
    %get3A_291 = vector.load %arg0[%get3A_290] : memref<1572864xf32, #tpu.memory_space<vmem>>, vector<16384xf32>
    %add3A_292 = arith.addf %add3A_289, %get3A_291 : vector<16384xf32>
    %get3A_293 = arith.constant 1409024 : index
    %get3A_294 = vector.load %arg0[%get3A_293] : memref<1572864xf32, #tpu.memory_space<vmem>>, vector<16384xf32>
    %add3A_295 = arith.addf %add3A_292, %get3A_294 : vector<16384xf32>
    %get3A_296 = arith.constant 1458176 : index
    %get3A_297 = vector.load %arg0[%get3A_296] : memref<1572864xf32, #tpu.memory_space<vmem>>, vector<16384xf32>
    %add3A_298 = arith.addf %add3A_295, %get3A_297 : vector<16384xf32>
    %get3A_299 = arith.constant 1507328 : index
    %get3A_300 = vector.load %arg0[%get3A_299] : memref<1572864xf32, #tpu.memory_space<vmem>>, vector<16384xf32>
    %add3A_301 = arith.addf %add3A_298, %get3A_300 : vector<16384xf32>
    %get3A_302 = arith.constant 1556480 : index
    %get3A_303 = vector.load %arg0[%get3A_302] : memref<1572864xf32, #tpu.memory_space<vmem>>, vector<16384xf32>
    %add3A_304 = arith.addf %add3A_301, %get3A_303 : vector<16384xf32>
    %mul3A_305 = arith.constant 1.000000e+00 : f32
    %mul3A_306 = vector.broadcast %mul3A_305 : f32 to vector<16384xf32>
    %mul3A_307 = arith.mulf %add3A_304, %mul3A_306 : vector<16384xf32>
    %swap3A_308 = arith.constant 2 : index
    %swap3A_309 = arith.constant 0 : index
    %swap3A_310 = vector.load %arg1[%swap3A_308, %swap3A_309] : memref<3x16384xf32, #tpu.memory_space<vmem>>, vector<1x16384xf32>
    %swap3A_311 = vector.shape_cast %swap3A_310 : vector<1x16384xf32> to vector<16384xf32>
    %swap3A_312 = vector.shape_cast %mul3A_307 : vector<16384xf32> to vector<1x16384xf32>
    tpu.vector_store %arg1[%swap3A_308, %swap3A_309], %swap3A_312 {strides = array<i32>} : memref<3x16384xf32, #tpu.memory_space<vmem>>, vector<1x16384xf32>,
    return
  }
}

module attributes {stable_mosaic.version = 14 : i64} {
  func.func @body(%arg0: memref<1572864xf32, #tpu.memory_space<vmem>>, %arg1: memref<3x16384xf32, #tpu.memory_space<vmem>>) attributes {dimension_semantics = [], scalar_prefetch = 0 : i64, scratch_operands = 0 : i64, tpu.core_type = #tpu.core_type<tc>} {
    %broadcast_in_dim3A = arith.constant 0.000000e+00 : f32
    %broadcast_in_dim3A_0 = vector.broadcast %broadcast_in_dim3A : f32 to vector<16384xf32>
    %get3A = arith.constant 0 : index
    %get3A_1 = vector.load %arg0[%get3A] : memref<1572864xf32, #tpu.memory_space<vmem>>, vector<16384xf32>
    %add3A = arith.addf %broadcast_in_dim3A_0, %get3A_1 : vector<16384xf32>
    %get3A_2 = arith.constant 49152 : index
    %get3A_3 = vector.load %arg0[%get3A_2] : memref<1572864xf32, #tpu.memory_space<vmem>>, vector<16384xf32>
    %add3A_4 = arith.addf %add3A, %get3A_3 : vector<16384xf32>
    %get3A_5 = arith.constant 98304 : index
    %get3A_6 = vector.load %arg0[%get3A_5] : memref<1572864xf32, #tpu.memory_space<vmem>>, vector<16384xf32>
    %add3A_7 = arith.addf %add3A_4, %get3A_6 : vector<16384xf32>
    %get3A_8 = arith.constant 147456 : index
    %get3A_9 = vector.load %arg0[%get3A_8] : memref<1572864xf32, #tpu.memory_space<vmem>>, vector<16384xf32>
    %add3A_10 = arith.addf %add3A_7, %get3A_9 : vector<16384xf32>
    %get3A_11 = arith.constant 196608 : index
    %get3A_12 = vector.load %arg0[%get3A_11] : memref<1572864xf32, #tpu.memory_space<vmem>>, vector<16384xf32>
    %add3A_13 = arith.addf %add3A_10, %get3A_12 : vector<16384xf32>
    %get3A_14 = arith.constant 245760 : index
    %get3A_15 = vector.load %arg0[%get3A_14] : memref<1572864xf32, #tpu.memory_space<vmem>>, vector<16384xf32>
    %add3A_16 = arith.addf %add3A_13, %get3A_15 : vector<16384xf32>
    %get3A_17 = arith.constant 294912 : index
    %get3A_18 = vector.load %arg0[%get3A_17] : memref<1572864xf32, #tpu.memory_space<vmem>>, vector<16384xf32>
    %add3A_19 = arith.addf %add3A_16, %get3A_18 : vector<16384xf32>
    %get3A_20 = arith.constant 344064 : index
    %get3A_21 = vector.load %arg0[%get3A_20] : memref<1572864xf32, #tpu.memory_space<vmem>>, vector<16384xf32>
    %add3A_22 = arith.addf %add3A_19, %get3A_21 : vector<16384xf32>
    %get3A_23 = arith.constant 393216 : index
    %get3A_24 = vector.load %arg0[%get3A_23] : memref<1572864xf32, #tpu.memory_space<vmem>>, vector<16384xf32>
    %add3A_25 = arith.addf %add3A_22, %get3A_24 : vector<16384xf32>
    %get3A_26 = arith.constant 442368 : index
    %get3A_27 = vector.load %arg0[%get3A_26] : memref<1572864xf32, #tpu.memory_space<vmem>>, vector<16384xf32>
    %add3A_28 = arith.addf %add3A_25, %get3A_27 : vector<16384xf32>
    %get3A_29 = arith.constant 491520 : index
    %get3A_30 = vector.load %arg0[%get3A_29] : memref<1572864xf32, #tpu.memory_space<vmem>>, vector<16384xf32>
    %add3A_31 = arith.addf %add3A_28, %get3A_30 : vector<16384xf32>
    %get3A_32 = arith.constant 540672 : index
    %get3A_33 = vector.load %arg0[%get3A_32] : memref<1572864xf32, #tpu.memory_space<vmem>>, vector<16384xf32>
    %add3A_34 = arith.addf %add3A_31, %get3A_33 : vector<16384xf32>
    %get3A_35 = arith.constant 589824 : index
    %get3A_36 = vector.load %arg0[%get3A_35] : memref<1572864xf32, #tpu.memory_space<vmem>>, vector<16384xf32>
    %add3A_37 = arith.addf %add3A_34, %get3A_36 : vector<16384xf32>
    %get3A_38 = arith.constant 638976 : index
    %get3A_39 = vector.load %arg0[%get3A_38] : memref<1572864xf32, #tpu.memory_space<vmem>>, vector<16384xf32>
    %add3A_40 = arith.addf %add3A_37, %get3A_39 : vector<16384xf32>
    %get3A_41 = arith.constant 688128 : index
    %get3A_42 = vector.load %arg0[%get3A_41] : memref<1572864xf32, #tpu.memory_space<vmem>>, vector<16384xf32>
    %add3A_43 = arith.addf %add3A_40, %get3A_42 : vector<16384xf32>
    %get3A_44 = arith.constant 737280 : index
    %get3A_45 = vector.load %arg0[%get3A_44] : memref<1572864xf32, #tpu.memory_space<vmem>>, vector<16384xf32>
    %add3A_46 = arith.addf %add3A_43, %get3A_45 : vector<16384xf32>
    %get3A_47 = arith.constant 786432 : index
    %get3A_48 = vector.load %arg0[%get3A_47] : memref<1572864xf32, #tpu.memory_space<vmem>>, vector<16384xf32>
    %add3A_49 = arith.addf %add3A_46, %get3A_48 : vector<16384xf32>
    %get3A_50 = arith.constant 835584 : index
    %get3A_51 = vector.load %arg0[%get3A_50] : memref<1572864xf32, #tpu.memory_space<vmem>>, vector<16384xf32>
    %add3A_52 = arith.addf %add3A_49, %get3A_51 : vector<16384xf32>
    %get3A_53 = arith.constant 884736 : index
    %get3A_54 = vector.load %arg0[%get3A_53] : memref<1572864xf32, #tpu.memory_space<vmem>>, vector<16384xf32>
    %add3A_55 = arith.addf %add3A_52, %get3A_54 : vector<16384xf32>
    %get3A_56 = arith.constant 933888 : index
    %get3A_57 = vector.load %arg0[%get3A_56] : memref<1572864xf32, #tpu.memory_space<vmem>>, vector<16384xf32>
    %add3A_58 = arith.addf %add3A_55, %get3A_57 : vector<16384xf32>
    %get3A_59 = arith.constant 983040 : index
    %get3A_60 = vector.load %arg0[%get3A_59] : memref<1572864xf32, #tpu.memory_space<vmem>>, vector<16384xf32>
    %add3A_61 = arith.addf %add3A_58, %get3A_60 : vector<16384xf32>
    %get3A_62 = arith.constant 1032192 : index
    %get3A_63 = vector.load %arg0[%get3A_62] : memref<1572864xf32, #tpu.memory_space<vmem>>, vector<16384xf32>
    %add3A_64 = arith.addf %add3A_61, %get3A_63 : vector<16384xf32>
    %get3A_65 = arith.constant 1081344 : index
    %get3A_66 = vector.load %arg0[%get3A_65] : memref<1572864xf32, #tpu.memory_space<vmem>>, vector<16384xf32>
    %add3A_67 = arith.addf %add3A_64, %get3A_66 : vector<16384xf32>
    %get3A_68 = arith.constant 1130496 : index
    %get3A_69 = vector.load %arg0[%get3A_68] : memref<1572864xf32, #tpu.memory_space<vmem>>, vector<16384xf32>
    %add3A_70 = arith.addf %add3A_67, %get3A_69 : vector<16384xf32>
    %get3A_71 = arith.constant 1179648 : index
    %get3A_72 = vector.load %arg0[%get3A_71] : memref<1572864xf32, #tpu.memory_space<vmem>>, vector<16384xf32>
    %add3A_73 = arith.addf %add3A_70, %get3A_72 : vector<16384xf32>
    %get3A_74 = arith.constant 1228800 : index
    %get3A_75 = vector.load %arg0[%get3A_74] : memref<1572864xf32, #tpu.memory_space<vmem>>, vector<16384xf32>
    %add3A_76 = arith.addf %add3A_73, %get3A_75 : vector<16384xf32>
    %get3A_77 = arith.constant 1277952 : index
    %get3A_78 = vector.load %arg0[%get3A_77] : memref<1572864xf32, #tpu.memory_space<vmem>>, vector<16384xf32>
    %add3A_79 = arith.addf %add3A_76, %get3A_78 : vector<16384xf32>
    %get3A_80 = arith.constant 1327104 : index
    %get3A_81 = vector.load %arg0[%get3A_80] : memref<1572864xf32, #tpu.memory_space<vmem>>, vector<16384xf32>
    %add3A_82 = arith.addf %add3A_79, %get3A_81 : vector<16384xf32>
    %get3A_83 = arith.constant 1376256 : index
    %get3A_84 = vector.load %arg0[%get3A_83] : memref<1572864xf32, #tpu.memory_space<vmem>>, vector<16384xf32>
    %add3A_85 = arith.addf %add3A_82, %get3A_84 : vector<16384xf32>
    %get3A_86 = arith.constant 1425408 : index
    %get3A_87 = vector.load %arg0[%get3A_86] : memref<1572864xf32, #tpu.memory_space<vmem>>, vector<16384xf32>
    %add3A_88 = arith.addf %add3A_85, %get3A_87 : vector<16384xf32>
    %get3A_89 = arith.constant 1474560 : index
    %get3A_90 = vector.load %arg0[%get3A_89] : memref<1572864xf32, #tpu.memory_space<vmem>>, vector<16384xf32>
    %add3A_91 = arith.addf %add3A_88, %get3A_90 : vector<16384xf32>
    %get3A_92 = arith.constant 1523712 : index
    %get3A_93 = vector.load %arg0[%get3A_92] : memref<1572864xf32, #tpu.memory_space<vmem>>, vector<16384xf32>
    %add3A_94 = arith.addf %add3A_91, %get3A_93 : vector<16384xf32>
    %mul3A = arith.constant 3.81825113 : f32
    %mul3A_95 = vector.broadcast %mul3A : f32 to vector<16384xf32>
    %mul3A_96 = arith.mulf %add3A_94, %mul3A_95 : vector<16384xf32>
    %swap3A = arith.constant 0 : index
    %swap3A_97 = arith.constant 0 : index
    %swap3A_98 = vector.load %arg1[%swap3A, %swap3A_97] : memref<3x16384xf32, #tpu.memory_space<vmem>>, vector<1x16384xf32>
    %swap3A_99 = vector.shape_cast %swap3A_98 : vector<1x16384xf32> to vector<16384xf32>
    %swap3A_100 = vector.shape_cast %mul3A_96 : vector<16384xf32> to vector<1x16384xf32>
    tpu.vector_store %arg1[%swap3A, %swap3A_97], %swap3A_100 {strides = array<i32>} : memref<3x16384xf32, #tpu.memory_space<vmem>>, vector<1x16384xf32>,
    %broadcast_in_dim3A_101 = arith.constant 0.000000e+00 : f32
    %broadcast_in_dim3A_102 = vector.broadcast %broadcast_in_dim3A_101 : f32 to vector<16384xf32>
    %get3A_103 = arith.constant 16384 : index
    %get3A_104 = vector.load %arg0[%get3A_103] : memref<1572864xf32, #tpu.memory_space<vmem>>, vector<16384xf32>
    %add3A_105 = arith.addf %broadcast_in_dim3A_102, %get3A_104 : vector<16384xf32>
    %get3A_106 = arith.constant 65536 : index
    %get3A_107 = vector.load %arg0[%get3A_106] : memref<1572864xf32, #tpu.memory_space<vmem>>, vector<16384xf32>
    %add3A_108 = arith.addf %add3A_105, %get3A_107 : vector<16384xf32>
    %get3A_109 = arith.constant 114688 : index
    %get3A_110 = vector.load %arg0[%get3A_109] : memref<1572864xf32, #tpu.memory_space<vmem>>, vector<16384xf32>
    %add3A_111 = arith.addf %add3A_108, %get3A_110 : vector<16384xf32>
    %get3A_112 = arith.constant 163840 : index
    %get3A_113 = vector.load %arg0[%get3A_112] : memref<1572864xf32, #tpu.memory_space<vmem>>, vector<16384xf32>
    %add3A_114 = arith.addf %add3A_111, %get3A_113 : vector<16384xf32>
    %get3A_115 = arith.constant 212992 : index
    %get3A_116 = vector.load %arg0[%get3A_115] : memref<1572864xf32, #tpu.memory_space<vmem>>, vector<16384xf32>
    %add3A_117 = arith.addf %add3A_114, %get3A_116 : vector<16384xf32>
    %get3A_118 = arith.constant 262144 : index
    %get3A_119 = vector.load %arg0[%get3A_118] : memref<1572864xf32, #tpu.memory_space<vmem>>, vector<16384xf32>
    %add3A_120 = arith.addf %add3A_117, %get3A_119 : vector<16384xf32>
    %get3A_121 = arith.constant 311296 : index
    %get3A_122 = vector.load %arg0[%get3A_121] : memref<1572864xf32, #tpu.memory_space<vmem>>, vector<16384xf32>
    %add3A_123 = arith.addf %add3A_120, %get3A_122 : vector<16384xf32>
    %get3A_124 = arith.constant 360448 : index
    %get3A_125 = vector.load %arg0[%get3A_124] : memref<1572864xf32, #tpu.memory_space<vmem>>, vector<16384xf32>
    %add3A_126 = arith.addf %add3A_123, %get3A_125 : vector<16384xf32>
    %get3A_127 = arith.constant 409600 : index
    %get3A_128 = vector.load %arg0[%get3A_127] : memref<1572864xf32, #tpu.memory_space<vmem>>, vector<16384xf32>
    %add3A_129 = arith.addf %add3A_126, %get3A_128 : vector<16384xf32>
    %get3A_130 = arith.constant 458752 : index
    %get3A_131 = vector.load %arg0[%get3A_130] : memref<1572864xf32, #tpu.memory_space<vmem>>, vector<16384xf32>
    %add3A_132 = arith.addf %add3A_129, %get3A_131 : vector<16384xf32>
    %get3A_133 = arith.constant 507904 : index
    %get3A_134 = vector.load %arg0[%get3A_133] : memref<1572864xf32, #tpu.memory_space<vmem>>, vector<16384xf32>
    %add3A_135 = arith.addf %add3A_132, %get3A_134 : vector<16384xf32>
    %get3A_136 = arith.constant 557056 : index
    %get3A_137 = vector.load %arg0[%get3A_136] : memref<1572864xf32, #tpu.memory_space<vmem>>, vector<16384xf32>
    %add3A_138 = arith.addf %add3A_135, %get3A_137 : vector<16384xf32>
    %get3A_139 = arith.constant 606208 : index
    %get3A_140 = vector.load %arg0[%get3A_139] : memref<1572864xf32, #tpu.memory_space<vmem>>, vector<16384xf32>
    %add3A_141 = arith.addf %add3A_138, %get3A_140 : vector<16384xf32>
    %get3A_142 = arith.constant 655360 : index
    %get3A_143 = vector.load %arg0[%get3A_142] : memref<1572864xf32, #tpu.memory_space<vmem>>, vector<16384xf32>
    %add3A_144 = arith.addf %add3A_141, %get3A_143 : vector<16384xf32>
    %get3A_145 = arith.constant 704512 : index
    %get3A_146 = vector.load %arg0[%get3A_145] : memref<1572864xf32, #tpu.memory_space<vmem>>, vector<16384xf32>
    %add3A_147 = arith.addf %add3A_144, %get3A_146 : vector<16384xf32>
    %get3A_148 = arith.constant 753664 : index
    %get3A_149 = vector.load %arg0[%get3A_148] : memref<1572864xf32, #tpu.memory_space<vmem>>, vector<16384xf32>
    %add3A_150 = arith.addf %add3A_147, %get3A_149 : vector<16384xf32>
    %get3A_151 = arith.constant 802816 : index
    %get3A_152 = vector.load %arg0[%get3A_151] : memref<1572864xf32, #tpu.memory_space<vmem>>, vector<16384xf32>
    %add3A_153 = arith.addf %add3A_150, %get3A_152 : vector<16384xf32>
    %get3A_154 = arith.constant 851968 : index
    %get3A_155 = vector.load %arg0[%get3A_154] : memref<1572864xf32, #tpu.memory_space<vmem>>, vector<16384xf32>
    %add3A_156 = arith.addf %add3A_153, %get3A_155 : vector<16384xf32>
    %get3A_157 = arith.constant 901120 : index
    %get3A_158 = vector.load %arg0[%get3A_157] : memref<1572864xf32, #tpu.memory_space<vmem>>, vector<16384xf32>
    %add3A_159 = arith.addf %add3A_156, %get3A_158 : vector<16384xf32>
    %get3A_160 = arith.constant 950272 : index
    %get3A_161 = vector.load %arg0[%get3A_160] : memref<1572864xf32, #tpu.memory_space<vmem>>, vector<16384xf32>
    %add3A_162 = arith.addf %add3A_159, %get3A_161 : vector<16384xf32>
    %get3A_163 = arith.constant 999424 : index
    %get3A_164 = vector.load %arg0[%get3A_163] : memref<1572864xf32, #tpu.memory_space<vmem>>, vector<16384xf32>
    %add3A_165 = arith.addf %add3A_162, %get3A_164 : vector<16384xf32>
    %get3A_166 = arith.constant 1048576 : index
    %get3A_167 = vector.load %arg0[%get3A_166] : memref<1572864xf32, #tpu.memory_space<vmem>>, vector<16384xf32>
    %add3A_168 = arith.addf %add3A_165, %get3A_167 : vector<16384xf32>
    %get3A_169 = arith.constant 1097728 : index
    %get3A_170 = vector.load %arg0[%get3A_169] : memref<1572864xf32, #tpu.memory_space<vmem>>, vector<16384xf32>
    %add3A_171 = arith.addf %add3A_168, %get3A_170 : vector<16384xf32>
    %get3A_172 = arith.constant 1146880 : index
    %get3A_173 = vector.load %arg0[%get3A_172] : memref<1572864xf32, #tpu.memory_space<vmem>>, vector<16384xf32>
    %add3A_174 = arith.addf %add3A_171, %get3A_173 : vector<16384xf32>
    %get3A_175 = arith.constant 1196032 : index
    %get3A_176 = vector.load %arg0[%get3A_175] : memref<1572864xf32, #tpu.memory_space<vmem>>, vector<16384xf32>
    %add3A_177 = arith.addf %add3A_174, %get3A_176 : vector<16384xf32>
    %get3A_178 = arith.constant 1245184 : index
    %get3A_179 = vector.load %arg0[%get3A_178] : memref<1572864xf32, #tpu.memory_space<vmem>>, vector<16384xf32>
    %add3A_180 = arith.addf %add3A_177, %get3A_179 : vector<16384xf32>
    %get3A_181 = arith.constant 1294336 : index
    %get3A_182 = vector.load %arg0[%get3A_181] : memref<1572864xf32, #tpu.memory_space<vmem>>, vector<16384xf32>
    %add3A_183 = arith.addf %add3A_180, %get3A_182 : vector<16384xf32>
    %get3A_184 = arith.constant 1343488 : index
    %get3A_185 = vector.load %arg0[%get3A_184] : memref<1572864xf32, #tpu.memory_space<vmem>>, vector<16384xf32>
    %add3A_186 = arith.addf %add3A_183, %get3A_185 : vector<16384xf32>
    %get3A_187 = arith.constant 1392640 : index
    %get3A_188 = vector.load %arg0[%get3A_187] : memref<1572864xf32, #tpu.memory_space<vmem>>, vector<16384xf32>
    %add3A_189 = arith.addf %add3A_186, %get3A_188 : vector<16384xf32>
    %get3A_190 = arith.constant 1441792 : index
    %get3A_191 = vector.load %arg0[%get3A_190] : memref<1572864xf32, #tpu.memory_space<vmem>>, vector<16384xf32>
    %add3A_192 = arith.addf %add3A_189, %get3A_191 : vector<16384xf32>
    %get3A_193 = arith.constant 1490944 : index
    %get3A_194 = vector.load %arg0[%get3A_193] : memref<1572864xf32, #tpu.memory_space<vmem>>, vector<16384xf32>
    %add3A_195 = arith.addf %add3A_192, %get3A_194 : vector<16384xf32>
    %get3A_196 = arith.constant 1540096 : index
    %get3A_197 = vector.load %arg0[%get3A_196] : memref<1572864xf32, #tpu.memory_space<vmem>>, vector<16384xf32>
    %add3A_198 = arith.addf %add3A_195, %get3A_197 : vector<16384xf32>
    %mul3A_199 = arith.constant 3.81825113 : f32
    %mul3A_200 = vector.broadcast %mul3A_199 : f32 to vector<16384xf32>
    %mul3A_201 = arith.mulf %add3A_198, %mul3A_200 : vector<16384xf32>
    %swap3A_202 = arith.constant 1 : index
    %swap3A_203 = arith.constant 0 : index
    %swap3A_204 = vector.load %arg1[%swap3A_202, %swap3A_203] : memref<3x16384xf32, #tpu.memory_space<vmem>>, vector<1x16384xf32>
    %swap3A_205 = vector.shape_cast %swap3A_204 : vector<1x16384xf32> to vector<16384xf32>
    %swap3A_206 = vector.shape_cast %mul3A_201 : vector<16384xf32> to vector<1x16384xf32>
    tpu.vector_store %arg1[%swap3A_202, %swap3A_203], %swap3A_206 {strides = array<i32>} : memref<3x16384xf32, #tpu.memory_space<vmem>>, vector<1x16384xf32>,
    %broadcast_in_dim3A_207 = arith.constant 0.000000e+00 : f32
    %broadcast_in_dim3A_208 = vector.broadcast %broadcast_in_dim3A_207 : f32 to vector<16384xf32>
    %get3A_209 = arith.constant 32768 : index
    %get3A_210 = vector.load %arg0[%get3A_209] : memref<1572864xf32, #tpu.memory_space<vmem>>, vector<16384xf32>
    %add3A_211 = arith.addf %broadcast_in_dim3A_208, %get3A_210 : vector<16384xf32>
    %get3A_212 = arith.constant 81920 : index
    %get3A_213 = vector.load %arg0[%get3A_212] : memref<1572864xf32, #tpu.memory_space<vmem>>, vector<16384xf32>
    %add3A_214 = arith.addf %add3A_211, %get3A_213 : vector<16384xf32>
    %get3A_215 = arith.constant 131072 : index
    %get3A_216 = vector.load %arg0[%get3A_215] : memref<1572864xf32, #tpu.memory_space<vmem>>, vector<16384xf32>
    %add3A_217 = arith.addf %add3A_214, %get3A_216 : vector<16384xf32>
    %get3A_218 = arith.constant 180224 : index
    %get3A_219 = vector.load %arg0[%get3A_218] : memref<1572864xf32, #tpu.memory_space<vmem>>, vector<16384xf32>
    %add3A_220 = arith.addf %add3A_217, %get3A_219 : vector<16384xf32>
    %get3A_221 = arith.constant 229376 : index
    %get3A_222 = vector.load %arg0[%get3A_221] : memref<1572864xf32, #tpu.memory_space<vmem>>, vector<16384xf32>
    %add3A_223 = arith.addf %add3A_220, %get3A_222 : vector<16384xf32>
    %get3A_224 = arith.constant 278528 : index
    %get3A_225 = vector.load %arg0[%get3A_224] : memref<1572864xf32, #tpu.memory_space<vmem>>, vector<16384xf32>
    %add3A_226 = arith.addf %add3A_223, %get3A_225 : vector<16384xf32>
    %get3A_227 = arith.constant 327680 : index
    %get3A_228 = vector.load %arg0[%get3A_227] : memref<1572864xf32, #tpu.memory_space<vmem>>, vector<16384xf32>
    %add3A_229 = arith.addf %add3A_226, %get3A_228 : vector<16384xf32>
    %get3A_230 = arith.constant 376832 : index
    %get3A_231 = vector.load %arg0[%get3A_230] : memref<1572864xf32, #tpu.memory_space<vmem>>, vector<16384xf32>
    %add3A_232 = arith.addf %add3A_229, %get3A_231 : vector<16384xf32>
    %get3A_233 = arith.constant 425984 : index
    %get3A_234 = vector.load %arg0[%get3A_233] : memref<1572864xf32, #tpu.memory_space<vmem>>, vector<16384xf32>
    %add3A_235 = arith.addf %add3A_232, %get3A_234 : vector<16384xf32>
    %get3A_236 = arith.constant 475136 : index
    %get3A_237 = vector.load %arg0[%get3A_236] : memref<1572864xf32, #tpu.memory_space<vmem>>, vector<16384xf32>
    %add3A_238 = arith.addf %add3A_235, %get3A_237 : vector<16384xf32>
    %get3A_239 = arith.constant 524288 : index
    %get3A_240 = vector.load %arg0[%get3A_239] : memref<1572864xf32, #tpu.memory_space<vmem>>, vector<16384xf32>
    %add3A_241 = arith.addf %add3A_238, %get3A_240 : vector<16384xf32>
    %get3A_242 = arith.constant 573440 : index
    %get3A_243 = vector.load %arg0[%get3A_242] : memref<1572864xf32, #tpu.memory_space<vmem>>, vector<16384xf32>
    %add3A_244 = arith.addf %add3A_241, %get3A_243 : vector<16384xf32>
    %get3A_245 = arith.constant 622592 : index
    %get3A_246 = vector.load %arg0[%get3A_245] : memref<1572864xf32, #tpu.memory_space<vmem>>, vector<16384xf32>
    %add3A_247 = arith.addf %add3A_244, %get3A_246 : vector<16384xf32>
    %get3A_248 = arith.constant 671744 : index
    %get3A_249 = vector.load %arg0[%get3A_248] : memref<1572864xf32, #tpu.memory_space<vmem>>, vector<16384xf32>
    %add3A_250 = arith.addf %add3A_247, %get3A_249 : vector<16384xf32>
    %get3A_251 = arith.constant 720896 : index
    %get3A_252 = vector.load %arg0[%get3A_251] : memref<1572864xf32, #tpu.memory_space<vmem>>, vector<16384xf32>
    %add3A_253 = arith.addf %add3A_250, %get3A_252 : vector<16384xf32>
    %get3A_254 = arith.constant 770048 : index
    %get3A_255 = vector.load %arg0[%get3A_254] : memref<1572864xf32, #tpu.memory_space<vmem>>, vector<16384xf32>
    %add3A_256 = arith.addf %add3A_253, %get3A_255 : vector<16384xf32>
    %get3A_257 = arith.constant 819200 : index
    %get3A_258 = vector.load %arg0[%get3A_257] : memref<1572864xf32, #tpu.memory_space<vmem>>, vector<16384xf32>
    %add3A_259 = arith.addf %add3A_256, %get3A_258 : vector<16384xf32>
    %get3A_260 = arith.constant 868352 : index
    %get3A_261 = vector.load %arg0[%get3A_260] : memref<1572864xf32, #tpu.memory_space<vmem>>, vector<16384xf32>
    %add3A_262 = arith.addf %add3A_259, %get3A_261 : vector<16384xf32>
    %get3A_263 = arith.constant 917504 : index
    %get3A_264 = vector.load %arg0[%get3A_263] : memref<1572864xf32, #tpu.memory_space<vmem>>, vector<16384xf32>
    %add3A_265 = arith.addf %add3A_262, %get3A_264 : vector<16384xf32>
    %get3A_266 = arith.constant 966656 : index
    %get3A_267 = vector.load %arg0[%get3A_266] : memref<1572864xf32, #tpu.memory_space<vmem>>, vector<16384xf32>
    %add3A_268 = arith.addf %add3A_265, %get3A_267 : vector<16384xf32>
    %get3A_269 = arith.constant 1015808 : index
    %get3A_270 = vector.load %arg0[%get3A_269] : memref<1572864xf32, #tpu.memory_space<vmem>>, vector<16384xf32>
    %add3A_271 = arith.addf %add3A_268, %get3A_270 : vector<16384xf32>
    %get3A_272 = arith.constant 1064960 : index
    %get3A_273 = vector.load %arg0[%get3A_272] : memref<1572864xf32, #tpu.memory_space<vmem>>, vector<16384xf32>
    %add3A_274 = arith.addf %add3A_271, %get3A_273 : vector<16384xf32>
    %get3A_275 = arith.constant 1114112 : index
    %get3A_276 = vector.load %arg0[%get3A_275] : memref<1572864xf32, #tpu.memory_space<vmem>>, vector<16384xf32>
    %add3A_277 = arith.addf %add3A_274, %get3A_276 : vector<16384xf32>
    %get3A_278 = arith.constant 1163264 : index
    %get3A_279 = vector.load %arg0[%get3A_278] : memref<1572864xf32, #tpu.memory_space<vmem>>, vector<16384xf32>
    %add3A_280 = arith.addf %add3A_277, %get3A_279 : vector<16384xf32>
    %get3A_281 = arith.constant 1212416 : index
    %get3A_282 = vector.load %arg0[%get3A_281] : memref<1572864xf32, #tpu.memory_space<vmem>>, vector<16384xf32>
    %add3A_283 = arith.addf %add3A_280, %get3A_282 : vector<16384xf32>
    %get3A_284 = arith.constant 1261568 : index
    %get3A_285 = vector.load %arg0[%get3A_284] : memref<1572864xf32, #tpu.memory_space<vmem>>, vector<16384xf32>
    %add3A_286 = arith.addf %add3A_283, %get3A_285 : vector<16384xf32>
    %get3A_287 = arith.constant 1310720 : index
    %get3A_288 = vector.load %arg0[%get3A_287] : memref<1572864xf32, #tpu.memory_space<vmem>>, vector<16384xf32>
    %add3A_289 = arith.addf %add3A_286, %get3A_288 : vector<16384xf32>
    %get3A_290 = arith.constant 1359872 : index
    %get3A_291 = vector.load %arg0[%get3A_290] : memref<1572864xf32, #tpu.memory_space<vmem>>, vector<16384xf32>
    %add3A_292 = arith.addf %add3A_289, %get3A_291 : vector<16384xf32>
    %get3A_293 = arith.constant 1409024 : index
    %get3A_294 = vector.load %arg0[%get3A_293] : memref<1572864xf32, #tpu.memory_space<vmem>>, vector<16384xf32>
    %add3A_295 = arith.addf %add3A_292, %get3A_294 : vector<16384xf32>
    %get3A_296 = arith.constant 1458176 : index
    %get3A_297 = vector.load %arg0[%get3A_296] : memref<1572864xf32, #tpu.memory_space<vmem>>, vector<16384xf32>
    %add3A_298 = arith.addf %add3A_295, %get3A_297 : vector<16384xf32>
    %get3A_299 = arith.constant 1507328 : index
    %get3A_300 = vector.load %arg0[%get3A_299] : memref<1572864xf32, #tpu.memory_space<vmem>>, vector<16384xf32>
    %add3A_301 = arith.addf %add3A_298, %get3A_300 : vector<16384xf32>
    %get3A_302 = arith.constant 1556480 : index
    %get3A_303 = vector.load %arg0[%get3A_302] : memref<1572864xf32, #tpu.memory_space<vmem>>, vector<16384xf32>
    %add3A_304 = arith.addf %add3A_301, %get3A_303 : vector<16384xf32>
    %mul3A_305 = arith.constant 3.81825113 : f32
    %mul3A_306 = vector.broadcast %mul3A_305 : f32 to vector<16384xf32>
    %mul3A_307 = arith.mulf %add3A_304, %mul3A_306 : vector<16384xf32>
    %swap3A_308 = arith.constant 2 : index
    %swap3A_309 = arith.constant 0 : index
    %swap3A_310 = vector.load %arg1[%swap3A_308, %swap3A_309] : memref<3x16384xf32, #tpu.memory_space<vmem>>, vector<1x16384xf32>
    %swap3A_311 = vector.shape_cast %swap3A_310 : vector<1x16384xf32> to vector<16384xf32>
    %swap3A_312 = vector.shape_cast %mul3A_307 : vector<16384xf32> to vector<1x16384xf32>
    tpu.vector_store %arg1[%swap3A_308, %swap3A_309], %swap3A_312 {strides = array<i32>} : memref<3x16384xf32, #tpu.memory_space<vmem>>, vector<1x16384xf32>,
    return
  }
}

</mosaic_0001>

<sc_bundles>
// kernel: kernel.6.cloned.1.call-start
scs
__scs_entry_jumppad:
0x0: {  	(pc) =	sbr.rel $0x88, $3  }
0x1: {  	(tag) =	ssettag $0x0;
	lr =	simm.s32 $0x1  }
0x2: {  	[smem:$0x3F9D] =	sst lr;
	_ =	strace $0xD0000000  }
0x3: {  	_ = 	snop  }
0x4: {  	_ = 	snop  }
0x5: {  	_ = 	snop  }
0x6: {  	_ = 	snop  }
0x7: {  	_ = 	snop  }
__scs_overlays_trampoline_lowered:
0x8: {  	[smem:$0x3FAC] =	sst s0  }
0x9: {  	[smem:$0x3FAD] =	sst s1  }
0xa: {  	[smem:$0x3FAE] =	sst s2  }
0xb: {  	[smem:$0x3FAF] =	sst s3  }
0xc: {  	[smem:$0x3FB0] =	sst s4  }
0xd: {  	[smem:$0x3FB1] =	sst s5  }
0xe: {  	[smem:$0x3FB2] =	sst s6  }
0xf: {  	[smem:$0x3FB3] =	sst s7  }
0x10: {  	[smem:$0x3FB4] =	sst s8  }
0x11: {  	[smem:$0x3FB5] =	sst s9;
	s0 =	simm.s32 @!p0 $0x0  }
0x12: {  	s1 =	sld [smem:$0x3F9B];
	s0 =	simm.s32 @p0 $0x1  }
0x13: {  	[smem:$0x3FB6] =	sst s0;
	s0 =	simm.s32 @!p1 $0x0  }
0x14: {  	s2 =	sld [smem:$0x3F9A];
	s0 =	simm.s32 @p1 $0x1  }
0x15: {  	[smem:$0x3FB7] =	sst s0;
	s0 =	simm.s32 @!p2 $0x0  }
0x16: {  	s3 =	sld [smem:$0x3FDB];
	s0 =	simm.s32 @p2 $0x1  }
0x17: {  	s4 =	simm.s32 $0x1BF5;
	[smem:$0x3FB9] =	sst s0  }
0x18: {  	s0 =	sld [smem:$0x3F9C];
	_ =	swait.ge [sflag:s4], $0x0  }
0x19: {  	s7 =	sld [smem:$0x3F9D]  }
0x1a: {  	s8 =	sadd.s32 $0xFFFFE003, lr  }
0x1b: {  	s9 =	sadd.s32 $0xFFFFFEF7, lr;
	s5 =	simm.s32 $0xFFFFFFFF;
	p2 =	slt.u32 s8, $0xFFFFF086  }
0x1c: {  	p1 =	slt.u32 s9, $0xF7A;
	s5 =	simm.s32 @!p2 $0x0  }
0x1d: {  	s5 =	simm.s32 @p1 $0x1;
	p0 =	seq.s32 s7, s2  }
0x1e: {  	s7 =	smul.u32 @!p0 $0xF7A, s2;
	p2 =	seq.s32 @!p0 s5, $0x0  }
0x1f: {  	s9 =	smul.u32 $0xF7A, s1;
	s8 =	simm.s32 @!p0 $0x1BF5;
	p2 =	por !p2, p0  }
0x20: {  	[sflag:s8] =	ssyncset.s32 @!p0 $0xFFFFF086;
	s6 =	sadd.s32 @!p0 s3, s7;
	s7 =	simm.s32 @!p0 $0x108  }
0x21: {  	s3 =	sadd.s32 s3, s9;
	s6 =	sadd.s32 @!p0 $0x88, s6;
	s7 =	simm.s32 @p2 $0x1082  }
0x22: {  	[simem:s7], [sflag:s8] =	dma.local @!p0 [hbm:s6], $0xF7A  }
0x23: {  	s9 =	sor.u32 $0xD0000000, s2;
	s6 =	simm.s32 $0x108;
	_ =	swait.ge @!p0 [sflag:s8], $0x0  }
0x24: {  	s3 =	sadd.s32 $0x88, s3;
	s6 =	simm.s32 @!p1 $0x1082;
	[sflag:s4] =	ssyncset.s32 $0xFFFFF086  }
0x25: {  	[simem:s6], [sflag:s4] =	dma.local [hbm:s3], $0xF7A  }
0x26: {  	[smem:$0x3F9D] =	sst s1;
	(tag) =	ssettag s2;
	_ =	strace s9  }
0x27: {  	s1 =	sld [smem:$0x3FAD]  }
0x28: {  	s2 =	sld [smem:$0x3FAE]  }
0x29: {  	s4 =	sld [smem:$0x3FB0]  }
0x2a: {  	p0 =	seq.s32 s5, $0x0;
	s5 =	sld [smem:$0x3FB1]  }
0x2b: {  	s6 =	sld [smem:$0x3FB2]  }
0x2c: {  	s7 =	sld [smem:$0x3FB3]  }
0x2d: {  	s3 =	simm.s32 $0x108;
	s8 =	sld [smem:$0x3FB4]  }
0x2e: {  	s3 =	simm.s32 @!p0 $0x1082;
	s9 =	sld [smem:$0x3FB5]  }
0x2f: {  	lr =	sadd.s32 s0, s3;
	s0 =	sld [smem:$0x3FAC]  }
0x30: {  	s3 =	sld [smem:$0x3FAF]  }
0x31: {  	[smem:$0x3FB8] =	sst s10  }
0x32: {  	s10 =	sld [smem:$0x3FB6];
	_ =	sdelay $0x3  }
0x33: {  	p0 =	seq.s32 s10, $0x1;
	s10 =	sld [smem:$0x3FB8];
	_ =	sdelay $0x3  }
0x34: {  	[smem:$0x3FB8] =	sst s10  }
0x35: {  	s10 =	sld [smem:$0x3FB7];
	_ =	sdelay $0x3  }
0x36: {  	p1 =	seq.s32 s10, $0x1;
	s10 =	sld [smem:$0x3FB8];
	_ =	sdelay $0x3  }
0x37: {  	[smem:$0x3FB8] =	sst s10  }
0x38: {  	s10 =	sld [smem:$0x3FB9]  }
0x39: {  	_ = 	snop;
	(pc) =	sbr.ind lr, $3  }
0x3a: {  	_ = 	snop  }
0x3b: {  	_ = 	snop  }
0x3c: {  	p2 =	seq.s32 s10, $0x1;
	s10 =	sld [smem:$0x3FB8]  }
0x3d: {  	_ =	shalt  }
0x3e: {  	_ =	shalt  }
0x3f: {  	_ =	shalt  }
0x40: {  	_ =	shalt  }
0x41: {  	_ =	shalt  }
0x42: {  	_ =	shalt  }
0x43: {  	_ =	shalt  }
0x44: {  	_ =	shalt  }
0x45: {  	_ =	shalt  }
0x46: {  	_ =	shalt  }
0x47: {  	_ =	shalt  }
0x48: {  	_ =	shalt  }
0x49: {  	_ =	shalt  }
0x4a: {  	_ =	shalt  }
0x4b: {  	_ =	shalt  }
0x4c: {  	_ =	shalt  }
0x4d: {  	_ =	shalt  }
0x4e: {  	_ =	shalt  }
0x4f: {  	_ =	shalt  }
0x50: {  	_ =	shalt  }
0x51: {  	_ =	shalt  }
0x52: {  	_ =	shalt  }
0x53: {  	_ =	shalt  }
0x54: {  	_ =	shalt  }
0x55: {  	_ =	shalt  }
0x56: {  	_ =	shalt  }
0x57: {  	_ =	shalt  }
0x58: {  	_ =	shalt  }
0x59: {  	_ =	shalt  }
0x5a: {  	_ =	shalt  }
0x5b: {  	_ =	shalt  }
0x5c: {  	_ =	shalt  }
0x5d: {  	_ =	shalt  }
0x5e: {  	_ =	shalt  }
0x5f: {  	_ =	shalt  }
0x60: {  	_ =	shalt  }
0x61: {  	_ =	shalt  }
0x62: {  	_ =	shalt  }
0x63: {  	_ =	shalt  }
0x64: {  	_ =	shalt  }
0x65: {  	_ =	shalt  }
0x66: {  	_ =	shalt  }
0x67: {  	_ =	shalt  }
0x68: {  	_ =	shalt  }
0x69: {  	_ =	shalt  }
0x6a: {  	_ =	shalt  }
0x6b: {  	_ =	shalt  }
0x6c: {  	_ =	shalt  }
0x6d: {  	_ =	shalt  }
0x6e: {  	_ =	shalt  }
0x6f: {  	_ =	shalt  }
0x70: {  	_ =	shalt  }
0x71: {  	_ =	shalt  }
0x72: {  	_ =	shalt  }
0x73: {  	_ =	shalt  }
0x74: {  	_ =	shalt  }
0x75: {  	_ =	shalt  }
0x76: {  	_ =	shalt  }
0x77: {  	_ =	shalt  }
0x78: {  	_ =	shalt  }
0x79: {  	_ =	shalt  }
0x7a: {  	_ =	shalt  }
0x7b: {  	_ =	shalt  }
0x7c: {  	_ =	shalt  }
0x7d: {  	_ =	shalt  }
0x7e: {  	_ =	shalt  }
0x7f: {  	_ =	shalt  }
0x80: {  	_ =	shalt  }
0x81: {  	_ =	shalt  }
0x82: {  	_ =	shalt  }
0x83: {  	_ =	shalt  }
0x84: {  	_ =	shalt  }
0x85: {  	_ =	shalt  }
0x86: {  	_ =	shalt  }
0x87: {  	_ =	shalt  }
.Lfunc_end0:
.L_simem_size_0:
called_computation_lowered:
.L_overlay_start_0:
0x88: {  	s2 =	sld [smem:$0x3FD9]  }
0x89: {  	s3 =	sld [smem:$0x3FFE];
	_ =	sdelay $0x1  }
0x8a: {  	s1 =	srdreg.scid  }
0x8b: {  	s0 =	sand.u32 $0x1, s1  }
0x8c: {  	s17 =	sshll.u32 s0, $0xA;
	s2 =	sadd.s32 s3, s2  }
0x8d: {  	s2 =	sadd.s32 s2, s17  }
0x8e: {  	[smem:$0x3FC4] =	sst s2  }
0x8f: {  	_ = 	snop  }
0x90: {  	s2 =	sld [smem:$0x3FC9]  }
0x91: {  	s18 =	sld [smem:$0x3FC8]  }
0x92: {  	s4 =	sld [smem:$0x3FC7]  }
0x93: {  	s5 =	sld [smem:$0x3FC6]  }
0x94: {  	s6 =	sld [smem:$0x3FD0];
	(tm) =	ssettm $0x1  }
0x95: {  	s7 =	sld [smem:$0x3FFB];
	_ =	sdelay $0x3  }
0x96: {  	_ =	strace s7  }
0x97: {  	s7 =	sld [smem:$0x3FFC];
	_ =	sdelay $0x3  }
0x98: {  	_ =	strace s7  }
0x99: {  	s7 =	sld [smem:$0x3FFD];
	_ =	sdelay $0x3  }
0x9a: {  	_ =	strace s7  }
0x9b: {  	_ =	strace $0x8FFFFFFF  }
0x9c: {  	s19 =	sld [smem:$0x3FDB];
	_ =	sdelay $0x1  }
0x9d: {  	s8 =	simm.s32 $_scs_section_size  }
0x9e: {  	s9 =	simm.s32 $_size__tile_overlayer_lowered;
	s10 =	simm.s32 $_tile_overlayer_lowered  }
0x9f: {  	s22 =	simm.s32 $0x1BFF;
	s21 =	sshll.u32 s10, $0x1;
	s7 =	sadd.s32 s8, s19  }
0xa0: {  	s11 =	simm.s32 $0x0;
	s20 =	sshll.u32 s9, $0x1;
	s9 =	sadd.s32 s21, s7  }
0xa1: {  	[timem:s11], [sflag:s22] =	dma.local [hbm:s9], s20  }
0xa2: {  	_ =	swait.ge [sflag:s22], s20  }
0xa3: {  	s8 =	ssub.s32 $0x0, s20;
	[sflag:s22] =	ssyncset.done $0x0  }
0xa4: {  	[sflag:s22] =	ssyncadd.s32 s8;
	_ =	sdelay $0x1  }
0xa5: {  	s23 =	simm.s32 $0x1B8B  }
0xa6: {  	_ =	swait.ge [sflag:s23], $0x1  }
0xa7: {  	[sflag:s23] =	ssyncset.done $0x0  }
0xa8: {  	s25 =	simm.s32 $0x1B8E;
	s24 =	sld [smem:$0x3FFE];
	[sflag:s23] =	ssyncadd.s32 $0xFFFFFFFF  }
0xa9: {  	s26 =	simm.s32 $execute0_lowered;
	[smem:$0x3FD2] =	sst s25  }
0xaa: {  	s9 =	sshll.u32 s26, $0x1;
	_ =	strace $0x80000046;
	[dreg:$0x1] =	wrdreg $0xFFFFFFFF  }
0xab: {  	s28 =	simm.s32 $_size_execute0_lowered;
	s7 =	sadd.s32 s7, s9;
	[dreg:$0x0] =	wrdreg $0x0  }
0xac: {  	s9 =	sshll.u32 s28, $0x1;
	[dreg:$0x2] =	wrdreg s7  }
0xad: {  	[dreg:$0x3] =	wrdreg s9  }
0xae: {  	[dreg:$0x4] =	wrdreg $0xC0  }
0xaf: {  	_ =	task [dreg:s11], $0x5FFFF  }
0xb0: {  	[dreg:$0x1] =	wrdreg $0xFFFFFFFF  }
0xb1: {  	[dreg:$0x0] =	wrdreg $0x60  }
0xb2: {  	[dreg:$0x2] =	wrdreg s2  }
0xb3: {  	[dreg:$0x3] =	wrdreg s18  }
0xb4: {  	[dreg:$0x4] =	wrdreg s4  }
0xb5: {  	[dreg:$0x5] =	wrdreg s5  }
0xb6: {  	[dreg:$0x6] =	wrdreg s24  }
0xb7: {  	[dreg:$0x7] =	wrdreg s6  }
0xb8: {  	[dreg:$0x8] =	wrdreg $0x9  }
0xb9: {  	_ =	task.clear_ibuf [dreg:s11], $0x9FFFF;
	_ =	strace $0x90000046  }
0xba: {  	s29 =	simm.s32 $0x9;
	_ =	strace $0x80000048  }
0xbb: {  	_ =	swait.ge [sflag:s29], $0x1  }
0xbc: {  	[sflag:s29] =	ssyncadd.s32 $0xFFFFFFFF  }
0xbd: {  	_ =	strace $0x90000048  }
0xbe: {  	_ =	sfence  }
0xbf: {  	s30 =	sld [smem:$0x0];
	_ =	sdelay $0x2  }
0xc0: {  	s31 =	sshll.u32 s1, $0xD;
	s1 =	sshrl.u32 s1, $0x2  }
0xc1: {  	s3 =	sand.u32 $0x4000, s31;
	s1 =	sadd.s32 s1, s30  }
0xc2: {  	s0 =	sor.u32 s3, s0;
	s1 =	sshll.u32 s1, $0x11  }
0xc3: {  	s0 =	sor.u32 s1, s0  }
0xc4: {  	s0 =	sadd.s32 $0x8F2B, s0  }
0xc5: {  	[sflag:s0] =	ssyncadd.remote.s32 $0x1  }
0xc6: {  	_ =	sfence.sel $0xFFFF  }
0xc7: {  	[dreg:$0x0] =	wrdreg $0xFFFFFFFF;
	(pc) =	sbr.abs _section_cstart, $3  }
0xc8: {  	[dreg:$0x1] =	wrdreg $0xFFFFFFFF  }
0xc9: {  	_ =	task.clear_ibuf [dreg:s11], $0x2FFFF;
	_ =	strace $0x9FFFFFFF  }
0xca: {  	(tm) =	ssettm $0x7FFFFFFF  }
0xcb: {  	_ =	shalt  }
tec
execute0_lowered:
.L_overlay_start_1:
0x0: {  	(tag) =	ssettag $0x1  }
0x1: {  	s1 =	rddreg [dreg:$0x1]  }
0x2: {  	s3 =	rddreg [dreg:$0x2]  }
0x3: {  	s0 =	rddreg [dreg:$0x3]  }
0x4: {  	s5 =	rddreg [dreg:$0x4];
	s2 =	srdreg.scid  }
0x5: {  	s4 =	stileid.u32;
	s6 =	rddreg [dreg:$0x5]  }
0x6: {  	s7 =	simm.s32 $0x0;
	s2 =	sand.u32 $0x1, s2;
	s4 =	sshll.u32 s4, $0x1  }
0x7: {  	[smem:$0x7FF] =	sst s7;
	s10 =	sadd.s32 $0x800, s5;
	s4 =	sor.u32 s2, s4  }
0x8: {  	s14 =	sadd.s32 $0x20, s0;
	s16 =	sadd.s32 $0x30, s0;
	s8 =	smul.u32 $0x14800, s4  }
0x9: {  	s28 =	sadd.s32 $0x400, s5;
	s2 =	ssub.s32 $0x2, s2;
	s13 =	smul.u32 $0xA400, s4  }
0xa: {  	s29 =	sadd.s32 $0x600, s5;
	s9 =	sshrl.u32 s2, $0x1;
	s19 =	smul.u32 $0xC000, s4  }
0xb: {  	s30 =	sadd.s32 $0x200, s5;
	s2 =	ssub.s32 s2, s9;
	s9 =	smul.u32 $0x29, s4  }
0xc: {  	_ =	strace $0x80000047;
	s4 =	smul.u32 $0x1800, s4;
	s25 =	sadd.s32 s13, s14  }
0xd: {  	s12 =	sshrl.u32 s8, $0x3;
	s17 =	sadd.s32 s13, s16;
	[dreg:$0xa] =	wrdreg s25  }
0xe: {  	s26 =	sadd.s32 $0x800, s8;
	s11 =	sadd.s32 s1, s12;
	[dreg:$0xb] =	wrdreg s17  }
0xf: {  	s21 =	sshrl.u32 s19, $0x3;
	s12 =	sadd.s32 s3, s12;
	[dreg:$0x7] =	wrdreg s11  }
0x10: {  	s18 =	sshrl.u32 s26, $0x3;
	s4 =	sadd.s32 s10, s4;
	[dreg:$0x8] =	wrdreg s12  }
0x11: {  	s31 =	sadd.s32 $0x1000, s8;
	s15 =	sadd.s32 s1, s18;
	[dreg:$0xf] =	wrdreg s4  }
0x12: {  	s22 =	sadd.s32 s10, s21;
	s12 =	sadd.s32 s3, s18;
	[dreg:$0xc] =	wrdreg s15  }
0x13: {  	s11 =	sadd.s32 $0x10, s0;
	s25 =	sadd.s32 $0x1000, s22;
	[dreg:$0xd] =	wrdreg s12  }
0x14: {  	v0 =	vimm.s32 $0xFFEDCBA9;
	v1 =	vimm.s32 $0x87654321;
	s0 =	sshrl.u32 s26, $0x1;
	s26 =	smax.u32 s2, $0x1;
	[dreg:$0x13] =	wrdreg s25  }
0x15: {  	v0 =	vunpack.c.l.s4.s8 v0;
	v1 =	vunpack.c.l.s4.s8 v1;
	s19 =	simm.s32 $0x4000;
	s24 =	sadd.s32 s13, s11;
	[dreg:$0x14] =	wrdreg s26  }
0x16: {  	s10 =	simm.s32 $0x1;
	s20 =	sadd.s32 s0, s11;
	[dreg:$0x9] =	wrdreg s24  }
0x17: {  	v0 =	vunpack.c.0.s8.s32 v0;
	v1 =	vunpack.c.0.s8.s32 v1;
	s21 =	simm.s32 $0xC000;
	s23 =	sadd.s32 s0, s14;
	[dreg:$0xe] =	wrdreg s20  }
0x18: {  	s2 =	simm.s32 $0x80;
	s0 =	sadd.s32 s0, s16;
	[dreg:$0x10] =	wrdreg s23  }
0x19: {  	v1 =	vcombine.low v1, v0;
	s12 =	simm.s32 $0x4;
	s13 =	simm.s32 $0x0;
	[dreg:$0x11] =	wrdreg s0  }
0x1a: {  	vm0 =	vcmask $0x3F3C;
	s24 =	sadd.s32 $0x800, s22;
	s0 =	simm.s32 $0x200;
	s20 =	simm.s32 $0x8000  }
0x1b: {  	vm1 =	vmmov $0x7fff;
	v0 =	vimm.f32 $0.0e+00;
	v1 =	vand.u32 $0xF, v1;
	s22 =	simm.s32 $0x2;
	s23 =	simm.s32 $0x3;
	[dreg:$0x12] =	wrdreg s24  }
.LBB2_1:
0x1c: {  	[dreg:$0x15] =	wrdreg s13  }
0x1d: {  	s4 =	rddreg [dreg:$0x0]  }
0x1e: {  	[tilespmem:s7], [sflag:$0x4] =	stream.linear.gather [hbm4b:s4+s7], $0x4000, $0x38;
	[tilespmem:$0x17800] =	vst v63  }
0x1f: {  	_ =	swait.ge [sflag:s12], $0x4000  }
0x20: {  	[sflag:s12] =	ssyncset.done $0x0  }
0x21: {  	s4 =	simm.s32 $0x4040;
	[sflag:s12] =	ssyncadd.s32 $0xFFFFC000  }
0x22: {  	[tilespmem:s4+$0xFFFFFFD0] =	vst v0  }
0x23: {  	[tilespmem:s4+$0x0] =	vst v0  }
0x24: {  	[tilespmem:s4+$0xFFFFFFC0] =	vst v0  }
0x25: {  	[tilespmem:s4+$0x30] =	vst v0  }
0x26: {  	[tilespmem:s4+$0xFFFFFFF0] =	vst v0  }
0x27: {  	[tilespmem:s4+$0xFFFFFFE0] =	vst v0  }
0x28: {  	[tilespmem:s4+$0x10] =	vst v0  }
0x29: {  	s13 =	simm.s32 $0x8040;
	[tilespmem:s4+$0x20] =	vst v0  }
0x2a: {  	[tilespmem:s13+$0xFFFFFFC0] =	vst v0  }
0x2b: {  	[tilespmem:s13+$0x30] =	vst v0  }
0x2c: {  	[tilespmem:s13+$0x0] =	vst v0  }
0x2d: {  	[tilespmem:s13+$0x20] =	vst v0  }
0x2e: {  	[tilespmem:s13+$0x10] =	vst v0  }
0x2f: {  	[tilespmem:s13+$0xFFFFFFD0] =	vst v0  }
0x30: {  	[tilespmem:s13+$0xFFFFFFE0] =	vst v0  }
0x31: {  	s12 =	simm.s32 $0xC040;
	[tilespmem:s13+$0xFFFFFFF0] =	vst v0  }
0x32: {  	[tilespmem:s12+$0xFFFFFFC0] =	vst v0  }
0x33: {  	[tilespmem:s12+$0x30] =	vst v0  }
0x34: {  	[tilespmem:s12+$0x20] =	vst v0  }
0x35: {  	[tilespmem:s12+$0x10] =	vst v0  }
0x36: {  	s15 =	simm.s32 $0x0;
	s17 =	simm.s32 $0xC0C0;
	[tilespmem:s12+$0xFFFFFFD0] =	vst v0  }
.LBB2_2:
0x37: {  	s15 =	sadd.s32 $0x80, s15;
	[tilespmem:s12+$0xFFFFFFE0] =	vst v0;
	s4 =	sadd.s32 $0x80, s4;
	s13 =	sadd.s32 $0x80, s13  }
0x38: {  	p0 =	slt.u32 s15, $0x3F80;
	[tilespmem:s12+$0x0] =	vst v0  }
0x39: {  	[tilespmem:s12+$0xFFFFFFF0] =	vst v0;
	s12 =	smov.u32 s17  }
0x3a: {  	[tilespmem:s4+$0xFFFFFFD0] =	vst v0  }
0x3b: {  	[tilespmem:s4+$0x0] =	vst v0  }
0x3c: {  	[tilespmem:s4+$0xFFFFFFC0] =	vst v0  }
0x3d: {  	[tilespmem:s13+$0xFFFFFFC0] =	vst v0  }
0x3e: {  	[tilespmem:s17+$0xFFFFFFC0] =	vst v0  }
0x3f: {  	[tilespmem:s4+$0x30] =	vst v0  }
0x40: {  	[tilespmem:s13+$0x30] =	vst v0  }
0x41: {  	[tilespmem:s17+$0x30] =	vst v0  }
0x42: {  	[tilespmem:s13+$0x0] =	vst v0  }
0x43: {  	[tilespmem:s4+$0xFFFFFFF0] =	vst v0  }
0x44: {  	[tilespmem:s4+$0xFFFFFFE0] =	vst v0  }
0x45: {  	[tilespmem:s4+$0x10] =	vst v0  }
0x46: {  	[tilespmem:s4+$0x20] =	vst v0  }
0x47: {  	[tilespmem:s13+$0x20] =	vst v0  }
0x48: {  	[tilespmem:s17+$0x20] =	vst v0  }
0x49: {  	[tilespmem:s13+$0x10] =	vst v0  }
.Ltmp0:
0x4a: {  	[tilespmem:s17+$0x10] =	vst v0;
	(pc) =	sbr.rel @p0 .LBB2_2-.Ltmp0, $4  }
0x4b: {  	[tilespmem:s13+$0xFFFFFFD0] =	vst v0  }
0x4c: {  	[tilespmem:s13+$0xFFFFFFE0] =	vst v0  }
0x4d: {  	[tilespmem:s17+$0xFFFFFFD0] =	vst v0  }
0x4e: {  	s17 =	sadd.s32 $0x80, s17;
	[tilespmem:s13+$0xFFFFFFF0] =	vst v0  }
0x4f: {  	[tilespmem:s12+$0xFFFFFFE0] =	vst v0  }
0x50: {  	[tilespmem:s12+$0x0] =	vst v0  }
0x51: {  	[tilespmem:s12+$0xFFFFFFF0] =	vst v0  }
0x52: {  	s25 =	simm.s32 $0x0;
	s26 =	simm.s32 $0x10000;
	s4 =	rddreg [dreg:$0x7]  }
0x53: {  	[tilespmem:s26], [sflag:$0x1] =	stream.linear.gather [hbm4b:s4+s25], $0x800, $0x38;
	[tilespmem:$0x17800] =	vst v63  }
0x54: {  	s15 =	simm.s32 $0x11800;
	s13 =	rddreg [dreg:$0x8]  }
0x55: {  	[tilespmem:s15], [sflag:$0x1] =	stream.linear.gather [hbm4b:s13+s25], $0x800, $0x38;
	[tilespmem:$0x17800] =	vst v63  }
0x56: {  	s18 =	simm.s32 $0x13000;
	s17 =	rddreg [dreg:$0x9]  }
0x57: {  	[tilespmem:s18], [sflag:$0x1] =	stream.strided.gather [hbm4b:s17+s2], $0x800, s0, s2, $0x38;
	[tilespmem:$0x17800] =	vst v63  }
0x58: {  	s24 =	rddreg [dreg:$0xa];
	s26 =	simm.s32 $0x14800  }
0x59: {  	[tilespmem:s26], [sflag:$0x1] =	stream.strided.gather [hbm4b:s24+s2], $0x800, s0, s2, $0x38;
	[tilespmem:$0x17800] =	vst v63  }
0x5a: {  	s13 =	rddreg [dreg:$0xb];
	s15 =	simm.s32 $0x16000  }
0x5b: {  	[tilespmem:s15], [sflag:$0x1] =	stream.strided.gather [hbm4b:s13+s2], $0x800, s0, s2, $0x38;
	[tilespmem:$0x17800] =	vst v63  }
0x5c: {  	s17 =	rddreg [dreg:$0xc];
	s18 =	simm.s32 $0x10800  }
0x5d: {  	[tilespmem:s18], [sflag:$0x2] =	stream.linear.gather [hbm4b:s17+s25], $0x800, $0x38;
	[tilespmem:$0x17800] =	vst v63  }
0x5e: {  	s24 =	rddreg [dreg:$0xd];
	s26 =	simm.s32 $0x12000  }
0x5f: {  	[tilespmem:s26], [sflag:$0x2] =	stream.linear.gather [hbm4b:s24+s25], $0x800, $0x38;
	[tilespmem:$0x17800] =	vst v63  }
0x60: {  	s13 =	rddreg [dreg:$0xe];
	s15 =	simm.s32 $0x13800  }
0x61: {  	[tilespmem:s15], [sflag:$0x2] =	stream.strided.gather [hbm4b:s13+s2], $0x800, s0, s2, $0x38;
	[tilespmem:$0x17800] =	vst v63  }
0x62: {  	s17 =	rddreg [dreg:$0x10];
	s18 =	simm.s32 $0x15000  }
0x63: {  	[tilespmem:s18], [sflag:$0x2] =	stream.strided.gather [hbm4b:s17+s2], $0x800, s0, s2, $0x38;
	[tilespmem:$0x17800] =	vst v63  }
0x64: {  	s24 =	rddreg [dreg:$0x11];
	s26 =	simm.s32 $0x16800  }
0x65: {  	[tilespmem:s26], [sflag:$0x2] =	stream.strided.gather [hbm4b:s24+s2], $0x800, s0, s2, $0x38;
	[tilespmem:$0x17800] =	vst v63  }
.LBB2_4:
0x66: {  	_ =	swait.ge [sflag:s10], $0x800  }
0x67: {  	[sflag:s10] =	ssyncset.done $0x0  }
0x68: {  	[sflag:s10] =	ssyncadd.s32 $0xFFFFF800  }
0x69: {  	_ =	swait.ge [sflag:s10], $0x800  }
0x6a: {  	[sflag:s10] =	ssyncset.done $0x0  }
0x6b: {  	[sflag:s10] =	ssyncadd.s32 $0xFFFFF800  }
0x6c: {  	_ =	swait.ge [sflag:s10], $0x800  }
0x6d: {  	[sflag:s10] =	ssyncset.done $0x0  }
0x6e: {  	[sflag:s10] =	ssyncadd.s32 $0xFFFFF800  }
0x6f: {  	_ =	swait.ge [sflag:s10], $0x800  }
0x70: {  	s4 =	smul.u32 $0x1800, s25;
	[sflag:s10] =	ssyncset.done $0x0  }
0x71: {  	[sflag:s10] =	ssyncadd.s32 $0xFFFFF800  }
0x72: {  	s4 =	sadd.s32 s31, s4;
	_ =	swait.ge [sflag:s10], $0x800  }
0x73: {  	s12 =	sshrl.u32 s4, $0x3;
	[sflag:s10] =	ssyncset.done $0x0  }
0x74: {  	s15 =	simm.s32 $0x11000;
	s13 =	sadd.s32 s1, s12;
	[sflag:s10] =	ssyncadd.s32 $0xFFFFF800  }
0x75: {  	[tilespmem:s15], [sflag:$0x3] =	stream.linear.gather [hbm4b:s13+s7], $0x800, $0x38;
	[tilespmem:$0x17800] =	vst v63  }
0x76: {  	s4 =	sshrl.u32 s4, $0x1;
	s12 =	sadd.s32 s3, s12;
	s15 =	simm.s32 $0x12800  }
0x77: {  	[tilespmem:s15], [sflag:$0x3] =	stream.linear.gather [hbm4b:s12+s7], $0x800, $0x38;
	[tilespmem:$0x17800] =	vst v63  }
0x78: {  	s18 =	simm.s32 $0x14000;
	s17 =	sadd.s32 s4, s11  }
0x79: {  	[tilespmem:s18], [sflag:$0x3] =	stream.strided.gather [hbm4b:s17+s2], $0x800, s0, s2, $0x38;
	[tilespmem:$0x17800] =	vst v63  }
0x7a: {  	s26 =	simm.s32 $0x15800;
	s24 =	sadd.s32 s4, s14  }
0x7b: {  	[tilespmem:s26], [sflag:$0x3] =	stream.strided.gather [hbm4b:s24+s2], $0x800, s0, s2, $0x38;
	[tilespmem:$0x17800] =	vst v63  }
0x7c: {  	s4 =	sadd.s32 s4, s16;
	s15 =	simm.s32 $0x17000;
	s17 =	simm.s32 $0x11820  }
0x7d: {  	[tilespmem:s15], [sflag:$0x3] =	stream.strided.gather [hbm4b:s4+s2], $0x800, s0, s2, $0x38;
	[tilespmem:$0x17800] =	vst v63  }
0x7e: {  	v2 =	vld [tilespmem:s17+$0x10];
	_ =	sdelay $0x1  }
0x7f: {  	v4 =	vld [tilespmem:s17+$0xFFFFFFF0]  }
0x80: {  	v5 =	vld [tilespmem:s17+$0x0];
	_ =	sdelay $0x1  }
0x81: {  	s18 =	simm.s32 $0x13020  }
0x82: {  	v6 =	vld [tilespmem:s18+$0x10]  }
0x83: {  	v7 =	vld [tilespmem:s18+$0x0]  }
0x84: {  	v14 =	vld.idx.msk [tilespmem:v2+s7+$0x0], $0xffff  }
0x85: {  	v2 =	vld [tilespmem:s18+$0xFFFFFFF0]  }
0x86: {  	v12 =	vld.idx.msk [tilespmem:v4+s7+$0x0], $0xffff  }
0x87: {  	s24 =	simm.s32 $0x10020;
	v10 =	vld.idx.msk [tilespmem:v5+s7+$0x0], $0xffff  }
0x88: {  	v3 =	vld [tilespmem:s24+$0x10]  }
0x89: {  	v5 =	vld [tilespmem:s17+$0xFFFFFFE0];
	v6 =	vmul.f32 v6, v14;
	_ =	sdelay $0x1  }
0x8a: {  	(xrf2) =	vadd.scan.msk.f32 $0xffff, v6;
	v6 =	vmul.f32 v2, v12  }
0x8b: {  	v7 =	vmul.f32 v7, v10;
	v2 =	vld [tilespmem:s24+$0x0]  }
0x8c: {  	(xrf2) =	vadd.scan.msk.f32 $0xffff, v6  }
0x8d: {  	v4 =	vperm.xlane v3, v1;
	(xrf2) =	vadd.scan.msk.f32 $0xffff, v7;
	_ =	sdelay $0x1  }
0x8e: {  	v9 =	vld [tilespmem:s18+$0xFFFFFFE0];
	vm2 =	vne.s32 v3, v4  }
0x8f: {  	vm3 =	vmor vm2, vm0;
	v13 =	vld.idx.msk [tilespmem:v5+s7+$0x0], $0xffff;
	v5 =	vperm.xlane v2, v1  }
0x90: {  	vm2 =	vmand vm2, vm1  }
0x91: {  	s13 =	simm.s32 $0x11860;
	v6 =	vld [tilespmem:s24+$0xFFFFFFF0];
	vm4 =	vne.s32 v2, v5  }
0x92: {  	v18 =	vld [tilespmem:s13+$0x10];
	vm6 =	vmor vm4, vm0  }
0x93: {  	v22 =	vld [tilespmem:s13+$0x0];
	vm7 =	vmand vm4, vm1;
	v8, _, _ =	vpop (xrf2)  }
0x94: {  	v7 =	vld [tilespmem:s24+$0xFFFFFFE0];
	v9 =	vmul.f32 v9, v13;
	v11 =	vsub.f32 $0.0e+00, v8  }
0x95: {  	[tilespmem:v3+s19+$0x0] =	vst.idx.add.f32.msk vm3, v8;
	v16, _, _ =	vpop (xrf2)  }
0x96: {  	s26 =	simm.s32 $0x14820;
	v8 =	vperm.xlane v6, v1;
	[tilespmem:v4+s19+$0x0] =	vst.idx.add.f32.msk vm2, v11;
	v17, _, _ =	vpop (xrf2);
	(xrf2) =	vadd.scan.msk.f32 $0xffff, v9  }
0x97: {  	v11 =	vld [tilespmem:s26+$0x10];
	v9 =	vsub.f32 $0.0e+00, v17  }
0x98: {  	vm4 =	vne.s32 v6, v8;
	[tilespmem:v2+s19+$0x0] =	vst.idx.add.f32.msk vm6, v17  }
0x99: {  	vm8 =	vmor vm4, vm0;
	[tilespmem:v5+s19+$0x0] =	vst.idx.add.f32.msk vm7, v9;
	v9 =	vperm.xlane v7, v1  }
0x9a: {  	v19 =	vld [tilespmem:s26+$0x0]  }
0x9b: {  	v24 =	vld [tilespmem:s13+$0xFFFFFFF0];
	vm9 =	vmand vm4, vm1;
	vm4 =	vne.s32 v7, v9  }
0x9c: {  	v18 =	vld.idx.msk [tilespmem:v18+s7+$0x0], $0xffff;
	v17 =	vmul.f32 v11, v14;
	vm10 =	vmor vm4, vm0  }
0x9d: {  	v22 =	vld.idx.msk [tilespmem:v22+s7+$0x0], $0xffff;
	s24 =	simm.s32 $0x13060;
	vm11 =	vmand vm4, vm1  }
0x9e: {  	v23 =	vld [tilespmem:s24+$0x10];
	(xrf2) =	vadd.scan.msk.f32 $0xffff, v17  }
0x9f: {  	[tilespmem:v6+s19+$0x0] =	vst.idx.add.f32.msk vm8, v16;
	v16 =	vsub.f32 $0.0e+00, v16;
	v19 =	vmul.f32 v19, v10  }
0xa0: {  	v17 =	vld [tilespmem:s13+$0xFFFFFFE0];
	v25, _, _ =	vpop (xrf2)  }
0xa1: {  	[tilespmem:v8+s19+$0x0] =	vst.idx.add.f32.msk vm9, v16;
	(xrf2) =	vadd.scan.msk.f32 $0xffff, v19;
	v16 =	vsub.f32 $0.0e+00, v25  }
0xa2: {  	[tilespmem:v7+s19+$0x0] =	vst.idx.add.f32.msk vm10, v25  }
0xa3: {  	[tilespmem:v9+s19+$0x0] =	vst.idx.add.f32.msk vm11, v16  }
0xa4: {  	v26 =	vld [tilespmem:s26+$0xFFFFFFE0]  }
0xa5: {  	vm5 =	vmmov vm2;
	v21 =	vld [tilespmem:s24+$0xFFFFFFF0]  }
0xa6: {  	s12 =	simm.s32 $0x10060;
	v15 =	vld [tilespmem:s24+$0x0];
	v23 =	vmul.f32 v23, v18  }
0xa7: {  	v11 =	vld [tilespmem:s12+$0x10]  }
0xa8: {  	v27 =	vld [tilespmem:s26+$0xFFFFFFF0];
	v16, _, _ =	vpop (xrf2);
	(xrf2) =	vadd.scan.msk.f32 $0xffff, v23  }
0xa9: {  	[tilespmem:v3+s20+$0x0] =	vst.idx.add.f32.msk vm3, v16;
	v19 =	vsub.f32 $0.0e+00, v16;
	v26 =	vmul.f32 v26, v13  }
0xaa: {  	vm4 =	vmmov vm3;
	v16 =	vld.idx.msk [tilespmem:v24+s7+$0x0], $0xffff;
	vm3 =	vmmov vm7  }
0xab: {  	[tilespmem:v4+s20+$0x0] =	vst.idx.add.f32.msk vm5, v19;
	v24, _, _ =	vpop (xrf2);
	(xrf2) =	vadd.scan.msk.f32 $0xffff, v26  }
0xac: {  	s4 =	simm.s32 $0x16020;
	v19 =	vld.idx.msk [tilespmem:v17+s7+$0x0], $0xffff  }
0xad: {  	v23 =	vmul.f32 v27, v12;
	v25 =	vld [tilespmem:s4+$0x10]  }
0xae: {  	v17 =	vperm.xlane v11, v1;
	[tilespmem:v2+s20+$0x0] =	vst.idx.add.f32.msk vm6, v24;
	v24 =	vsub.f32 $0.0e+00, v24  }
0xaf: {  	v20 =	vld [tilespmem:s24+$0xFFFFFFE0];
	vm2 =	vmmov vm6;
	vm8 =	vmmov vm8;
	(xrf2) =	vadd.scan.msk.f32 $0xffff, v23  }
0xb0: {  	s15 =	simm.s32 $0x14860;
	vm7 =	vmmov vm10;
	vm6 =	vmmov vm11;
	vm11 =	vne.s32 v11, v17;
	[tilespmem:v5+s20+$0x0] =	vst.idx.add.f32.msk vm3, v24  }
0xb1: {  	s18 =	simm.s32 $0x40;
	s17 =	simm.s32 $0x16020;
	vm9 =	vmmov vm9;
	s26 =	smul.u32 $0x3, s25;
	vm10 =	vmor vm11, vm0;
	v24 =	vmul.f32 v21, v16;
	v23 =	vld [tilespmem:s4+$0x0]  }
.LBB2_5:
0xb2: {  	s18 =	sadd.s32 $0x40, s18;
	v26 =	vld [tilespmem:s12+$0xFFFFFFE0];
	s24 =	sadd.s32 $0x40, s24;
	v27, _, _ =	vpop (xrf2);
	v25 =	vmul.f32 v25, v14;
	s4 =	sadd.s32 $0x40, s4;
	v14 =	vmov v18  }
0xb3: {  	v21 =	vld [tilespmem:s24+$0xFFFFFFF0];
	p0 =	slt.u32 s18, $0x7C0  }
0xb4: {  	v18 =	vmul.f32 v20, v19;
	v20 =	vmul.f32 v15, v22;
	v15 =	vld [tilespmem:s24+$0x0];
	(xrf2) =	vadd.scan.msk.f32 $0xffff, v25  }
0xb5: {  	v25 =	vld [tilespmem:s12+$0xFFFFFFF0];
	v28, _, _ =	vpop (xrf2)  }
0xb6: {  	[tilespmem:v7+s20+$0x0] =	vst.idx.add.f32.msk vm7, v28;
	v28 =	vsub.f32 $0.0e+00, v28;
	v23 =	vmul.f32 v23, v10;
	v10 =	vmov v22  }
0xb7: {  	v29 =	vperm.xlane v26, v1;
	v22 =	vld [tilespmem:s12+$0x0]  }
0xb8: {  	vm12 =	vmand vm11, vm1;
	(xrf2) =	vadd.scan.msk.f32 $0xffff, v24;
	[tilespmem:v9+s20+$0x0] =	vst.idx.add.f32.msk vm6, v28  }
0xb9: {  	vm13 =	vne.s32 v26, v29;
	[tilespmem:v11+s19+$0x0] =	vst.idx.add.f32.msk vm10, v27;
	v24, _, _ =	vpop (xrf2)  }
0xba: {  	s13 =	sadd.s32 $0x40, s13;
	v28 =	vld [tilespmem:s17+$0xFFFFFFE0];
	v30 =	vsub.f32 $0.0e+00, v24  }
0xbb: {  	v31 =	vperm.xlane v25, v1;
	(xrf2) =	vadd.scan.msk.f32 $0xffff, v20;
	[tilespmem:v6+s20+$0x0] =	vst.idx.add.f32.msk vm8, v24  }
0xbc: {  	v20 =	vsub.f32 $0.0e+00, v27;
	[tilespmem:v8+s20+$0x0] =	vst.idx.add.f32.msk vm9, v30  }
0xbd: {  	vm14 =	vne.s32 v25, v31;
	v24 =	vld [tilespmem:s17+$0xFFFFFFF0];
	s17 =	smov.u32 s4  }
0xbe: {  	vm11 =	vmor vm14, vm0;
	[tilespmem:v17+s19+$0x0] =	vst.idx.add.f32.msk vm12, v20;
	(xrf2) =	vadd.scan.msk.f32 $0xffff, v18;
	v18, _, _ =	vpop (xrf2)  }
0xbf: {  	v20 =	vmul.f32 v28, v13;
	[tilespmem:v3+s21+$0x0] =	vst.idx.add.f32.msk vm4, v18;
	v18 =	vsub.f32 $0.0e+00, v18;
	v3 =	vmovc v11;
	v13 =	vmov v19  }
0xc0: {  	v19 =	vperm.xlane v22, v1;
	vm4 =	vmmov vm10;
	v27 =	vld [tilespmem:s15+$0x10]  }
0xc1: {  	[tilespmem:v4+s21+$0x0] =	vst.idx.add.f32.msk vm5, v18;
	(xrf2) =	vadd.scan.msk.f32 $0xffff, v20;
	v4 =	vmov v17;
	vm5 =	vmmov vm12  }
0xc2: {  	s12 =	sadd.s32 $0x40, s12;
	vm12 =	vne.s32 v22, v19;
	v20 =	vld [tilespmem:s24+$0xFFFFFFE0];
	v17, _, _ =	vpop (xrf2);
	v28 =	vmul.f32 v24, v12;
	v12 =	vmov v16  }
0xc3: {  	vm10 =	vmor vm12, vm0;
	v11 =	vld [tilespmem:s12+$0x10]  }
0xc4: {  	[tilespmem:v25+s19+$0x0] =	vst.idx.add.f32.msk vm11, v17;
	(xrf2) =	vadd.scan.msk.f32 $0xffff, v28  }
0xc5: {  	vm12 =	vmand vm12, vm1;
	v24 =	vld [tilespmem:s13+$0x0];
	v16 =	vmul.f32 v27, v14;
	v18, _, _ =	vpop (xrf2)  }
0xc6: {  	v27 =	vld [tilespmem:s13+$0x10]  }
0xc7: {  	v28 =	vld [tilespmem:s13+$0xFFFFFFE0];
	(xrf2) =	vadd.scan.msk.f32 $0xffff, v16  }
0xc8: {  	vm14 =	vmand vm14, vm1;
	v16 =	vld [tilespmem:s24+$0x10];
	v30, _, _ =	vpop (xrf2)  }
0xc9: {  	v33 =	vsub.f32 $0.0e+00, v18;
	[tilespmem:v22+s19+$0x0] =	vst.idx.add.f32.msk vm10, v18  }
0xca: {  	v32 =	vld [tilespmem:s13+$0xFFFFFFF0];
	(xrf2) =	vadd.scan.msk.f32 $0xffff, v23  }
0xcb: {  	vm15 =	vmor vm13, vm0;
	[tilespmem:v19+s19+$0x0] =	vst.idx.add.f32.msk vm12, v33;
	v18, _, _ =	vpop (xrf2)  }
0xcc: {  	vm13 =	vmand vm13, vm1;
	v33 =	vsub.f32 $0.0e+00, v17;
	v23 =	vld [tilespmem:s15+$0x0]  }
0xcd: {  	[tilespmem:v7+s21+$0x0] =	vst.idx.add.f32.msk vm7, v18;
	v18 =	vsub.f32 $0.0e+00, v18;
	v7 =	vmov v26;
	vm7 =	vmmov vm15  }
0xce: {  	[tilespmem:v31+s19+$0x0] =	vst.idx.add.f32.msk vm14, v33;
	v17, _, _ =	vpop (xrf2)  }
0xcf: {  	[tilespmem:v9+s21+$0x0] =	vst.idx.add.f32.msk vm6, v18;
	v9 =	vmov v29;
	vm6 =	vmmov vm13  }
0xd0: {  	v18 =	vld.idx.msk [tilespmem:v27+s7+$0x0], $0xffff;
	v27 =	vsub.f32 $0.0e+00, v30  }
0xd1: {  	[tilespmem:v26+s19+$0x0] =	vst.idx.add.f32.msk vm15, v30;
	v23 =	vmul.f32 v23, v10;
	v26, _, _ =	vpop (xrf2)  }
0xd2: {  	[tilespmem:v29+s19+$0x0] =	vst.idx.add.f32.msk vm13, v27  }
0xd3: {  	v27 =	vld [tilespmem:s15+$0xFFFFFFE0];
	(xrf2) =	vadd.scan.msk.f32 $0xffff, v23  }
0xd4: {  	v23 =	vsub.f32 $0.0e+00, v17;
	[tilespmem:v3+s20+$0x0] =	vst.idx.add.f32.msk vm4, v26;
	v29, _, _ =	vpop (xrf2)  }
0xd5: {  	v26 =	vsub.f32 $0.0e+00, v26;
	[tilespmem:v6+s21+$0x0] =	vst.idx.add.f32.msk vm8, v17;
	v17 =	vsub.f32 $0.0e+00, v29;
	v6 =	vmovc v25;
	vm8 =	vmmov vm11  }
0xd6: {  	v25 =	vmul.f32 v16, v18;
	v30 =	vld [tilespmem:s15+$0xFFFFFFF0]  }
0xd7: {  	[tilespmem:v8+s21+$0x0] =	vst.idx.add.f32.msk vm9, v23;
	v8 =	vmov v31;
	vm9 =	vmmov vm14  }
0xd8: {  	v16 =	vld.idx.msk [tilespmem:v32+s7+$0x0], $0xffff;
	(xrf2) =	vadd.scan.msk.f32 $0xffff, v25;
	v23 =	vmul.f32 v27, v13  }
0xd9: {  	[tilespmem:v2+s21+$0x0] =	vst.idx.add.f32.msk vm2, v29;
	v2 =	vmov v22;
	vm2 =	vmmov vm10  }
0xda: {  	[tilespmem:v5+s21+$0x0] =	vst.idx.add.f32.msk vm3, v17;
	v5 =	vmov v19;
	vm3 =	vmmov vm12  }
0xdb: {  	v27 =	vmul.f32 v30, v12;
	[tilespmem:v4+s20+$0x0] =	vst.idx.add.f32.msk vm5, v26;
	(xrf2) =	vadd.scan.msk.f32 $0xffff, v23  }
0xdc: {  	v17 =	vperm.xlane v11, v1;
	v19 =	vld.idx.msk [tilespmem:v28+s7+$0x0], $0xffff  }
.Ltmp1:
0xdd: {  	v25 =	vld [tilespmem:s4+$0x10];
	v23, _, _ =	vpop (xrf2);
	(pc) =	sbr.rel @p0 .LBB2_5-.Ltmp1, $4  }
0xde: {  	vm11 =	vne.s32 v11, v17;
	v22 =	vld.idx.msk [tilespmem:v24+s7+$0x0], $0xffff;
	v26 =	vsub.f32 $0.0e+00, v23  }
0xdf: {  	vm10 =	vmor vm11, vm0;
	v24 =	vmul.f32 v21, v16;
	[tilespmem:v2+s20+$0x0] =	vst.idx.add.f32.msk vm2, v23;
	(xrf2) =	vadd.scan.msk.f32 $0xffff, v27  }
0xe0: {  	[tilespmem:v5+s20+$0x0] =	vst.idx.add.f32.msk vm12, v26  }
0xe1: {  	s15 =	sadd.s32 $0x40, s15;
	v23 =	vld [tilespmem:s4+$0x0]  }
0xe2: {  	v14 =	vmul.f32 v25, v14;
	_ =	sdelay $0x1  }
0xe3: {  	(xrf2) =	vadd.scan.msk.f32 $0xffff, v14;
	v14 =	vld [tilespmem:s12+$0x0]  }
0xe4: {  	v15 =	vmul.f32 v15, v22  }
0xe5: {  	(xrf2) =	vadd.scan.msk.f32 $0xffff, v24;
	v24, _, _ =	vpop (xrf2)  }
0xe6: {  	(xrf2) =	vadd.scan.msk.f32 $0xffff, v15;
	v15 =	vmul.f32 v20, v19;
	v20, _, _ =	vpop (xrf2)  }
0xe7: {  	v21 =	vld [tilespmem:s12+$0xFFFFFFE0];
	vm13 =	vmand vm11, vm1;
	v26 =	vsub.f32 $0.0e+00, v20  }
0xe8: {  	[tilespmem:v7+s20+$0x0] =	vst.idx.add.f32.msk vm7, v20;
	v20 =	vimm.s32 $0x0;
	(xrf2) =	vadd.scan.msk.f32 $0xffff, v15;
	v15 =	vperm.xlane v14, v1  }
0xe9: {  	v20 =	vsel vm13, $0xFFFFFFFF, v20  }
0xea: {  	v25 =	vld [tilespmem:s12+$0xFFFFFFF0];
	[tilespmem:$0x1FF80] =	vst v20;
	vm11 =	vne.s32 v14, v15  }
0xeb: {  	v29 =	vimm.s32 $0x0;
	[tilespmem:v9+s20+$0x0] =	vst.idx.add.f32.msk vm6, v26;
	vm12 =	vmor vm11, vm0  }
0xec: {  	[tilespmem:v11+s19+$0x0] =	vst.idx.add.f32.msk vm10, v24;
	v29 =	vsel vm12, $0xFFFFFFFF, v29  }
0xed: {  	v20 =	vperm.xlane v21, v1;
	v26, _, _ =	vpop (xrf2);
	v27 =	vld [tilespmem:s17+$0xFFFFFFE0];
	[tilespmem:$0x1FF90] =	vst v29  }
0xee: {  	v28 =	vsub.f32 $0.0e+00, v26;
	vm11 =	vmand vm11, vm1;
	[tilespmem:v6+s20+$0x0] =	vst.idx.add.f32.msk vm8, v26;
	v26 =	vimm.s32 $0x0  }
0xef: {  	vm12 =	vne.s32 v21, v20;
	v26 =	vsel vm11, $0xFFFFFFFF, v26  }
0xf0: {  	v56 =	vimm.s32 $0x0;
	vm15 =	vmor vm12, vm0;
	[tilespmem:$0x1FFC0] =	vst v26  }
0xf1: {  	v24 =	vsub.f32 $0.0e+00, v24;
	[tilespmem:v8+s20+$0x0] =	vst.idx.add.f32.msk vm9, v28;
	v28 =	vsel vm15, $0xFFFFFFFF, v56  }
0xf2: {  	[tilespmem:$0x1FFA0] =	vst v28  }
0xf3: {  	[tilespmem:v17+s19+$0x0] =	vst.idx.add.f32.msk vm13, v24  }
0xf4: {  	v33 =	vld [tilespmem:$0x1FF90];
	_ =	sdelay $0x4  }
0xf5: {  	vm11 =	vmand vm12, vm1;
	vm12 =	vnez.u8 v33;
	_ =	sdelay $0x2  }
0xf6: {  	v26, _, _ =	vpop (xrf2)  }
0xf7: {  	v30, _, _ =	vpop (xrf2)  }
0xf8: {  	v24, _, _ =	vpop (xrf2)  }
0xf9: {  	v57 =	vperm.xlane v25, v1;
	[tilespmem:v14+s19+$0x0] =	vst.idx.add.f32.msk vm12, v24  }
0xfa: {  	v58 =	vld [tilespmem:$0x1FFC0]  }
0xfb: {  	vm13 =	vne.s32 v25, v57  }
0xfc: {  	vm14 =	vmor vm13, vm0  }
0xfd: {  	vm13 =	vmand vm13, vm1;
	v32 =	vsub.f32 $0.0e+00, v24;
	v24 =	vimm.s32 $0x0  }
0xfe: {  	v24 =	vsel vm13, $0xFFFFFFFF, v24  }
0xff: {  	vm12 =	vnez.u8 v58  }
0x100: {  	v29 =	vld [tilespmem:s17+$0xFFFFFFF0]  }
0x101: {  	v31 =	vld [tilespmem:s15+$0x10];
	[tilespmem:$0x1FFB0] =	vst v24;
	v24, _, _ =	vpop (xrf2)  }
0x102: {  	[tilespmem:v25+s19+$0x0] =	vst.idx.add.f32.msk vm14, v30;
	v59 =	vsub.f32 $0.0e+00, v24  }
0x103: {  	[tilespmem:v21+s19+$0x0] =	vst.idx.add.f32.msk vm15, v24  }
0x104: {  	[tilespmem:v20+s19+$0x0] =	vst.idx.add.f32.msk vm11, v59  }
0x105: {  	[tilespmem:v15+s19+$0x0] =	vst.idx.add.f32.msk vm12, v32  }
0x106: {  	v13 =	vmul.f32 v27, v13;
	v27 =	vsub.f32 $0.0e+00, v30;
	v24 =	vld [tilespmem:s15+$0x0]  }
0x107: {  	v12 =	vmul.f32 v29, v12;
	v60 =	vld [tilespmem:s15+$0xFFFFFFE0]  }
0x108: {  	(xrf2) =	vadd.scan.msk.f32 $0xffff, v13;
	[tilespmem:v57+s19+$0x0] =	vst.idx.add.f32.msk vm13, v27  }
0x109: {  	v13 =	vmul.f32 v31, v18;
	(xrf2) =	vadd.scan.msk.f32 $0xffff, v12;
	v12 =	vld [tilespmem:s15+$0xFFFFFFF0]  }
0x10a: {  	v10 =	vmul.f32 v23, v10  }
0x10b: {  	(xrf2) =	vadd.scan.msk.f32 $0xffff, v13;
	v13 =	vmul.f32 v24, v22  }
0x10c: {  	(xrf2) =	vadd.scan.msk.f32 $0xffff, v10;
	v10 =	vmul.f32 v60, v19  }
0x10d: {  	(xrf2) =	vadd.scan.msk.f32 $0xffff, v13  }
0x10e: {  	vm10 =	vmmov vm10;
	(xrf2) =	vadd.scan.msk.f32 $0xffff, v10;
	v10 =	vmul.f32 v12, v16;
	v12 =	vimm.s32 $0x0  }
0x10f: {  	v12 =	vsel vm10, $0xFFFFFFFF, v12  }
0x110: {  	[tilespmem:$0x1FFD0] =	vst v12;
	v12 =	vld [tilespmem:$0x1FF80]  }
0x111: {  	v13 =	vld [tilespmem:$0x1FF90];
	_ =	sdelay $0x3  }
0x112: {  	vm15 =	vmmov vm11;
	vm11 =	vnez.u8 v12  }
0x113: {  	vm12 =	vnez.u8 v13;
	v12 =	vimm.s32 $0x0;
	vm11 =	vmmov vm11  }
0x114: {  	v23 =	vld [tilespmem:$0x1FFA0];
	v13 =	vimm.s32 $0x0;
	vm13 =	vmmov vm12;
	v12 =	vsel vm11, $0xFFFFFFFF, v12  }
0x115: {  	v13 =	vsel vm13, $0xFFFFFFFF, v13  }
0x116: {  	(xrf2) =	vadd.scan.msk.f32 $0xffff, v10;
	v10, _, _ =	vpop (xrf2)  }
0x117: {  	[tilespmem:$0x1FFE0] =	vst v12;
	v12, _, _ =	vpop (xrf2)  }
0x118: {  	[tilespmem:$0x1FFF0] =	vst v13;
	v13, _, _ =	vpop (xrf2)  }
0x119: {  	vm12 =	vnez.u8 v23;
	v23 =	vsub.f32 $0.0e+00, v13;
	_ =	sdelay $0x1  }
0x11a: {  	[tilespmem:v11+s20+$0x0] =	vst.idx.add.f32.msk vm10, v13  }
0x11b: {  	v13, _, _ =	vpop (xrf2);
	[tilespmem:v17+s20+$0x0] =	vst.idx.add.f32.msk vm11, v23  }
0x11c: {  	vm12 =	vmmov vm12;
	v24 =	vld [tilespmem:$0x1FFB0];
	v23, _, _ =	vpop (xrf2)  }
0x11d: {  	vm14 =	vmmov vm14;
	[tilespmem:v14+s20+$0x0] =	vst.idx.add.f32.msk vm13, v23  }
0x11e: {  	v30 =	vld [tilespmem:$0x1FFC0]  }
0x11f: {  	vm15 =	vmmov vm15;
	_ =	sdelay $0x1  }
0x120: {  	v27, _, _ =	vpop (xrf2);
	vm10 =	vnez.u8 v24  }
0x121: {  	v61 =	vsub.f32 $0.0e+00, v27;
	[tilespmem:v21+s20+$0x0] =	vst.idx.add.f32.msk vm12, v27;
	v27, _, _ =	vpop (xrf2);
	vm11 =	vmmov vm10  }
0x122: {  	s4 =	sadd.s32 $0x40, s4;
	[tilespmem:v25+s20+$0x0] =	vst.idx.add.f32.msk vm14, v27;
	vm10 =	vnez.u8 v30  }
0x123: {  	v24 =	vld [tilespmem:s4+$0x10];
	vm10 =	vmmov vm10  }
0x124: {  	[tilespmem:v20+s20+$0x0] =	vst.idx.add.f32.msk vm15, v61  }
0x125: {  	v62 =	vsub.f32 $0.0e+00, v27;
	v27 =	vld [tilespmem:s4+$0xFFFFFFE0];
	_ =	sdelay $0x1  }
0x126: {  	v23 =	vsub.f32 $0.0e+00, v23;
	[tilespmem:v57+s20+$0x0] =	vst.idx.add.f32.msk vm11, v62  }
0x127: {  	v18 =	vmul.f32 v24, v18;
	v29 =	vld [tilespmem:s4+$0xFFFFFFF0]  }
0x128: {  	[tilespmem:v15+s20+$0x0] =	vst.idx.add.f32.msk vm10, v23  }
0x129: {  	(xrf2) =	vadd.scan.msk.f32 $0xffff, v18;
	v18 =	vmul.f32 v27, v19;
	v23 =	vld [tilespmem:s4+$0x0];
	_ =	sdelay $0x1  }
0x12a: {  	[tilespmem:v3+s21+$0x0] =	vst.idx.add.f32.msk vm4, v26;
	(xrf2) =	vadd.scan.msk.f32 $0xffff, v18;
	v18 =	vsub.f32 $0.0e+00, v26  }
0x12b: {  	[tilespmem:v7+s21+$0x0] =	vst.idx.add.f32.msk vm7, v10  }
0x12c: {  	[tilespmem:v4+s21+$0x0] =	vst.idx.add.f32.msk vm5, v18;
	v4 =	vsub.f32 $0.0e+00, v10;
	v16 =	vmul.f32 v29, v16  }
0x12d: {  	[tilespmem:v6+s21+$0x0] =	vst.idx.add.f32.msk vm8, v12;
	v3 =	vmul.f32 v23, v22  }
0x12e: {  	[tilespmem:v9+s21+$0x0] =	vst.idx.add.f32.msk vm6, v4;
	v4 =	vsub.f32 $0.0e+00, v13;
	(xrf2) =	vadd.scan.msk.f32 $0xffff, v16  }
0x12f: {  	[tilespmem:v2+s21+$0x0] =	vst.idx.add.f32.msk vm2, v13;
	(xrf2) =	vadd.scan.msk.f32 $0xffff, v3;
	v3 =	vsub.f32 $0.0e+00, v12  }
0x130: {  	[tilespmem:v5+s21+$0x0] =	vst.idx.add.f32.msk vm3, v4  }
0x131: {  	[tilespmem:v8+s21+$0x0] =	vst.idx.add.f32.msk vm9, v3  }
0x132: {  	v4 =	vld [tilespmem:$0x1FFD0];
	_ =	sdelay $0x4  }
0x133: {  	vm2 =	vnez.u8 v4;
	_ =	sdelay $0x4  }
0x134: {  	v2, _, _ =	vpop (xrf2)  }
0x135: {  	[tilespmem:v11+s21+$0x0] =	vst.idx.add.f32.msk vm2, v2  }
0x136: {  	v4 =	vld [tilespmem:$0x1FFE0];
	_ =	sdelay $0x4  }
0x137: {  	vm2 =	vnez.u8 v4;
	_ =	sdelay $0x3  }
0x138: {  	v3 =	vsub.f32 $0.0e+00, v2  }
0x139: {  	v2, _, _ =	vpop (xrf2)  }
0x13a: {  	[tilespmem:v17+s21+$0x0] =	vst.idx.add.f32.msk vm2, v3;
	v3 =	vsub.f32 $0.0e+00, v2  }
0x13b: {  	[tilespmem:v21+s21+$0x0] =	vst.idx.add.f32.msk vm12, v2;
	v2, _, _ =	vpop (xrf2)  }
0x13c: {  	[tilespmem:v20+s21+$0x0] =	vst.idx.add.f32.msk vm15, v3;
	v3 =	vsub.f32 $0.0e+00, v2  }
0x13d: {  	[tilespmem:v25+s21+$0x0] =	vst.idx.add.f32.msk vm14, v2  }
0x13e: {  	[tilespmem:v57+s21+$0x0] =	vst.idx.add.f32.msk vm11, v3  }
0x13f: {  	v3 =	vld [tilespmem:$0x1FFF0];
	_ =	sdelay $0x4  }
0x140: {  	vm2 =	vnez.u8 v3;
	_ =	sdelay $0x3  }
0x141: {  	v4, _, _ =	vpop (xrf2)  }
0x142: {  	v2 =	vsub.f32 $0.0e+00, v4  }
0x143: {  	[tilespmem:v14+s21+$0x0] =	vst.idx.add.f32.msk vm2, v4  }
0x144: {  	[tilespmem:v15+s21+$0x0] =	vst.idx.add.f32.msk vm10, v2  }
0x145: {  	_ =	swait.ge [sflag:s22], $0x800  }
0x146: {  	[sflag:s22] =	ssyncset.done $0x0  }
0x147: {  	[sflag:s22] =	ssyncadd.s32 $0xFFFFF800  }
0x148: {  	_ =	swait.ge [sflag:s22], $0x800  }
0x149: {  	[sflag:s22] =	ssyncset.done $0x0  }
0x14a: {  	[sflag:s22] =	ssyncadd.s32 $0xFFFFF800  }
0x14b: {  	_ =	swait.ge [sflag:s22], $0x800  }
0x14c: {  	[sflag:s22] =	ssyncset.done $0x0  }
0x14d: {  	s4 =	sadd.s32 $0x3, s26;
	[sflag:s22] =	ssyncadd.s32 $0xFFFFF800  }
0x14e: {  	s12 =	sadd.s32 s9, s4;
	_ =	swait.ge [sflag:s22], $0x800  }
0x14f: {  	p0 =	sgt.u32 s12, $0x51D;
	[sflag:s22] =	ssyncset.done $0x0  }
0x150: {  	s12 =	sshll.u32 @p0 s12, $0xB;
	[sflag:s22] =	ssyncadd.s32 $0xFFFFF800  }
0x151: {  	s12 =	sadd.s32 @p0 $0xFFD71000, s12;
	_ =	swait.ge [sflag:s22], $0x800  }
0x152: {  	s15 =	simm.s32 @p0 $0x0;
	s12 =	sshrl.u32 @p0 s12, $0x3;
	[sflag:s22] =	ssyncset.done $0x0  }
0x153: {  	s17 =	simm.s32 @p0 $0x10000;
	s13 =	sadd.s32 @p0 s28, s12;
	[sflag:s22] =	ssyncadd.s32 $0xFFFFF800  }
0x154: {  	[tilespmem:s17], [sflag:$0x1] =	stream.linear.gather @p0 [hbm4b:s13+s15], $0x800, $0x38;
	[tilespmem:$0x17800] =	vst v63  }
0x155: {  	s13 =	sadd.s32 @p0 s29, s12;
	s17 =	simm.s32 @p0 $0x11800  }
0x156: {  	[tilespmem:s17], [sflag:$0x1] =	stream.linear.gather @p0 [hbm4b:s13+s15], $0x800, $0x38;
	[tilespmem:$0x17800] =	vst v63  }
0x157: {  	s13 =	sadd.s32 @p0 s6, s12;
	s17 =	simm.s32 @p0 $0x13000  }
0x158: {  	[tilespmem:s17], [sflag:$0x1] =	stream.linear.gather @p0 [hbm4b:s13+s15], $0x800, $0x38;
	[tilespmem:$0x17800] =	vst v63  }
0x159: {  	s4 =	sshll.u32 @!p0 s4, $0xB;
	s13 =	sadd.s32 @p0 s5, s12;
	s17 =	simm.s32 @p0 $0x14800  }
0x15a: {  	[tilespmem:s17], [sflag:$0x1] =	stream.linear.gather @p0 [hbm4b:s13+s15], $0x800, $0x38;
	[tilespmem:$0x17800] =	vst v63  }
0x15b: {  	s4 =	sadd.s32 @!p0 s8, s4;
	s12 =	sadd.s32 @p0 s30, s12;
	s13 =	simm.s32 @p0 $0x16000  }
0x15c: {  	[tilespmem:s13], [sflag:$0x1] =	stream.linear.gather @p0 [hbm4b:s12+s15], $0x800, $0x38;
	[tilespmem:$0x17800] =	vst v63  }
0x15d: {  	s17 =	simm.s32 @!p0 $0x10000;
	s12 =	sshrl.u32 @!p0 s4, $0x3  }
0x15e: {  	s15 =	simm.s32 @!p0 $0x0;
	s4 =	sshrl.u32 @!p0 s4, $0x1;
	s13 =	sadd.s32 @!p0 s1, s12  }
0x15f: {  	[tilespmem:s17], [sflag:$0x1] =	stream.linear.gather @!p0 [hbm4b:s13+s15], $0x800, $0x38;
	[tilespmem:$0x17800] =	vst v63  }
0x160: {  	s12 =	sadd.s32 @!p0 s3, s12;
	s13 =	simm.s32 @!p0 $0x11800;
	s17 =	simm.s32 @!p0 $0x13000  }
0x161: {  	[tilespmem:s13], [sflag:$0x1] =	stream.linear.gather @!p0 [hbm4b:s12+s15], $0x800, $0x38;
	[tilespmem:$0x17800] =	vst v63  }
0x162: {  	s12 =	sadd.s32 @!p0 s4, s11;
	s13 =	simm.s32 @!p0 $0x80;
	s15 =	simm.s32 @!p0 $0x200  }
0x163: {  	[tilespmem:s17], [sflag:$0x1] =	stream.strided.gather @!p0 [hbm4b:s12+s13], $0x800, s15, s13, $0x38;
	[tilespmem:$0x17800] =	vst v63  }
0x164: {  	s12 =	sadd.s32 @!p0 s4, s14;
	s17 =	simm.s32 @!p0 $0x14800  }
0x165: {  	[tilespmem:s17], [sflag:$0x1] =	stream.strided.gather @!p0 [hbm4b:s12+s13], $0x800, s15, s13, $0x38;
	[tilespmem:$0x17800] =	vst v63  }
0x166: {  	s4 =	sadd.s32 @!p0 s4, s16;
	s12 =	simm.s32 @!p0 $0x16000  }
0x167: {  	[tilespmem:s12], [sflag:$0x1] =	stream.strided.gather @!p0 [hbm4b:s4+s13], $0x800, s15, s13, $0x38;
	[tilespmem:$0x17800] =	vst v63  }
0x168: {  	s13 =	simm.s32 $0x12020  }
0x169: {  	v2 =	vld [tilespmem:s13+$0x10];
	_ =	sdelay $0x1  }
0x16a: {  	v4 =	vld [tilespmem:s13+$0xFFFFFFF0]  }
0x16b: {  	v5 =	vld [tilespmem:s13+$0x0];
	_ =	sdelay $0x1  }
0x16c: {  	s15 =	simm.s32 $0x13820  }
0x16d: {  	v6 =	vld [tilespmem:s15+$0x10]  }
0x16e: {  	v7 =	vld [tilespmem:s15+$0x0]  }
0x16f: {  	v14 =	vld.idx.msk [tilespmem:v2+s7+$0x0], $0xffff  }
0x170: {  	v2 =	vld [tilespmem:s15+$0xFFFFFFF0]  }
0x171: {  	v12 =	vld.idx.msk [tilespmem:v4+s7+$0x0], $0xffff  }
0x172: {  	s17 =	simm.s32 $0x10820;
	v10 =	vld.idx.msk [tilespmem:v5+s7+$0x0], $0xffff  }
0x173: {  	v3 =	vld [tilespmem:s17+$0x10]  }
0x174: {  	v5 =	vld [tilespmem:s13+$0xFFFFFFE0];
	v6 =	vmul.f32 v6, v14;
	_ =	sdelay $0x1  }
0x175: {  	(xrf2) =	vadd.scan.msk.f32 $0xffff, v6;
	v6 =	vmul.f32 v2, v12  }
0x176: {  	v7 =	vmul.f32 v7, v10;
	v2 =	vld [tilespmem:s17+$0x0]  }
0x177: {  	(xrf2) =	vadd.scan.msk.f32 $0xffff, v6  }
0x178: {  	v4 =	vperm.xlane v3, v1;
	(xrf2) =	vadd.scan.msk.f32 $0xffff, v7;
	_ =	sdelay $0x1  }
0x179: {  	v9 =	vld [tilespmem:s15+$0xFFFFFFE0];
	vm2 =	vne.s32 v3, v4  }
0x17a: {  	vm4 =	vmor vm2, vm0;
	v13 =	vld.idx.msk [tilespmem:v5+s7+$0x0], $0xffff;
	v5 =	vperm.xlane v2, v1  }
0x17b: {  	vm2 =	vmand vm2, vm1  }
0x17c: {  	s24 =	simm.s32 $0x13860;
	v6 =	vld [tilespmem:s17+$0xFFFFFFF0];
	vm5 =	vne.s32 v2, v5  }
0x17d: {  	v21 =	vld [tilespmem:s24+$0xFFFFFFF0];
	s13 =	simm.s32 $0x12060;
	vm3 =	vmor vm5, vm0  }
0x17e: {  	v18 =	vld [tilespmem:s13+$0x10];
	vm6 =	vmand vm5, vm1;
	v8, _, _ =	vpop (xrf2)  }
0x17f: {  	v7 =	vld [tilespmem:s17+$0xFFFFFFE0];
	v9 =	vmul.f32 v9, v13;
	v11 =	vsub.f32 $0.0e+00, v8  }
0x180: {  	[tilespmem:v3+s19+$0x0] =	vst.idx.add.f32.msk vm4, v8;
	v16, _, _ =	vpop (xrf2)  }
0x181: {  	s18 =	simm.s32 $0x15020;
	v8 =	vperm.xlane v6, v1;
	[tilespmem:v4+s19+$0x0] =	vst.idx.add.f32.msk vm2, v11;
	v17, _, _ =	vpop (xrf2);
	(xrf2) =	vadd.scan.msk.f32 $0xffff, v9  }
0x182: {  	v11 =	vld [tilespmem:s18+$0x10];
	v9 =	vsub.f32 $0.0e+00, v17  }
0x183: {  	vm5 =	vne.s32 v6, v8;
	[tilespmem:v2+s19+$0x0] =	vst.idx.add.f32.msk vm3, v17  }
0x184: {  	vm8 =	vmor vm5, vm0;
	[tilespmem:v5+s19+$0x0] =	vst.idx.add.f32.msk vm6, v9;
	v9 =	vperm.xlane v7, v1  }
0x185: {  	v19 =	vld [tilespmem:s18+$0x0]  }
0x186: {  	v15 =	vld [tilespmem:s24+$0x0];
	vm9 =	vmand vm5, vm1;
	vm5 =	vne.s32 v7, v9  }
0x187: {  	v23 =	vld [tilespmem:s24+$0x10];
	v17 =	vmul.f32 v11, v14;
	vm10 =	vmor vm5, vm0  }
0x188: {  	v22 =	vld [tilespmem:s13+$0x0];
	vm7 =	vmand vm5, vm1  }
0x189: {  	v24 =	vld [tilespmem:s13+$0xFFFFFFF0];
	(xrf2) =	vadd.scan.msk.f32 $0xffff, v17  }
0x18a: {  	[tilespmem:v6+s19+$0x0] =	vst.idx.add.f32.msk vm8, v16;
	v16 =	vsub.f32 $0.0e+00, v16;
	v19 =	vmul.f32 v19, v10  }
0x18b: {  	v18 =	vld.idx.msk [tilespmem:v18+s7+$0x0], $0xffff;
	v25, _, _ =	vpop (xrf2)  }
0x18c: {  	[tilespmem:v8+s19+$0x0] =	vst.idx.add.f32.msk vm9, v16;
	(xrf2) =	vadd.scan.msk.f32 $0xffff, v19;
	v16 =	vsub.f32 $0.0e+00, v25  }
0x18d: {  	[tilespmem:v7+s19+$0x0] =	vst.idx.add.f32.msk vm10, v25  }
0x18e: {  	[tilespmem:v9+s19+$0x0] =	vst.idx.add.f32.msk vm7, v16  }
0x18f: {  	vm4 =	vmmov vm4;
	v26 =	vld [tilespmem:s18+$0xFFFFFFE0]  }
0x190: {  	v20 =	vld [tilespmem:s24+$0xFFFFFFE0]  }
0x191: {  	v23 =	vmul.f32 v23, v18;
	vm5 =	vmmov vm2;
	v17 =	vld [tilespmem:s13+$0xFFFFFFE0]  }
0x192: {  	v22 =	vld.idx.msk [tilespmem:v22+s7+$0x0], $0xffff  }
0x193: {  	s12 =	simm.s32 $0x10860;
	v27 =	vld [tilespmem:s18+$0xFFFFFFF0];
	v16, _, _ =	vpop (xrf2);
	(xrf2) =	vadd.scan.msk.f32 $0xffff, v23  }
0x194: {  	v11 =	vld [tilespmem:s12+$0x10];
	vm2 =	vmmov vm3;
	v26 =	vmul.f32 v26, v13  }
0x195: {  	vm3 =	vmmov vm6;
	[tilespmem:v3+s20+$0x0] =	vst.idx.add.f32.msk vm4, v16;
	v19 =	vsub.f32 $0.0e+00, v16  }
0x196: {  	v16 =	vld.idx.msk [tilespmem:v24+s7+$0x0], $0xffff;
	v24, _, _ =	vpop (xrf2);
	(xrf2) =	vadd.scan.msk.f32 $0xffff, v26  }
0x197: {  	s4 =	simm.s32 $0x16820;
	[tilespmem:v4+s20+$0x0] =	vst.idx.add.f32.msk vm5, v19  }
0x198: {  	v23 =	vmul.f32 v27, v12;
	v25 =	vld [tilespmem:s4+$0x10]  }
0x199: {  	v19 =	vld.idx.msk [tilespmem:v17+s7+$0x0], $0xffff;
	v17 =	vperm.xlane v11, v1;
	v63 =	vsub.f32 $0.0e+00, v24  }
0x19a: {  	vm6 =	vmmov vm10;
	[tilespmem:v2+s20+$0x0] =	vst.idx.add.f32.msk vm2, v24;
	(xrf2) =	vadd.scan.msk.f32 $0xffff, v23  }
0x19b: {  	vm8 =	vmmov vm8;
	vm9 =	vmmov vm9;
	vm11 =	vne.s32 v11, v17;
	[tilespmem:v5+s20+$0x0] =	vst.idx.add.f32.msk vm3, v63  }
0x19c: {  	s15 =	simm.s32 $0x15060;
	s17 =	simm.s32 $0x16820;
	vm7 =	vmmov vm7;
	s18 =	simm.s32 $0x40;
	v24 =	vmul.f32 v21, v16;
	vm10 =	vmor vm11, vm0;
	v23 =	vld [tilespmem:s4+$0x0]  }
.LBB2_7:
0x19d: {  	s18 =	sadd.s32 $0x40, s18;
	v26 =	vld [tilespmem:s12+$0xFFFFFFE0];
	s24 =	sadd.s32 $0x40, s24;
	v27, _, _ =	vpop (xrf2);
	v25 =	vmul.f32 v25, v14;
	s4 =	sadd.s32 $0x40, s4;
	v14 =	vmov v18  }
0x19e: {  	v21 =	vld [tilespmem:s24+$0xFFFFFFF0];
	p0 =	slt.u32 s18, $0x7C0  }
0x19f: {  	v18 =	vmul.f32 v20, v19;
	v20 =	vmul.f32 v15, v22;
	v15 =	vld [tilespmem:s24+$0x0];
	(xrf2) =	vadd.scan.msk.f32 $0xffff, v25  }
0x1a0: {  	v25 =	vld [tilespmem:s12+$0xFFFFFFF0];
	v28, _, _ =	vpop (xrf2)  }
0x1a1: {  	[tilespmem:v7+s20+$0x0] =	vst.idx.add.f32.msk vm6, v28;
	v28 =	vsub.f32 $0.0e+00, v28;
	v23 =	vmul.f32 v23, v10;
	v10 =	vmov v22  }
0x1a2: {  	v29 =	vperm.xlane v26, v1;
	v22 =	vld [tilespmem:s12+$0x0]  }
0x1a3: {  	vm12 =	vmand vm11, vm1;
	(xrf2) =	vadd.scan.msk.f32 $0xffff, v24;
	[tilespmem:v9+s20+$0x0] =	vst.idx.add.f32.msk vm7, v28  }
0x1a4: {  	vm13 =	vne.s32 v26, v29;
	[tilespmem:v11+s19+$0x0] =	vst.idx.add.f32.msk vm10, v27;
	v24, _, _ =	vpop (xrf2)  }
0x1a5: {  	s13 =	sadd.s32 $0x40, s13;
	v28 =	vld [tilespmem:s17+$0xFFFFFFE0];
	v30 =	vsub.f32 $0.0e+00, v24  }
0x1a6: {  	v31 =	vperm.xlane v25, v1;
	(xrf2) =	vadd.scan.msk.f32 $0xffff, v20;
	[tilespmem:v6+s20+$0x0] =	vst.idx.add.f32.msk vm8, v24  }
0x1a7: {  	v20 =	vsub.f32 $0.0e+00, v27;
	[tilespmem:v8+s20+$0x0] =	vst.idx.add.f32.msk vm9, v30  }
0x1a8: {  	vm14 =	vne.s32 v25, v31;
	v24 =	vld [tilespmem:s17+$0xFFFFFFF0];
	s17 =	smov.u32 s4  }
0x1a9: {  	vm11 =	vmor vm14, vm0;
	[tilespmem:v17+s19+$0x0] =	vst.idx.add.f32.msk vm12, v20;
	(xrf2) =	vadd.scan.msk.f32 $0xffff, v18;
	v18, _, _ =	vpop (xrf2)  }
0x1aa: {  	v20 =	vmul.f32 v28, v13;
	[tilespmem:v3+s21+$0x0] =	vst.idx.add.f32.msk vm4, v18;
	v18 =	vsub.f32 $0.0e+00, v18;
	v3 =	vmovc v11;
	v13 =	vmov v19  }
0x1ab: {  	v19 =	vperm.xlane v22, v1;
	vm4 =	vmmov vm10;
	v27 =	vld [tilespmem:s15+$0x10]  }
0x1ac: {  	[tilespmem:v4+s21+$0x0] =	vst.idx.add.f32.msk vm5, v18;
	(xrf2) =	vadd.scan.msk.f32 $0xffff, v20;
	v4 =	vmov v17;
	vm5 =	vmmov vm12  }
0x1ad: {  	s12 =	sadd.s32 $0x40, s12;
	vm12 =	vne.s32 v22, v19;
	v20 =	vld [tilespmem:s24+$0xFFFFFFE0];
	v17, _, _ =	vpop (xrf2);
	v28 =	vmul.f32 v24, v12;
	v12 =	vmov v16  }
0x1ae: {  	vm10 =	vmor vm12, vm0;
	v11 =	vld [tilespmem:s12+$0x10]  }
0x1af: {  	[tilespmem:v25+s19+$0x0] =	vst.idx.add.f32.msk vm11, v17;
	(xrf2) =	vadd.scan.msk.f32 $0xffff, v28  }
0x1b0: {  	vm12 =	vmand vm12, vm1;
	v24 =	vld [tilespmem:s13+$0x0];
	v16 =	vmul.f32 v27, v14;
	v18, _, _ =	vpop (xrf2)  }
0x1b1: {  	v27 =	vld [tilespmem:s13+$0x10]  }
0x1b2: {  	v28 =	vld [tilespmem:s13+$0xFFFFFFE0];
	(xrf2) =	vadd.scan.msk.f32 $0xffff, v16  }
0x1b3: {  	vm14 =	vmand vm14, vm1;
	v16 =	vld [tilespmem:s24+$0x10];
	v30, _, _ =	vpop (xrf2)  }
0x1b4: {  	v33 =	vsub.f32 $0.0e+00, v18;
	[tilespmem:v22+s19+$0x0] =	vst.idx.add.f32.msk vm10, v18  }
0x1b5: {  	v32 =	vld [tilespmem:s13+$0xFFFFFFF0];
	(xrf2) =	vadd.scan.msk.f32 $0xffff, v23  }
0x1b6: {  	vm15 =	vmor vm13, vm0;
	[tilespmem:v19+s19+$0x0] =	vst.idx.add.f32.msk vm12, v33;
	v18, _, _ =	vpop (xrf2)  }
0x1b7: {  	vm13 =	vmand vm13, vm1;
	v33 =	vsub.f32 $0.0e+00, v17;
	v23 =	vld [tilespmem:s15+$0x0]  }
0x1b8: {  	[tilespmem:v7+s21+$0x0] =	vst.idx.add.f32.msk vm6, v18;
	v18 =	vsub.f32 $0.0e+00, v18;
	v7 =	vmov v26;
	vm6 =	vmmov vm15  }
0x1b9: {  	[tilespmem:v31+s19+$0x0] =	vst.idx.add.f32.msk vm14, v33;
	v17, _, _ =	vpop (xrf2)  }
0x1ba: {  	[tilespmem:v9+s21+$0x0] =	vst.idx.add.f32.msk vm7, v18;
	v9 =	vmov v29;
	vm7 =	vmmov vm13  }
0x1bb: {  	v18 =	vld.idx.msk [tilespmem:v27+s7+$0x0], $0xffff;
	v27 =	vsub.f32 $0.0e+00, v30  }
0x1bc: {  	[tilespmem:v26+s19+$0x0] =	vst.idx.add.f32.msk vm15, v30;
	v23 =	vmul.f32 v23, v10;
	v26, _, _ =	vpop (xrf2)  }
0x1bd: {  	[tilespmem:v29+s19+$0x0] =	vst.idx.add.f32.msk vm13, v27  }
0x1be: {  	v27 =	vld [tilespmem:s15+$0xFFFFFFE0];
	(xrf2) =	vadd.scan.msk.f32 $0xffff, v23  }
0x1bf: {  	v23 =	vsub.f32 $0.0e+00, v17;
	[tilespmem:v3+s20+$0x0] =	vst.idx.add.f32.msk vm4, v26;
	v29, _, _ =	vpop (xrf2)  }
0x1c0: {  	v26 =	vsub.f32 $0.0e+00, v26;
	[tilespmem:v6+s21+$0x0] =	vst.idx.add.f32.msk vm8, v17;
	v17 =	vsub.f32 $0.0e+00, v29;
	v6 =	vmovc v25;
	vm8 =	vmmov vm11  }
0x1c1: {  	v25 =	vmul.f32 v16, v18;
	v30 =	vld [tilespmem:s15+$0xFFFFFFF0]  }
0x1c2: {  	[tilespmem:v8+s21+$0x0] =	vst.idx.add.f32.msk vm9, v23;
	v8 =	vmov v31;
	vm9 =	vmmov vm14  }
0x1c3: {  	v16 =	vld.idx.msk [tilespmem:v32+s7+$0x0], $0xffff;
	(xrf2) =	vadd.scan.msk.f32 $0xffff, v25;
	v23 =	vmul.f32 v27, v13  }
0x1c4: {  	[tilespmem:v2+s21+$0x0] =	vst.idx.add.f32.msk vm2, v29;
	v2 =	vmov v22;
	vm2 =	vmmov vm10  }
0x1c5: {  	[tilespmem:v5+s21+$0x0] =	vst.idx.add.f32.msk vm3, v17;
	v5 =	vmov v19;
	vm3 =	vmmov vm12  }
0x1c6: {  	v27 =	vmul.f32 v30, v12;
	[tilespmem:v4+s20+$0x0] =	vst.idx.add.f32.msk vm5, v26;
	(xrf2) =	vadd.scan.msk.f32 $0xffff, v23  }
0x1c7: {  	v17 =	vperm.xlane v11, v1;
	v19 =	vld.idx.msk [tilespmem:v28+s7+$0x0], $0xffff  }
.Ltmp2:
0x1c8: {  	v25 =	vld [tilespmem:s4+$0x10];
	v23, _, _ =	vpop (xrf2);
	(pc) =	sbr.rel @p0 .LBB2_7-.Ltmp2, $4  }
0x1c9: {  	vm11 =	vne.s32 v11, v17;
	v22 =	vld.idx.msk [tilespmem:v24+s7+$0x0], $0xffff;
	v26 =	vsub.f32 $0.0e+00, v23  }
0x1ca: {  	vm10 =	vmor vm11, vm0;
	v24 =	vmul.f32 v21, v16;
	[tilespmem:v2+s20+$0x0] =	vst.idx.add.f32.msk vm2, v23;
	(xrf2) =	vadd.scan.msk.f32 $0xffff, v27  }
0x1cb: {  	[tilespmem:v5+s20+$0x0] =	vst.idx.add.f32.msk vm12, v26  }
0x1cc: {  	s15 =	sadd.s32 $0x40, s15;
	v23 =	vld [tilespmem:s4+$0x0]  }
0x1cd: {  	v14 =	vmul.f32 v25, v14;
	_ =	sdelay $0x1  }
0x1ce: {  	(xrf2) =	vadd.scan.msk.f32 $0xffff, v14;
	v14 =	vld [tilespmem:s12+$0x0]  }
0x1cf: {  	v15 =	vmul.f32 v15, v22  }
0x1d0: {  	(xrf2) =	vadd.scan.msk.f32 $0xffff, v24;
	v24, _, _ =	vpop (xrf2)  }
0x1d1: {  	(xrf2) =	vadd.scan.msk.f32 $0xffff, v15;
	v15 =	vmul.f32 v20, v19;
	v20, _, _ =	vpop (xrf2)  }
0x1d2: {  	v21 =	vld [tilespmem:s12+$0xFFFFFFE0];
	vm13 =	vmand vm11, vm1;
	v26 =	vsub.f32 $0.0e+00, v20  }
0x1d3: {  	[tilespmem:v7+s20+$0x0] =	vst.idx.add.f32.msk vm6, v20;
	v20 =	vimm.s32 $0x0;
	(xrf2) =	vadd.scan.msk.f32 $0xffff, v15;
	v15 =	vperm.xlane v14, v1  }
0x1d4: {  	v20 =	vsel vm13, $0xFFFFFFFF, v20  }
0x1d5: {  	v25 =	vld [tilespmem:s12+$0xFFFFFFF0];
	[tilespmem:$0x1FF00] =	vst v20;
	vm11 =	vne.s32 v14, v15  }
0x1d6: {  	v29 =	vimm.s32 $0x0;
	[tilespmem:v9+s20+$0x0] =	vst.idx.add.f32.msk vm7, v26;
	vm12 =	vmor vm11, vm0  }
0x1d7: {  	[tilespmem:v11+s19+$0x0] =	vst.idx.add.f32.msk vm10, v24;
	v29 =	vsel vm12, $0xFFFFFFFF, v29  }
0x1d8: {  	v20 =	vperm.xlane v21, v1;
	v26, _, _ =	vpop (xrf2);
	v27 =	vld [tilespmem:s17+$0xFFFFFFE0];
	[tilespmem:$0x1FF10] =	vst v29  }
0x1d9: {  	v28 =	vsub.f32 $0.0e+00, v26;
	vm11 =	vmand vm11, vm1;
	[tilespmem:v6+s20+$0x0] =	vst.idx.add.f32.msk vm8, v26;
	v26 =	vimm.s32 $0x0  }
0x1da: {  	vm12 =	vne.s32 v21, v20;
	v26 =	vsel vm11, $0xFFFFFFFF, v26  }
0x1db: {  	v56 =	vimm.s32 $0x0;
	vm15 =	vmor vm12, vm0;
	[tilespmem:$0x1FF40] =	vst v26  }
0x1dc: {  	v24 =	vsub.f32 $0.0e+00, v24;
	[tilespmem:v8+s20+$0x0] =	vst.idx.add.f32.msk vm9, v28;
	v28 =	vsel vm15, $0xFFFFFFFF, v56  }
0x1dd: {  	[tilespmem:$0x1FF20] =	vst v28  }
0x1de: {  	[tilespmem:v17+s19+$0x0] =	vst.idx.add.f32.msk vm13, v24  }
0x1df: {  	v33 =	vld [tilespmem:$0x1FF10];
	_ =	sdelay $0x4  }
0x1e0: {  	vm11 =	vmand vm12, vm1;
	vm12 =	vnez.u8 v33;
	_ =	sdelay $0x2  }
0x1e1: {  	v26, _, _ =	vpop (xrf2)  }
0x1e2: {  	v30, _, _ =	vpop (xrf2)  }
0x1e3: {  	v24, _, _ =	vpop (xrf2)  }
0x1e4: {  	v57 =	vperm.xlane v25, v1;
	[tilespmem:v14+s19+$0x0] =	vst.idx.add.f32.msk vm12, v24  }
0x1e5: {  	v58 =	vld [tilespmem:$0x1FF40]  }
0x1e6: {  	vm13 =	vne.s32 v25, v57  }
0x1e7: {  	vm14 =	vmor vm13, vm0  }
0x1e8: {  	vm13 =	vmand vm13, vm1;
	v32 =	vsub.f32 $0.0e+00, v24;
	v24 =	vimm.s32 $0x0  }
0x1e9: {  	v24 =	vsel vm13, $0xFFFFFFFF, v24  }
0x1ea: {  	vm12 =	vnez.u8 v58  }
0x1eb: {  	v29 =	vld [tilespmem:s17+$0xFFFFFFF0]  }
0x1ec: {  	v31 =	vld [tilespmem:s15+$0x10];
	[tilespmem:$0x1FF30] =	vst v24;
	v24, _, _ =	vpop (xrf2)  }
0x1ed: {  	[tilespmem:v25+s19+$0x0] =	vst.idx.add.f32.msk vm14, v30;
	v59 =	vsub.f32 $0.0e+00, v24  }
0x1ee: {  	[tilespmem:v21+s19+$0x0] =	vst.idx.add.f32.msk vm15, v24  }
0x1ef: {  	[tilespmem:v20+s19+$0x0] =	vst.idx.add.f32.msk vm11, v59  }
0x1f0: {  	[tilespmem:v15+s19+$0x0] =	vst.idx.add.f32.msk vm12, v32  }
0x1f1: {  	v13 =	vmul.f32 v27, v13;
	v27 =	vsub.f32 $0.0e+00, v30;
	v24 =	vld [tilespmem:s15+$0x0]  }
0x1f2: {  	v12 =	vmul.f32 v29, v12;
	v60 =	vld [tilespmem:s15+$0xFFFFFFE0]  }
0x1f3: {  	(xrf2) =	vadd.scan.msk.f32 $0xffff, v13;
	[tilespmem:v57+s19+$0x0] =	vst.idx.add.f32.msk vm13, v27  }
0x1f4: {  	v13 =	vmul.f32 v31, v18;
	(xrf2) =	vadd.scan.msk.f32 $0xffff, v12;
	v12 =	vld [tilespmem:s15+$0xFFFFFFF0]  }
0x1f5: {  	v10 =	vmul.f32 v23, v10  }
0x1f6: {  	(xrf2) =	vadd.scan.msk.f32 $0xffff, v13;
	v13 =	vmul.f32 v24, v22  }
0x1f7: {  	(xrf2) =	vadd.scan.msk.f32 $0xffff, v10;
	v10 =	vmul.f32 v60, v19  }
0x1f8: {  	(xrf2) =	vadd.scan.msk.f32 $0xffff, v13  }
0x1f9: {  	vm10 =	vmmov vm10;
	(xrf2) =	vadd.scan.msk.f32 $0xffff, v10;
	v10 =	vmul.f32 v12, v16;
	v12 =	vimm.s32 $0x0  }
0x1fa: {  	v12 =	vsel vm10, $0xFFFFFFFF, v12  }
0x1fb: {  	[tilespmem:$0x1FF50] =	vst v12;
	v12 =	vld [tilespmem:$0x1FF00]  }
0x1fc: {  	v13 =	vld [tilespmem:$0x1FF10];
	_ =	sdelay $0x3  }
0x1fd: {  	vm15 =	vmmov vm11;
	vm11 =	vnez.u8 v12  }
0x1fe: {  	vm12 =	vnez.u8 v13;
	v12 =	vimm.s32 $0x0;
	vm11 =	vmmov vm11  }
0x1ff: {  	v23 =	vld [tilespmem:$0x1FF20];
	v13 =	vimm.s32 $0x0;
	vm13 =	vmmov vm12;
	v12 =	vsel vm11, $0xFFFFFFFF, v12  }
0x200: {  	v13 =	vsel vm13, $0xFFFFFFFF, v13  }
0x201: {  	(xrf2) =	vadd.scan.msk.f32 $0xffff, v10;
	v10, _, _ =	vpop (xrf2)  }
0x202: {  	[tilespmem:$0x1FF60] =	vst v12;
	v12, _, _ =	vpop (xrf2)  }
0x203: {  	[tilespmem:$0x1FF70] =	vst v13;
	v13, _, _ =	vpop (xrf2)  }
0x204: {  	vm12 =	vnez.u8 v23;
	v23 =	vsub.f32 $0.0e+00, v13;
	_ =	sdelay $0x1  }
0x205: {  	[tilespmem:v11+s20+$0x0] =	vst.idx.add.f32.msk vm10, v13  }
0x206: {  	v13, _, _ =	vpop (xrf2);
	[tilespmem:v17+s20+$0x0] =	vst.idx.add.f32.msk vm11, v23  }
0x207: {  	vm12 =	vmmov vm12;
	v24 =	vld [tilespmem:$0x1FF30];
	v23, _, _ =	vpop (xrf2)  }
0x208: {  	vm14 =	vmmov vm14;
	[tilespmem:v14+s20+$0x0] =	vst.idx.add.f32.msk vm13, v23  }
0x209: {  	v30 =	vld [tilespmem:$0x1FF40]  }
0x20a: {  	vm15 =	vmmov vm15;
	_ =	sdelay $0x1  }
0x20b: {  	v27, _, _ =	vpop (xrf2);
	vm10 =	vnez.u8 v24  }
0x20c: {  	v61 =	vsub.f32 $0.0e+00, v27;
	[tilespmem:v21+s20+$0x0] =	vst.idx.add.f32.msk vm12, v27;
	v27, _, _ =	vpop (xrf2);
	vm11 =	vmmov vm10  }
0x20d: {  	s4 =	sadd.s32 $0x40, s4;
	[tilespmem:v25+s20+$0x0] =	vst.idx.add.f32.msk vm14, v27;
	vm10 =	vnez.u8 v30  }
0x20e: {  	v24 =	vld [tilespmem:s4+$0x10];
	vm10 =	vmmov vm10  }
0x20f: {  	[tilespmem:v20+s20+$0x0] =	vst.idx.add.f32.msk vm15, v61  }
0x210: {  	v62 =	vsub.f32 $0.0e+00, v27;
	v27 =	vld [tilespmem:s4+$0xFFFFFFE0];
	_ =	sdelay $0x1  }
0x211: {  	v23 =	vsub.f32 $0.0e+00, v23;
	[tilespmem:v57+s20+$0x0] =	vst.idx.add.f32.msk vm11, v62  }
0x212: {  	v18 =	vmul.f32 v24, v18;
	v29 =	vld [tilespmem:s4+$0xFFFFFFF0]  }
0x213: {  	[tilespmem:v15+s20+$0x0] =	vst.idx.add.f32.msk vm10, v23  }
0x214: {  	(xrf2) =	vadd.scan.msk.f32 $0xffff, v18;
	v18 =	vmul.f32 v27, v19;
	v23 =	vld [tilespmem:s4+$0x0];
	_ =	sdelay $0x1  }
0x215: {  	[tilespmem:v3+s21+$0x0] =	vst.idx.add.f32.msk vm4, v26;
	(xrf2) =	vadd.scan.msk.f32 $0xffff, v18;
	v18 =	vsub.f32 $0.0e+00, v26  }
0x216: {  	[tilespmem:v7+s21+$0x0] =	vst.idx.add.f32.msk vm6, v10  }
0x217: {  	[tilespmem:v4+s21+$0x0] =	vst.idx.add.f32.msk vm5, v18;
	v4 =	vsub.f32 $0.0e+00, v10;
	v16 =	vmul.f32 v29, v16  }
0x218: {  	[tilespmem:v6+s21+$0x0] =	vst.idx.add.f32.msk vm8, v12;
	v3 =	vmul.f32 v23, v22  }
0x219: {  	[tilespmem:v9+s21+$0x0] =	vst.idx.add.f32.msk vm7, v4;
	v4 =	vsub.f32 $0.0e+00, v13;
	(xrf2) =	vadd.scan.msk.f32 $0xffff, v16  }
0x21a: {  	[tilespmem:v2+s21+$0x0] =	vst.idx.add.f32.msk vm2, v13;
	(xrf2) =	vadd.scan.msk.f32 $0xffff, v3;
	v3 =	vsub.f32 $0.0e+00, v12  }
0x21b: {  	[tilespmem:v5+s21+$0x0] =	vst.idx.add.f32.msk vm3, v4  }
0x21c: {  	[tilespmem:v8+s21+$0x0] =	vst.idx.add.f32.msk vm9, v3  }
0x21d: {  	v4 =	vld [tilespmem:$0x1FF50];
	_ =	sdelay $0x4  }
0x21e: {  	vm2 =	vnez.u8 v4;
	_ =	sdelay $0x4  }
0x21f: {  	v2, _, _ =	vpop (xrf2)  }
0x220: {  	[tilespmem:v11+s21+$0x0] =	vst.idx.add.f32.msk vm2, v2  }
0x221: {  	v4 =	vld [tilespmem:$0x1FF60];
	_ =	sdelay $0x4  }
0x222: {  	vm2 =	vnez.u8 v4;
	_ =	sdelay $0x3  }
0x223: {  	v3 =	vsub.f32 $0.0e+00, v2  }
0x224: {  	v2, _, _ =	vpop (xrf2)  }
0x225: {  	[tilespmem:v17+s21+$0x0] =	vst.idx.add.f32.msk vm2, v3;
	v3 =	vsub.f32 $0.0e+00, v2  }
0x226: {  	[tilespmem:v21+s21+$0x0] =	vst.idx.add.f32.msk vm12, v2;
	v2, _, _ =	vpop (xrf2)  }
0x227: {  	[tilespmem:v20+s21+$0x0] =	vst.idx.add.f32.msk vm15, v3;
	v3 =	vsub.f32 $0.0e+00, v2  }
0x228: {  	[tilespmem:v25+s21+$0x0] =	vst.idx.add.f32.msk vm14, v2  }
0x229: {  	[tilespmem:v57+s21+$0x0] =	vst.idx.add.f32.msk vm11, v3  }
0x22a: {  	v3 =	vld [tilespmem:$0x1FF70];
	_ =	sdelay $0x4  }
0x22b: {  	vm2 =	vnez.u8 v3;
	_ =	sdelay $0x3  }
0x22c: {  	v4, _, _ =	vpop (xrf2)  }
0x22d: {  	v2 =	vsub.f32 $0.0e+00, v4  }
0x22e: {  	[tilespmem:v14+s21+$0x0] =	vst.idx.add.f32.msk vm2, v4  }
0x22f: {  	[tilespmem:v15+s21+$0x0] =	vst.idx.add.f32.msk vm10, v2  }
0x230: {  	_ =	swait.ge [sflag:s23], $0x800  }
0x231: {  	[sflag:s23] =	ssyncset.done $0x0  }
0x232: {  	[sflag:s23] =	ssyncadd.s32 $0xFFFFF800  }
0x233: {  	_ =	swait.ge [sflag:s23], $0x800  }
0x234: {  	[sflag:s23] =	ssyncset.done $0x0  }
0x235: {  	[sflag:s23] =	ssyncadd.s32 $0xFFFFF800  }
0x236: {  	_ =	swait.ge [sflag:s23], $0x800  }
0x237: {  	[sflag:s23] =	ssyncset.done $0x0  }
0x238: {  	s4 =	sadd.s32 $0x4, s26;
	[sflag:s23] =	ssyncadd.s32 $0xFFFFF800  }
0x239: {  	s12 =	sadd.s32 s9, s4;
	_ =	swait.ge [sflag:s23], $0x800  }
0x23a: {  	p0 =	sgt.u32 s12, $0x51D;
	[sflag:s23] =	ssyncset.done $0x0  }
0x23b: {  	s12 =	sshll.u32 @p0 s12, $0xB;
	[sflag:s23] =	ssyncadd.s32 $0xFFFFF800  }
0x23c: {  	s12 =	sadd.s32 @p0 $0xFFD71000, s12;
	_ =	swait.ge [sflag:s23], $0x800  }
0x23d: {  	s15 =	simm.s32 @p0 $0x0;
	s12 =	sshrl.u32 @p0 s12, $0x3;
	[sflag:s23] =	ssyncset.done $0x0  }
0x23e: {  	s17 =	simm.s32 @p0 $0x10800;
	s13 =	sadd.s32 @p0 s28, s12;
	[sflag:s23] =	ssyncadd.s32 $0xFFFFF800  }
0x23f: {  	[tilespmem:s17], [sflag:$0x2] =	stream.linear.gather @p0 [hbm4b:s13+s15], $0x800, $0x38;
	[tilespmem:$0x17800] =	vst v63  }
0x240: {  	s13 =	sadd.s32 @p0 s29, s12;
	s17 =	simm.s32 @p0 $0x12000  }
0x241: {  	[tilespmem:s17], [sflag:$0x2] =	stream.linear.gather @p0 [hbm4b:s13+s15], $0x800, $0x38;
	[tilespmem:$0x17800] =	vst v63  }
0x242: {  	s13 =	sadd.s32 @p0 s6, s12;
	s17 =	simm.s32 @p0 $0x13800  }
0x243: {  	[tilespmem:s17], [sflag:$0x2] =	stream.linear.gather @p0 [hbm4b:s13+s15], $0x800, $0x38;
	[tilespmem:$0x17800] =	vst v63  }
0x244: {  	s4 =	sshll.u32 @!p0 s4, $0xB;
	s13 =	sadd.s32 @p0 s5, s12;
	s17 =	simm.s32 @p0 $0x15000  }
0x245: {  	[tilespmem:s17], [sflag:$0x2] =	stream.linear.gather @p0 [hbm4b:s13+s15], $0x800, $0x38;
	[tilespmem:$0x17800] =	vst v63  }
0x246: {  	s4 =	sadd.s32 @!p0 s8, s4;
	s12 =	sadd.s32 @p0 s30, s12;
	s13 =	simm.s32 @p0 $0x16800  }
0x247: {  	[tilespmem:s13], [sflag:$0x2] =	stream.linear.gather @p0 [hbm4b:s12+s15], $0x800, $0x38;
	[tilespmem:$0x17800] =	vst v63  }
0x248: {  	s17 =	simm.s32 @!p0 $0x10800;
	s12 =	sshrl.u32 @!p0 s4, $0x3  }
0x249: {  	s15 =	simm.s32 @!p0 $0x0;
	s4 =	sshrl.u32 @!p0 s4, $0x1;
	s13 =	sadd.s32 @!p0 s1, s12  }
0x24a: {  	[tilespmem:s17], [sflag:$0x2] =	stream.linear.gather @!p0 [hbm4b:s13+s15], $0x800, $0x38;
	[tilespmem:$0x17800] =	vst v63  }
0x24b: {  	s12 =	sadd.s32 @!p0 s3, s12;
	s13 =	simm.s32 @!p0 $0x12000;
	s17 =	simm.s32 @!p0 $0x13800  }
0x24c: {  	[tilespmem:s13], [sflag:$0x2] =	stream.linear.gather @!p0 [hbm4b:s12+s15], $0x800, $0x38;
	[tilespmem:$0x17800] =	vst v63  }
0x24d: {  	s12 =	sadd.s32 @!p0 s4, s11;
	s13 =	simm.s32 @!p0 $0x80;
	s15 =	simm.s32 @!p0 $0x200  }
0x24e: {  	[tilespmem:s17], [sflag:$0x2] =	stream.strided.gather @!p0 [hbm4b:s12+s13], $0x800, s15, s13, $0x38;
	[tilespmem:$0x17800] =	vst v63  }
0x24f: {  	s12 =	sadd.s32 @!p0 s4, s14;
	s17 =	simm.s32 @!p0 $0x15000  }
0x250: {  	[tilespmem:s17], [sflag:$0x2] =	stream.strided.gather @!p0 [hbm4b:s12+s13], $0x800, s15, s13, $0x38;
	[tilespmem:$0x17800] =	vst v63  }
0x251: {  	s4 =	sadd.s32 @!p0 s4, s16;
	s12 =	simm.s32 @!p0 $0x16800;
	s17 =	simm.s32 $0x12820  }
0x252: {  	[tilespmem:s12], [sflag:$0x2] =	stream.strided.gather @!p0 [hbm4b:s4+s13], $0x800, s15, s13, $0x38;
	[tilespmem:$0x17800] =	vst v63  }
0x253: {  	v2 =	vld [tilespmem:s17+$0x10];
	_ =	sdelay $0x1  }
0x254: {  	v4 =	vld [tilespmem:s17+$0xFFFFFFF0]  }
0x255: {  	v5 =	vld [tilespmem:s17+$0x0];
	_ =	sdelay $0x1  }
0x256: {  	s18 =	simm.s32 $0x14020  }
0x257: {  	v6 =	vld [tilespmem:s18+$0x10]  }
0x258: {  	v7 =	vld [tilespmem:s18+$0x0]  }
0x259: {  	v14 =	vld.idx.msk [tilespmem:v2+s7+$0x0], $0xffff  }
0x25a: {  	v2 =	vld [tilespmem:s18+$0xFFFFFFF0]  }
0x25b: {  	v12 =	vld.idx.msk [tilespmem:v4+s7+$0x0], $0xffff  }
0x25c: {  	s24 =	simm.s32 $0x11020;
	v10 =	vld.idx.msk [tilespmem:v5+s7+$0x0], $0xffff  }
0x25d: {  	v3 =	vld [tilespmem:s24+$0x10]  }
0x25e: {  	v5 =	vld [tilespmem:s17+$0xFFFFFFE0];
	v6 =	vmul.f32 v6, v14;
	_ =	sdelay $0x1  }
0x25f: {  	(xrf2) =	vadd.scan.msk.f32 $0xffff, v6;
	v6 =	vmul.f32 v2, v12  }
0x260: {  	v7 =	vmul.f32 v7, v10;
	v2 =	vld [tilespmem:s24+$0x0]  }
0x261: {  	(xrf2) =	vadd.scan.msk.f32 $0xffff, v6  }
0x262: {  	v4 =	vperm.xlane v3, v1;
	(xrf2) =	vadd.scan.msk.f32 $0xffff, v7;
	_ =	sdelay $0x1  }
0x263: {  	v9 =	vld [tilespmem:s18+$0xFFFFFFE0];
	vm2 =	vne.s32 v3, v4  }
0x264: {  	vm4 =	vmor vm2, vm0;
	v13 =	vld.idx.msk [tilespmem:v5+s7+$0x0], $0xffff;
	v5 =	vperm.xlane v2, v1  }
0x265: {  	vm2 =	vmand vm2, vm1  }
0x266: {  	s13 =	simm.s32 $0x12860;
	v6 =	vld [tilespmem:s24+$0xFFFFFFF0];
	vm5 =	vne.s32 v2, v5  }
0x267: {  	v18 =	vld [tilespmem:s13+$0x10];
	vm3 =	vmor vm5, vm0  }
0x268: {  	v22 =	vld [tilespmem:s13+$0x0];
	vm6 =	vmand vm5, vm1;
	v8, _, _ =	vpop (xrf2)  }
0x269: {  	v7 =	vld [tilespmem:s24+$0xFFFFFFE0];
	v9 =	vmul.f32 v9, v13;
	v11 =	vsub.f32 $0.0e+00, v8  }
0x26a: {  	[tilespmem:v3+s19+$0x0] =	vst.idx.add.f32.msk vm4, v8;
	v16, _, _ =	vpop (xrf2)  }
0x26b: {  	s26 =	simm.s32 $0x15820;
	v8 =	vperm.xlane v6, v1;
	[tilespmem:v4+s19+$0x0] =	vst.idx.add.f32.msk vm2, v11;
	v17, _, _ =	vpop (xrf2);
	(xrf2) =	vadd.scan.msk.f32 $0xffff, v9  }
0x26c: {  	v11 =	vld [tilespmem:s26+$0x10];
	v9 =	vsub.f32 $0.0e+00, v17  }
0x26d: {  	vm5 =	vne.s32 v6, v8;
	[tilespmem:v2+s19+$0x0] =	vst.idx.add.f32.msk vm3, v17  }
0x26e: {  	vm8 =	vmor vm5, vm0;
	[tilespmem:v5+s19+$0x0] =	vst.idx.add.f32.msk vm6, v9;
	v9 =	vperm.xlane v7, v1  }
0x26f: {  	v19 =	vld [tilespmem:s26+$0x0]  }
0x270: {  	v24 =	vld [tilespmem:s13+$0xFFFFFFF0];
	vm9 =	vmand vm5, vm1;
	vm5 =	vne.s32 v7, v9  }
0x271: {  	v18 =	vld.idx.msk [tilespmem:v18+s7+$0x0], $0xffff;
	v17 =	vmul.f32 v11, v14;
	vm10 =	vmor vm5, vm0  }
0x272: {  	v22 =	vld.idx.msk [tilespmem:v22+s7+$0x0], $0xffff;
	s24 =	simm.s32 $0x14060;
	vm7 =	vmand vm5, vm1  }
0x273: {  	v21 =	vld [tilespmem:s24+$0xFFFFFFF0];
	(xrf2) =	vadd.scan.msk.f32 $0xffff, v17  }
0x274: {  	[tilespmem:v6+s19+$0x0] =	vst.idx.add.f32.msk vm8, v16;
	v16 =	vsub.f32 $0.0e+00, v16;
	v19 =	vmul.f32 v19, v10  }
0x275: {  	v23 =	vld [tilespmem:s24+$0x10];
	v25, _, _ =	vpop (xrf2)  }
0x276: {  	[tilespmem:v8+s19+$0x0] =	vst.idx.add.f32.msk vm9, v16;
	(xrf2) =	vadd.scan.msk.f32 $0xffff, v19;
	v16 =	vsub.f32 $0.0e+00, v25  }
0x277: {  	[tilespmem:v7+s19+$0x0] =	vst.idx.add.f32.msk vm10, v25  }
0x278: {  	[tilespmem:v9+s19+$0x0] =	vst.idx.add.f32.msk vm7, v16  }
0x279: {  	vm4 =	vmmov vm4;
	v26 =	vld [tilespmem:s26+$0xFFFFFFE0]  }
0x27a: {  	v15 =	vld [tilespmem:s24+$0x0]  }
0x27b: {  	v23 =	vmul.f32 v23, v18;
	vm5 =	vmmov vm2;
	v17 =	vld [tilespmem:s13+$0xFFFFFFE0]  }
0x27c: {  	v20 =	vld [tilespmem:s24+$0xFFFFFFE0]  }
0x27d: {  	s12 =	simm.s32 $0x11060;
	v27 =	vld [tilespmem:s26+$0xFFFFFFF0];
	v16, _, _ =	vpop (xrf2);
	(xrf2) =	vadd.scan.msk.f32 $0xffff, v23  }
0x27e: {  	v11 =	vld [tilespmem:s12+$0x10];
	vm2 =	vmmov vm3;
	v26 =	vmul.f32 v26, v13  }
0x27f: {  	vm3 =	vmmov vm6;
	[tilespmem:v3+s20+$0x0] =	vst.idx.add.f32.msk vm4, v16;
	v19 =	vsub.f32 $0.0e+00, v16  }
0x280: {  	v16 =	vld.idx.msk [tilespmem:v24+s7+$0x0], $0xffff;
	v24, _, _ =	vpop (xrf2);
	(xrf2) =	vadd.scan.msk.f32 $0xffff, v26  }
0x281: {  	s4 =	simm.s32 $0x17020;
	[tilespmem:v4+s20+$0x0] =	vst.idx.add.f32.msk vm5, v19  }
0x282: {  	v23 =	vmul.f32 v27, v12;
	v25 =	vld [tilespmem:s4+$0x10]  }
0x283: {  	v19 =	vld.idx.msk [tilespmem:v17+s7+$0x0], $0xffff;
	v17 =	vperm.xlane v11, v1;
	v63 =	vsub.f32 $0.0e+00, v24  }
0x284: {  	vm6 =	vmmov vm10;
	[tilespmem:v2+s20+$0x0] =	vst.idx.add.f32.msk vm2, v24;
	(xrf2) =	vadd.scan.msk.f32 $0xffff, v23  }
0x285: {  	vm8 =	vmmov vm8;
	vm9 =	vmmov vm9;
	vm11 =	vne.s32 v11, v17;
	[tilespmem:v5+s20+$0x0] =	vst.idx.add.f32.msk vm3, v63  }
0x286: {  	s15 =	simm.s32 $0x15860;
	s18 =	simm.s32 $0x40;
	s17 =	simm.s32 $0x17020;
	vm7 =	vmmov vm7;
	v24 =	vmul.f32 v21, v16;
	vm10 =	vmor vm11, vm0;
	v23 =	vld [tilespmem:s4+$0x0]  }
.LBB2_9:
0x287: {  	s18 =	sadd.s32 $0x40, s18;
	v26 =	vld [tilespmem:s12+$0xFFFFFFE0];
	s24 =	sadd.s32 $0x40, s24;
	v27, _, _ =	vpop (xrf2);
	v25 =	vmul.f32 v25, v14;
	s4 =	sadd.s32 $0x40, s4;
	v14 =	vmov v18  }
0x288: {  	v21 =	vld [tilespmem:s24+$0xFFFFFFF0];
	p0 =	slt.u32 s18, $0x7C0  }
0x289: {  	v18 =	vmul.f32 v20, v19;
	v20 =	vmul.f32 v15, v22;
	v15 =	vld [tilespmem:s24+$0x0];
	(xrf2) =	vadd.scan.msk.f32 $0xffff, v25  }
0x28a: {  	v25 =	vld [tilespmem:s12+$0xFFFFFFF0];
	v28, _, _ =	vpop (xrf2)  }
0x28b: {  	[tilespmem:v7+s20+$0x0] =	vst.idx.add.f32.msk vm6, v28;
	v28 =	vsub.f32 $0.0e+00, v28;
	v23 =	vmul.f32 v23, v10;
	v10 =	vmov v22  }
0x28c: {  	v29 =	vperm.xlane v26, v1;
	v22 =	vld [tilespmem:s12+$0x0]  }
0x28d: {  	vm12 =	vmand vm11, vm1;
	(xrf2) =	vadd.scan.msk.f32 $0xffff, v24;
	[tilespmem:v9+s20+$0x0] =	vst.idx.add.f32.msk vm7, v28  }
0x28e: {  	vm13 =	vne.s32 v26, v29;
	[tilespmem:v11+s19+$0x0] =	vst.idx.add.f32.msk vm10, v27;
	v24, _, _ =	vpop (xrf2)  }
0x28f: {  	s13 =	sadd.s32 $0x40, s13;
	v28 =	vld [tilespmem:s17+$0xFFFFFFE0];
	v30 =	vsub.f32 $0.0e+00, v24  }
0x290: {  	v31 =	vperm.xlane v25, v1;
	(xrf2) =	vadd.scan.msk.f32 $0xffff, v20;
	[tilespmem:v6+s20+$0x0] =	vst.idx.add.f32.msk vm8, v24  }
0x291: {  	v20 =	vsub.f32 $0.0e+00, v27;
	[tilespmem:v8+s20+$0x0] =	vst.idx.add.f32.msk vm9, v30  }
0x292: {  	vm14 =	vne.s32 v25, v31;
	v24 =	vld [tilespmem:s17+$0xFFFFFFF0];
	s17 =	smov.u32 s4  }
0x293: {  	vm11 =	vmor vm14, vm0;
	[tilespmem:v17+s19+$0x0] =	vst.idx.add.f32.msk vm12, v20;
	(xrf2) =	vadd.scan.msk.f32 $0xffff, v18;
	v18, _, _ =	vpop (xrf2)  }
0x294: {  	v20 =	vmul.f32 v28, v13;
	[tilespmem:v3+s21+$0x0] =	vst.idx.add.f32.msk vm4, v18;
	v18 =	vsub.f32 $0.0e+00, v18;
	v3 =	vmovc v11;
	v13 =	vmov v19  }
0x295: {  	v19 =	vperm.xlane v22, v1;
	vm4 =	vmmov vm10;
	v27 =	vld [tilespmem:s15+$0x10]  }
0x296: {  	[tilespmem:v4+s21+$0x0] =	vst.idx.add.f32.msk vm5, v18;
	(xrf2) =	vadd.scan.msk.f32 $0xffff, v20;
	v4 =	vmov v17;
	vm5 =	vmmov vm12  }
0x297: {  	s12 =	sadd.s32 $0x40, s12;
	vm12 =	vne.s32 v22, v19;
	v20 =	vld [tilespmem:s24+$0xFFFFFFE0];
	v17, _, _ =	vpop (xrf2);
	v28 =	vmul.f32 v24, v12;
	v12 =	vmov v16  }
0x298: {  	vm10 =	vmor vm12, vm0;
	v11 =	vld [tilespmem:s12+$0x10]  }
0x299: {  	[tilespmem:v25+s19+$0x0] =	vst.idx.add.f32.msk vm11, v17;
	(xrf2) =	vadd.scan.msk.f32 $0xffff, v28  }
0x29a: {  	vm12 =	vmand vm12, vm1;
	v24 =	vld [tilespmem:s13+$0x0];
	v16 =	vmul.f32 v27, v14;
	v18, _, _ =	vpop (xrf2)  }
0x29b: {  	v27 =	vld [tilespmem:s13+$0x10]  }
0x29c: {  	v28 =	vld [tilespmem:s13+$0xFFFFFFE0];
	(xrf2) =	vadd.scan.msk.f32 $0xffff, v16  }
0x29d: {  	vm14 =	vmand vm14, vm1;
	v16 =	vld [tilespmem:s24+$0x10];
	v30, _, _ =	vpop (xrf2)  }
0x29e: {  	v33 =	vsub.f32 $0.0e+00, v18;
	[tilespmem:v22+s19+$0x0] =	vst.idx.add.f32.msk vm10, v18  }
0x29f: {  	v32 =	vld [tilespmem:s13+$0xFFFFFFF0];
	(xrf2) =	vadd.scan.msk.f32 $0xffff, v23  }
0x2a0: {  	vm15 =	vmor vm13, vm0;
	[tilespmem:v19+s19+$0x0] =	vst.idx.add.f32.msk vm12, v33;
	v18, _, _ =	vpop (xrf2)  }
0x2a1: {  	vm13 =	vmand vm13, vm1;
	v33 =	vsub.f32 $0.0e+00, v17;
	v23 =	vld [tilespmem:s15+$0x0]  }
0x2a2: {  	[tilespmem:v7+s21+$0x0] =	vst.idx.add.f32.msk vm6, v18;
	v18 =	vsub.f32 $0.0e+00, v18;
	v7 =	vmov v26;
	vm6 =	vmmov vm15  }
0x2a3: {  	[tilespmem:v31+s19+$0x0] =	vst.idx.add.f32.msk vm14, v33;
	v17, _, _ =	vpop (xrf2)  }
0x2a4: {  	[tilespmem:v9+s21+$0x0] =	vst.idx.add.f32.msk vm7, v18;
	v9 =	vmov v29;
	vm7 =	vmmov vm13  }
0x2a5: {  	v18 =	vld.idx.msk [tilespmem:v27+s7+$0x0], $0xffff;
	v27 =	vsub.f32 $0.0e+00, v30  }
0x2a6: {  	[tilespmem:v26+s19+$0x0] =	vst.idx.add.f32.msk vm15, v30;
	v23 =	vmul.f32 v23, v10;
	v26, _, _ =	vpop (xrf2)  }
0x2a7: {  	[tilespmem:v29+s19+$0x0] =	vst.idx.add.f32.msk vm13, v27  }
0x2a8: {  	v27 =	vld [tilespmem:s15+$0xFFFFFFE0];
	(xrf2) =	vadd.scan.msk.f32 $0xffff, v23  }
0x2a9: {  	v23 =	vsub.f32 $0.0e+00, v17;
	[tilespmem:v3+s20+$0x0] =	vst.idx.add.f32.msk vm4, v26;
	v29, _, _ =	vpop (xrf2)  }
0x2aa: {  	v26 =	vsub.f32 $0.0e+00, v26;
	[tilespmem:v6+s21+$0x0] =	vst.idx.add.f32.msk vm8, v17;
	v17 =	vsub.f32 $0.0e+00, v29;
	v6 =	vmovc v25;
	vm8 =	vmmov vm11  }
0x2ab: {  	v25 =	vmul.f32 v16, v18;
	v30 =	vld [tilespmem:s15+$0xFFFFFFF0]  }
0x2ac: {  	[tilespmem:v8+s21+$0x0] =	vst.idx.add.f32.msk vm9, v23;
	v8 =	vmov v31;
	vm9 =	vmmov vm14  }
0x2ad: {  	v16 =	vld.idx.msk [tilespmem:v32+s7+$0x0], $0xffff;
	(xrf2) =	vadd.scan.msk.f32 $0xffff, v25;
	v23 =	vmul.f32 v27, v13  }
0x2ae: {  	[tilespmem:v2+s21+$0x0] =	vst.idx.add.f32.msk vm2, v29;
	v2 =	vmov v22;
	vm2 =	vmmov vm10  }
0x2af: {  	[tilespmem:v5+s21+$0x0] =	vst.idx.add.f32.msk vm3, v17;
	v5 =	vmov v19;
	vm3 =	vmmov vm12  }
0x2b0: {  	v27 =	vmul.f32 v30, v12;
	[tilespmem:v4+s20+$0x0] =	vst.idx.add.f32.msk vm5, v26;
	(xrf2) =	vadd.scan.msk.f32 $0xffff, v23  }
0x2b1: {  	v17 =	vperm.xlane v11, v1;
	v19 =	vld.idx.msk [tilespmem:v28+s7+$0x0], $0xffff  }
.Ltmp3:
0x2b2: {  	v25 =	vld [tilespmem:s4+$0x10];
	v23, _, _ =	vpop (xrf2);
	(pc) =	sbr.rel @p0 .LBB2_9-.Ltmp3, $4  }
0x2b3: {  	vm11 =	vne.s32 v11, v17;
	v22 =	vld.idx.msk [tilespmem:v24+s7+$0x0], $0xffff;
	v26 =	vsub.f32 $0.0e+00, v23  }
0x2b4: {  	vm10 =	vmor vm11, vm0;
	v24 =	vmul.f32 v21, v16;
	[tilespmem:v2+s20+$0x0] =	vst.idx.add.f32.msk vm2, v23;
	(xrf2) =	vadd.scan.msk.f32 $0xffff, v27  }
0x2b5: {  	[tilespmem:v5+s20+$0x0] =	vst.idx.add.f32.msk vm12, v26  }
0x2b6: {  	s15 =	sadd.s32 $0x40, s15;
	v23 =	vld [tilespmem:s4+$0x0]  }
0x2b7: {  	v14 =	vmul.f32 v25, v14;
	_ =	sdelay $0x1  }
0x2b8: {  	(xrf2) =	vadd.scan.msk.f32 $0xffff, v14;
	v14 =	vld [tilespmem:s12+$0x0];
	_ =	sdelay $0x2  }
0x2b9: {  	v15 =	vmul.f32 v15, v22  }
0x2ba: {  	v21 =	vld [tilespmem:s12+$0xFFFFFFE0];
	v49, _, _ =	vpop (xrf2);
	(xrf2) =	vadd.scan.msk.f32 $0xffff, v24  }
0x2bb: {  	vm13 =	vmand vm11, vm1;
	v52 =	vimm.s32 $0x0;
	v51, _, _ =	vpop (xrf2);
	(xrf2) =	vadd.scan.msk.f32 $0xffff, v15;
	v15 =	vperm.xlane v14, v1  }
0x2bc: {  	v50 =	vmul.f32 v20, v19;
	v20 =	vsel vm13, $0xFFFFFFFF, v52;
	v26 =	vsub.f32 $0.0e+00, v51;
	[tilespmem:v7+s20+$0x0] =	vst.idx.add.f32.msk vm6, v51  }
0x2bd: {  	v25 =	vld [tilespmem:s12+$0xFFFFFFF0];
	[tilespmem:$0x1FE80] =	vst v20;
	vm11 =	vne.s32 v14, v15  }
0x2be: {  	v29 =	vimm.s32 $0x0;
	[tilespmem:v9+s20+$0x0] =	vst.idx.add.f32.msk vm7, v26;
	vm12 =	vmor vm11, vm0  }
0x2bf: {  	v20 =	vperm.xlane v21, v1;
	[tilespmem:v11+s19+$0x0] =	vst.idx.add.f32.msk vm10, v49;
	v29 =	vsel vm12, $0xFFFFFFFF, v29  }
0x2c0: {  	v54 =	vimm.s32 $0x0;
	v53, _, _ =	vpop (xrf2);
	v27 =	vld [tilespmem:s17+$0xFFFFFFE0];
	vm11 =	vmand vm11, vm1;
	[tilespmem:$0x1FE90] =	vst v29  }
0x2c1: {  	v28 =	vsub.f32 $0.0e+00, v53;
	vm12 =	vne.s32 v21, v20;
	v26 =	vsel vm11, $0xFFFFFFFF, v54;
	[tilespmem:v6+s20+$0x0] =	vst.idx.add.f32.msk vm8, v53  }
0x2c2: {  	v55 =	vimm.s32 $0x0;
	vm15 =	vmor vm12, vm0;
	[tilespmem:$0x1FEC0] =	vst v26  }
0x2c3: {  	v24 =	vsub.f32 $0.0e+00, v49;
	[tilespmem:v8+s20+$0x0] =	vst.idx.add.f32.msk vm9, v28;
	v28 =	vsel vm15, $0xFFFFFFFF, v55  }
0x2c4: {  	[tilespmem:$0x1FEA0] =	vst v28  }
0x2c5: {  	[tilespmem:v17+s19+$0x0] =	vst.idx.add.f32.msk vm13, v24  }
0x2c6: {  	v33 =	vld [tilespmem:$0x1FE90];
	_ =	sdelay $0x4  }
0x2c7: {  	vm11 =	vmand vm12, vm1;
	vm12 =	vnez.u8 v33;
	_ =	sdelay $0x2  }
0x2c8: {  	v26, _, _ =	vpop (xrf2)  }
0x2c9: {  	v30, _, _ =	vpop (xrf2)  }
0x2ca: {  	v56, _, _ =	vpop (xrf2)  }
0x2cb: {  	(xrf2) =	vadd.scan.msk.f32 $0xffff, v50;
	[tilespmem:v14+s19+$0x0] =	vst.idx.add.f32.msk vm12, v56  }
0x2cc: {  	v59 =	vld [tilespmem:$0x1FEC0];
	_ =	sdelay $0x3  }
0x2cd: {  	v28 =	vperm.xlane v25, v1  }
0x2ce: {  	vm12 =	vnez.u8 v59  }
0x2cf: {  	vm13 =	vne.s32 v25, v28  }
0x2d0: {  	v57 =	vimm.s32 $0x0;
	v29 =	vld [tilespmem:s17+$0xFFFFFFF0];
	vm14 =	vmor vm13, vm0;
	vm13 =	vmand vm13, vm1  }
0x2d1: {  	v31 =	vld [tilespmem:s15+$0x10];
	v24 =	vsel vm13, $0xFFFFFFFF, v57  }
0x2d2: {  	v32 =	vsub.f32 $0.0e+00, v56;
	v58, _, _ =	vpop (xrf2);
	[tilespmem:$0x1FEB0] =	vst v24  }
0x2d3: {  	[tilespmem:v21+s19+$0x0] =	vst.idx.add.f32.msk vm15, v58  }
0x2d4: {  	v13 =	vmul.f32 v27, v13;
	[tilespmem:v15+s19+$0x0] =	vst.idx.add.f32.msk vm12, v32  }
0x2d5: {  	v60 =	vsub.f32 $0.0e+00, v58;
	v12 =	vmul.f32 v29, v12;
	v61 =	vld [tilespmem:s15+$0x0]  }
0x2d6: {  	(xrf2) =	vadd.scan.msk.f32 $0xffff, v13;
	v62 =	vsub.f32 $0.0e+00, v30;
	[tilespmem:v25+s19+$0x0] =	vst.idx.add.f32.msk vm14, v30;
	v32 =	vmul.f32 v31, v18  }
0x2d7: {  	(xrf2) =	vadd.scan.msk.f32 $0xffff, v12;
	[tilespmem:v20+s19+$0x0] =	vst.idx.add.f32.msk vm11, v60  }
0x2d8: {  	[tilespmem:v28+s19+$0x0] =	vst.idx.add.f32.msk vm13, v62;
	(xrf2) =	vadd.scan.msk.f32 $0xffff, v32  }
0x2d9: {  	v10 =	vmul.f32 v23, v10;
	v38 =	vld [tilespmem:$0x1FE80]  }
0x2da: {  	v34 =	vmul.f32 v61, v22  }
0x2db: {  	v42 =	vld [tilespmem:$0x1FE90];
	(xrf2) =	vadd.scan.msk.f32 $0xffff, v10  }
0x2dc: {  	v63 =	vld [tilespmem:s15+$0xFFFFFFE0];
	(xrf2) =	vadd.scan.msk.f32 $0xffff, v34  }
0x2dd: {  	v33 =	vld [tilespmem:s15+$0xFFFFFFF0]  }
0x2de: {  	v37 =	vimm.s32 $0x0;
	vm10 =	vmmov vm10;
	vm12 =	vnez.u8 v38  }
0x2df: {  	v39 =	vimm.s32 $0x0;
	vm15 =	vmmov vm11;
	vm11 =	vmmov vm12  }
0x2e0: {  	v43 =	vimm.s32 $0x0;
	v12 =	vsel vm10, $0xFFFFFFFF, v37;
	v40, _, _ =	vpop (xrf2);
	vm12 =	vnez.u8 v42  }
0x2e1: {  	v41, _, _ =	vpop (xrf2);
	v35 =	vmul.f32 v63, v19;
	[tilespmem:$0x1FED0] =	vst v12;
	v12 =	vsel vm11, $0xFFFFFFFF, v39;
	vm13 =	vmmov vm12  }
0x2e2: {  	v36 =	vmul.f32 v33, v16;
	v45 =	vld [tilespmem:$0x1FEA0];
	[tilespmem:$0x1FEE0] =	vst v12;
	v13 =	vsel vm13, $0xFFFFFFFF, v43;
	v44, _, _ =	vpop (xrf2)  }
0x2e3: {  	(xrf2) =	vadd.scan.msk.f32 $0xffff, v35;
	[tilespmem:$0x1FEF0] =	vst v13;
	v46 =	vsub.f32 $0.0e+00, v44  }
0x2e4: {  	(xrf2) =	vadd.scan.msk.f32 $0xffff, v36;
	[tilespmem:v11+s20+$0x0] =	vst.idx.add.f32.msk vm10, v44  }
0x2e5: {  	v47, _, _ =	vpop (xrf2);
	[tilespmem:v17+s20+$0x0] =	vst.idx.add.f32.msk vm11, v46  }
0x2e6: {  	v49 =	vld [tilespmem:$0x1FEB0];
	v48, _, _ =	vpop (xrf2)  }
0x2e7: {  	vm12 =	vnez.u8 v45;
	[tilespmem:v14+s20+$0x0] =	vst.idx.add.f32.msk vm13, v48  }
0x2e8: {  	vm12 =	vmmov vm12;
	v30 =	vld [tilespmem:$0x1FEC0]  }
0x2e9: {  	vm14 =	vmmov vm14  }
0x2ea: {  	vm15 =	vmmov vm15  }
0x2eb: {  	vm10 =	vnez.u8 v49  }
0x2ec: {  	s4 =	sadd.s32 $0x40, s4;
	vm11 =	vmmov vm10  }
0x2ed: {  	v50 =	vld [tilespmem:s4+$0x10];
	v51, _, _ =	vpop (xrf2);
	vm13 =	vnez.u8 v30  }
0x2ee: {  	v52 =	vsub.f32 $0.0e+00, v51;
	[tilespmem:v21+s20+$0x0] =	vst.idx.add.f32.msk vm12, v51;
	v53, _, _ =	vpop (xrf2);
	vm10 =	vmmov vm13  }
0x2ef: {  	[tilespmem:v25+s20+$0x0] =	vst.idx.add.f32.msk vm14, v53  }
0x2f0: {  	v54 =	vsub.f32 $0.0e+00, v53;
	[tilespmem:v20+s20+$0x0] =	vst.idx.add.f32.msk vm15, v52  }
0x2f1: {  	v55 =	vld [tilespmem:s4+$0xFFFFFFE0]  }
0x2f2: {  	v23 =	vsub.f32 $0.0e+00, v48;
	[tilespmem:v28+s20+$0x0] =	vst.idx.add.f32.msk vm11, v54  }
0x2f3: {  	v29 =	vld [tilespmem:s4+$0xFFFFFFF0]  }
0x2f4: {  	[tilespmem:v15+s20+$0x0] =	vst.idx.add.f32.msk vm10, v23  }
0x2f5: {  	v23 =	vld [tilespmem:s4+$0x0];
	_ =	sdelay $0x1  }
0x2f6: {  	[tilespmem:v3+s21+$0x0] =	vst.idx.add.f32.msk vm4, v26;
	v56 =	vmul.f32 v50, v18  }
0x2f7: {  	[tilespmem:v7+s21+$0x0] =	vst.idx.add.f32.msk vm6, v40;
	v57 =	vmul.f32 v55, v19  }
0x2f8: {  	v59 =	vsub.f32 $0.0e+00, v26;
	[tilespmem:v6+s21+$0x0] =	vst.idx.add.f32.msk vm8, v41;
	(xrf2) =	vadd.scan.msk.f32 $0xffff, v56;
	v58 =	vmul.f32 v29, v16  }
0x2f9: {  	v60 =	vsub.f32 $0.0e+00, v40;
	[tilespmem:v2+s21+$0x0] =	vst.idx.add.f32.msk vm2, v47;
	(xrf2) =	vadd.scan.msk.f32 $0xffff, v57;
	v3 =	vmul.f32 v23, v22  }
0x2fa: {  	v61 =	vsub.f32 $0.0e+00, v47;
	[tilespmem:v4+s21+$0x0] =	vst.idx.add.f32.msk vm5, v59;
	(xrf2) =	vadd.scan.msk.f32 $0xffff, v58  }
0x2fb: {  	[tilespmem:v9+s21+$0x0] =	vst.idx.add.f32.msk vm7, v60;
	(xrf2) =	vadd.scan.msk.f32 $0xffff, v3;
	v3 =	vsub.f32 $0.0e+00, v41  }
0x2fc: {  	[tilespmem:v5+s21+$0x0] =	vst.idx.add.f32.msk vm3, v61  }
0x2fd: {  	[tilespmem:v8+s21+$0x0] =	vst.idx.add.f32.msk vm9, v3  }
0x2fe: {  	v4 =	vld [tilespmem:$0x1FED0];
	_ =	sdelay $0x4  }
0x2ff: {  	vm2 =	vnez.u8 v4;
	_ =	sdelay $0x4  }
0x300: {  	v2, _, _ =	vpop (xrf2)  }
0x301: {  	[tilespmem:v11+s21+$0x0] =	vst.idx.add.f32.msk vm2, v2  }
0x302: {  	v62 =	vld [tilespmem:$0x1FEE0];
	_ =	sdelay $0x4  }
0x303: {  	vm2 =	vnez.u8 v62;
	_ =	sdelay $0x3  }
0x304: {  	v3 =	vsub.f32 $0.0e+00, v2  }
0x305: {  	v2, _, _ =	vpop (xrf2)  }
0x306: {  	[tilespmem:v17+s21+$0x0] =	vst.idx.add.f32.msk vm2, v3;
	v3 =	vsub.f32 $0.0e+00, v2  }
0x307: {  	[tilespmem:v21+s21+$0x0] =	vst.idx.add.f32.msk vm12, v2;
	v2, _, _ =	vpop (xrf2)  }
0x308: {  	[tilespmem:v20+s21+$0x0] =	vst.idx.add.f32.msk vm15, v3;
	v3 =	vsub.f32 $0.0e+00, v2  }
0x309: {  	[tilespmem:v25+s21+$0x0] =	vst.idx.add.f32.msk vm14, v2  }
0x30a: {  	[tilespmem:v28+s21+$0x0] =	vst.idx.add.f32.msk vm11, v3  }
0x30b: {  	v3 =	vld [tilespmem:$0x1FEF0];
	_ =	sdelay $0x4  }
0x30c: {  	vm2 =	vnez.u8 v3  }
0x30d: {  	s25 =	sadd.s32 $0x1, s25  }
0x30e: {  	p0 =	sne.s32 s25, $0xD  }
.Ltmp4:
0x30f: {  	_ = 	snop;
	(pc) =	sbr.rel @p0 .LBB2_4-.Ltmp4, $4  }
0x310: {  	v63, _, _ =	vpop (xrf2)  }
0x311: {  	v2 =	vsub.f32 $0.0e+00, v63  }
0x312: {  	[tilespmem:v14+s21+$0x0] =	vst.idx.add.f32.msk vm2, v63  }
0x313: {  	[tilespmem:v15+s21+$0x0] =	vst.idx.add.f32.msk vm10, v2  }
0x314: {  	_ =	swait.ge [sflag:s10], $0x800  }
0x315: {  	[sflag:s10] =	ssyncset.done $0x0  }
0x316: {  	[sflag:s10] =	ssyncadd.s32 $0xFFFFF800  }
0x317: {  	_ =	swait.ge [sflag:s10], $0x800  }
0x318: {  	[sflag:s10] =	ssyncset.done $0x0  }
0x319: {  	[sflag:s10] =	ssyncadd.s32 $0xFFFFF800  }
0x31a: {  	_ =	swait.ge [sflag:s10], $0x800  }
0x31b: {  	[sflag:s10] =	ssyncset.done $0x0  }
0x31c: {  	[sflag:s10] =	ssyncadd.s32 $0xFFFFF800  }
0x31d: {  	_ =	swait.ge [sflag:s10], $0x800  }
0x31e: {  	[sflag:s10] =	ssyncset.done $0x0  }
0x31f: {  	[sflag:s10] =	ssyncadd.s32 $0xFFFFF800  }
0x320: {  	_ =	swait.ge [sflag:s10], $0x800  }
0x321: {  	[sflag:s10] =	ssyncset.done $0x0  }
0x322: {  	s4 =	simm.s32 $0x11820;
	[sflag:s10] =	ssyncadd.s32 $0xFFFFF800  }
0x323: {  	v2 =	vld [tilespmem:s4+$0x10];
	_ =	sdelay $0x1  }
0x324: {  	v4 =	vld [tilespmem:s4+$0xFFFFFFF0]  }
0x325: {  	v5 =	vld [tilespmem:s4+$0x0];
	_ =	sdelay $0x1  }
0x326: {  	s12 =	simm.s32 $0x13020  }
0x327: {  	v6 =	vld [tilespmem:s12+$0x10]  }
0x328: {  	v7 =	vld [tilespmem:s12+$0x0]  }
0x329: {  	v14 =	vld.idx.msk [tilespmem:v2+s7+$0x0], $0xffff  }
0x32a: {  	v2 =	vld [tilespmem:s12+$0xFFFFFFF0]  }
0x32b: {  	v12 =	vld.idx.msk [tilespmem:v4+s7+$0x0], $0xffff  }
0x32c: {  	s13 =	simm.s32 $0x10020;
	v10 =	vld.idx.msk [tilespmem:v5+s7+$0x0], $0xffff  }
0x32d: {  	v3 =	vld [tilespmem:s13+$0x10]  }
0x32e: {  	v5 =	vld [tilespmem:s4+$0xFFFFFFE0];
	v6 =	vmul.f32 v6, v14;
	_ =	sdelay $0x1  }
0x32f: {  	(xrf2) =	vadd.scan.msk.f32 $0xffff, v6;
	v6 =	vmul.f32 v2, v12  }
0x330: {  	v7 =	vmul.f32 v7, v10;
	v2 =	vld [tilespmem:s13+$0x0]  }
0x331: {  	(xrf2) =	vadd.scan.msk.f32 $0xffff, v6  }
0x332: {  	v4 =	vperm.xlane v3, v1;
	(xrf2) =	vadd.scan.msk.f32 $0xffff, v7;
	_ =	sdelay $0x1  }
0x333: {  	v9 =	vld [tilespmem:s12+$0xFFFFFFE0];
	vm2 =	vne.s32 v3, v4  }
0x334: {  	vm3 =	vmor vm2, vm0;
	v13 =	vld.idx.msk [tilespmem:v5+s7+$0x0], $0xffff;
	v5 =	vperm.xlane v2, v1  }
0x335: {  	vm2 =	vmand vm2, vm1  }
0x336: {  	s24 =	simm.s32 $0x13060;
	v6 =	vld [tilespmem:s13+$0xFFFFFFF0];
	vm4 =	vne.s32 v2, v5  }
0x337: {  	v21 =	vld [tilespmem:s24+$0xFFFFFFF0];
	vm6 =	vmor vm4, vm0  }
0x338: {  	v7 =	vld [tilespmem:s13+$0xFFFFFFE0];
	s13 =	simm.s32 $0x11860;
	vm7 =	vmand vm4, vm1;
	v8, _, _ =	vpop (xrf2)  }
0x339: {  	v18 =	vld [tilespmem:s13+$0x10];
	v9 =	vmul.f32 v9, v13;
	v11 =	vsub.f32 $0.0e+00, v8  }
0x33a: {  	[tilespmem:v3+s19+$0x0] =	vst.idx.add.f32.msk vm3, v8;
	v16, _, _ =	vpop (xrf2)  }
0x33b: {  	s26 =	simm.s32 $0x14820;
	v8 =	vperm.xlane v6, v1;
	[tilespmem:v4+s19+$0x0] =	vst.idx.add.f32.msk vm2, v11;
	v17, _, _ =	vpop (xrf2);
	(xrf2) =	vadd.scan.msk.f32 $0xffff, v9  }
0x33c: {  	v11 =	vld [tilespmem:s26+$0x10];
	v9 =	vsub.f32 $0.0e+00, v17  }
0x33d: {  	vm4 =	vne.s32 v6, v8;
	[tilespmem:v2+s19+$0x0] =	vst.idx.add.f32.msk vm6, v17  }
0x33e: {  	vm8 =	vmor vm4, vm0;
	[tilespmem:v5+s19+$0x0] =	vst.idx.add.f32.msk vm7, v9;
	v9 =	vperm.xlane v7, v1  }
0x33f: {  	v19 =	vld [tilespmem:s26+$0x0]  }
0x340: {  	v15 =	vld [tilespmem:s24+$0x0];
	vm9 =	vmand vm4, vm1;
	vm4 =	vne.s32 v7, v9  }
0x341: {  	v23 =	vld [tilespmem:s24+$0x10];
	v17 =	vmul.f32 v11, v14;
	vm10 =	vmor vm4, vm0  }
0x342: {  	v24 =	vld [tilespmem:s13+$0xFFFFFFF0];
	vm11 =	vmand vm4, vm1  }
0x343: {  	v18 =	vld.idx.msk [tilespmem:v18+s7+$0x0], $0xffff;
	(xrf2) =	vadd.scan.msk.f32 $0xffff, v17  }
0x344: {  	[tilespmem:v6+s19+$0x0] =	vst.idx.add.f32.msk vm8, v16;
	v16 =	vsub.f32 $0.0e+00, v16;
	v19 =	vmul.f32 v19, v10  }
0x345: {  	v17 =	vld [tilespmem:s13+$0xFFFFFFE0];
	v25, _, _ =	vpop (xrf2)  }
0x346: {  	[tilespmem:v8+s19+$0x0] =	vst.idx.add.f32.msk vm9, v16;
	(xrf2) =	vadd.scan.msk.f32 $0xffff, v19;
	v16 =	vsub.f32 $0.0e+00, v25  }
0x347: {  	[tilespmem:v7+s19+$0x0] =	vst.idx.add.f32.msk vm10, v25  }
0x348: {  	[tilespmem:v9+s19+$0x0] =	vst.idx.add.f32.msk vm11, v16  }
0x349: {  	v26 =	vld [tilespmem:s26+$0xFFFFFFE0]  }
0x34a: {  	v20 =	vld [tilespmem:s24+$0xFFFFFFE0];
	vm5 =	vmmov vm2  }
0x34b: {  	s12 =	simm.s32 $0x10060;
	v22 =	vld [tilespmem:s13+$0x0];
	v23 =	vmul.f32 v23, v18  }
0x34c: {  	v11 =	vld [tilespmem:s12+$0x10]  }
0x34d: {  	v27 =	vld [tilespmem:s26+$0xFFFFFFF0];
	v16, _, _ =	vpop (xrf2);
	(xrf2) =	vadd.scan.msk.f32 $0xffff, v23  }
0x34e: {  	[tilespmem:v3+s20+$0x0] =	vst.idx.add.f32.msk vm3, v16;
	v19 =	vsub.f32 $0.0e+00, v16;
	v26 =	vmul.f32 v26, v13  }
0x34f: {  	vm4 =	vmmov vm3;
	v16 =	vld.idx.msk [tilespmem:v24+s7+$0x0], $0xffff;
	vm3 =	vmmov vm7  }
0x350: {  	[tilespmem:v4+s20+$0x0] =	vst.idx.add.f32.msk vm5, v19;
	v24, _, _ =	vpop (xrf2);
	(xrf2) =	vadd.scan.msk.f32 $0xffff, v26  }
0x351: {  	s4 =	simm.s32 $0x16020;
	v19 =	vld.idx.msk [tilespmem:v17+s7+$0x0], $0xffff  }
0x352: {  	v23 =	vmul.f32 v27, v12;
	v25 =	vld [tilespmem:s4+$0x10]  }
0x353: {  	v17 =	vperm.xlane v11, v1;
	[tilespmem:v2+s20+$0x0] =	vst.idx.add.f32.msk vm6, v24;
	v24 =	vsub.f32 $0.0e+00, v24  }
0x354: {  	v22 =	vld.idx.msk [tilespmem:v22+s7+$0x0], $0xffff;
	vm2 =	vmmov vm6;
	vm8 =	vmmov vm8;
	(xrf2) =	vadd.scan.msk.f32 $0xffff, v23  }
0x355: {  	vm7 =	vmmov vm10;
	vm6 =	vmmov vm11;
	vm11 =	vne.s32 v11, v17;
	[tilespmem:v5+s20+$0x0] =	vst.idx.add.f32.msk vm3, v24  }
0x356: {  	s18 =	simm.s32 $0x40;
	s15 =	simm.s32 $0x14860;
	s17 =	simm.s32 $0x16020;
	vm9 =	vmmov vm9;
	vm10 =	vmor vm11, vm0;
	v24 =	vmul.f32 v21, v16;
	v23 =	vld [tilespmem:s4+$0x0]  }
.LBB2_12:
0x357: {  	s18 =	sadd.s32 $0x40, s18;
	v26 =	vld [tilespmem:s12+$0xFFFFFFE0];
	s24 =	sadd.s32 $0x40, s24;
	v27, _, _ =	vpop (xrf2);
	v25 =	vmul.f32 v25, v14;
	s4 =	sadd.s32 $0x40, s4;
	v14 =	vmov v18  }
0x358: {  	v21 =	vld [tilespmem:s24+$0xFFFFFFF0];
	p0 =	slt.u32 s18, $0x7C0  }
0x359: {  	v18 =	vmul.f32 v20, v19;
	v20 =	vmul.f32 v15, v22;
	v15 =	vld [tilespmem:s24+$0x0];
	(xrf2) =	vadd.scan.msk.f32 $0xffff, v25  }
0x35a: {  	v25 =	vld [tilespmem:s12+$0xFFFFFFF0];
	v28, _, _ =	vpop (xrf2)  }
0x35b: {  	[tilespmem:v7+s20+$0x0] =	vst.idx.add.f32.msk vm7, v28;
	v28 =	vsub.f32 $0.0e+00, v28;
	v23 =	vmul.f32 v23, v10;
	v10 =	vmov v22  }
0x35c: {  	v29 =	vperm.xlane v26, v1;
	v22 =	vld [tilespmem:s12+$0x0]  }
0x35d: {  	vm12 =	vmand vm11, vm1;
	(xrf2) =	vadd.scan.msk.f32 $0xffff, v24;
	[tilespmem:v9+s20+$0x0] =	vst.idx.add.f32.msk vm6, v28  }
0x35e: {  	vm13 =	vne.s32 v26, v29;
	[tilespmem:v11+s19+$0x0] =	vst.idx.add.f32.msk vm10, v27;
	v24, _, _ =	vpop (xrf2)  }
0x35f: {  	s13 =	sadd.s32 $0x40, s13;
	v28 =	vld [tilespmem:s17+$0xFFFFFFE0];
	v30 =	vsub.f32 $0.0e+00, v24  }
0x360: {  	v31 =	vperm.xlane v25, v1;
	(xrf2) =	vadd.scan.msk.f32 $0xffff, v20;
	[tilespmem:v6+s20+$0x0] =	vst.idx.add.f32.msk vm8, v24  }
0x361: {  	v20 =	vsub.f32 $0.0e+00, v27;
	[tilespmem:v8+s20+$0x0] =	vst.idx.add.f32.msk vm9, v30  }
0x362: {  	vm14 =	vne.s32 v25, v31;
	v24 =	vld [tilespmem:s17+$0xFFFFFFF0];
	s17 =	smov.u32 s4  }
0x363: {  	vm11 =	vmor vm14, vm0;
	[tilespmem:v17+s19+$0x0] =	vst.idx.add.f32.msk vm12, v20;
	(xrf2) =	vadd.scan.msk.f32 $0xffff, v18;
	v18, _, _ =	vpop (xrf2)  }
0x364: {  	v20 =	vmul.f32 v28, v13;
	[tilespmem:v3+s21+$0x0] =	vst.idx.add.f32.msk vm4, v18;
	v18 =	vsub.f32 $0.0e+00, v18;
	v3 =	vmovc v11;
	v13 =	vmov v19  }
0x365: {  	v19 =	vperm.xlane v22, v1;
	vm4 =	vmmov vm10;
	v27 =	vld [tilespmem:s15+$0x10]  }
0x366: {  	[tilespmem:v4+s21+$0x0] =	vst.idx.add.f32.msk vm5, v18;
	(xrf2) =	vadd.scan.msk.f32 $0xffff, v20;
	v4 =	vmov v17;
	vm5 =	vmmov vm12  }
0x367: {  	s12 =	sadd.s32 $0x40, s12;
	vm12 =	vne.s32 v22, v19;
	v20 =	vld [tilespmem:s24+$0xFFFFFFE0];
	v17, _, _ =	vpop (xrf2);
	v28 =	vmul.f32 v24, v12;
	v12 =	vmov v16  }
0x368: {  	vm10 =	vmor vm12, vm0;
	v11 =	vld [tilespmem:s12+$0x10]  }
0x369: {  	[tilespmem:v25+s19+$0x0] =	vst.idx.add.f32.msk vm11, v17;
	(xrf2) =	vadd.scan.msk.f32 $0xffff, v28  }
0x36a: {  	vm12 =	vmand vm12, vm1;
	v24 =	vld [tilespmem:s13+$0x0];
	v16 =	vmul.f32 v27, v14;
	v18, _, _ =	vpop (xrf2)  }
0x36b: {  	v27 =	vld [tilespmem:s13+$0x10]  }
0x36c: {  	v28 =	vld [tilespmem:s13+$0xFFFFFFE0];
	(xrf2) =	vadd.scan.msk.f32 $0xffff, v16  }
0x36d: {  	vm14 =	vmand vm14, vm1;
	v16 =	vld [tilespmem:s24+$0x10];
	v30, _, _ =	vpop (xrf2)  }
0x36e: {  	v33 =	vsub.f32 $0.0e+00, v18;
	[tilespmem:v22+s19+$0x0] =	vst.idx.add.f32.msk vm10, v18  }
0x36f: {  	v32 =	vld [tilespmem:s13+$0xFFFFFFF0];
	(xrf2) =	vadd.scan.msk.f32 $0xffff, v23  }
0x370: {  	vm15 =	vmor vm13, vm0;
	[tilespmem:v19+s19+$0x0] =	vst.idx.add.f32.msk vm12, v33;
	v18, _, _ =	vpop (xrf2)  }
0x371: {  	vm13 =	vmand vm13, vm1;
	v33 =	vsub.f32 $0.0e+00, v17;
	v23 =	vld [tilespmem:s15+$0x0]  }
0x372: {  	[tilespmem:v7+s21+$0x0] =	vst.idx.add.f32.msk vm7, v18;
	v18 =	vsub.f32 $0.0e+00, v18;
	v7 =	vmov v26;
	vm7 =	vmmov vm15  }
0x373: {  	[tilespmem:v31+s19+$0x0] =	vst.idx.add.f32.msk vm14, v33;
	v17, _, _ =	vpop (xrf2)  }
0x374: {  	[tilespmem:v9+s21+$0x0] =	vst.idx.add.f32.msk vm6, v18;
	v9 =	vmov v29;
	vm6 =	vmmov vm13  }
0x375: {  	v18 =	vld.idx.msk [tilespmem:v27+s7+$0x0], $0xffff;
	v27 =	vsub.f32 $0.0e+00, v30  }
0x376: {  	[tilespmem:v26+s19+$0x0] =	vst.idx.add.f32.msk vm15, v30;
	v23 =	vmul.f32 v23, v10;
	v26, _, _ =	vpop (xrf2)  }
0x377: {  	[tilespmem:v29+s19+$0x0] =	vst.idx.add.f32.msk vm13, v27  }
0x378: {  	v27 =	vld [tilespmem:s15+$0xFFFFFFE0];
	(xrf2) =	vadd.scan.msk.f32 $0xffff, v23  }
0x379: {  	v23 =	vsub.f32 $0.0e+00, v17;
	[tilespmem:v3+s20+$0x0] =	vst.idx.add.f32.msk vm4, v26;
	v29, _, _ =	vpop (xrf2)  }
0x37a: {  	v26 =	vsub.f32 $0.0e+00, v26;
	[tilespmem:v6+s21+$0x0] =	vst.idx.add.f32.msk vm8, v17;
	v17 =	vsub.f32 $0.0e+00, v29;
	v6 =	vmovc v25;
	vm8 =	vmmov vm11  }
0x37b: {  	v25 =	vmul.f32 v16, v18;
	v30 =	vld [tilespmem:s15+$0xFFFFFFF0]  }
0x37c: {  	[tilespmem:v8+s21+$0x0] =	vst.idx.add.f32.msk vm9, v23;
	v8 =	vmov v31;
	vm9 =	vmmov vm14  }
0x37d: {  	v16 =	vld.idx.msk [tilespmem:v32+s7+$0x0], $0xffff;
	(xrf2) =	vadd.scan.msk.f32 $0xffff, v25;
	v23 =	vmul.f32 v27, v13  }
0x37e: {  	[tilespmem:v2+s21+$0x0] =	vst.idx.add.f32.msk vm2, v29;
	v2 =	vmov v22;
	vm2 =	vmmov vm10  }
0x37f: {  	[tilespmem:v5+s21+$0x0] =	vst.idx.add.f32.msk vm3, v17;
	v5 =	vmov v19;
	vm3 =	vmmov vm12  }
0x380: {  	v27 =	vmul.f32 v30, v12;
	[tilespmem:v4+s20+$0x0] =	vst.idx.add.f32.msk vm5, v26;
	(xrf2) =	vadd.scan.msk.f32 $0xffff, v23  }
0x381: {  	v17 =	vperm.xlane v11, v1;
	v19 =	vld.idx.msk [tilespmem:v28+s7+$0x0], $0xffff  }
.Ltmp5:
0x382: {  	v25 =	vld [tilespmem:s4+$0x10];
	v23, _, _ =	vpop (xrf2);
	(pc) =	sbr.rel @p0 .LBB2_12-.Ltmp5, $4  }
0x383: {  	vm11 =	vne.s32 v11, v17;
	v22 =	vld.idx.msk [tilespmem:v24+s7+$0x0], $0xffff;
	v26 =	vsub.f32 $0.0e+00, v23  }
0x384: {  	vm10 =	vmor vm11, vm0;
	v24 =	vmul.f32 v21, v16;
	[tilespmem:v2+s20+$0x0] =	vst.idx.add.f32.msk vm2, v23;
	(xrf2) =	vadd.scan.msk.f32 $0xffff, v27  }
0x385: {  	[tilespmem:v5+s20+$0x0] =	vst.idx.add.f32.msk vm12, v26  }
0x386: {  	s15 =	sadd.s32 $0x40, s15;
	v23 =	vld [tilespmem:s4+$0x0]  }
0x387: {  	v14 =	vmul.f32 v25, v14;
	_ =	sdelay $0x1  }
0x388: {  	(xrf2) =	vadd.scan.msk.f32 $0xffff, v14;
	v14 =	vld [tilespmem:s12+$0x0]  }
0x389: {  	v15 =	vmul.f32 v15, v22  }
0x38a: {  	(xrf2) =	vadd.scan.msk.f32 $0xffff, v24;
	v24, _, _ =	vpop (xrf2)  }
0x38b: {  	(xrf2) =	vadd.scan.msk.f32 $0xffff, v15;
	v15 =	vmul.f32 v20, v19;
	v20, _, _ =	vpop (xrf2)  }
0x38c: {  	v21 =	vld [tilespmem:s12+$0xFFFFFFE0];
	vm13 =	vmand vm11, vm1;
	v26 =	vsub.f32 $0.0e+00, v20  }
0x38d: {  	[tilespmem:v7+s20+$0x0] =	vst.idx.add.f32.msk vm7, v20;
	v20 =	vimm.s32 $0x0;
	(xrf2) =	vadd.scan.msk.f32 $0xffff, v15;
	v15 =	vperm.xlane v14, v1  }
0x38e: {  	v20 =	vsel vm13, $0xFFFFFFFF, v20  }
0x38f: {  	v25 =	vld [tilespmem:s12+$0xFFFFFFF0];
	[tilespmem:$0x1FE00] =	vst v20;
	vm11 =	vne.s32 v14, v15  }
0x390: {  	v29 =	vimm.s32 $0x0;
	[tilespmem:v9+s20+$0x0] =	vst.idx.add.f32.msk vm6, v26;
	vm12 =	vmor vm11, vm0  }
0x391: {  	[tilespmem:v11+s19+$0x0] =	vst.idx.add.f32.msk vm10, v24;
	v29 =	vsel vm12, $0xFFFFFFFF, v29  }
0x392: {  	v20 =	vperm.xlane v21, v1;
	v26, _, _ =	vpop (xrf2);
	v27 =	vld [tilespmem:s17+$0xFFFFFFE0];
	[tilespmem:$0x1FE10] =	vst v29  }
0x393: {  	v28 =	vsub.f32 $0.0e+00, v26;
	vm11 =	vmand vm11, vm1;
	[tilespmem:v6+s20+$0x0] =	vst.idx.add.f32.msk vm8, v26;
	v26 =	vimm.s32 $0x0  }
0x394: {  	vm12 =	vne.s32 v21, v20;
	v26 =	vsel vm11, $0xFFFFFFFF, v26  }
0x395: {  	v56 =	vimm.s32 $0x0;
	vm15 =	vmor vm12, vm0;
	[tilespmem:$0x1FE40] =	vst v26  }
0x396: {  	v24 =	vsub.f32 $0.0e+00, v24;
	[tilespmem:v8+s20+$0x0] =	vst.idx.add.f32.msk vm9, v28;
	v28 =	vsel vm15, $0xFFFFFFFF, v56  }
0x397: {  	[tilespmem:$0x1FE20] =	vst v28  }
0x398: {  	[tilespmem:v17+s19+$0x0] =	vst.idx.add.f32.msk vm13, v24  }
0x399: {  	v33 =	vld [tilespmem:$0x1FE10];
	_ =	sdelay $0x4  }
0x39a: {  	vm11 =	vmand vm12, vm1;
	vm12 =	vnez.u8 v33;
	_ =	sdelay $0x2  }
0x39b: {  	v26, _, _ =	vpop (xrf2)  }
0x39c: {  	v30, _, _ =	vpop (xrf2)  }
0x39d: {  	v24, _, _ =	vpop (xrf2)  }
0x39e: {  	v57 =	vperm.xlane v25, v1;
	[tilespmem:v14+s19+$0x0] =	vst.idx.add.f32.msk vm12, v24  }
0x39f: {  	v58 =	vld [tilespmem:$0x1FE40]  }
0x3a0: {  	vm13 =	vne.s32 v25, v57  }
0x3a1: {  	vm14 =	vmor vm13, vm0  }
0x3a2: {  	vm13 =	vmand vm13, vm1;
	v32 =	vsub.f32 $0.0e+00, v24;
	v24 =	vimm.s32 $0x0  }
0x3a3: {  	v24 =	vsel vm13, $0xFFFFFFFF, v24  }
0x3a4: {  	vm12 =	vnez.u8 v58  }
0x3a5: {  	v29 =	vld [tilespmem:s17+$0xFFFFFFF0]  }
0x3a6: {  	v31 =	vld [tilespmem:s15+$0x10];
	[tilespmem:$0x1FE30] =	vst v24;
	v24, _, _ =	vpop (xrf2)  }
0x3a7: {  	[tilespmem:v25+s19+$0x0] =	vst.idx.add.f32.msk vm14, v30;
	v59 =	vsub.f32 $0.0e+00, v24  }
0x3a8: {  	[tilespmem:v21+s19+$0x0] =	vst.idx.add.f32.msk vm15, v24  }
0x3a9: {  	[tilespmem:v20+s19+$0x0] =	vst.idx.add.f32.msk vm11, v59  }
0x3aa: {  	[tilespmem:v15+s19+$0x0] =	vst.idx.add.f32.msk vm12, v32  }
0x3ab: {  	v13 =	vmul.f32 v27, v13;
	v27 =	vsub.f32 $0.0e+00, v30;
	v24 =	vld [tilespmem:s15+$0x0]  }
0x3ac: {  	v12 =	vmul.f32 v29, v12;
	v60 =	vld [tilespmem:s15+$0xFFFFFFE0]  }
0x3ad: {  	(xrf2) =	vadd.scan.msk.f32 $0xffff, v13;
	[tilespmem:v57+s19+$0x0] =	vst.idx.add.f32.msk vm13, v27  }
0x3ae: {  	v13 =	vmul.f32 v31, v18;
	(xrf2) =	vadd.scan.msk.f32 $0xffff, v12;
	v12 =	vld [tilespmem:s15+$0xFFFFFFF0]  }
0x3af: {  	v10 =	vmul.f32 v23, v10  }
0x3b0: {  	(xrf2) =	vadd.scan.msk.f32 $0xffff, v13;
	v13 =	vmul.f32 v24, v22  }
0x3b1: {  	(xrf2) =	vadd.scan.msk.f32 $0xffff, v10;
	v10 =	vmul.f32 v60, v19  }
0x3b2: {  	(xrf2) =	vadd.scan.msk.f32 $0xffff, v13  }
0x3b3: {  	vm10 =	vmmov vm10;
	(xrf2) =	vadd.scan.msk.f32 $0xffff, v10;
	v10 =	vmul.f32 v12, v16;
	v12 =	vimm.s32 $0x0  }
0x3b4: {  	v12 =	vsel vm10, $0xFFFFFFFF, v12  }
0x3b5: {  	[tilespmem:$0x1FE50] =	vst v12;
	v12 =	vld [tilespmem:$0x1FE00]  }
0x3b6: {  	v13 =	vld [tilespmem:$0x1FE10];
	_ =	sdelay $0x3  }
0x3b7: {  	vm15 =	vmmov vm11;
	vm11 =	vnez.u8 v12  }
0x3b8: {  	vm12 =	vnez.u8 v13;
	v12 =	vimm.s32 $0x0;
	vm11 =	vmmov vm11  }
0x3b9: {  	v23 =	vld [tilespmem:$0x1FE20];
	v13 =	vimm.s32 $0x0;
	vm13 =	vmmov vm12;
	v12 =	vsel vm11, $0xFFFFFFFF, v12  }
0x3ba: {  	v13 =	vsel vm13, $0xFFFFFFFF, v13  }
0x3bb: {  	(xrf2) =	vadd.scan.msk.f32 $0xffff, v10;
	v10, _, _ =	vpop (xrf2)  }
0x3bc: {  	[tilespmem:$0x1FE60] =	vst v12;
	v12, _, _ =	vpop (xrf2)  }
0x3bd: {  	[tilespmem:$0x1FE70] =	vst v13;
	v13, _, _ =	vpop (xrf2)  }
0x3be: {  	vm12 =	vnez.u8 v23;
	v23 =	vsub.f32 $0.0e+00, v13;
	_ =	sdelay $0x1  }
0x3bf: {  	[tilespmem:v11+s20+$0x0] =	vst.idx.add.f32.msk vm10, v13  }
0x3c0: {  	v13, _, _ =	vpop (xrf2);
	[tilespmem:v17+s20+$0x0] =	vst.idx.add.f32.msk vm11, v23  }
0x3c1: {  	vm12 =	vmmov vm12;
	v24 =	vld [tilespmem:$0x1FE30];
	v23, _, _ =	vpop (xrf2)  }
0x3c2: {  	vm14 =	vmmov vm14;
	[tilespmem:v14+s20+$0x0] =	vst.idx.add.f32.msk vm13, v23  }
0x3c3: {  	v30 =	vld [tilespmem:$0x1FE40]  }
0x3c4: {  	vm15 =	vmmov vm15;
	_ =	sdelay $0x1  }
0x3c5: {  	v27, _, _ =	vpop (xrf2);
	vm10 =	vnez.u8 v24  }
0x3c6: {  	v61 =	vsub.f32 $0.0e+00, v27;
	[tilespmem:v21+s20+$0x0] =	vst.idx.add.f32.msk vm12, v27;
	v27, _, _ =	vpop (xrf2);
	vm11 =	vmmov vm10  }
0x3c7: {  	s4 =	sadd.s32 $0x40, s4;
	[tilespmem:v25+s20+$0x0] =	vst.idx.add.f32.msk vm14, v27;
	vm10 =	vnez.u8 v30  }
0x3c8: {  	v24 =	vld [tilespmem:s4+$0x10];
	vm10 =	vmmov vm10  }
0x3c9: {  	[tilespmem:v20+s20+$0x0] =	vst.idx.add.f32.msk vm15, v61  }
0x3ca: {  	v62 =	vsub.f32 $0.0e+00, v27;
	v27 =	vld [tilespmem:s4+$0xFFFFFFE0];
	_ =	sdelay $0x1  }
0x3cb: {  	v23 =	vsub.f32 $0.0e+00, v23;
	[tilespmem:v57+s20+$0x0] =	vst.idx.add.f32.msk vm11, v62  }
0x3cc: {  	v18 =	vmul.f32 v24, v18;
	v29 =	vld [tilespmem:s4+$0xFFFFFFF0]  }
0x3cd: {  	[tilespmem:v15+s20+$0x0] =	vst.idx.add.f32.msk vm10, v23  }
0x3ce: {  	(xrf2) =	vadd.scan.msk.f32 $0xffff, v18;
	v18 =	vmul.f32 v27, v19;
	v23 =	vld [tilespmem:s4+$0x0];
	_ =	sdelay $0x1  }
0x3cf: {  	[tilespmem:v3+s21+$0x0] =	vst.idx.add.f32.msk vm4, v26;
	(xrf2) =	vadd.scan.msk.f32 $0xffff, v18;
	v18 =	vsub.f32 $0.0e+00, v26  }
0x3d0: {  	[tilespmem:v7+s21+$0x0] =	vst.idx.add.f32.msk vm7, v10  }
0x3d1: {  	[tilespmem:v4+s21+$0x0] =	vst.idx.add.f32.msk vm5, v18;
	v4 =	vsub.f32 $0.0e+00, v10;
	v16 =	vmul.f32 v29, v16  }
0x3d2: {  	[tilespmem:v6+s21+$0x0] =	vst.idx.add.f32.msk vm8, v12;
	v3 =	vmul.f32 v23, v22  }
0x3d3: {  	[tilespmem:v9+s21+$0x0] =	vst.idx.add.f32.msk vm6, v4;
	v4 =	vsub.f32 $0.0e+00, v13;
	(xrf2) =	vadd.scan.msk.f32 $0xffff, v16  }
0x3d4: {  	[tilespmem:v2+s21+$0x0] =	vst.idx.add.f32.msk vm2, v13;
	(xrf2) =	vadd.scan.msk.f32 $0xffff, v3;
	v3 =	vsub.f32 $0.0e+00, v12  }
0x3d5: {  	[tilespmem:v5+s21+$0x0] =	vst.idx.add.f32.msk vm3, v4  }
0x3d6: {  	[tilespmem:v8+s21+$0x0] =	vst.idx.add.f32.msk vm9, v3  }
0x3d7: {  	v4 =	vld [tilespmem:$0x1FE50];
	_ =	sdelay $0x4  }
0x3d8: {  	vm2 =	vnez.u8 v4;
	_ =	sdelay $0x4  }
0x3d9: {  	v2, _, _ =	vpop (xrf2)  }
0x3da: {  	[tilespmem:v11+s21+$0x0] =	vst.idx.add.f32.msk vm2, v2  }
0x3db: {  	v4 =	vld [tilespmem:$0x1FE60];
	_ =	sdelay $0x4  }
0x3dc: {  	vm2 =	vnez.u8 v4;
	_ =	sdelay $0x3  }
0x3dd: {  	v3 =	vsub.f32 $0.0e+00, v2  }
0x3de: {  	v2, _, _ =	vpop (xrf2)  }
0x3df: {  	[tilespmem:v17+s21+$0x0] =	vst.idx.add.f32.msk vm2, v3;
	v3 =	vsub.f32 $0.0e+00, v2  }
0x3e0: {  	[tilespmem:v21+s21+$0x0] =	vst.idx.add.f32.msk vm12, v2;
	v2, _, _ =	vpop (xrf2)  }
0x3e1: {  	[tilespmem:v20+s21+$0x0] =	vst.idx.add.f32.msk vm15, v3;
	v3 =	vsub.f32 $0.0e+00, v2  }
0x3e2: {  	[tilespmem:v25+s21+$0x0] =	vst.idx.add.f32.msk vm14, v2  }
0x3e3: {  	[tilespmem:v57+s21+$0x0] =	vst.idx.add.f32.msk vm11, v3  }
0x3e4: {  	v3 =	vld [tilespmem:$0x1FE70];
	_ =	sdelay $0x4  }
0x3e5: {  	vm2 =	vnez.u8 v3;
	_ =	sdelay $0x3  }
0x3e6: {  	v4, _, _ =	vpop (xrf2)  }
0x3e7: {  	v2 =	vsub.f32 $0.0e+00, v4  }
0x3e8: {  	[tilespmem:v14+s21+$0x0] =	vst.idx.add.f32.msk vm2, v4  }
0x3e9: {  	[tilespmem:v15+s21+$0x0] =	vst.idx.add.f32.msk vm10, v2  }
0x3ea: {  	_ =	swait.ge [sflag:s22], $0x800  }
0x3eb: {  	[sflag:s22] =	ssyncset.done $0x0  }
0x3ec: {  	[sflag:s22] =	ssyncadd.s32 $0xFFFFF800  }
0x3ed: {  	_ =	swait.ge [sflag:s22], $0x800  }
0x3ee: {  	[sflag:s22] =	ssyncset.done $0x0  }
0x3ef: {  	[sflag:s22] =	ssyncadd.s32 $0xFFFFF800  }
0x3f0: {  	_ =	swait.ge [sflag:s22], $0x800  }
0x3f1: {  	[sflag:s22] =	ssyncset.done $0x0  }
0x3f2: {  	[sflag:s22] =	ssyncadd.s32 $0xFFFFF800  }
0x3f3: {  	_ =	swait.ge [sflag:s22], $0x800  }
0x3f4: {  	[sflag:s22] =	ssyncset.done $0x0  }
0x3f5: {  	[sflag:s22] =	ssyncadd.s32 $0xFFFFF800  }
0x3f6: {  	_ =	swait.ge [sflag:s22], $0x800  }
0x3f7: {  	[sflag:s22] =	ssyncset.done $0x0  }
0x3f8: {  	s24 =	simm.s32 $0x12020;
	[sflag:s22] =	ssyncadd.s32 $0xFFFFF800  }
0x3f9: {  	v2 =	vld [tilespmem:s24+$0x10];
	_ =	sdelay $0x1  }
0x3fa: {  	v4 =	vld [tilespmem:s24+$0xFFFFFFF0]  }
0x3fb: {  	v5 =	vld [tilespmem:s24+$0x0];
	_ =	sdelay $0x1  }
0x3fc: {  	s25 =	simm.s32 $0x13820  }
0x3fd: {  	v6 =	vld [tilespmem:s25+$0x10]  }
0x3fe: {  	v7 =	vld [tilespmem:s25+$0x0]  }
0x3ff: {  	v14 =	vld.idx.msk [tilespmem:v2+s7+$0x0], $0xffff  }
0x400: {  	v2 =	vld [tilespmem:s25+$0xFFFFFFF0]  }
0x401: {  	v12 =	vld.idx.msk [tilespmem:v4+s7+$0x0], $0xffff  }
0x402: {  	s13 =	simm.s32 $0x10820;
	v10 =	vld.idx.msk [tilespmem:v5+s7+$0x0], $0xffff  }
0x403: {  	v3 =	vld [tilespmem:s13+$0x10]  }
0x404: {  	v5 =	vld [tilespmem:s24+$0xFFFFFFE0];
	v6 =	vmul.f32 v6, v14;
	_ =	sdelay $0x1  }
0x405: {  	(xrf2) =	vadd.scan.msk.f32 $0xffff, v6;
	v6 =	vmul.f32 v2, v12  }
0x406: {  	v7 =	vmul.f32 v7, v10;
	v2 =	vld [tilespmem:s13+$0x0]  }
0x407: {  	(xrf2) =	vadd.scan.msk.f32 $0xffff, v6  }
0x408: {  	v4 =	vperm.xlane v3, v1;
	(xrf2) =	vadd.scan.msk.f32 $0xffff, v7;
	_ =	sdelay $0x1  }
0x409: {  	v9 =	vld [tilespmem:s25+$0xFFFFFFE0];
	vm2 =	vne.s32 v3, v4  }
0x40a: {  	vm4 =	vmor vm2, vm0;
	v13 =	vld.idx.msk [tilespmem:v5+s7+$0x0], $0xffff;
	v5 =	vperm.xlane v2, v1  }
0x40b: {  	vm2 =	vmand vm2, vm1  }
0x40c: {  	s24 =	simm.s32 $0x13860;
	v6 =	vld [tilespmem:s13+$0xFFFFFFF0];
	vm5 =	vne.s32 v2, v5  }
0x40d: {  	v21 =	vld [tilespmem:s24+$0xFFFFFFF0];
	vm3 =	vmor vm5, vm0  }
0x40e: {  	v7 =	vld [tilespmem:s13+$0xFFFFFFE0];
	s13 =	simm.s32 $0x12060;
	vm6 =	vmand vm5, vm1;
	v8, _, _ =	vpop (xrf2)  }
0x40f: {  	v18 =	vld [tilespmem:s13+$0x10];
	v9 =	vmul.f32 v9, v13;
	v11 =	vsub.f32 $0.0e+00, v8  }
0x410: {  	[tilespmem:v3+s19+$0x0] =	vst.idx.add.f32.msk vm4, v8;
	v16, _, _ =	vpop (xrf2)  }
0x411: {  	s26 =	simm.s32 $0x15020;
	v8 =	vperm.xlane v6, v1;
	[tilespmem:v4+s19+$0x0] =	vst.idx.add.f32.msk vm2, v11;
	v17, _, _ =	vpop (xrf2);
	(xrf2) =	vadd.scan.msk.f32 $0xffff, v9  }
0x412: {  	v11 =	vld [tilespmem:s26+$0x10];
	v9 =	vsub.f32 $0.0e+00, v17  }
0x413: {  	vm5 =	vne.s32 v6, v8;
	[tilespmem:v2+s19+$0x0] =	vst.idx.add.f32.msk vm3, v17  }
0x414: {  	vm8 =	vmor vm5, vm0;
	[tilespmem:v5+s19+$0x0] =	vst.idx.add.f32.msk vm6, v9;
	v9 =	vperm.xlane v7, v1  }
0x415: {  	v19 =	vld [tilespmem:s26+$0x0]  }
0x416: {  	v15 =	vld [tilespmem:s24+$0x0];
	vm9 =	vmand vm5, vm1;
	vm5 =	vne.s32 v7, v9  }
0x417: {  	v23 =	vld [tilespmem:s24+$0x10];
	v17 =	vmul.f32 v11, v14;
	vm10 =	vmor vm5, vm0  }
0x418: {  	v22 =	vld [tilespmem:s13+$0x0];
	vm7 =	vmand vm5, vm1  }
0x419: {  	v24 =	vld [tilespmem:s13+$0xFFFFFFF0];
	(xrf2) =	vadd.scan.msk.f32 $0xffff, v17  }
0x41a: {  	[tilespmem:v6+s19+$0x0] =	vst.idx.add.f32.msk vm8, v16;
	v16 =	vsub.f32 $0.0e+00, v16;
	v19 =	vmul.f32 v19, v10  }
0x41b: {  	v18 =	vld.idx.msk [tilespmem:v18+s7+$0x0], $0xffff;
	v25, _, _ =	vpop (xrf2)  }
0x41c: {  	[tilespmem:v8+s19+$0x0] =	vst.idx.add.f32.msk vm9, v16;
	(xrf2) =	vadd.scan.msk.f32 $0xffff, v19;
	v16 =	vsub.f32 $0.0e+00, v25  }
0x41d: {  	[tilespmem:v7+s19+$0x0] =	vst.idx.add.f32.msk vm10, v25  }
0x41e: {  	[tilespmem:v9+s19+$0x0] =	vst.idx.add.f32.msk vm7, v16  }
0x41f: {  	vm4 =	vmmov vm4;
	v26 =	vld [tilespmem:s26+$0xFFFFFFE0]  }
0x420: {  	v20 =	vld [tilespmem:s24+$0xFFFFFFE0]  }
0x421: {  	v23 =	vmul.f32 v23, v18;
	vm5 =	vmmov vm2;
	v17 =	vld [tilespmem:s13+$0xFFFFFFE0]  }
0x422: {  	v22 =	vld.idx.msk [tilespmem:v22+s7+$0x0], $0xffff  }
0x423: {  	s12 =	simm.s32 $0x10860;
	v27 =	vld [tilespmem:s26+$0xFFFFFFF0];
	v16, _, _ =	vpop (xrf2);
	(xrf2) =	vadd.scan.msk.f32 $0xffff, v23  }
0x424: {  	v11 =	vld [tilespmem:s12+$0x10];
	vm2 =	vmmov vm3;
	v26 =	vmul.f32 v26, v13  }
0x425: {  	vm3 =	vmmov vm6;
	[tilespmem:v3+s20+$0x0] =	vst.idx.add.f32.msk vm4, v16;
	v19 =	vsub.f32 $0.0e+00, v16  }
0x426: {  	v16 =	vld.idx.msk [tilespmem:v24+s7+$0x0], $0xffff;
	v24, _, _ =	vpop (xrf2);
	(xrf2) =	vadd.scan.msk.f32 $0xffff, v26  }
0x427: {  	s4 =	simm.s32 $0x16820;
	[tilespmem:v4+s20+$0x0] =	vst.idx.add.f32.msk vm5, v19  }
0x428: {  	v23 =	vmul.f32 v27, v12;
	v25 =	vld [tilespmem:s4+$0x10]  }
0x429: {  	v19 =	vld.idx.msk [tilespmem:v17+s7+$0x0], $0xffff;
	v17 =	vperm.xlane v11, v1;
	v63 =	vsub.f32 $0.0e+00, v24  }
0x42a: {  	vm6 =	vmmov vm10;
	[tilespmem:v2+s20+$0x0] =	vst.idx.add.f32.msk vm2, v24;
	(xrf2) =	vadd.scan.msk.f32 $0xffff, v23  }
0x42b: {  	vm8 =	vmmov vm8;
	vm9 =	vmmov vm9;
	vm11 =	vne.s32 v11, v17;
	[tilespmem:v5+s20+$0x0] =	vst.idx.add.f32.msk vm3, v63  }
0x42c: {  	s18 =	simm.s32 $0x40;
	s17 =	simm.s32 $0x16820;
	s15 =	simm.s32 $0x15060;
	vm7 =	vmmov vm7;
	v24 =	vmul.f32 v21, v16;
	vm10 =	vmor vm11, vm0;
	v23 =	vld [tilespmem:s4+$0x0]  }
.LBB2_14:
0x42d: {  	s18 =	sadd.s32 $0x40, s18;
	v26 =	vld [tilespmem:s12+$0xFFFFFFE0];
	s24 =	sadd.s32 $0x40, s24;
	v27, _, _ =	vpop (xrf2);
	v25 =	vmul.f32 v25, v14;
	s4 =	sadd.s32 $0x40, s4;
	v14 =	vmov v18  }
0x42e: {  	v21 =	vld [tilespmem:s24+$0xFFFFFFF0];
	p0 =	slt.u32 s18, $0x7C0  }
0x42f: {  	v18 =	vmul.f32 v20, v19;
	v20 =	vmul.f32 v15, v22;
	v15 =	vld [tilespmem:s24+$0x0];
	(xrf2) =	vadd.scan.msk.f32 $0xffff, v25  }
0x430: {  	v25 =	vld [tilespmem:s12+$0xFFFFFFF0];
	v28, _, _ =	vpop (xrf2)  }
0x431: {  	[tilespmem:v7+s20+$0x0] =	vst.idx.add.f32.msk vm6, v28;
	v28 =	vsub.f32 $0.0e+00, v28;
	v23 =	vmul.f32 v23, v10;
	v10 =	vmov v22  }
0x432: {  	v29 =	vperm.xlane v26, v1;
	v22 =	vld [tilespmem:s12+$0x0]  }
0x433: {  	vm12 =	vmand vm11, vm1;
	(xrf2) =	vadd.scan.msk.f32 $0xffff, v24;
	[tilespmem:v9+s20+$0x0] =	vst.idx.add.f32.msk vm7, v28  }
0x434: {  	vm13 =	vne.s32 v26, v29;
	[tilespmem:v11+s19+$0x0] =	vst.idx.add.f32.msk vm10, v27;
	v24, _, _ =	vpop (xrf2)  }
0x435: {  	s13 =	sadd.s32 $0x40, s13;
	v28 =	vld [tilespmem:s17+$0xFFFFFFE0];
	v30 =	vsub.f32 $0.0e+00, v24  }
0x436: {  	v31 =	vperm.xlane v25, v1;
	(xrf2) =	vadd.scan.msk.f32 $0xffff, v20;
	[tilespmem:v6+s20+$0x0] =	vst.idx.add.f32.msk vm8, v24  }
0x437: {  	v20 =	vsub.f32 $0.0e+00, v27;
	[tilespmem:v8+s20+$0x0] =	vst.idx.add.f32.msk vm9, v30  }
0x438: {  	vm14 =	vne.s32 v25, v31;
	v24 =	vld [tilespmem:s17+$0xFFFFFFF0];
	s17 =	smov.u32 s4  }
0x439: {  	vm11 =	vmor vm14, vm0;
	[tilespmem:v17+s19+$0x0] =	vst.idx.add.f32.msk vm12, v20;
	(xrf2) =	vadd.scan.msk.f32 $0xffff, v18;
	v18, _, _ =	vpop (xrf2)  }
0x43a: {  	v20 =	vmul.f32 v28, v13;
	[tilespmem:v3+s21+$0x0] =	vst.idx.add.f32.msk vm4, v18;
	v18 =	vsub.f32 $0.0e+00, v18;
	v3 =	vmovc v11;
	v13 =	vmov v19  }
0x43b: {  	v19 =	vperm.xlane v22, v1;
	vm4 =	vmmov vm10;
	v27 =	vld [tilespmem:s15+$0x10]  }
0x43c: {  	[tilespmem:v4+s21+$0x0] =	vst.idx.add.f32.msk vm5, v18;
	(xrf2) =	vadd.scan.msk.f32 $0xffff, v20;
	v4 =	vmov v17;
	vm5 =	vmmov vm12  }
0x43d: {  	s12 =	sadd.s32 $0x40, s12;
	vm12 =	vne.s32 v22, v19;
	v20 =	vld [tilespmem:s24+$0xFFFFFFE0];
	v17, _, _ =	vpop (xrf2);
	v28 =	vmul.f32 v24, v12;
	v12 =	vmov v16  }
0x43e: {  	vm10 =	vmor vm12, vm0;
	v11 =	vld [tilespmem:s12+$0x10]  }
0x43f: {  	[tilespmem:v25+s19+$0x0] =	vst.idx.add.f32.msk vm11, v17;
	(xrf2) =	vadd.scan.msk.f32 $0xffff, v28  }
0x440: {  	vm12 =	vmand vm12, vm1;
	v24 =	vld [tilespmem:s13+$0x0];
	v16 =	vmul.f32 v27, v14;
	v18, _, _ =	vpop (xrf2)  }
0x441: {  	v27 =	vld [tilespmem:s13+$0x10]  }
0x442: {  	v28 =	vld [tilespmem:s13+$0xFFFFFFE0];
	(xrf2) =	vadd.scan.msk.f32 $0xffff, v16  }
0x443: {  	vm14 =	vmand vm14, vm1;
	v16 =	vld [tilespmem:s24+$0x10];
	v30, _, _ =	vpop (xrf2)  }
0x444: {  	v33 =	vsub.f32 $0.0e+00, v18;
	[tilespmem:v22+s19+$0x0] =	vst.idx.add.f32.msk vm10, v18  }
0x445: {  	v32 =	vld [tilespmem:s13+$0xFFFFFFF0];
	(xrf2) =	vadd.scan.msk.f32 $0xffff, v23  }
0x446: {  	vm15 =	vmor vm13, vm0;
	[tilespmem:v19+s19+$0x0] =	vst.idx.add.f32.msk vm12, v33;
	v18, _, _ =	vpop (xrf2)  }
0x447: {  	vm13 =	vmand vm13, vm1;
	v33 =	vsub.f32 $0.0e+00, v17;
	v23 =	vld [tilespmem:s15+$0x0]  }
0x448: {  	[tilespmem:v7+s21+$0x0] =	vst.idx.add.f32.msk vm6, v18;
	v18 =	vsub.f32 $0.0e+00, v18;
	v7 =	vmov v26;
	vm6 =	vmmov vm15  }
0x449: {  	[tilespmem:v31+s19+$0x0] =	vst.idx.add.f32.msk vm14, v33;
	v17, _, _ =	vpop (xrf2)  }
0x44a: {  	[tilespmem:v9+s21+$0x0] =	vst.idx.add.f32.msk vm7, v18;
	v9 =	vmov v29;
	vm7 =	vmmov vm13  }
0x44b: {  	v18 =	vld.idx.msk [tilespmem:v27+s7+$0x0], $0xffff;
	v27 =	vsub.f32 $0.0e+00, v30  }
0x44c: {  	[tilespmem:v26+s19+$0x0] =	vst.idx.add.f32.msk vm15, v30;
	v23 =	vmul.f32 v23, v10;
	v26, _, _ =	vpop (xrf2)  }
0x44d: {  	[tilespmem:v29+s19+$0x0] =	vst.idx.add.f32.msk vm13, v27  }
0x44e: {  	v27 =	vld [tilespmem:s15+$0xFFFFFFE0];
	(xrf2) =	vadd.scan.msk.f32 $0xffff, v23  }
0x44f: {  	v23 =	vsub.f32 $0.0e+00, v17;
	[tilespmem:v3+s20+$0x0] =	vst.idx.add.f32.msk vm4, v26;
	v29, _, _ =	vpop (xrf2)  }
0x450: {  	v26 =	vsub.f32 $0.0e+00, v26;
	[tilespmem:v6+s21+$0x0] =	vst.idx.add.f32.msk vm8, v17;
	v17 =	vsub.f32 $0.0e+00, v29;
	v6 =	vmovc v25;
	vm8 =	vmmov vm11  }
0x451: {  	v25 =	vmul.f32 v16, v18;
	v30 =	vld [tilespmem:s15+$0xFFFFFFF0]  }
0x452: {  	[tilespmem:v8+s21+$0x0] =	vst.idx.add.f32.msk vm9, v23;
	v8 =	vmov v31;
	vm9 =	vmmov vm14  }
0x453: {  	v16 =	vld.idx.msk [tilespmem:v32+s7+$0x0], $0xffff;
	(xrf2) =	vadd.scan.msk.f32 $0xffff, v25;
	v23 =	vmul.f32 v27, v13  }
0x454: {  	[tilespmem:v2+s21+$0x0] =	vst.idx.add.f32.msk vm2, v29;
	v2 =	vmov v22;
	vm2 =	vmmov vm10  }
0x455: {  	[tilespmem:v5+s21+$0x0] =	vst.idx.add.f32.msk vm3, v17;
	v5 =	vmov v19;
	vm3 =	vmmov vm12  }
0x456: {  	v27 =	vmul.f32 v30, v12;
	[tilespmem:v4+s20+$0x0] =	vst.idx.add.f32.msk vm5, v26;
	(xrf2) =	vadd.scan.msk.f32 $0xffff, v23  }
0x457: {  	v17 =	vperm.xlane v11, v1;
	v19 =	vld.idx.msk [tilespmem:v28+s7+$0x0], $0xffff  }
.Ltmp6:
0x458: {  	v25 =	vld [tilespmem:s4+$0x10];
	v23, _, _ =	vpop (xrf2);
	(pc) =	sbr.rel @p0 .LBB2_14-.Ltmp6, $4  }
0x459: {  	vm11 =	vne.s32 v11, v17;
	v22 =	vld.idx.msk [tilespmem:v24+s7+$0x0], $0xffff;
	v26 =	vsub.f32 $0.0e+00, v23  }
0x45a: {  	vm10 =	vmor vm11, vm0;
	v24 =	vmul.f32 v21, v16;
	[tilespmem:v2+s20+$0x0] =	vst.idx.add.f32.msk vm2, v23;
	(xrf2) =	vadd.scan.msk.f32 $0xffff, v27  }
0x45b: {  	[tilespmem:v5+s20+$0x0] =	vst.idx.add.f32.msk vm12, v26  }
0x45c: {  	s15 =	sadd.s32 $0x40, s15;
	v23 =	vld [tilespmem:s4+$0x0]  }
0x45d: {  	v14 =	vmul.f32 v25, v14;
	_ =	sdelay $0x1  }
0x45e: {  	(xrf2) =	vadd.scan.msk.f32 $0xffff, v14;
	v14 =	vld [tilespmem:s12+$0x0];
	_ =	sdelay $0x2  }
0x45f: {  	v15 =	vmul.f32 v15, v22  }
0x460: {  	v21 =	vld [tilespmem:s12+$0xFFFFFFE0];
	v49, _, _ =	vpop (xrf2);
	(xrf2) =	vadd.scan.msk.f32 $0xffff, v24  }
0x461: {  	vm13 =	vmand vm11, vm1;
	v52 =	vimm.s32 $0x0;
	v51, _, _ =	vpop (xrf2);
	(xrf2) =	vadd.scan.msk.f32 $0xffff, v15;
	v15 =	vperm.xlane v14, v1  }
0x462: {  	v50 =	vmul.f32 v20, v19;
	v20 =	vsel vm13, $0xFFFFFFFF, v52;
	v26 =	vsub.f32 $0.0e+00, v51;
	[tilespmem:v7+s20+$0x0] =	vst.idx.add.f32.msk vm6, v51  }
0x463: {  	v25 =	vld [tilespmem:s12+$0xFFFFFFF0];
	[tilespmem:$0x1FD80] =	vst v20;
	vm11 =	vne.s32 v14, v15  }
0x464: {  	v29 =	vimm.s32 $0x0;
	[tilespmem:v9+s20+$0x0] =	vst.idx.add.f32.msk vm7, v26;
	vm12 =	vmor vm11, vm0  }
0x465: {  	v20 =	vperm.xlane v21, v1;
	[tilespmem:v11+s19+$0x0] =	vst.idx.add.f32.msk vm10, v49;
	v29 =	vsel vm12, $0xFFFFFFFF, v29  }
0x466: {  	v54 =	vimm.s32 $0x0;
	v53, _, _ =	vpop (xrf2);
	v27 =	vld [tilespmem:s17+$0xFFFFFFE0];
	vm11 =	vmand vm11, vm1;
	[tilespmem:$0x1FD90] =	vst v29  }
0x467: {  	v28 =	vsub.f32 $0.0e+00, v53;
	vm12 =	vne.s32 v21, v20;
	v26 =	vsel vm11, $0xFFFFFFFF, v54;
	[tilespmem:v6+s20+$0x0] =	vst.idx.add.f32.msk vm8, v53  }
0x468: {  	v55 =	vimm.s32 $0x0;
	vm15 =	vmor vm12, vm0;
	[tilespmem:$0x1FDC0] =	vst v26  }
0x469: {  	v24 =	vsub.f32 $0.0e+00, v49;
	[tilespmem:v8+s20+$0x0] =	vst.idx.add.f32.msk vm9, v28;
	v28 =	vsel vm15, $0xFFFFFFFF, v55  }
0x46a: {  	[tilespmem:$0x1FDA0] =	vst v28  }
0x46b: {  	[tilespmem:v17+s19+$0x0] =	vst.idx.add.f32.msk vm13, v24  }
0x46c: {  	v33 =	vld [tilespmem:$0x1FD90];
	_ =	sdelay $0x4  }
0x46d: {  	vm11 =	vmand vm12, vm1;
	vm12 =	vnez.u8 v33;
	_ =	sdelay $0x2  }
0x46e: {  	v26, _, _ =	vpop (xrf2)  }
0x46f: {  	v30, _, _ =	vpop (xrf2)  }
0x470: {  	v56, _, _ =	vpop (xrf2)  }
0x471: {  	(xrf2) =	vadd.scan.msk.f32 $0xffff, v50;
	[tilespmem:v14+s19+$0x0] =	vst.idx.add.f32.msk vm12, v56  }
0x472: {  	v59 =	vld [tilespmem:$0x1FDC0];
	_ =	sdelay $0x3  }
0x473: {  	v28 =	vperm.xlane v25, v1  }
0x474: {  	vm12 =	vnez.u8 v59  }
0x475: {  	vm13 =	vne.s32 v25, v28  }
0x476: {  	v57 =	vimm.s32 $0x0;
	v29 =	vld [tilespmem:s17+$0xFFFFFFF0];
	vm14 =	vmor vm13, vm0;
	vm13 =	vmand vm13, vm1  }
0x477: {  	v31 =	vld [tilespmem:s15+$0x10];
	v24 =	vsel vm13, $0xFFFFFFFF, v57  }
0x478: {  	v32 =	vsub.f32 $0.0e+00, v56;
	v58, _, _ =	vpop (xrf2);
	[tilespmem:$0x1FDB0] =	vst v24  }
0x479: {  	[tilespmem:v21+s19+$0x0] =	vst.idx.add.f32.msk vm15, v58  }
0x47a: {  	v13 =	vmul.f32 v27, v13;
	[tilespmem:v15+s19+$0x0] =	vst.idx.add.f32.msk vm12, v32  }
0x47b: {  	v60 =	vsub.f32 $0.0e+00, v58;
	v12 =	vmul.f32 v29, v12;
	v61 =	vld [tilespmem:s15+$0x0]  }
0x47c: {  	(xrf2) =	vadd.scan.msk.f32 $0xffff, v13;
	v62 =	vsub.f32 $0.0e+00, v30;
	[tilespmem:v25+s19+$0x0] =	vst.idx.add.f32.msk vm14, v30;
	v32 =	vmul.f32 v31, v18  }
0x47d: {  	(xrf2) =	vadd.scan.msk.f32 $0xffff, v12;
	[tilespmem:v20+s19+$0x0] =	vst.idx.add.f32.msk vm11, v60  }
0x47e: {  	[tilespmem:v28+s19+$0x0] =	vst.idx.add.f32.msk vm13, v62;
	(xrf2) =	vadd.scan.msk.f32 $0xffff, v32  }
0x47f: {  	v10 =	vmul.f32 v23, v10;
	v38 =	vld [tilespmem:$0x1FD80]  }
0x480: {  	v34 =	vmul.f32 v61, v22  }
0x481: {  	v42 =	vld [tilespmem:$0x1FD90];
	(xrf2) =	vadd.scan.msk.f32 $0xffff, v10  }
0x482: {  	v63 =	vld [tilespmem:s15+$0xFFFFFFE0];
	(xrf2) =	vadd.scan.msk.f32 $0xffff, v34  }
0x483: {  	v33 =	vld [tilespmem:s15+$0xFFFFFFF0]  }
0x484: {  	v37 =	vimm.s32 $0x0;
	vm10 =	vmmov vm10;
	vm12 =	vnez.u8 v38  }
0x485: {  	v39 =	vimm.s32 $0x0;
	vm15 =	vmmov vm11;
	vm11 =	vmmov vm12  }
0x486: {  	v43 =	vimm.s32 $0x0;
	v12 =	vsel vm10, $0xFFFFFFFF, v37;
	v40, _, _ =	vpop (xrf2);
	vm12 =	vnez.u8 v42  }
0x487: {  	v41, _, _ =	vpop (xrf2);
	v35 =	vmul.f32 v63, v19;
	[tilespmem:$0x1FDD0] =	vst v12;
	v12 =	vsel vm11, $0xFFFFFFFF, v39;
	vm13 =	vmmov vm12  }
0x488: {  	v36 =	vmul.f32 v33, v16;
	v45 =	vld [tilespmem:$0x1FDA0];
	[tilespmem:$0x1FDE0] =	vst v12;
	v13 =	vsel vm13, $0xFFFFFFFF, v43;
	v44, _, _ =	vpop (xrf2)  }
0x489: {  	(xrf2) =	vadd.scan.msk.f32 $0xffff, v35;
	[tilespmem:$0x1FDF0] =	vst v13;
	v46 =	vsub.f32 $0.0e+00, v44  }
0x48a: {  	(xrf2) =	vadd.scan.msk.f32 $0xffff, v36;
	[tilespmem:v11+s20+$0x0] =	vst.idx.add.f32.msk vm10, v44  }
0x48b: {  	v47, _, _ =	vpop (xrf2);
	[tilespmem:v17+s20+$0x0] =	vst.idx.add.f32.msk vm11, v46  }
0x48c: {  	v49 =	vld [tilespmem:$0x1FDB0];
	v48, _, _ =	vpop (xrf2)  }
0x48d: {  	vm12 =	vnez.u8 v45;
	[tilespmem:v14+s20+$0x0] =	vst.idx.add.f32.msk vm13, v48  }
0x48e: {  	vm12 =	vmmov vm12;
	v30 =	vld [tilespmem:$0x1FDC0]  }
0x48f: {  	vm14 =	vmmov vm14  }
0x490: {  	vm15 =	vmmov vm15  }
0x491: {  	vm10 =	vnez.u8 v49  }
0x492: {  	s4 =	sadd.s32 $0x40, s4;
	vm11 =	vmmov vm10  }
0x493: {  	v50 =	vld [tilespmem:s4+$0x10];
	v51, _, _ =	vpop (xrf2);
	vm13 =	vnez.u8 v30  }
0x494: {  	v52 =	vsub.f32 $0.0e+00, v51;
	[tilespmem:v21+s20+$0x0] =	vst.idx.add.f32.msk vm12, v51;
	v53, _, _ =	vpop (xrf2);
	vm10 =	vmmov vm13  }
0x495: {  	[tilespmem:v25+s20+$0x0] =	vst.idx.add.f32.msk vm14, v53  }
0x496: {  	v54 =	vsub.f32 $0.0e+00, v53;
	[tilespmem:v20+s20+$0x0] =	vst.idx.add.f32.msk vm15, v52  }
0x497: {  	v55 =	vld [tilespmem:s4+$0xFFFFFFE0]  }
0x498: {  	v23 =	vsub.f32 $0.0e+00, v48;
	[tilespmem:v28+s20+$0x0] =	vst.idx.add.f32.msk vm11, v54  }
0x499: {  	v29 =	vld [tilespmem:s4+$0xFFFFFFF0]  }
0x49a: {  	[tilespmem:v15+s20+$0x0] =	vst.idx.add.f32.msk vm10, v23  }
0x49b: {  	v23 =	vld [tilespmem:s4+$0x0];
	_ =	sdelay $0x1  }
0x49c: {  	[tilespmem:v3+s21+$0x0] =	vst.idx.add.f32.msk vm4, v26;
	v56 =	vmul.f32 v50, v18  }
0x49d: {  	[tilespmem:v7+s21+$0x0] =	vst.idx.add.f32.msk vm6, v40;
	v57 =	vmul.f32 v55, v19  }
0x49e: {  	v59 =	vsub.f32 $0.0e+00, v26;
	[tilespmem:v6+s21+$0x0] =	vst.idx.add.f32.msk vm8, v41;
	(xrf2) =	vadd.scan.msk.f32 $0xffff, v56;
	v58 =	vmul.f32 v29, v16  }
0x49f: {  	v60 =	vsub.f32 $0.0e+00, v40;
	[tilespmem:v2+s21+$0x0] =	vst.idx.add.f32.msk vm2, v47;
	(xrf2) =	vadd.scan.msk.f32 $0xffff, v57;
	v3 =	vmul.f32 v23, v22  }
0x4a0: {  	v61 =	vsub.f32 $0.0e+00, v47;
	[tilespmem:v4+s21+$0x0] =	vst.idx.add.f32.msk vm5, v59;
	(xrf2) =	vadd.scan.msk.f32 $0xffff, v58  }
0x4a1: {  	[tilespmem:v9+s21+$0x0] =	vst.idx.add.f32.msk vm7, v60;
	(xrf2) =	vadd.scan.msk.f32 $0xffff, v3;
	v3 =	vsub.f32 $0.0e+00, v41  }
0x4a2: {  	[tilespmem:v5+s21+$0x0] =	vst.idx.add.f32.msk vm3, v61  }
0x4a3: {  	[tilespmem:v8+s21+$0x0] =	vst.idx.add.f32.msk vm9, v3  }
0x4a4: {  	v4 =	vld [tilespmem:$0x1FDD0];
	_ =	sdelay $0x4  }
0x4a5: {  	vm2 =	vnez.u8 v4;
	_ =	sdelay $0x4  }
0x4a6: {  	v2, _, _ =	vpop (xrf2)  }
0x4a7: {  	[tilespmem:v11+s21+$0x0] =	vst.idx.add.f32.msk vm2, v2  }
0x4a8: {  	v62 =	vld [tilespmem:$0x1FDE0];
	_ =	sdelay $0x4  }
0x4a9: {  	vm2 =	vnez.u8 v62;
	_ =	sdelay $0x3  }
0x4aa: {  	v3 =	vsub.f32 $0.0e+00, v2  }
0x4ab: {  	v2, _, _ =	vpop (xrf2)  }
0x4ac: {  	[tilespmem:v17+s21+$0x0] =	vst.idx.add.f32.msk vm2, v3;
	v3 =	vsub.f32 $0.0e+00, v2  }
0x4ad: {  	[tilespmem:v21+s21+$0x0] =	vst.idx.add.f32.msk vm12, v2;
	v2, _, _ =	vpop (xrf2)  }
0x4ae: {  	[tilespmem:v20+s21+$0x0] =	vst.idx.add.f32.msk vm15, v3;
	v3 =	vsub.f32 $0.0e+00, v2  }
0x4af: {  	[tilespmem:v25+s21+$0x0] =	vst.idx.add.f32.msk vm14, v2  }
0x4b0: {  	[tilespmem:v28+s21+$0x0] =	vst.idx.add.f32.msk vm11, v3  }
0x4b1: {  	v3 =	vld [tilespmem:$0x1FDF0];
	_ =	sdelay $0x4  }
0x4b2: {  	vm2 =	vnez.u8 v3;
	_ =	sdelay $0x3  }
0x4b3: {  	v63, _, _ =	vpop (xrf2)  }
0x4b4: {  	v2 =	vsub.f32 $0.0e+00, v63  }
0x4b5: {  	[tilespmem:v14+s21+$0x0] =	vst.idx.add.f32.msk vm2, v63  }
0x4b6: {  	[tilespmem:v15+s21+$0x0] =	vst.idx.add.f32.msk vm10, v2  }
0x4b7: {  	s12 =	simm.s32 $0x4;
	s18 =	rddreg [dreg:$0xf]  }
0x4b8: {  	[hbm4b:s18+s7] =	stream.linear.scatter [tilespmem:s19], [sflag:$0x4], $0x4000, $0x38;
	[tilespmem:$0x17800] =	vst v63  }
0x4b9: {  	_ =	swait.ge [sflag:s12], $0x4000  }
0x4ba: {  	[sflag:s12] =	ssyncset.done $0x0  }
0x4bb: {  	s24 =	rddreg [dreg:$0x12];
	[sflag:s12] =	ssyncadd.s32 $0xFFFFC000  }
0x4bc: {  	[hbm4b:s24+s7] =	stream.linear.scatter [tilespmem:s20], [sflag:$0x4], $0x4000, $0x38;
	[tilespmem:$0x17800] =	vst v63  }
0x4bd: {  	_ =	swait.ge [sflag:s12], $0x4000  }
0x4be: {  	[sflag:s12] =	ssyncset.done $0x0  }
0x4bf: {  	s25 =	rddreg [dreg:$0x13];
	[sflag:s12] =	ssyncadd.s32 $0xFFFFC000  }
0x4c0: {  	[hbm4b:s25+s7] =	stream.linear.scatter [tilespmem:s21], [sflag:$0x4], $0x4000, $0x38;
	[tilespmem:$0x17800] =	vst v63  }
0x4c1: {  	_ =	swait.ge [sflag:s12], $0x4000  }
0x4c2: {  	s13 =	rddreg [dreg:$0x15]  }
0x4c3: {  	s26 =	rddreg [dreg:$0x14];
	s13 =	sadd.s32 $0x1, s13  }
0x4c4: {  	p0 =	sne.s32 s13, s26  }
.Ltmp7:
0x4c5: {  	_ = 	snop;
	(pc) =	sbr.rel @p0 .LBB2_1-.Ltmp7, $3  }
0x4c6: {  	_ =	sdelay $0x1  }
0x4c7: {  	[sflag:s12] =	ssyncset.done $0x0  }
0x4c8: {  	[sflag:s12] =	ssyncadd.s32 $0xFFFFC000  }
0x4c9: {  	_ =	sfence.sel $0x180000  }
0x4ca: {  	[bflag:$0x0] =	sbarrier.arrive $0xFFFF  }
0x4cb: {  	_ =	strace $0x90000047  }
0x4cc: {  	s0 =	stileid.u32;
	[bflag:$0x2] =	sbarrier.arrive $0xFFFF  }
0x4cd: {  	p0 =	sne.s32 s0, $0x0;
	s0 =	rddreg [dreg:$0x6]  }
0x4ce: {  	s0 =	sadd.s32 @!p0 $0x100000, s0  }
0x4cf: {  	[sflag:s0] =	ssyncadd.tile.s32 @!p0 $0x1;
	_ =	shalt  }
.Lfunc_end2:
_tile_overlayer_lowered:
.L_overlay_start_2:
0x4d0: {  	(tag) =	ssettag $0x2  }
0x4d1: {  	s0 =	rddreg [dreg:$0x0];
	s2 =	stileid.u32  }
0x4d2: {  	s1 =	rddreg [dreg:$0x1];
	p0 =	sne.s32 s2, $0x0  }
0x4d3: {  	s3 =	rddreg [dreg:$0x2];
	[bflag:$0x3] =	sbarrier.arrive $0xFFFF;
	s2 =	simm.s32 @!p0 $0x1C04  }
0x4d4: {  	[timem:s3], [sflag:s2] =	dma.local @!p0 [hbm:s0], s1  }
0x4d5: {  	s0 =	simm.s32 @!p0 $0x4  }
0x4d6: {  	_ =	swait.ge @!p0 [sflag:s0], s1  }
0x4d7: {  	s1 =	ssub.s32 @!p0 $0x0, s1;
	[sflag:s0] =	ssyncset.done @!p0 $0x0  }
0x4d8: {  	[sflag:s0] =	ssyncadd.s32 @!p0 s1  }
0x4d9: {  	[bflag:$0x3] =	sbarrier.arrive $0xFFFF  }
0x4da: {  	_ =	shalt  }

// kernel: kernel.9.cloned.1.call-start
scs
__scs_entry_jumppad:
0x0: {  	(pc) =	sbr.rel $0x88, $3  }
0x1: {  	(tag) =	ssettag $0x0;
	lr =	simm.s32 $0x1  }
0x2: {  	[smem:$0x3F9D] =	sst lr;
	_ =	strace $0xD0000000  }
0x3: {  	_ = 	snop  }
0x4: {  	_ = 	snop  }
0x5: {  	_ = 	snop  }
0x6: {  	_ = 	snop  }
0x7: {  	_ = 	snop  }
__scs_overlays_trampoline_lowered:
0x8: {  	[smem:$0x3FAC] =	sst s0  }
0x9: {  	[smem:$0x3FAD] =	sst s1  }
0xa: {  	[smem:$0x3FAE] =	sst s2  }
0xb: {  	[smem:$0x3FAF] =	sst s3  }
0xc: {  	[smem:$0x3FB0] =	sst s4  }
0xd: {  	[smem:$0x3FB1] =	sst s5  }
0xe: {  	[smem:$0x3FB2] =	sst s6  }
0xf: {  	[smem:$0x3FB3] =	sst s7  }
0x10: {  	[smem:$0x3FB4] =	sst s8  }
0x11: {  	[smem:$0x3FB5] =	sst s9;
	s0 =	simm.s32 @!p0 $0x0  }
0x12: {  	s1 =	sld [smem:$0x3F9B];
	s0 =	simm.s32 @p0 $0x1  }
0x13: {  	[smem:$0x3FB6] =	sst s0;
	s0 =	simm.s32 @!p1 $0x0  }
0x14: {  	s2 =	sld [smem:$0x3F9A];
	s0 =	simm.s32 @p1 $0x1  }
0x15: {  	[smem:$0x3FB7] =	sst s0;
	s0 =	simm.s32 @!p2 $0x0  }
0x16: {  	s3 =	sld [smem:$0x3FDB];
	s0 =	simm.s32 @p2 $0x1  }
0x17: {  	s4 =	simm.s32 $0x1BF5;
	[smem:$0x3FB9] =	sst s0  }
0x18: {  	s0 =	sld [smem:$0x3F9C];
	_ =	swait.ge [sflag:s4], $0x0  }
0x19: {  	s7 =	sld [smem:$0x3F9D]  }
0x1a: {  	s8 =	sadd.s32 $0xFFFFE003, lr  }
0x1b: {  	s9 =	sadd.s32 $0xFFFFFEF7, lr;
	s5 =	simm.s32 $0xFFFFFFFF;
	p2 =	slt.u32 s8, $0xFFFFF086  }
0x1c: {  	p1 =	slt.u32 s9, $0xF7A;
	s5 =	simm.s32 @!p2 $0x0  }
0x1d: {  	s5 =	simm.s32 @p1 $0x1;
	p0 =	seq.s32 s7, s2  }
0x1e: {  	s7 =	smul.u32 @!p0 $0xF7A, s2;
	p2 =	seq.s32 @!p0 s5, $0x0  }
0x1f: {  	s9 =	smul.u32 $0xF7A, s1;
	s8 =	simm.s32 @!p0 $0x1BF5;
	p2 =	por !p2, p0  }
0x20: {  	[sflag:s8] =	ssyncset.s32 @!p0 $0xFFFFF086;
	s6 =	sadd.s32 @!p0 s3, s7;
	s7 =	simm.s32 @!p0 $0x108  }
0x21: {  	s3 =	sadd.s32 s3, s9;
	s6 =	sadd.s32 @!p0 $0x88, s6;
	s7 =	simm.s32 @p2 $0x1082  }
0x22: {  	[simem:s7], [sflag:s8] =	dma.local @!p0 [hbm:s6], $0xF7A  }
0x23: {  	s9 =	sor.u32 $0xD0000000, s2;
	s6 =	simm.s32 $0x108;
	_ =	swait.ge @!p0 [sflag:s8], $0x0  }
0x24: {  	s3 =	sadd.s32 $0x88, s3;
	s6 =	simm.s32 @!p1 $0x1082;
	[sflag:s4] =	ssyncset.s32 $0xFFFFF086  }
0x25: {  	[simem:s6], [sflag:s4] =	dma.local [hbm:s3], $0xF7A  }
0x26: {  	[smem:$0x3F9D] =	sst s1;
	(tag) =	ssettag s2;
	_ =	strace s9  }
0x27: {  	s1 =	sld [smem:$0x3FAD]  }
0x28: {  	s2 =	sld [smem:$0x3FAE]  }
0x29: {  	s4 =	sld [smem:$0x3FB0]  }
0x2a: {  	p0 =	seq.s32 s5, $0x0;
	s5 =	sld [smem:$0x3FB1]  }
0x2b: {  	s6 =	sld [smem:$0x3FB2]  }
0x2c: {  	s7 =	sld [smem:$0x3FB3]  }
0x2d: {  	s3 =	simm.s32 $0x108;
	s8 =	sld [smem:$0x3FB4]  }
0x2e: {  	s3 =	simm.s32 @!p0 $0x1082;
	s9 =	sld [smem:$0x3FB5]  }
0x2f: {  	lr =	sadd.s32 s0, s3;
	s0 =	sld [smem:$0x3FAC]  }
0x30: {  	s3 =	sld [smem:$0x3FAF]  }
0x31: {  	[smem:$0x3FB8] =	sst s10  }
0x32: {  	s10 =	sld [smem:$0x3FB6];
	_ =	sdelay $0x3  }
0x33: {  	p0 =	seq.s32 s10, $0x1;
	s10 =	sld [smem:$0x3FB8];
	_ =	sdelay $0x3  }
0x34: {  	[smem:$0x3FB8] =	sst s10  }
0x35: {  	s10 =	sld [smem:$0x3FB7];
	_ =	sdelay $0x3  }
0x36: {  	p1 =	seq.s32 s10, $0x1;
	s10 =	sld [smem:$0x3FB8];
	_ =	sdelay $0x3  }
0x37: {  	[smem:$0x3FB8] =	sst s10  }
0x38: {  	s10 =	sld [smem:$0x3FB9]  }
0x39: {  	_ = 	snop;
	(pc) =	sbr.ind lr, $3  }
0x3a: {  	_ = 	snop  }
0x3b: {  	_ = 	snop  }
0x3c: {  	p2 =	seq.s32 s10, $0x1;
	s10 =	sld [smem:$0x3FB8]  }
0x3d: {  	_ =	shalt  }
0x3e: {  	_ =	shalt  }
0x3f: {  	_ =	shalt  }
0x40: {  	_ =	shalt  }
0x41: {  	_ =	shalt  }
0x42: {  	_ =	shalt  }
0x43: {  	_ =	shalt  }
0x44: {  	_ =	shalt  }
0x45: {  	_ =	shalt  }
0x46: {  	_ =	shalt  }
0x47: {  	_ =	shalt  }
0x48: {  	_ =	shalt  }
0x49: {  	_ =	shalt  }
0x4a: {  	_ =	shalt  }
0x4b: {  	_ =	shalt  }
0x4c: {  	_ =	shalt  }
0x4d: {  	_ =	shalt  }
0x4e: {  	_ =	shalt  }
0x4f: {  	_ =	shalt  }
0x50: {  	_ =	shalt  }
0x51: {  	_ =	shalt  }
0x52: {  	_ =	shalt  }
0x53: {  	_ =	shalt  }
0x54: {  	_ =	shalt  }
0x55: {  	_ =	shalt  }
0x56: {  	_ =	shalt  }
0x57: {  	_ =	shalt  }
0x58: {  	_ =	shalt  }
0x59: {  	_ =	shalt  }
0x5a: {  	_ =	shalt  }
0x5b: {  	_ =	shalt  }
0x5c: {  	_ =	shalt  }
0x5d: {  	_ =	shalt  }
0x5e: {  	_ =	shalt  }
0x5f: {  	_ =	shalt  }
0x60: {  	_ =	shalt  }
0x61: {  	_ =	shalt  }
0x62: {  	_ =	shalt  }
0x63: {  	_ =	shalt  }
0x64: {  	_ =	shalt  }
0x65: {  	_ =	shalt  }
0x66: {  	_ =	shalt  }
0x67: {  	_ =	shalt  }
0x68: {  	_ =	shalt  }
0x69: {  	_ =	shalt  }
0x6a: {  	_ =	shalt  }
0x6b: {  	_ =	shalt  }
0x6c: {  	_ =	shalt  }
0x6d: {  	_ =	shalt  }
0x6e: {  	_ =	shalt  }
0x6f: {  	_ =	shalt  }
0x70: {  	_ =	shalt  }
0x71: {  	_ =	shalt  }
0x72: {  	_ =	shalt  }
0x73: {  	_ =	shalt  }
0x74: {  	_ =	shalt  }
0x75: {  	_ =	shalt  }
0x76: {  	_ =	shalt  }
0x77: {  	_ =	shalt  }
0x78: {  	_ =	shalt  }
0x79: {  	_ =	shalt  }
0x7a: {  	_ =	shalt  }
0x7b: {  	_ =	shalt  }
0x7c: {  	_ =	shalt  }
0x7d: {  	_ =	shalt  }
0x7e: {  	_ =	shalt  }
0x7f: {  	_ =	shalt  }
0x80: {  	_ =	shalt  }
0x81: {  	_ =	shalt  }
0x82: {  	_ =	shalt  }
0x83: {  	_ =	shalt  }
0x84: {  	_ =	shalt  }
0x85: {  	_ =	shalt  }
0x86: {  	_ =	shalt  }
0x87: {  	_ =	shalt  }
.Lfunc_end0:
.L_simem_size_0:
called_computation.1_lowered:
.L_overlay_start_0:
0x88: {  	s2 =	sld [smem:$0x3FD9]  }
0x89: {  	s3 =	sld [smem:$0x3FFE];
	_ =	sdelay $0x1  }
0x8a: {  	s1 =	srdreg.scid  }
0x8b: {  	s0 =	sand.u32 $0x1, s1  }
0x8c: {  	s17 =	sshll.u32 s0, $0xA;
	s2 =	sadd.s32 s3, s2  }
0x8d: {  	s2 =	sadd.s32 s2, s17  }
0x8e: {  	[smem:$0x3FC4] =	sst s2  }
0x8f: {  	_ = 	snop  }
0x90: {  	s2 =	sld [smem:$0x3FC8]  }
0x91: {  	s18 =	sld [smem:$0x3FC7]  }
0x92: {  	s4 =	sld [smem:$0x3FC6]  }
0x93: {  	s5 =	sld [smem:$0x3FD0];
	(tm) =	ssettm $0x1  }
0x94: {  	s6 =	sld [smem:$0x3FFB];
	_ =	sdelay $0x3  }
0x95: {  	_ =	strace s6  }
0x96: {  	s6 =	sld [smem:$0x3FFC];
	_ =	sdelay $0x3  }
0x97: {  	_ =	strace s6  }
0x98: {  	s6 =	sld [smem:$0x3FFD];
	_ =	sdelay $0x3  }
0x99: {  	_ =	strace s6  }
0x9a: {  	_ =	strace $0x8FFFFFFF  }
0x9b: {  	s19 =	sld [smem:$0x3FDB];
	_ =	sdelay $0x1  }
0x9c: {  	s7 =	simm.s32 $_scs_section_size  }
0x9d: {  	s8 =	simm.s32 $_size__tile_overlayer_lowered;
	s9 =	simm.s32 $_tile_overlayer_lowered  }
0x9e: {  	s22 =	simm.s32 $0x1BFF;
	s21 =	sshll.u32 s9, $0x1;
	s6 =	sadd.s32 s7, s19  }
0x9f: {  	s10 =	simm.s32 $0x0;
	s20 =	sshll.u32 s8, $0x1;
	s8 =	sadd.s32 s21, s6  }
0xa0: {  	[timem:s10], [sflag:s22] =	dma.local [hbm:s8], s20  }
0xa1: {  	_ =	swait.ge [sflag:s22], s20  }
0xa2: {  	s7 =	ssub.s32 $0x0, s20;
	[sflag:s22] =	ssyncset.done $0x0  }
0xa3: {  	[sflag:s22] =	ssyncadd.s32 s7;
	_ =	sdelay $0x1  }
0xa4: {  	s23 =	simm.s32 $0x1B8B  }
0xa5: {  	_ =	swait.ge [sflag:s23], $0x1  }
0xa6: {  	[sflag:s23] =	ssyncset.done $0x0  }
0xa7: {  	s25 =	simm.s32 $0x1B8E;
	s24 =	sld [smem:$0x3FFE];
	[sflag:s23] =	ssyncadd.s32 $0xFFFFFFFF  }
0xa8: {  	s26 =	simm.s32 $execute0_lowered;
	[smem:$0x3FD2] =	sst s25  }
0xa9: {  	s8 =	sshll.u32 s26, $0x1;
	_ =	strace $0x80000049;
	[dreg:$0x1] =	wrdreg $0xFFFFFFFF  }
0xaa: {  	s28 =	simm.s32 $_size_execute0_lowered;
	s6 =	sadd.s32 s6, s8;
	[dreg:$0x0] =	wrdreg $0x0  }
0xab: {  	s8 =	sshll.u32 s28, $0x1;
	[dreg:$0x2] =	wrdreg s6  }
0xac: {  	[dreg:$0x3] =	wrdreg s8  }
0xad: {  	[dreg:$0x4] =	wrdreg $0xC0  }
0xae: {  	_ =	task [dreg:s10], $0x5FFFF  }
0xaf: {  	[dreg:$0x1] =	wrdreg $0xFFFFFFFF  }
0xb0: {  	[dreg:$0x0] =	wrdreg $0x60  }
0xb1: {  	[dreg:$0x2] =	wrdreg s24  }
0xb2: {  	[dreg:$0x3] =	wrdreg s5  }
0xb3: {  	[dreg:$0x4] =	wrdreg s2  }
0xb4: {  	[dreg:$0x5] =	wrdreg s18  }
0xb5: {  	[dreg:$0x6] =	wrdreg s4  }
0xb6: {  	[dreg:$0x7] =	wrdreg $0x9  }
0xb7: {  	_ =	task.clear_ibuf [dreg:s10], $0x8FFFF;
	_ =	strace $0x90000049  }
0xb8: {  	s29 =	simm.s32 $0x9;
	_ =	strace $0x8000004B  }
0xb9: {  	_ =	swait.ge [sflag:s29], $0x1  }
0xba: {  	[sflag:s29] =	ssyncadd.s32 $0xFFFFFFFF  }
0xbb: {  	_ =	strace $0x9000004B  }
0xbc: {  	_ =	sfence  }
0xbd: {  	s30 =	sld [smem:$0x0];
	_ =	sdelay $0x2  }
0xbe: {  	s31 =	sshll.u32 s1, $0xD;
	s1 =	sshrl.u32 s1, $0x2  }
0xbf: {  	s3 =	sand.u32 $0x4000, s31;
	s1 =	sadd.s32 s1, s30  }
0xc0: {  	s0 =	sor.u32 s3, s0;
	s1 =	sshll.u32 s1, $0x11  }
0xc1: {  	s0 =	sor.u32 s1, s0  }
0xc2: {  	s0 =	sadd.s32 $0x8F2B, s0  }
0xc3: {  	[sflag:s0] =	ssyncadd.remote.s32 $0x1  }
0xc4: {  	_ =	sfence.sel $0xFFFF  }
0xc5: {  	[dreg:$0x0] =	wrdreg $0xFFFFFFFF;
	(pc) =	sbr.abs _section_cstart, $3  }
0xc6: {  	[dreg:$0x1] =	wrdreg $0xFFFFFFFF  }
0xc7: {  	_ =	task.clear_ibuf [dreg:s10], $0x2FFFF;
	_ =	strace $0x9FFFFFFF  }
0xc8: {  	(tm) =	ssettm $0x7FFFFFFF  }
0xc9: {  	_ =	shalt  }
tec
execute0_lowered:
.L_overlay_start_1:
0x0: {  	(tag) =	ssettag $0x1  }
0x1: {  	s0 =	rddreg [dreg:$0x0]  }
0x2: {  	s2 =	rddreg [dreg:$0x2]  }
0x3: {  	s3 =	rddreg [dreg:$0x3]  }
0x4: {  	s4 =	rddreg [dreg:$0x4]  }
0x5: {  	s5 =	simm.s32 $0x0;
	s15 =	srdreg.scid;
	s6 =	stileid.u32  }
0x6: {  	[smem:$0x7FF] =	sst s5;
	s1 =	sadd.s32 $0x1000, s0;
	s6 =	sshll.u32 s6, $0x1  }
0x7: {  	_ =	strace $0x8000004A;
	[dreg:$0x6] =	wrdreg s1;
	s1 =	sand.u32 $0x1, s15  }
0x8: {  	s28 =	simm.s32 $0x8000;
	s31 =	simm.s32 $0x80;
	s6 =	sor.u32 s1, s6  }
0x9: {  	s29 =	simm.s32 $0x1A800;
	s30 =	simm.s32 $0x1C000;
	s12 =	smul.u32 $0x14800, s6  }
0xa: {  	s7 =	sadd.s32 $0x800, s0;
	s9 =	sadd.s32 $0x400, s0;
	s13 =	smul.u32 $0x29, s6  }
0xb: {  	s10 =	sadd.s32 $0x600, s0;
	s11 =	sadd.s32 $0x30800, s0;
	s8 =	smul.u32 $0xA400, s6  }
0xc: {  	s0 =	sadd.s32 $0x30A00, s0;
	s1 =	ssub.s32 $0x2, s1;
	s15 =	smul.u32 $0xC000, s6  }
0xd: {  	[dreg:$0x7] =	wrdreg s7;
	s16 =	sshrl.u32 s1, $0x1;
	s6 =	smul.u32 $0x1800, s6  }
0xe: {  	s1 =	ssub.s32 s1, s16;
	s16 =	simm.s32 $0x3;
	s17 =	sshrl.u32 s12, $0x3  }
0xf: {  	s18 =	sadd.s32 $0x800, s12;
	s19 =	sadd.s32 s4, s8;
	s22 =	sshrl.u32 s15, $0x3  }
0x10: {  	s26 =	smax.u32 s1, $0x1;
	s1 =	simm.s32 $0x19000;
	s15 =	simm.s32 $0x2  }
0x11: {  	s14 =	sadd.s32 s2, s17;
	s7 =	sadd.s32 s3, s17;
	[dreg:$0xa] =	wrdreg s19  }
0x12: {  	s20 =	sshrl.u32 s18, $0x3;
	s23 =	sshrl.u32 s18, $0x1;
	[dreg:$0x11] =	wrdreg s26  }
0x13: {  	v0 =	vimm.s32 $0xFFEDCBA9;
	v1 =	vimm.s32 $0x87654321;
	s8 =	sadd.s32 s0, s22;
	s0 =	sadd.s32 s0, s6;
	[dreg:$0x8] =	wrdreg s14  }
0x14: {  	v0 =	vunpack.c.l.s4.s8 v0;
	v1 =	vunpack.c.l.s4.s8 v1;
	s18 =	simm.s32 $0x4;
	s26 =	simm.s32 $0x4000;
	[dreg:$0x9] =	wrdreg s7  }
0x15: {  	s6 =	simm.s32 $0x1;
	s21 =	sadd.s32 s2, s20;
	[dreg:$0xe] =	wrdreg s0  }
0x16: {  	v0 =	vunpack.c.0.s8.s32 v0;
	v1 =	vunpack.c.0.s8.s32 v1;
	s19 =	simm.s32 $0x0;
	s7 =	sadd.s32 s3, s20;
	[dreg:$0xb] =	wrdreg s21  }
0x17: {  	s24 =	sadd.s32 $0x800, s8;
	s25 =	sadd.s32 $0x1000, s8;
	[dreg:$0xc] =	wrdreg s7  }
0x18: {  	vm0 =	vmmov $0x7fff;
	v2 =	vimm.s32 $0x0;
	v1 =	vcombine.low v1, v0;
	s0 =	simm.s32 $0x200;
	s8 =	simm.s32 $0x10000;
	[dreg:$0xf] =	wrdreg s24  }
0x19: {  	v2 =	vsel vm0, $0xFFFFFFFF, v2;
	s14 =	simm.s32 $0x14000;
	s7 =	sadd.s32 s4, s23;
	[dreg:$0x10] =	wrdreg s25  }
0x1a: {  	[tilespmem:$0x1FFF0] =	vst v2;
	v0 =	vimm.f32 $0.0e+00;
	v1 =	vand.u32 $0xF, v1;
	s24 =	sadd.s32 $0x1000, s12;
	[dreg:$0xd] =	wrdreg s7;
	s7 =	simm.s32 $0xC000  }
.LBB2_1:
0x1b: {  	[dreg:$0x12] =	wrdreg s19  }
0x1c: {  	s17 =	rddreg [dreg:$0x6]  }
0x1d: {  	[tilespmem:s5], [sflag:$0x4] =	stream.linear.gather [hbm4b:s17+s5], $0x4000, $0x38;
	[tilespmem:$0x1C800] =	vst v63  }
0x1e: {  	_ =	swait.ge [sflag:s18], $0x4000  }
0x1f: {  	[sflag:s18] =	ssyncset.done $0x0  }
0x20: {  	s23 =	rddreg [dreg:$0x7];
	[sflag:s18] =	ssyncadd.s32 $0xFFFFC000  }
0x21: {  	[tilespmem:s26], [sflag:$0x4] =	stream.linear.gather [hbm4b:s23+s5], $0x4000, $0x38;
	[tilespmem:$0x1C800] =	vst v63  }
0x22: {  	_ =	swait.ge [sflag:s18], $0x4000  }
0x23: {  	[sflag:s18] =	ssyncset.done $0x0  }
0x24: {  	[sflag:s18] =	ssyncadd.s32 $0xFFFFC000  }
0x25: {  	s25 =	rddreg [dreg:$0x1]  }
0x26: {  	[tilespmem:s28], [sflag:$0x4] =	stream.linear.gather [hbm4b:s25+s5], $0x4000, $0x38;
	[tilespmem:$0x1C800] =	vst v63  }
0x27: {  	_ =	swait.ge [sflag:s18], $0x4000  }
0x28: {  	[sflag:s18] =	ssyncset.done $0x0  }
0x29: {  	s17 =	simm.s32 $0xC040;
	[sflag:s18] =	ssyncadd.s32 $0xFFFFC000  }
0x2a: {  	[tilespmem:s17+$0xFFFFFFD0] =	vst v0  }
0x2b: {  	[tilespmem:s17+$0x0] =	vst v0  }
0x2c: {  	[tilespmem:s17+$0xFFFFFFC0] =	vst v0  }
0x2d: {  	[tilespmem:s17+$0x30] =	vst v0  }
0x2e: {  	[tilespmem:s17+$0xFFFFFFF0] =	vst v0  }
0x2f: {  	[tilespmem:s17+$0xFFFFFFE0] =	vst v0  }
0x30: {  	[tilespmem:s17+$0x10] =	vst v0  }
0x31: {  	s19 =	simm.s32 $0x10040;
	[tilespmem:s17+$0x20] =	vst v0  }
0x32: {  	[tilespmem:s19+$0xFFFFFFC0] =	vst v0  }
0x33: {  	[tilespmem:s19+$0x30] =	vst v0  }
0x34: {  	[tilespmem:s19+$0x0] =	vst v0  }
0x35: {  	[tilespmem:s19+$0x20] =	vst v0  }
0x36: {  	[tilespmem:s19+$0x10] =	vst v0  }
0x37: {  	[tilespmem:s19+$0xFFFFFFD0] =	vst v0  }
0x38: {  	[tilespmem:s19+$0xFFFFFFE0] =	vst v0  }
0x39: {  	s18 =	simm.s32 $0x14040;
	[tilespmem:s19+$0xFFFFFFF0] =	vst v0  }
0x3a: {  	[tilespmem:s18+$0xFFFFFFC0] =	vst v0  }
0x3b: {  	[tilespmem:s18+$0x30] =	vst v0  }
0x3c: {  	[tilespmem:s18+$0x20] =	vst v0  }
0x3d: {  	[tilespmem:s18+$0x10] =	vst v0  }
0x3e: {  	s20 =	simm.s32 $0x0;
	s21 =	simm.s32 $0x140C0;
	[tilespmem:s18+$0xFFFFFFD0] =	vst v0  }
.LBB2_2:
0x3f: {  	s20 =	sadd.s32 $0x80, s20;
	[tilespmem:s18+$0xFFFFFFE0] =	vst v0;
	s17 =	sadd.s32 $0x80, s17;
	s19 =	sadd.s32 $0x80, s19  }
0x40: {  	p0 =	slt.u32 s20, $0x3F80;
	[tilespmem:s18+$0x0] =	vst v0  }
0x41: {  	[tilespmem:s18+$0xFFFFFFF0] =	vst v0;
	s18 =	smov.u32 s21  }
0x42: {  	[tilespmem:s17+$0xFFFFFFD0] =	vst v0  }
0x43: {  	[tilespmem:s17+$0x0] =	vst v0  }
0x44: {  	[tilespmem:s17+$0xFFFFFFC0] =	vst v0  }
0x45: {  	[tilespmem:s19+$0xFFFFFFC0] =	vst v0  }
0x46: {  	[tilespmem:s21+$0xFFFFFFC0] =	vst v0  }
0x47: {  	[tilespmem:s17+$0x30] =	vst v0  }
0x48: {  	[tilespmem:s19+$0x30] =	vst v0  }
0x49: {  	[tilespmem:s21+$0x30] =	vst v0  }
0x4a: {  	[tilespmem:s19+$0x0] =	vst v0  }
0x4b: {  	[tilespmem:s17+$0xFFFFFFF0] =	vst v0  }
0x4c: {  	[tilespmem:s17+$0xFFFFFFE0] =	vst v0  }
0x4d: {  	[tilespmem:s17+$0x10] =	vst v0  }
0x4e: {  	[tilespmem:s17+$0x20] =	vst v0  }
0x4f: {  	[tilespmem:s19+$0x20] =	vst v0  }
0x50: {  	[tilespmem:s21+$0x20] =	vst v0  }
0x51: {  	[tilespmem:s19+$0x10] =	vst v0  }
.Ltmp0:
0x52: {  	[tilespmem:s21+$0x10] =	vst v0;
	(pc) =	sbr.rel @p0 .LBB2_2-.Ltmp0, $4  }
0x53: {  	[tilespmem:s19+$0xFFFFFFD0] =	vst v0  }
0x54: {  	[tilespmem:s19+$0xFFFFFFE0] =	vst v0  }
0x55: {  	[tilespmem:s21+$0xFFFFFFD0] =	vst v0  }
0x56: {  	s21 =	sadd.s32 $0x80, s21;
	[tilespmem:s19+$0xFFFFFFF0] =	vst v0  }
0x57: {  	[tilespmem:s18+$0xFFFFFFE0] =	vst v0  }
0x58: {  	[tilespmem:s18+$0x0] =	vst v0  }
0x59: {  	[tilespmem:s18+$0xFFFFFFF0] =	vst v0  }
0x5a: {  	s18 =	simm.s32 $0x0;
	s19 =	simm.s32 $0x18000;
	s17 =	rddreg [dreg:$0x8]  }
0x5b: {  	[tilespmem:s19], [sflag:$0x1] =	stream.linear.gather [hbm4b:s17+s18], $0x800, $0x38;
	[tilespmem:$0x1C800] =	vst v63  }
0x5c: {  	s22 =	simm.s32 $0x19800;
	s21 =	rddreg [dreg:$0x9]  }
0x5d: {  	[tilespmem:s22], [sflag:$0x1] =	stream.linear.gather [hbm4b:s21+s18], $0x800, $0x38;
	[tilespmem:$0x1C800] =	vst v63  }
0x5e: {  	s25 =	simm.s32 $0x1B000;
	s23 =	rddreg [dreg:$0xa]  }
0x5f: {  	[tilespmem:s25], [sflag:$0x1] =	stream.strided.gather [hbm4b:s23+s31], $0x800, s0, s31, $0x38;
	[tilespmem:$0x1C800] =	vst v63  }
0x60: {  	s20 =	simm.s32 $0x18800;
	v2 =	vld [tilespmem:$0x1FFF0];
	s19 =	rddreg [dreg:$0xb]  }
0x61: {  	[tilespmem:s20], [sflag:$0x2] =	stream.linear.gather [hbm4b:s19+s18], $0x800, $0x38;
	[tilespmem:$0x1C800] =	vst v63  }
0x62: {  	s21 =	rddreg [dreg:$0xc];
	s22 =	simm.s32 $0x1A000  }
0x63: {  	[tilespmem:s22], [sflag:$0x2] =	stream.linear.gather [hbm4b:s21+s18], $0x800, $0x38;
	[tilespmem:$0x1C800] =	vst v63  }
0x64: {  	s23 =	rddreg [dreg:$0xd];
	s25 =	simm.s32 $0x1B800  }
0x65: {  	vm15 =	vcmask $0x3F3C;
	vm6 =	vnez.u8 v2;
	[tilespmem:s25], [sflag:$0x2] =	stream.strided.gather [hbm4b:s23+s31], $0x800, s0, s31, $0x38;
	[tilespmem:$0x1C800] =	vst v63  }
.LBB2_4:
0x66: {  	_ =	swait.ge [sflag:s6], $0x800  }
0x67: {  	[sflag:s6] =	ssyncset.done $0x0  }
0x68: {  	[sflag:s6] =	ssyncadd.s32 $0xFFFFF800  }
0x69: {  	_ =	swait.ge [sflag:s6], $0x800  }
0x6a: {  	s17 =	smul.u32 $0x1800, s18;
	[sflag:s6] =	ssyncset.done $0x0  }
0x6b: {  	[sflag:s6] =	ssyncadd.s32 $0xFFFFF800  }
0x6c: {  	s17 =	sadd.s32 s24, s17;
	_ =	swait.ge [sflag:s6], $0x800  }
0x6d: {  	s19 =	sshrl.u32 s17, $0x3;
	[sflag:s6] =	ssyncset.done $0x0  }
0x6e: {  	s20 =	sadd.s32 s2, s19;
	[sflag:s6] =	ssyncadd.s32 $0xFFFFF800  }
0x6f: {  	[tilespmem:s1], [sflag:$0x3] =	stream.linear.gather [hbm4b:s20+s5], $0x800, $0x38;
	[tilespmem:$0x1C800] =	vst v63  }
0x70: {  	s17 =	sshrl.u32 s17, $0x1;
	s19 =	sadd.s32 s3, s19  }
0x71: {  	[tilespmem:s29], [sflag:$0x3] =	stream.linear.gather [hbm4b:s19+s5], $0x800, $0x38;
	[tilespmem:$0x1C800] =	vst v63  }
0x72: {  	s22 =	simm.s32 $0x19820;
	s17 =	sadd.s32 s4, s17  }
0x73: {  	[tilespmem:s30], [sflag:$0x3] =	stream.strided.gather [hbm4b:s17+s31], $0x800, s0, s31, $0x38;
	[tilespmem:$0x1C800] =	vst v63  }
0x74: {  	v12 =	vld [tilespmem:s22+$0x10];
	_ =	sdelay $0x5  }
0x75: {  	s20 =	simm.s32 $0x1B020  }
0x76: {  	v2 =	vld [tilespmem:s20+$0x10]  }
0x77: {  	v4 =	vld.idx.msk [tilespmem:v12+s5+$0x0], $0xffff;
	_ =	sdelay $0x3  }
0x78: {  	s23 =	simm.s32 $0x18020  }
0x79: {  	v3 =	vld [tilespmem:s23+$0x10];
	v2 =	vmul.f32 v2, v4;
	_ =	sdelay $0x1  }
0x7a: {  	(xrf2) =	vadd.scan.msk.f32 $0xffff, v2;
	_ =	sdelay $0x1  }
0x7b: {  	v17 =	vld [tilespmem:s22+$0x0]  }
0x7c: {  	v2 =	vperm.xlane v3, v1;
	_ =	sdelay $0x1  }
0x7d: {  	vm0 =	vne.s32 v3, v2  }
0x7e: {  	vm4 =	vmor vm0, vm15  }
0x7f: {  	vm0 =	vmand vm0, vm6;
	_ =	sdelay $0x1  }
0x80: {  	v15 =	vld [tilespmem:s22+$0xFFFFFFE0]  }
0x81: {  	v7 =	vld.idx.msk [tilespmem:v17+s5+$0x0], $0xffff;
	v5, _, _ =	vpop (xrf2)  }
0x82: {  	v4 =	vld [tilespmem:s20+$0x0];
	v6 =	vsub.f32 $0.0e+00, v5  }
0x83: {  	[tilespmem:v3+s7+$0x0] =	vst.idx.add.f32.msk vm4, v5  }
0x84: {  	[tilespmem:v2+s7+$0x0] =	vst.idx.add.f32.msk vm0, v6  }
0x85: {  	v5 =	vld.idx.msk [tilespmem:v12+s26+$0x0], $0xffff  }
0x86: {  	v8 =	vld [tilespmem:s20+$0x10]  }
0x87: {  	v16 =	vld [tilespmem:s22+$0xFFFFFFF0];
	_ =	sdelay $0x1  }
0x88: {  	v10 =	vld [tilespmem:s20+$0xFFFFFFE0]  }
0x89: {  	v9 =	vld.idx.msk [tilespmem:v15+s5+$0x0], $0xffff;
	v4 =	vmul.f32 v4, v7  }
0x8a: {  	s25 =	simm.s32 $0x19860;
	v6 =	vld [tilespmem:s23+$0x0];
	v5 =	vmul.f32 v8, v5  }
0x8b: {  	v14 =	vld [tilespmem:s25+$0x10];
	(xrf2) =	vadd.scan.msk.f32 $0xffff, v4  }
0x8c: {  	v13 =	vld [tilespmem:s25+$0xFFFFFFE0];
	(xrf2) =	vadd.scan.msk.f32 $0xffff, v5  }
0x8d: {  	v22 =	vld [tilespmem:s25+$0x0]  }
0x8e: {  	v5 =	vmul.f32 v10, v9;
	v9 =	vld.idx.msk [tilespmem:v16+s5+$0x0], $0xffff  }
0x8f: {  	v7 =	vperm.xlane v6, v1;
	v10 =	vld [tilespmem:s20+$0xFFFFFFF0]  }
0x90: {  	s22 =	simm.s32 $0x1B060;
	v20 =	vld [tilespmem:s25+$0xFFFFFFF0]  }
0x91: {  	v18 =	vld [tilespmem:s22+$0x10];
	vm7 =	vmmov vm0;
	vm0 =	vne.s32 v6, v7  }
0x92: {  	v4 =	vld [tilespmem:s23+$0xFFFFFFE0];
	vm3 =	vmor vm0, vm15  }
0x93: {  	v24 =	vld [tilespmem:s22+$0x0]  }
0x94: {  	v8 =	vld [tilespmem:s23+$0xFFFFFFF0];
	vm5 =	vmand vm0, vm6;
	v9 =	vmul.f32 v10, v9  }
0x95: {  	v32 =	vld [tilespmem:s22+$0xFFFFFFE0];
	v19, _, _ =	vpop (xrf2);
	(xrf2) =	vadd.scan.msk.f32 $0xffff, v5  }
0x96: {  	v23 =	vld.idx.msk [tilespmem:v14+s5+$0x0], $0xffff;
	v11, _, _ =	vpop (xrf2);
	(xrf2) =	vadd.scan.msk.f32 $0xffff, v9  }
0x97: {  	v29 =	vld.idx.msk [tilespmem:v22+s5+$0x0], $0xffff;
	v5 =	vperm.xlane v4, v1  }
0x98: {  	[tilespmem:v6+s7+$0x0] =	vst.idx.add.f32.msk vm3, v19;
	v19 =	vsub.f32 $0.0e+00, v19  }
0x99: {  	vm2 =	vne.s32 v4, v5;
	[tilespmem:v3+s8+$0x0] =	vst.idx.add.f32.msk vm4, v11;
	v10 =	vsub.f32 $0.0e+00, v11;
	v11 =	vperm.xlane v8, v1  }
0x9a: {  	vm8 =	vmor vm2, vm15;
	[tilespmem:v7+s7+$0x0] =	vst.idx.add.f32.msk vm5, v19  }
0x9b: {  	v19 =	vld [tilespmem:s20+$0x0];
	vm1 =	vne.s32 v8, v11  }
0x9c: {  	s23 =	simm.s32 $0x18060;
	[tilespmem:v2+s8+$0x0] =	vst.idx.add.f32.msk vm7, v10;
	vm0 =	vmor vm1, vm15  }
0x9d: {  	v18 =	vmul.f32 v18, v23;
	v10 =	vld [tilespmem:s23+$0x10];
	vm1 =	vmand vm1, vm6  }
0x9e: {  	v25 =	vld.idx.msk [tilespmem:v17+s26+$0x0], $0xffff  }
0x9f: {  	v31 =	vld.idx.msk [tilespmem:v13+s5+$0x0], $0xffff;
	vm12 =	vmand vm2, vm6;
	(xrf2) =	vadd.scan.msk.f32 $0xffff, v18;
	v21, _, _ =	vpop (xrf2)  }
0xa0: {  	[tilespmem:v4+s7+$0x0] =	vst.idx.add.f32.msk vm8, v21;
	v23, _, _ =	vpop (xrf2)  }
0xa1: {  	v27 =	vld.idx.msk [tilespmem:v12+s28+$0x0], $0xffff;
	v18 =	vsub.f32 $0.0e+00, v23  }
0xa2: {  	v12 =	vperm.xlane v10, v1;
	[tilespmem:v8+s7+$0x0] =	vst.idx.add.f32.msk vm0, v23  }
0xa3: {  	v21 =	vsub.f32 $0.0e+00, v21;
	[tilespmem:v11+s7+$0x0] =	vst.idx.add.f32.msk vm1, v18;
	v18 =	vmul.f32 v19, v25  }
0xa4: {  	v26 =	vld [tilespmem:s20+$0x10];
	vm2 =	vne.s32 v10, v12  }
0xa5: {  	[tilespmem:v5+s7+$0x0] =	vst.idx.add.f32.msk vm12, v21;
	vm11 =	vmor vm2, vm15;
	vm2 =	vmand vm2, vm6;
	(xrf2) =	vadd.scan.msk.f32 $0xffff, v18  }
0xa6: {  	v21 =	vld [tilespmem:s20+$0xFFFFFFE0];
	vm2 =	vmmov vm2  }
0xa7: {  	v28 =	vld.idx.msk [tilespmem:v16+s26+$0x0], $0xffff  }
0xa8: {  	v19 =	vld [tilespmem:s20+$0xFFFFFFF0]  }
0xa9: {  	v30 =	vld.idx.msk [tilespmem:v15+s26+$0x0], $0xffff;
	v23, _, _ =	vpop (xrf2)  }
0xaa: {  	v25 =	vsub.f32 $0.0e+00, v23;
	v18 =	vld [tilespmem:s23+$0xFFFFFFF0]  }
0xab: {  	vm3 =	vmmov vm3;
	vm4 =	vmmov vm4;
	[tilespmem:v10+s7+$0x0] =	vst.idx.add.f32.msk vm11, v23;
	v23 =	vimm.s32 $0x0  }
0xac: {  	[tilespmem:v12+s7+$0x0] =	vst.idx.add.f32.msk vm2, v25;
	v23 =	vsel vm4, $0xFFFFFFFF, v23  }
0xad: {  	v9 =	vld [tilespmem:s23+$0x0];
	v25 =	vmul.f32 v26, v27;
	[tilespmem:$0x1FFE0] =	vst v23;
	v26 =	vmul.f32 v19, v28  }
0xae: {  	v23 =	vld.idx.msk [tilespmem:v14+s26+$0x0], $0xffff  }
0xaf: {  	v29 =	vmul.f32 v24, v29;
	vm9 =	vmmov vm8;
	vm7 =	vmmov vm7;
	v28 =	vld [tilespmem:s22+$0x10];
	v33, _, _ =	vpop (xrf2);
	(xrf2) =	vadd.scan.msk.f32 $0xffff, v26  }
0xb0: {  	vm8 =	vmmov vm12;
	v21 =	vmul.f32 v21, v30;
	v19 =	vperm.xlane v18, v1;
	v26 =	vld.idx.msk [tilespmem:v20+s5+$0x0], $0xffff  }
0xb1: {  	s21 =	simm.s32 $0x1B060;
	vm6 =	vmmov vm5;
	vm5 =	vmmov vm1;
	vm4 =	vmmov vm0;
	[tilespmem:v6+s8+$0x0] =	vst.idx.add.f32.msk vm3, v33  }
0xb2: {  	s19 =	smul.u32 $0x3, s18;
	s17 =	simm.s32 $0x40;
	s25 =	simm.s32 $0x198A0;
	v27 =	vmul.f32 v32, v31;
	vm12 =	vne.s32 v18, v19;
	(xrf2) =	vadd.scan.msk.f32 $0xffff, v21;
	v21 =	vld [tilespmem:s23+$0xFFFFFFE0];
	v30 =	vsub.f32 $0.0e+00, v33  }
.LBB2_5:
0xb3: {  	_ =	sdelay $0x2  }
0xb4: {  	v24 =	vld [tilespmem:s25+$0x10];
	(xrf2) =	vadd.scan.msk.f32 $0xffff, v29  }
0xb5: {  	s22 =	sadd.s32 $0x40, s22;
	v32 =	vperm.xlane v9, v1;
	[tilespmem:v7+s8+$0x0] =	vst.idx.add.f32.msk vm6, v30  }
0xb6: {  	v29 =	vld [tilespmem:s22+$0x10];
	v28 =	vmul.f32 v28, v23;
	v23 =	vperm.xlane v21, v1  }
0xb7: {  	v30 =	vld [tilespmem:s21+$0xFFFFFFF0];
	v31, _, _ =	vpop (xrf2)  }
0xb8: {  	vm1 =	vcmask $0x3F3C;
	vm0 =	vne.s32 v9, v32;
	vm14 =	vne.s32 v21, v23;
	[tilespmem:v8+s8+$0x0] =	vst.idx.add.f32.msk vm4, v31  }
0xb9: {  	vm13 =	vmor vm14, vm15;
	vm15 =	vmor vm0, vm1;
	(xrf2) =	vadd.scan.msk.f32 $0xffff, v28;
	v33 =	vsub.f32 $0.0e+00, v31;
	v31 =	vld.idx.msk [tilespmem:v17+s28+$0x0], $0xffff  }
0xba: {  	v17 =	vmov v22;
	v22 =	vld [tilespmem:s20+$0x0];
	v28, _, _ =	vpop (xrf2)  }
0xbb: {  	[tilespmem:v4+s8+$0x0] =	vst.idx.add.f32.msk vm9, v28  }
0xbc: {  	[tilespmem:v11+s8+$0x0] =	vst.idx.add.f32.msk vm5, v33  }
0xbd: {  	(xrf2) =	vadd.scan.msk.f32 $0xffff, v27;
	v27 =	vld.idx.msk [tilespmem:v16+s28+$0x0], $0xffff  }
0xbe: {  	(xrf2) =	vadd.scan.msk.f32 $0xffff, v25;
	v25, _, _ =	vpop (xrf2);
	v16 =	vmov v20;
	v20 =	vsub.f32 $0.0e+00, v28;
	v28 =	vld [tilespmem:s20+$0xFFFFFFF0]  }
0xbf: {  	[tilespmem:v9+s7+$0x0] =	vst.idx.add.f32.msk vm15, v25;
	v31 =	vmul.f32 v22, v31  }
0xc0: {  	[tilespmem:v5+s8+$0x0] =	vst.idx.add.f32.msk vm8, v20  }
0xc1: {  	v26 =	vmul.f32 v30, v26;
	(xrf2) =	vadd.scan.msk.f32 $0xffff, v31;
	v31 =	vld [tilespmem:$0x1FFE0]  }
0xc2: {  	v22 =	vld [tilespmem:s20+$0xFFFFFFE0]  }
0xc3: {  	v20, _, _ =	vpop (xrf2);
	(xrf2) =	vadd.scan.msk.f32 $0xffff, v26;
	v26 =	vld [tilespmem:$0x1FFF0]  }
0xc4: {  	v30 =	vld.idx.msk [tilespmem:v15+s28+$0x0], $0xffff  }
0xc5: {  	[tilespmem:v10+s8+$0x0] =	vst.idx.add.f32.msk vm11, v20;
	v20 =	vsub.f32 $0.0e+00, v20  }
0xc6: {  	v15 =	vmov v13;
	v13 =	vld [tilespmem:s25+$0xFFFFFFE0];
	vm1 =	vnez.u8 v31  }
0xc7: {  	s23 =	sadd.s32 $0x40, s23;
	[tilespmem:v12+s8+$0x0] =	vst.idx.add.f32.msk vm2, v20  }
0xc8: {  	vm10 =	vmmov vm7;
	v20 =	vmul.f32 v28, v27;
	v28 =	vld [tilespmem:s23+$0x0];
	vm7 =	vnez.u8 v26  }
0xc9: {  	v27 =	vld.idx.msk [tilespmem:v24+s5+$0x0], $0xffff;
	v26, _, _ =	vpop (xrf2);
	vm0 =	vmand vm0, vm7  }
0xca: {  	[tilespmem:v21+s7+$0x0] =	vst.idx.add.f32.msk vm13, v26  }
0xcb: {  	v22 =	vmul.f32 v22, v30;
	v30, _, _ =	vpop (xrf2);
	(xrf2) =	vadd.scan.msk.f32 $0xffff, v20;
	v20 =	vld [tilespmem:s25+$0xFFFFFFF0]  }
0xcc: {  	[tilespmem:v3+s14+$0x0] =	vst.idx.add.f32.msk vm1, v30;
	v3 =	vmov v10;
	vm1 =	vmmov vm11;
	v10 =	vimm.s32 $0x0  }
0xcd: {  	v59 =	vsub.f32 $0.0e+00, v25;
	v10 =	vsel vm1, $0xFFFFFFFF, v10;
	v63 =	vld.idx.msk [tilespmem:v14+s28+$0x0], $0xffff  }
0xce: {  	[tilespmem:$0x1FFE0] =	vst v10;
	v10 =	vld [tilespmem:s23+$0x10]  }
0xcf: {  	v25, _, _ =	vpop (xrf2);
	vm1 =	vcmask $0x3F3C;
	[tilespmem:v32+s7+$0x0] =	vst.idx.add.f32.msk vm0, v59  }
0xd0: {  	(xrf2) =	vadd.scan.msk.f32 $0xffff, v22;
	v27 =	vmul.f32 v29, v27;
	v22 =	vsub.f32 $0.0e+00, v25;
	vm1 =	vmor vm12, vm1;
	v29 =	vld [tilespmem:s22+$0x0]  }
0xd1: {  	[tilespmem:v6+s14+$0x0] =	vst.idx.add.f32.msk vm3, v25  }
0xd2: {  	s20 =	smov.u32 s21;
	[tilespmem:v7+s14+$0x0] =	vst.idx.add.f32.msk vm6, v22  }
0xd3: {  	v31, _, _ =	vpop (xrf2);
	(xrf2) =	vadd.scan.msk.f32 $0xffff, v27;
	v27 =	vld [tilespmem:s20+$0x0]  }
0xd4: {  	v6 =	vmov v9;
	v9 =	vmov v28;
	v28 =	vld.idx.msk [tilespmem:v17+s26+$0x0], $0xffff  }
0xd5: {  	v22 =	vld [tilespmem:s25+$0x0]  }
0xd6: {  	vm12 =	vmand vm12, vm7;
	v60, _, _ =	vpop (xrf2);
	[tilespmem:v18+s7+$0x0] =	vst.idx.add.f32.msk vm1, v31  }
0xd7: {  	v34 =	vsub.f32 $0.0e+00, v30;
	[tilespmem:v8+s14+$0x0] =	vst.idx.add.f32.msk vm4, v60  }
0xd8: {  	v61 =	vsub.f32 $0.0e+00, v60;
	v8 =	vmov v18;
	v18 =	vsub.f32 $0.0e+00, v31;
	v31 =	vld [tilespmem:s20+$0x10]  }
0xd9: {  	v25 =	vperm.xlane v10, v1;
	[tilespmem:v2+s14+$0x0] =	vst.idx.add.f32.msk vm10, v34  }
0xda: {  	vm3 =	vmmov vm15;
	vm15 =	vcmask $0x3F3C;
	v62, _, _ =	vpop (xrf2);
	[tilespmem:v11+s14+$0x0] =	vst.idx.add.f32.msk vm5, v61  }
0xdb: {  	v14 =	vmovc v24;
	vm6 =	vmmov vm0;
	vm0 =	vne.s32 v10, v25;
	v24 =	vsub.f32 $0.0e+00, v62;
	[tilespmem:v4+s14+$0x0] =	vst.idx.add.f32.msk vm9, v62  }
0xdc: {  	vm11 =	vmor vm0, vm15;
	[tilespmem:v19+s7+$0x0] =	vst.idx.add.f32.msk vm12, v18  }
0xdd: {  	vm14 =	vmand vm14, vm7;
	[tilespmem:v5+s14+$0x0] =	vst.idx.add.f32.msk vm8, v24  }
0xde: {  	vm0 =	vmand vm0, vm7;
	v11 =	vmovc v19;
	v18 =	vmul.f32 v27, v28;
	v5 =	vmov v23;
	v19 =	vld.idx.msk [tilespmem:v16+s26+$0x0], $0xffff  }
0xdf: {  	v2 =	vmov v12;
	v12 =	vmov v25;
	v23 =	vld [tilespmem:s20+$0xFFFFFFF0]  }
0xe0: {  	v30, _, _ =	vpop (xrf2);
	(xrf2) =	vadd.scan.msk.f32 $0xffff, v18;
	v18 =	vld [tilespmem:s23+$0xFFFFFFF0]  }
0xe1: {  	v26 =	vsub.f32 $0.0e+00, v26;
	v24 =	vld.idx.msk [tilespmem:v22+s5+$0x0], $0xffff  }
0xe2: {  	v4 =	vmov v21;
	v21 =	vsub.f32 $0.0e+00, v30;
	[tilespmem:v10+s7+$0x0] =	vst.idx.add.f32.msk vm11, v30  }
0xe3: {  	[tilespmem:v5+s7+$0x0] =	vst.idx.add.f32.msk vm14, v26  }
0xe4: {  	[tilespmem:v12+s7+$0x0] =	vst.idx.add.f32.msk vm0, v21  }
0xe5: {  	v26 =	vld [tilespmem:s20+$0xFFFFFFE0]  }
0xe6: {  	v27 =	vld.idx.msk [tilespmem:v15+s26+$0x0], $0xffff  }
0xe7: {  	s17 =	sadd.s32 $0x40, s17;
	v25 =	vmul.f32 v31, v63;
	v31 =	vld.idx.msk [tilespmem:v13+s5+$0x0], $0xffff  }
0xe8: {  	p0 =	slt.u32 s17, $0x7C0;
	v7 =	vmov v32;
	v23 =	vmul.f32 v23, v19;
	v32 =	vld [tilespmem:s22+$0xFFFFFFE0]  }
.Ltmp1:
0xe9: {  	v28 =	vld [tilespmem:s22+$0x10];
	(pc) =	sbr.rel @p0 .LBB2_5-.Ltmp1, $4  }
0xea: {  	vm4 =	vmmov vm1;
	vm5 =	vmmov vm12;
	v19 =	vperm.xlane v18, v1;
	(xrf2) =	vadd.scan.msk.f32 $0xffff, v23;
	v23 =	vld.idx.msk [tilespmem:v14+s26+$0x0], $0xffff  }
0xeb: {  	vm7 =	vmmov vm2;
	v29 =	vmul.f32 v29, v24;
	v21 =	vmul.f32 v26, v27;
	v24, _, _ =	vpop (xrf2);
	v26 =	vld.idx.msk [tilespmem:v20+s5+$0x0], $0xffff  }
0xec: {  	vm9 =	vmmov vm13;
	vm2 =	vmmov vm0;
	vm8 =	vmmov vm14;
	[tilespmem:v6+s8+$0x0] =	vst.idx.add.f32.msk vm3, v24  }
0xed: {  	s21 =	smov.u32 s22;
	s25 =	sadd.s32 $0x40, s25;
	vm12 =	vne.s32 v18, v19;
	v27 =	vmul.f32 v32, v31;
	v30 =	vsub.f32 $0.0e+00, v24;
	(xrf2) =	vadd.scan.msk.f32 $0xffff, v21;
	v21 =	vld [tilespmem:s23+$0xFFFFFFE0]  }
0xee: {  	_ =	sdelay $0x4  }
0xef: {  	[tilespmem:v7+s8+$0x0] =	vst.idx.add.f32.msk vm6, v30  }
0xf0: {  	v17 =	vld.idx.msk [tilespmem:v17+s28+$0x0], $0xffff  }
0xf1: {  	v24 =	vld [tilespmem:s20+$0x0];
	_ =	sdelay $0x1  }
0xf2: {  	v23 =	vmul.f32 v28, v23;
	_ =	sdelay $0x1  }
0xf3: {  	(xrf2) =	vadd.scan.msk.f32 $0xffff, v29  }
0xf4: {  	(xrf2) =	vadd.scan.msk.f32 $0xffff, v23;
	v17 =	vmul.f32 v24, v17  }
0xf5: {  	(xrf2) =	vadd.scan.msk.f32 $0xffff, v27;
	v23, _, _ =	vpop (xrf2)  }
0xf6: {  	v30 =	vld [tilespmem:s21+$0xFFFFFFF0];
	(xrf2) =	vadd.scan.msk.f32 $0xffff, v25;
	v25 =	vsub.f32 $0.0e+00, v23  }
0xf7: {  	[tilespmem:v8+s8+$0x0] =	vst.idx.add.f32.msk vm4, v23  }
0xf8: {  	(xrf2) =	vadd.scan.msk.f32 $0xffff, v17;
	[tilespmem:v11+s8+$0x0] =	vst.idx.add.f32.msk vm5, v25;
	v17, _, _ =	vpop (xrf2)  }
0xf9: {  	[tilespmem:v4+s8+$0x0] =	vst.idx.add.f32.msk vm9, v17  }
0xfa: {  	v23 =	vld [tilespmem:$0x1FFF0];
	_ =	sdelay $0x1  }
0xfb: {  	v24 =	vmul.f32 v30, v26;
	v26 =	vperm.xlane v9, v1;
	_ =	sdelay $0x1  }
0xfc: {  	vm1 =	vne.s32 v9, v26  }
0xfd: {  	(xrf2) =	vadd.scan.msk.f32 $0xffff, v24;
	vm0 =	vmor vm1, vm15;
	vm10 =	vnez.u8 v23  }
0xfe: {  	v23 =	vimm.s32 $0x0;
	vm1 =	vmand vm1, vm10  }
0xff: {  	v17 =	vsub.f32 $0.0e+00, v17;
	v23 =	vsel vm1, $0xFFFFFFFF, v23  }
0x100: {  	v16 =	vld.idx.msk [tilespmem:v16+s28+$0x0], $0xffff;
	[tilespmem:$0x1FFB0] =	vst v23  }
0x101: {  	v24, _, _ =	vpop (xrf2);
	v23 =	vld [tilespmem:s20+$0xFFFFFFF0]  }
0x102: {  	vm14 =	vmor vm12, vm15;
	v28 =	vsub.f32 $0.0e+00, v24;
	[tilespmem:v5+s8+$0x0] =	vst.idx.add.f32.msk vm8, v17  }
0x103: {  	v17, _, _ =	vpop (xrf2);
	[tilespmem:v9+s7+$0x0] =	vst.idx.add.f32.msk vm0, v24  }
0x104: {  	vm13 =	vmand vm12, vm10;
	v25 =	vld [tilespmem:s20+$0xFFFFFFE0];
	v27, _, _ =	vpop (xrf2)  }
0x105: {  	v15 =	vld.idx.msk [tilespmem:v15+s28+$0x0], $0xffff;
	v24, _, _ =	vpop (xrf2)  }
0x106: {  	[tilespmem:v26+s7+$0x0] =	vst.idx.add.f32.msk vm1, v28;
	v28, _, _ =	vpop (xrf2)  }
0x107: {  	v30, _, _ =	vpop (xrf2);
	v31 =	vld [tilespmem:s21+$0x0]  }
0x108: {  	v29 =	vperm.xlane v21, v1;
	[tilespmem:v18+s7+$0x0] =	vst.idx.add.f32.msk vm14, v30;
	v30 =	vsub.f32 $0.0e+00, v30  }
0x109: {  	v32 =	vld.idx.msk [tilespmem:v22+s26+$0x0], $0xffff  }
0x10a: {  	vm15 =	vcmask $0x3F3C;
	vm1 =	vne.s32 v21, v29;
	[tilespmem:v19+s7+$0x0] =	vst.idx.add.f32.msk vm13, v30  }
0x10b: {  	vm15 =	vmor vm1, vm15;
	v30 =	vld.idx.msk [tilespmem:v20+s26+$0x0], $0xffff  }
0x10c: {  	vm12 =	vmand vm1, vm10;
	v16 =	vmul.f32 v23, v16;
	v23 =	vld [tilespmem:s21+$0xFFFFFFF0];
	_ =	sdelay $0x2  }
0x10d: {  	v15 =	vmul.f32 v25, v15  }
0x10e: {  	v25 =	vsub.f32 $0.0e+00, v27;
	(xrf2) =	vadd.scan.msk.f32 $0xffff, v16;
	v16 =	vmul.f32 v31, v32  }
0x10f: {  	(xrf2) =	vadd.scan.msk.f32 $0xffff, v15;
	[tilespmem:v21+s7+$0x0] =	vst.idx.add.f32.msk vm15, v27;
	v23 =	vmul.f32 v23, v30  }
0x110: {  	[tilespmem:v29+s7+$0x0] =	vst.idx.add.f32.msk vm12, v25;
	(xrf2) =	vadd.scan.msk.f32 $0xffff, v16  }
0x111: {  	(xrf2) =	vadd.scan.msk.f32 $0xffff, v23;
	v23 =	vld [tilespmem:$0x1FFB0]  }
0x112: {  	v15 =	vld [tilespmem:s21+$0xFFFFFFE0]  }
0x113: {  	v16 =	vld.idx.msk [tilespmem:v13+s26+$0x0], $0xffff;
	_ =	sdelay $0x2  }
0x114: {  	vm10 =	vmmov vm0;
	vm0 =	vnez.u8 v23  }
0x115: {  	v23 =	vimm.s32 $0x0;
	vm0 =	vmmov vm0  }
0x116: {  	v15 =	vmul.f32 v15, v16;
	v23 =	vsel vm0, $0xFFFFFFFF, v23  }
0x117: {  	vm1 =	vmmov vm14;
	v16 =	vsub.f32 $0.0e+00, v17;
	[tilespmem:$0x1FFC0] =	vst v23  }
0x118: {  	[tilespmem:v10+s8+$0x0] =	vst.idx.add.f32.msk vm11, v17  }
0x119: {  	v17, _, _ =	vpop (xrf2);
	[tilespmem:v12+s8+$0x0] =	vst.idx.add.f32.msk vm2, v16  }
0x11a: {  	(xrf2) =	vadd.scan.msk.f32 $0xffff, v15;
	v15, _, _ =	vpop (xrf2);
	v16 =	vld [tilespmem:s21+$0x10]  }
0x11b: {  	vm14 =	vmmov vm13;
	v23, _, _ =	vpop (xrf2);
	v14 =	vld.idx.msk [tilespmem:v14+s28+$0x0], $0xffff  }
0x11c: {  	v25 =	vsub.f32 $0.0e+00, v23;
	[tilespmem:v9+s8+$0x0] =	vst.idx.add.f32.msk vm10, v23;
	v23, _, _ =	vpop (xrf2)  }
0x11d: {  	[tilespmem:v18+s8+$0x0] =	vst.idx.add.f32.msk vm1, v23  }
0x11e: {  	[tilespmem:v26+s8+$0x0] =	vst.idx.add.f32.msk vm0, v25  }
0x11f: {  	v23 =	vsub.f32 $0.0e+00, v23;
	v22 =	vld.idx.msk [tilespmem:v22+s28+$0x0], $0xffff  }
0x120: {  	v25 =	vld [tilespmem:s21+$0x0]  }
0x121: {  	vm13 =	vmmov vm15;
	[tilespmem:v19+s8+$0x0] =	vst.idx.add.f32.msk vm14, v23  }
0x122: {  	v20 =	vld.idx.msk [tilespmem:v20+s28+$0x0], $0xffff  }
0x123: {  	vm12 =	vmmov vm12;
	v27 =	vld [tilespmem:s21+$0xFFFFFFF0];
	_ =	sdelay $0x2  }
0x124: {  	v14 =	vmul.f32 v16, v14;
	v23, _, _ =	vpop (xrf2)  }
0x125: {  	[tilespmem:v21+s8+$0x0] =	vst.idx.add.f32.msk vm13, v23;
	v23 =	vsub.f32 $0.0e+00, v23;
	v22 =	vmul.f32 v25, v22  }
0x126: {  	(xrf2) =	vadd.scan.msk.f32 $0xffff, v14;
	v14 =	vmul.f32 v27, v20  }
0x127: {  	[tilespmem:v29+s8+$0x0] =	vst.idx.add.f32.msk vm12, v23;
	(xrf2) =	vadd.scan.msk.f32 $0xffff, v22  }
0x128: {  	(xrf2) =	vadd.scan.msk.f32 $0xffff, v14;
	v14 =	vld [tilespmem:$0x1FFE0];
	_ =	sdelay $0x4  }
0x129: {  	vm0 =	vmmov vm1;
	vm1 =	vnez.u8 v14;
	_ =	sdelay $0x3  }
0x12a: {  	v16 =	vld [tilespmem:s21+$0xFFFFFFE0]  }
0x12b: {  	v13 =	vld.idx.msk [tilespmem:v13+s28+$0x0], $0xffff  }
0x12c: {  	[tilespmem:v3+s14+$0x0] =	vst.idx.add.f32.msk vm1, v24;
	v3 =	vsub.f32 $0.0e+00, v28  }
0x12d: {  	[tilespmem:v6+s14+$0x0] =	vst.idx.add.f32.msk vm3, v28  }
0x12e: {  	[tilespmem:v7+s14+$0x0] =	vst.idx.add.f32.msk vm6, v3;
	v3 =	vsub.f32 $0.0e+00, v17  }
0x12f: {  	[tilespmem:v8+s14+$0x0] =	vst.idx.add.f32.msk vm4, v17  }
0x130: {  	v6 =	vsub.f32 $0.0e+00, v24;
	[tilespmem:v11+s14+$0x0] =	vst.idx.add.f32.msk vm5, v3;
	v3 =	vsub.f32 $0.0e+00, v15  }
0x131: {  	[tilespmem:v4+s14+$0x0] =	vst.idx.add.f32.msk vm9, v15  }
0x132: {  	[tilespmem:v2+s14+$0x0] =	vst.idx.add.f32.msk vm7, v6;
	v2, _, _ =	vpop (xrf2)  }
0x133: {  	[tilespmem:v10+s14+$0x0] =	vst.idx.add.f32.msk vm11, v2  }
0x134: {  	[tilespmem:v5+s14+$0x0] =	vst.idx.add.f32.msk vm8, v3;
	v3, _, _ =	vpop (xrf2)  }
0x135: {  	[tilespmem:v9+s14+$0x0] =	vst.idx.add.f32.msk vm10, v3  }
0x136: {  	v13 =	vmul.f32 v16, v13;
	v5 =	vld [tilespmem:$0x1FFC0];
	_ =	sdelay $0x1  }
0x137: {  	(xrf2) =	vadd.scan.msk.f32 $0xffff, v13;
	_ =	sdelay $0x1  }
0x138: {  	vm1 =	vmmov vm11  }
0x139: {  	vm1 =	vnez.u8 v5  }
0x13a: {  	vm2 =	vmmov vm2;
	_ =	sdelay $0x2  }
0x13b: {  	v4 =	vsub.f32 $0.0e+00, v3;
	v3, _, _ =	vpop (xrf2)  }
0x13c: {  	v2 =	vsub.f32 $0.0e+00, v2;
	[tilespmem:v18+s14+$0x0] =	vst.idx.add.f32.msk vm0, v3  }
0x13d: {  	[tilespmem:v26+s14+$0x0] =	vst.idx.add.f32.msk vm1, v4;
	v4 =	vsub.f32 $0.0e+00, v3  }
0x13e: {  	[tilespmem:v12+s14+$0x0] =	vst.idx.add.f32.msk vm2, v2;
	v3, _, _ =	vpop (xrf2)  }
0x13f: {  	[tilespmem:v19+s14+$0x0] =	vst.idx.add.f32.msk vm14, v4;
	v4 =	vsub.f32 $0.0e+00, v3  }
0x140: {  	[tilespmem:v21+s14+$0x0] =	vst.idx.add.f32.msk vm13, v3  }
0x141: {  	[tilespmem:v29+s14+$0x0] =	vst.idx.add.f32.msk vm12, v4  }
0x142: {  	_ =	swait.ge [sflag:s15], $0x800  }
0x143: {  	[sflag:s15] =	ssyncset.done $0x0  }
0x144: {  	s17 =	sadd.s32 $0x3, s19;
	[sflag:s15] =	ssyncadd.s32 $0xFFFFF800  }
0x145: {  	s20 =	sadd.s32 s13, s17;
	_ =	swait.ge [sflag:s15], $0x800  }
0x146: {  	p0 =	sgt.u32 s20, $0x51D;
	[sflag:s15] =	ssyncset.done $0x0  }
0x147: {  	s20 =	sshll.u32 @p0 s20, $0xB;
	[sflag:s15] =	ssyncadd.s32 $0xFFFFF800  }
0x148: {  	s20 =	sadd.s32 @p0 $0xFFD71000, s20;
	_ =	swait.ge [sflag:s15], $0x800  }
0x149: {  	s22 =	simm.s32 @p0 $0x0;
	s20 =	sshrl.u32 @p0 s20, $0x3;
	[sflag:s15] =	ssyncset.done $0x0  }
0x14a: {  	s23 =	simm.s32 @p0 $0x18000;
	s21 =	sadd.s32 @p0 s9, s20;
	[sflag:s15] =	ssyncadd.s32 $0xFFFFF800  }
0x14b: {  	[tilespmem:s23], [sflag:$0x1] =	stream.linear.gather @p0 [hbm4b:s21+s22], $0x800, $0x38;
	[tilespmem:$0x1C800] =	vst v63  }
0x14c: {  	s17 =	sshll.u32 @!p0 s17, $0xB;
	s21 =	sadd.s32 @p0 s10, s20;
	s23 =	simm.s32 @p0 $0x19800  }
0x14d: {  	[tilespmem:s23], [sflag:$0x1] =	stream.linear.gather @p0 [hbm4b:s21+s22], $0x800, $0x38;
	[tilespmem:$0x1C800] =	vst v63  }
0x14e: {  	s17 =	sadd.s32 @!p0 s12, s17;
	s20 =	sadd.s32 @p0 s11, s20;
	s21 =	simm.s32 @p0 $0x1B000  }
0x14f: {  	[tilespmem:s21], [sflag:$0x1] =	stream.linear.gather @p0 [hbm4b:s20+s22], $0x800, $0x38;
	[tilespmem:$0x1C800] =	vst v63  }
0x150: {  	s23 =	simm.s32 @!p0 $0x18000;
	s20 =	sshrl.u32 @!p0 s17, $0x3;
	s17 =	sshrl.u32 @!p0 s17, $0x1  }
0x151: {  	s22 =	simm.s32 @!p0 $0x0;
	s21 =	sadd.s32 @!p0 s2, s20;
	s17 =	sand.u32 @!p0 $0x1FFFFC00, s17  }
0x152: {  	[tilespmem:s23], [sflag:$0x1] =	stream.linear.gather @!p0 [hbm4b:s21+s22], $0x800, $0x38;
	[tilespmem:$0x1C800] =	vst v63  }
0x153: {  	s20 =	sadd.s32 @!p0 s3, s20;
	s21 =	simm.s32 @!p0 $0x19800;
	s17 =	sadd.s32 @!p0 s4, s17  }
0x154: {  	[tilespmem:s21], [sflag:$0x1] =	stream.linear.gather @!p0 [hbm4b:s20+s22], $0x800, $0x38;
	[tilespmem:$0x1C800] =	vst v63  }
0x155: {  	s20 =	simm.s32 @!p0 $0x80;
	s21 =	simm.s32 @!p0 $0x200;
	s22 =	simm.s32 @!p0 $0x1B000  }
0x156: {  	[tilespmem:s22], [sflag:$0x1] =	stream.strided.gather @!p0 [hbm4b:s17+s20], $0x800, s21, s20, $0x38;
	[tilespmem:$0x1C800] =	vst v63  }
0x157: {  	s22 =	simm.s32 $0x1A020  }
0x158: {  	v12 =	vld [tilespmem:s22+$0x10];
	_ =	sdelay $0x5  }
0x159: {  	s20 =	simm.s32 $0x1B820  }
0x15a: {  	v2 =	vld [tilespmem:s20+$0x10]  }
0x15b: {  	v4 =	vld.idx.msk [tilespmem:v12+s5+$0x0], $0xffff;
	_ =	sdelay $0x3  }
0x15c: {  	s23 =	simm.s32 $0x18820  }
0x15d: {  	v3 =	vld [tilespmem:s23+$0x10];
	v2 =	vmul.f32 v2, v4;
	_ =	sdelay $0x1  }
0x15e: {  	(xrf2) =	vadd.scan.msk.f32 $0xffff, v2  }
0x15f: {  	v4 =	vld [tilespmem:$0x1FFF0]  }
0x160: {  	v17 =	vld [tilespmem:s22+$0x0]  }
0x161: {  	v2 =	vperm.xlane v3, v1;
	_ =	sdelay $0x1  }
0x162: {  	vm15 =	vcmask $0x3F3C;
	vm0 =	vne.s32 v3, v2  }
0x163: {  	vm5 =	vmor vm0, vm15;
	vm2 =	vnez.u8 v4  }
0x164: {  	vm0 =	vmand vm0, vm2  }
0x165: {  	v15 =	vld [tilespmem:s22+$0xFFFFFFE0]  }
0x166: {  	v16 =	vld [tilespmem:s22+$0xFFFFFFF0]  }
0x167: {  	v7 =	vld.idx.msk [tilespmem:v17+s5+$0x0], $0xffff;
	v5, _, _ =	vpop (xrf2)  }
0x168: {  	v4 =	vld [tilespmem:s20+$0x0];
	v6 =	vsub.f32 $0.0e+00, v5  }
0x169: {  	[tilespmem:v3+s7+$0x0] =	vst.idx.add.f32.msk vm5, v5  }
0x16a: {  	[tilespmem:v2+s7+$0x0] =	vst.idx.add.f32.msk vm0, v6  }
0x16b: {  	v5 =	vld.idx.msk [tilespmem:v12+s26+$0x0], $0xffff  }
0x16c: {  	v8 =	vld [tilespmem:s20+$0x10]  }
0x16d: {  	v10 =	vld [tilespmem:s20+$0xFFFFFFE0]  }
0x16e: {  	s25 =	simm.s32 $0x1A060;
	v6 =	vld [tilespmem:s23+$0x0]  }
0x16f: {  	v14 =	vld [tilespmem:s25+$0x10];
	v4 =	vmul.f32 v4, v7  }
0x170: {  	v13 =	vld [tilespmem:s25+$0xFFFFFFE0]  }
0x171: {  	v9 =	vld.idx.msk [tilespmem:v15+s5+$0x0], $0xffff;
	(xrf2) =	vadd.scan.msk.f32 $0xffff, v4;
	v5 =	vmul.f32 v8, v5  }
0x172: {  	v20 =	vld [tilespmem:s25+$0xFFFFFFF0]  }
0x173: {  	s22 =	simm.s32 $0x1B860;
	v22 =	vld [tilespmem:s25+$0x0];
	v7 =	vperm.xlane v6, v1;
	(xrf2) =	vadd.scan.msk.f32 $0xffff, v5  }
0x174: {  	v18 =	vld [tilespmem:s22+$0x10]  }
0x175: {  	v4 =	vld [tilespmem:s23+$0xFFFFFFE0];
	vm1 =	vne.s32 v6, v7  }
0x176: {  	v5 =	vmul.f32 v10, v9;
	v9 =	vld.idx.msk [tilespmem:v16+s5+$0x0], $0xffff;
	vm3 =	vmor vm1, vm15  }
0x177: {  	v10 =	vld [tilespmem:s20+$0xFFFFFFF0]  }
0x178: {  	v24 =	vld [tilespmem:s22+$0x0];
	vm7 =	vmand vm1, vm2  }
0x179: {  	v63 =	vld [tilespmem:s22+$0xFFFFFFE0];
	(xrf2) =	vadd.scan.msk.f32 $0xffff, v5  }
0x17a: {  	v23 =	vld.idx.msk [tilespmem:v14+s5+$0x0], $0xffff;
	vm4 =	vmmov vm0  }
0x17b: {  	v8 =	vld [tilespmem:s23+$0xFFFFFFF0];
	v19, _, _ =	vpop (xrf2);
	v5 =	vperm.xlane v4, v1  }
0x17c: {  	v9 =	vmul.f32 v10, v9;
	[tilespmem:v6+s7+$0x0] =	vst.idx.add.f32.msk vm3, v19;
	v19 =	vsub.f32 $0.0e+00, v19  }
0x17d: {  	v29 =	vld.idx.msk [tilespmem:v22+s5+$0x0], $0xffff;
	vm0 =	vne.s32 v4, v5;
	v11, _, _ =	vpop (xrf2)  }
0x17e: {  	vm6 =	vmor vm0, vm15;
	[tilespmem:v7+s7+$0x0] =	vst.idx.add.f32.msk vm7, v19;
	(xrf2) =	vadd.scan.msk.f32 $0xffff, v9;
	v10 =	vsub.f32 $0.0e+00, v11  }
0x17f: {  	[tilespmem:v3+s8+$0x0] =	vst.idx.add.f32.msk vm5, v11  }
0x180: {  	s23 =	simm.s32 $0x18860;
	vm0 =	vmand vm0, vm2;
	v11 =	vperm.xlane v8, v1;
	[tilespmem:v2+s8+$0x0] =	vst.idx.add.f32.msk vm4, v10  }
0x181: {  	v18 =	vmul.f32 v18, v23;
	v10 =	vld [tilespmem:s23+$0x10]  }
0x182: {  	v19 =	vld [tilespmem:s20+$0x0];
	vm1 =	vne.s32 v8, v11  }
0x183: {  	v25 =	vld.idx.msk [tilespmem:v17+s26+$0x0], $0xffff;
	(xrf2) =	vadd.scan.msk.f32 $0xffff, v18;
	v21, _, _ =	vpop (xrf2);
	vm9 =	vmor vm1, vm15  }
0x184: {  	[tilespmem:v4+s7+$0x0] =	vst.idx.add.f32.msk vm6, v21;
	v21 =	vsub.f32 $0.0e+00, v21  }
0x185: {  	vm10 =	vmand vm1, vm2;
	v26 =	vld.idx.msk [tilespmem:v12+s28+$0x0], $0xffff  }
0x186: {  	[tilespmem:v5+s7+$0x0] =	vst.idx.add.f32.msk vm0, v21;
	v12 =	vperm.xlane v10, v1  }
0x187: {  	v21 =	vld [tilespmem:s20+$0xFFFFFFE0]  }
0x188: {  	v19 =	vmul.f32 v19, v25;
	v30 =	vld.idx.msk [tilespmem:v15+s26+$0x0], $0xffff;
	v23, _, _ =	vpop (xrf2);
	vm1 =	vne.s32 v10, v12  }
0x189: {  	[tilespmem:v8+s7+$0x0] =	vst.idx.add.f32.msk vm9, v23;
	v18 =	vsub.f32 $0.0e+00, v23;
	vm11 =	vmor vm1, vm15  }
0x18a: {  	(xrf2) =	vadd.scan.msk.f32 $0xffff, v19;
	v23 =	vld [tilespmem:s20+$0x10];
	vm1 =	vmand vm1, vm2  }
0x18b: {  	[tilespmem:v11+s7+$0x0] =	vst.idx.add.f32.msk vm10, v18  }
0x18c: {  	v18 =	vld.idx.msk [tilespmem:v16+s26+$0x0], $0xffff  }
0x18d: {  	v25, _, _ =	vpop (xrf2);
	v27 =	vld [tilespmem:s20+$0xFFFFFFF0]  }
0x18e: {  	v19 =	vld [tilespmem:s23+$0xFFFFFFF0];
	v28 =	vsub.f32 $0.0e+00, v25  }
0x18f: {  	vm3 =	vmmov vm3;
	[tilespmem:v10+s7+$0x0] =	vst.idx.add.f32.msk vm11, v25  }
0x190: {  	vm2 =	vmmov vm1;
	v25 =	vimm.s32 $0x0;
	[tilespmem:v12+s7+$0x0] =	vst.idx.add.f32.msk vm1, v28;
	vm1 =	vmmov vm5  }
0x191: {  	v31 =	vld.idx.msk [tilespmem:v13+s5+$0x0], $0xffff;
	v25 =	vsel vm1, $0xFFFFFFFF, v25  }
0x192: {  	v9 =	vld [tilespmem:s23+$0x0];
	[tilespmem:$0x1FFD0] =	vst v25;
	v25 =	vmul.f32 v23, v26;
	v26 =	vmul.f32 v27, v18  }
0x193: {  	v23 =	vld.idx.msk [tilespmem:v14+s26+$0x0], $0xffff  }
0x194: {  	v29 =	vmul.f32 v24, v29;
	vm6 =	vmmov vm6;
	v21 =	vmul.f32 v21, v30;
	v30, _, _ =	vpop (xrf2);
	v28 =	vld [tilespmem:s22+$0x10];
	(xrf2) =	vadd.scan.msk.f32 $0xffff, v26  }
0x195: {  	vm9 =	vmmov vm9;
	vm10 =	vmmov vm10;
	v18 =	vperm.xlane v19, v1;
	[tilespmem:v6+s8+$0x0] =	vst.idx.add.f32.msk vm3, v30  }
0x196: {  	vm5 =	vmmov vm7;
	vm7 =	vmmov vm4;
	vm4 =	vmmov vm0;
	v26 =	vld.idx.msk [tilespmem:v20+s5+$0x0], $0xffff  }
0x197: {  	s17 =	simm.s32 $0x40;
	s21 =	simm.s32 $0x1B860;
	s25 =	simm.s32 $0x1A0A0;
	v27 =	vmul.f32 v63, v31;
	v30 =	vsub.f32 $0.0e+00, v30;
	vm12 =	vne.s32 v19, v18;
	(xrf2) =	vadd.scan.msk.f32 $0xffff, v21;
	v21 =	vld [tilespmem:s23+$0xFFFFFFE0]  }
.LBB2_7:
0x198: {  	_ =	sdelay $0x2  }
0x199: {  	v24 =	vld [tilespmem:s25+$0x10];
	(xrf2) =	vadd.scan.msk.f32 $0xffff, v29  }
0x19a: {  	s22 =	sadd.s32 $0x40, s22;
	v32 =	vperm.xlane v9, v1;
	[tilespmem:v7+s8+$0x0] =	vst.idx.add.f32.msk vm5, v30  }
0x19b: {  	v29 =	vld [tilespmem:s22+$0x10];
	v28 =	vmul.f32 v28, v23;
	v23 =	vperm.xlane v21, v1  }
0x19c: {  	v30 =	vld [tilespmem:s21+$0xFFFFFFF0];
	v31, _, _ =	vpop (xrf2)  }
0x19d: {  	vm1 =	vcmask $0x3F3C;
	vm0 =	vne.s32 v9, v32;
	vm14 =	vne.s32 v21, v23;
	[tilespmem:v8+s8+$0x0] =	vst.idx.add.f32.msk vm9, v31  }
0x19e: {  	vm13 =	vmor vm14, vm15;
	vm15 =	vmor vm0, vm1;
	(xrf2) =	vadd.scan.msk.f32 $0xffff, v28;
	v33 =	vsub.f32 $0.0e+00, v31;
	v31 =	vld.idx.msk [tilespmem:v17+s28+$0x0], $0xffff  }
0x19f: {  	v17 =	vmov v22;
	v22 =	vld [tilespmem:s20+$0x0];
	v28, _, _ =	vpop (xrf2)  }
0x1a0: {  	[tilespmem:v4+s8+$0x0] =	vst.idx.add.f32.msk vm6, v28  }
0x1a1: {  	[tilespmem:v11+s8+$0x0] =	vst.idx.add.f32.msk vm10, v33  }
0x1a2: {  	(xrf2) =	vadd.scan.msk.f32 $0xffff, v27;
	v27 =	vld.idx.msk [tilespmem:v16+s28+$0x0], $0xffff  }
0x1a3: {  	(xrf2) =	vadd.scan.msk.f32 $0xffff, v25;
	v25, _, _ =	vpop (xrf2);
	v16 =	vmov v20;
	v20 =	vsub.f32 $0.0e+00, v28;
	v28 =	vld [tilespmem:s20+$0xFFFFFFF0]  }
0x1a4: {  	[tilespmem:v9+s7+$0x0] =	vst.idx.add.f32.msk vm15, v25;
	v31 =	vmul.f32 v22, v31  }
0x1a5: {  	[tilespmem:v5+s8+$0x0] =	vst.idx.add.f32.msk vm4, v20  }
0x1a6: {  	v26 =	vmul.f32 v30, v26;
	(xrf2) =	vadd.scan.msk.f32 $0xffff, v31;
	v31 =	vld [tilespmem:$0x1FFD0]  }
0x1a7: {  	v22 =	vld [tilespmem:s20+$0xFFFFFFE0]  }
0x1a8: {  	v20, _, _ =	vpop (xrf2);
	(xrf2) =	vadd.scan.msk.f32 $0xffff, v26;
	v26 =	vld [tilespmem:$0x1FFF0]  }
0x1a9: {  	v30 =	vld.idx.msk [tilespmem:v15+s28+$0x0], $0xffff  }
0x1aa: {  	[tilespmem:v10+s8+$0x0] =	vst.idx.add.f32.msk vm11, v20;
	v20 =	vsub.f32 $0.0e+00, v20  }
0x1ab: {  	v15 =	vmov v13;
	v13 =	vld [tilespmem:s25+$0xFFFFFFE0];
	vm1 =	vnez.u8 v31  }
0x1ac: {  	s23 =	sadd.s32 $0x40, s23;
	[tilespmem:v12+s8+$0x0] =	vst.idx.add.f32.msk vm2, v20  }
0x1ad: {  	vm8 =	vmmov vm7;
	v20 =	vmul.f32 v28, v27;
	v28 =	vld [tilespmem:s23+$0x0];
	vm7 =	vnez.u8 v26  }
0x1ae: {  	v27 =	vld.idx.msk [tilespmem:v24+s5+$0x0], $0xffff;
	v26, _, _ =	vpop (xrf2);
	vm0 =	vmand vm0, vm7  }
0x1af: {  	[tilespmem:v21+s7+$0x0] =	vst.idx.add.f32.msk vm13, v26  }
0x1b0: {  	v22 =	vmul.f32 v22, v30;
	v30, _, _ =	vpop (xrf2);
	(xrf2) =	vadd.scan.msk.f32 $0xffff, v20;
	v20 =	vld [tilespmem:s25+$0xFFFFFFF0]  }
0x1b1: {  	[tilespmem:v3+s14+$0x0] =	vst.idx.add.f32.msk vm1, v30;
	v3 =	vmov v10;
	vm1 =	vmmov vm11;
	v10 =	vimm.s32 $0x0  }
0x1b2: {  	v59 =	vsub.f32 $0.0e+00, v25;
	v10 =	vsel vm1, $0xFFFFFFFF, v10;
	v63 =	vld.idx.msk [tilespmem:v14+s28+$0x0], $0xffff  }
0x1b3: {  	[tilespmem:$0x1FFD0] =	vst v10;
	v10 =	vld [tilespmem:s23+$0x10]  }
0x1b4: {  	v25, _, _ =	vpop (xrf2);
	vm1 =	vcmask $0x3F3C;
	[tilespmem:v32+s7+$0x0] =	vst.idx.add.f32.msk vm0, v59  }
0x1b5: {  	(xrf2) =	vadd.scan.msk.f32 $0xffff, v22;
	v27 =	vmul.f32 v29, v27;
	v22 =	vsub.f32 $0.0e+00, v25;
	vm1 =	vmor vm12, vm1;
	v29 =	vld [tilespmem:s22+$0x0]  }
0x1b6: {  	[tilespmem:v6+s14+$0x0] =	vst.idx.add.f32.msk vm3, v25  }
0x1b7: {  	s20 =	smov.u32 s21;
	[tilespmem:v7+s14+$0x0] =	vst.idx.add.f32.msk vm5, v22  }
0x1b8: {  	v31, _, _ =	vpop (xrf2);
	(xrf2) =	vadd.scan.msk.f32 $0xffff, v27;
	v27 =	vld [tilespmem:s20+$0x0]  }
0x1b9: {  	v6 =	vmov v9;
	v9 =	vmov v28;
	v28 =	vld.idx.msk [tilespmem:v17+s26+$0x0], $0xffff  }
0x1ba: {  	v22 =	vld [tilespmem:s25+$0x0]  }
0x1bb: {  	vm12 =	vmand vm12, vm7;
	v60, _, _ =	vpop (xrf2);
	[tilespmem:v19+s7+$0x0] =	vst.idx.add.f32.msk vm1, v31  }
0x1bc: {  	v34 =	vsub.f32 $0.0e+00, v30;
	[tilespmem:v8+s14+$0x0] =	vst.idx.add.f32.msk vm9, v60  }
0x1bd: {  	v61 =	vsub.f32 $0.0e+00, v60;
	v8 =	vmov v19;
	v19 =	vsub.f32 $0.0e+00, v31;
	v31 =	vld [tilespmem:s20+$0x10]  }
0x1be: {  	v25 =	vperm.xlane v10, v1;
	[tilespmem:v2+s14+$0x0] =	vst.idx.add.f32.msk vm8, v34  }
0x1bf: {  	vm3 =	vmmov vm15;
	vm15 =	vcmask $0x3F3C;
	v62, _, _ =	vpop (xrf2);
	[tilespmem:v11+s14+$0x0] =	vst.idx.add.f32.msk vm10, v61  }
0x1c0: {  	v14 =	vmovc v24;
	vm5 =	vmmov vm0;
	vm0 =	vne.s32 v10, v25;
	v24 =	vsub.f32 $0.0e+00, v62;
	[tilespmem:v4+s14+$0x0] =	vst.idx.add.f32.msk vm6, v62  }
0x1c1: {  	vm11 =	vmor vm0, vm15;
	[tilespmem:v18+s7+$0x0] =	vst.idx.add.f32.msk vm12, v19  }
0x1c2: {  	vm14 =	vmand vm14, vm7;
	[tilespmem:v5+s14+$0x0] =	vst.idx.add.f32.msk vm4, v24  }
0x1c3: {  	vm0 =	vmand vm0, vm7;
	v11 =	vmovc v18;
	v19 =	vmul.f32 v27, v28;
	v5 =	vmov v23;
	v18 =	vld.idx.msk [tilespmem:v16+s26+$0x0], $0xffff  }
0x1c4: {  	v2 =	vmov v12;
	v12 =	vmov v25;
	v23 =	vld [tilespmem:s20+$0xFFFFFFF0]  }
0x1c5: {  	v30, _, _ =	vpop (xrf2);
	(xrf2) =	vadd.scan.msk.f32 $0xffff, v19;
	v19 =	vld [tilespmem:s23+$0xFFFFFFF0]  }
0x1c6: {  	v26 =	vsub.f32 $0.0e+00, v26;
	v24 =	vld.idx.msk [tilespmem:v22+s5+$0x0], $0xffff  }
0x1c7: {  	v4 =	vmov v21;
	v21 =	vsub.f32 $0.0e+00, v30;
	[tilespmem:v10+s7+$0x0] =	vst.idx.add.f32.msk vm11, v30  }
0x1c8: {  	[tilespmem:v5+s7+$0x0] =	vst.idx.add.f32.msk vm14, v26  }
0x1c9: {  	[tilespmem:v12+s7+$0x0] =	vst.idx.add.f32.msk vm0, v21  }
0x1ca: {  	v26 =	vld [tilespmem:s20+$0xFFFFFFE0]  }
0x1cb: {  	v27 =	vld.idx.msk [tilespmem:v15+s26+$0x0], $0xffff  }
0x1cc: {  	s17 =	sadd.s32 $0x40, s17;
	v25 =	vmul.f32 v31, v63;
	v31 =	vld.idx.msk [tilespmem:v13+s5+$0x0], $0xffff  }
0x1cd: {  	p0 =	slt.u32 s17, $0x7C0;
	v7 =	vmov v32;
	v23 =	vmul.f32 v23, v18;
	v32 =	vld [tilespmem:s22+$0xFFFFFFE0]  }
.Ltmp2:
0x1ce: {  	v28 =	vld [tilespmem:s22+$0x10];
	(pc) =	sbr.rel @p0 .LBB2_7-.Ltmp2, $4  }
0x1cf: {  	vm9 =	vmmov vm1;
	vm10 =	vmmov vm12;
	v18 =	vperm.xlane v19, v1;
	(xrf2) =	vadd.scan.msk.f32 $0xffff, v23;
	v23 =	vld.idx.msk [tilespmem:v14+s26+$0x0], $0xffff  }
0x1d0: {  	vm7 =	vmmov vm2;
	v29 =	vmul.f32 v29, v24;
	v21 =	vmul.f32 v26, v27;
	v24, _, _ =	vpop (xrf2);
	v26 =	vld.idx.msk [tilespmem:v20+s5+$0x0], $0xffff  }
0x1d1: {  	vm6 =	vmmov vm13;
	vm2 =	vmmov vm0;
	vm4 =	vmmov vm14;
	[tilespmem:v6+s8+$0x0] =	vst.idx.add.f32.msk vm3, v24  }
0x1d2: {  	s21 =	smov.u32 s22;
	s25 =	sadd.s32 $0x40, s25;
	vm12 =	vne.s32 v19, v18;
	v27 =	vmul.f32 v32, v31;
	v30 =	vsub.f32 $0.0e+00, v24;
	(xrf2) =	vadd.scan.msk.f32 $0xffff, v21;
	v21 =	vld [tilespmem:s23+$0xFFFFFFE0]  }
0x1d3: {  	_ =	sdelay $0x4  }
0x1d4: {  	[tilespmem:v7+s8+$0x0] =	vst.idx.add.f32.msk vm5, v30  }
0x1d5: {  	v17 =	vld.idx.msk [tilespmem:v17+s28+$0x0], $0xffff  }
0x1d6: {  	v24 =	vld [tilespmem:s20+$0x0];
	_ =	sdelay $0x1  }
0x1d7: {  	v23 =	vmul.f32 v28, v23;
	_ =	sdelay $0x1  }
0x1d8: {  	(xrf2) =	vadd.scan.msk.f32 $0xffff, v29  }
0x1d9: {  	(xrf2) =	vadd.scan.msk.f32 $0xffff, v23;
	v17 =	vmul.f32 v24, v17  }
0x1da: {  	(xrf2) =	vadd.scan.msk.f32 $0xffff, v27;
	v23, _, _ =	vpop (xrf2)  }
0x1db: {  	v30 =	vld [tilespmem:s21+$0xFFFFFFF0];
	(xrf2) =	vadd.scan.msk.f32 $0xffff, v25;
	v25 =	vsub.f32 $0.0e+00, v23  }
0x1dc: {  	[tilespmem:v8+s8+$0x0] =	vst.idx.add.f32.msk vm9, v23  }
0x1dd: {  	(xrf2) =	vadd.scan.msk.f32 $0xffff, v17;
	[tilespmem:v11+s8+$0x0] =	vst.idx.add.f32.msk vm10, v25;
	v17, _, _ =	vpop (xrf2)  }
0x1de: {  	[tilespmem:v4+s8+$0x0] =	vst.idx.add.f32.msk vm6, v17  }
0x1df: {  	v23 =	vld [tilespmem:$0x1FFF0];
	_ =	sdelay $0x1  }
0x1e0: {  	v24 =	vmul.f32 v30, v26;
	v26 =	vperm.xlane v9, v1;
	_ =	sdelay $0x1  }
0x1e1: {  	vm1 =	vne.s32 v9, v26  }
0x1e2: {  	(xrf2) =	vadd.scan.msk.f32 $0xffff, v24;
	vm0 =	vmor vm1, vm15;
	vm8 =	vnez.u8 v23  }
0x1e3: {  	v23 =	vimm.s32 $0x0;
	vm1 =	vmand vm1, vm8  }
0x1e4: {  	v17 =	vsub.f32 $0.0e+00, v17;
	v23 =	vsel vm1, $0xFFFFFFFF, v23  }
0x1e5: {  	v16 =	vld.idx.msk [tilespmem:v16+s28+$0x0], $0xffff;
	[tilespmem:$0x1FF80] =	vst v23  }
0x1e6: {  	v24, _, _ =	vpop (xrf2);
	v23 =	vld [tilespmem:s20+$0xFFFFFFF0]  }
0x1e7: {  	vm14 =	vmor vm12, vm15;
	v28 =	vsub.f32 $0.0e+00, v24;
	[tilespmem:v5+s8+$0x0] =	vst.idx.add.f32.msk vm4, v17  }
0x1e8: {  	v17, _, _ =	vpop (xrf2);
	[tilespmem:v9+s7+$0x0] =	vst.idx.add.f32.msk vm0, v24  }
0x1e9: {  	vm13 =	vmand vm12, vm8;
	v25 =	vld [tilespmem:s20+$0xFFFFFFE0];
	v27, _, _ =	vpop (xrf2)  }
0x1ea: {  	v15 =	vld.idx.msk [tilespmem:v15+s28+$0x0], $0xffff;
	v24, _, _ =	vpop (xrf2)  }
0x1eb: {  	[tilespmem:v26+s7+$0x0] =	vst.idx.add.f32.msk vm1, v28;
	v28, _, _ =	vpop (xrf2)  }
0x1ec: {  	v30, _, _ =	vpop (xrf2);
	v31 =	vld [tilespmem:s21+$0x0]  }
0x1ed: {  	v29 =	vperm.xlane v21, v1;
	[tilespmem:v19+s7+$0x0] =	vst.idx.add.f32.msk vm14, v30;
	v30 =	vsub.f32 $0.0e+00, v30  }
0x1ee: {  	v32 =	vld.idx.msk [tilespmem:v22+s26+$0x0], $0xffff  }
0x1ef: {  	vm15 =	vcmask $0x3F3C;
	vm1 =	vne.s32 v21, v29;
	[tilespmem:v18+s7+$0x0] =	vst.idx.add.f32.msk vm13, v30  }
0x1f0: {  	vm15 =	vmor vm1, vm15;
	v30 =	vld.idx.msk [tilespmem:v20+s26+$0x0], $0xffff  }
0x1f1: {  	vm12 =	vmand vm1, vm8;
	v16 =	vmul.f32 v23, v16;
	v23 =	vld [tilespmem:s21+$0xFFFFFFF0];
	_ =	sdelay $0x2  }
0x1f2: {  	v15 =	vmul.f32 v25, v15  }
0x1f3: {  	v25 =	vsub.f32 $0.0e+00, v27;
	(xrf2) =	vadd.scan.msk.f32 $0xffff, v16;
	v16 =	vmul.f32 v31, v32  }
0x1f4: {  	(xrf2) =	vadd.scan.msk.f32 $0xffff, v15;
	[tilespmem:v21+s7+$0x0] =	vst.idx.add.f32.msk vm15, v27;
	v23 =	vmul.f32 v23, v30  }
0x1f5: {  	[tilespmem:v29+s7+$0x0] =	vst.idx.add.f32.msk vm12, v25;
	(xrf2) =	vadd.scan.msk.f32 $0xffff, v16  }
0x1f6: {  	(xrf2) =	vadd.scan.msk.f32 $0xffff, v23;
	v23 =	vld [tilespmem:$0x1FF80]  }
0x1f7: {  	v15 =	vld [tilespmem:s21+$0xFFFFFFE0]  }
0x1f8: {  	v16 =	vld.idx.msk [tilespmem:v13+s26+$0x0], $0xffff;
	_ =	sdelay $0x2  }
0x1f9: {  	vm8 =	vmmov vm0;
	vm0 =	vnez.u8 v23  }
0x1fa: {  	v23 =	vimm.s32 $0x0;
	vm0 =	vmmov vm0  }
0x1fb: {  	v15 =	vmul.f32 v15, v16;
	v23 =	vsel vm0, $0xFFFFFFFF, v23  }
0x1fc: {  	vm1 =	vmmov vm14;
	v16 =	vsub.f32 $0.0e+00, v17;
	[tilespmem:$0x1FF90] =	vst v23  }
0x1fd: {  	[tilespmem:v10+s8+$0x0] =	vst.idx.add.f32.msk vm11, v17  }
0x1fe: {  	v17, _, _ =	vpop (xrf2);
	[tilespmem:v12+s8+$0x0] =	vst.idx.add.f32.msk vm2, v16  }
0x1ff: {  	(xrf2) =	vadd.scan.msk.f32 $0xffff, v15;
	v15, _, _ =	vpop (xrf2);
	v16 =	vld [tilespmem:s21+$0x10]  }
0x200: {  	vm14 =	vmmov vm13;
	v23, _, _ =	vpop (xrf2);
	v14 =	vld.idx.msk [tilespmem:v14+s28+$0x0], $0xffff  }
0x201: {  	v25 =	vsub.f32 $0.0e+00, v23;
	[tilespmem:v9+s8+$0x0] =	vst.idx.add.f32.msk vm8, v23;
	v23, _, _ =	vpop (xrf2)  }
0x202: {  	[tilespmem:v19+s8+$0x0] =	vst.idx.add.f32.msk vm1, v23  }
0x203: {  	[tilespmem:v26+s8+$0x0] =	vst.idx.add.f32.msk vm0, v25  }
0x204: {  	v23 =	vsub.f32 $0.0e+00, v23;
	v22 =	vld.idx.msk [tilespmem:v22+s28+$0x0], $0xffff  }
0x205: {  	v25 =	vld [tilespmem:s21+$0x0]  }
0x206: {  	vm13 =	vmmov vm15;
	[tilespmem:v18+s8+$0x0] =	vst.idx.add.f32.msk vm14, v23  }
0x207: {  	v20 =	vld.idx.msk [tilespmem:v20+s28+$0x0], $0xffff  }
0x208: {  	vm12 =	vmmov vm12;
	v27 =	vld [tilespmem:s21+$0xFFFFFFF0];
	_ =	sdelay $0x2  }
0x209: {  	v14 =	vmul.f32 v16, v14;
	v23, _, _ =	vpop (xrf2)  }
0x20a: {  	[tilespmem:v21+s8+$0x0] =	vst.idx.add.f32.msk vm13, v23;
	v23 =	vsub.f32 $0.0e+00, v23;
	v22 =	vmul.f32 v25, v22  }
0x20b: {  	(xrf2) =	vadd.scan.msk.f32 $0xffff, v14;
	v14 =	vmul.f32 v27, v20  }
0x20c: {  	[tilespmem:v29+s8+$0x0] =	vst.idx.add.f32.msk vm12, v23;
	(xrf2) =	vadd.scan.msk.f32 $0xffff, v22  }
0x20d: {  	(xrf2) =	vadd.scan.msk.f32 $0xffff, v14;
	v14 =	vld [tilespmem:$0x1FFD0];
	_ =	sdelay $0x4  }
0x20e: {  	vm0 =	vmmov vm1;
	vm1 =	vnez.u8 v14;
	_ =	sdelay $0x3  }
0x20f: {  	v16 =	vld [tilespmem:s21+$0xFFFFFFE0]  }
0x210: {  	v13 =	vld.idx.msk [tilespmem:v13+s28+$0x0], $0xffff  }
0x211: {  	[tilespmem:v3+s14+$0x0] =	vst.idx.add.f32.msk vm1, v24;
	v3 =	vsub.f32 $0.0e+00, v28  }
0x212: {  	[tilespmem:v6+s14+$0x0] =	vst.idx.add.f32.msk vm3, v28  }
0x213: {  	[tilespmem:v7+s14+$0x0] =	vst.idx.add.f32.msk vm5, v3;
	v3 =	vsub.f32 $0.0e+00, v17  }
0x214: {  	[tilespmem:v8+s14+$0x0] =	vst.idx.add.f32.msk vm9, v17  }
0x215: {  	v6 =	vsub.f32 $0.0e+00, v24;
	[tilespmem:v11+s14+$0x0] =	vst.idx.add.f32.msk vm10, v3;
	v3 =	vsub.f32 $0.0e+00, v15  }
0x216: {  	[tilespmem:v4+s14+$0x0] =	vst.idx.add.f32.msk vm6, v15  }
0x217: {  	[tilespmem:v2+s14+$0x0] =	vst.idx.add.f32.msk vm7, v6;
	v2, _, _ =	vpop (xrf2)  }
0x218: {  	[tilespmem:v10+s14+$0x0] =	vst.idx.add.f32.msk vm11, v2  }
0x219: {  	[tilespmem:v5+s14+$0x0] =	vst.idx.add.f32.msk vm4, v3;
	v3, _, _ =	vpop (xrf2)  }
0x21a: {  	[tilespmem:v9+s14+$0x0] =	vst.idx.add.f32.msk vm8, v3  }
0x21b: {  	v13 =	vmul.f32 v16, v13;
	v5 =	vld [tilespmem:$0x1FF90];
	_ =	sdelay $0x1  }
0x21c: {  	(xrf2) =	vadd.scan.msk.f32 $0xffff, v13;
	_ =	sdelay $0x1  }
0x21d: {  	vm1 =	vmmov vm11  }
0x21e: {  	vm1 =	vnez.u8 v5  }
0x21f: {  	vm2 =	vmmov vm2;
	_ =	sdelay $0x2  }
0x220: {  	v4 =	vsub.f32 $0.0e+00, v3;
	v3, _, _ =	vpop (xrf2)  }
0x221: {  	v2 =	vsub.f32 $0.0e+00, v2;
	[tilespmem:v19+s14+$0x0] =	vst.idx.add.f32.msk vm0, v3  }
0x222: {  	[tilespmem:v26+s14+$0x0] =	vst.idx.add.f32.msk vm1, v4;
	v4 =	vsub.f32 $0.0e+00, v3  }
0x223: {  	[tilespmem:v12+s14+$0x0] =	vst.idx.add.f32.msk vm2, v2;
	v3, _, _ =	vpop (xrf2)  }
0x224: {  	[tilespmem:v18+s14+$0x0] =	vst.idx.add.f32.msk vm14, v4;
	v4 =	vsub.f32 $0.0e+00, v3  }
0x225: {  	[tilespmem:v21+s14+$0x0] =	vst.idx.add.f32.msk vm13, v3  }
0x226: {  	[tilespmem:v29+s14+$0x0] =	vst.idx.add.f32.msk vm12, v4  }
0x227: {  	_ =	swait.ge [sflag:s16], $0x800  }
0x228: {  	[sflag:s16] =	ssyncset.done $0x0  }
0x229: {  	s17 =	sadd.s32 $0x4, s19;
	[sflag:s16] =	ssyncadd.s32 $0xFFFFF800  }
0x22a: {  	s19 =	sadd.s32 s13, s17;
	_ =	swait.ge [sflag:s16], $0x800  }
0x22b: {  	p0 =	sgt.u32 s19, $0x51D;
	[sflag:s16] =	ssyncset.done $0x0  }
0x22c: {  	s19 =	sshll.u32 @p0 s19, $0xB;
	[sflag:s16] =	ssyncadd.s32 $0xFFFFF800  }
0x22d: {  	s19 =	sadd.s32 @p0 $0xFFD71000, s19;
	_ =	swait.ge [sflag:s16], $0x800  }
0x22e: {  	s22 =	simm.s32 @p0 $0x18800;
	s19 =	sshrl.u32 @p0 s19, $0x3;
	[sflag:s16] =	ssyncset.done $0x0  }
0x22f: {  	s20 =	sadd.s32 @p0 s9, s19;
	s21 =	simm.s32 @p0 $0x0;
	[sflag:s16] =	ssyncadd.s32 $0xFFFFF800  }
0x230: {  	[tilespmem:s22], [sflag:$0x2] =	stream.linear.gather @p0 [hbm4b:s20+s21], $0x800, $0x38;
	[tilespmem:$0x1C800] =	vst v63  }
0x231: {  	s17 =	sshll.u32 @!p0 s17, $0xB;
	s20 =	sadd.s32 @p0 s10, s19;
	s22 =	simm.s32 @p0 $0x1A000  }
0x232: {  	[tilespmem:s22], [sflag:$0x2] =	stream.linear.gather @p0 [hbm4b:s20+s21], $0x800, $0x38;
	[tilespmem:$0x1C800] =	vst v63  }
0x233: {  	s17 =	sadd.s32 @!p0 s12, s17;
	s19 =	sadd.s32 @p0 s11, s19;
	s20 =	simm.s32 @p0 $0x1B800  }
0x234: {  	[tilespmem:s20], [sflag:$0x2] =	stream.linear.gather @p0 [hbm4b:s19+s21], $0x800, $0x38;
	[tilespmem:$0x1C800] =	vst v63  }
0x235: {  	s22 =	simm.s32 @!p0 $0x18800;
	s19 =	sshrl.u32 @!p0 s17, $0x3;
	s21 =	simm.s32 @!p0 $0x0  }
0x236: {  	s17 =	sshrl.u32 @!p0 s17, $0x1;
	s20 =	sadd.s32 @!p0 s2, s19;
	s19 =	sadd.s32 @!p0 s3, s19  }
0x237: {  	[tilespmem:s22], [sflag:$0x2] =	stream.linear.gather @!p0 [hbm4b:s20+s21], $0x800, $0x38;
	[tilespmem:$0x1C800] =	vst v63  }
0x238: {  	s17 =	sadd.s32 @!p0 s4, s17;
	s20 =	simm.s32 @!p0 $0x1A000;
	s22 =	simm.s32 $0x1A820  }
0x239: {  	[tilespmem:s20], [sflag:$0x2] =	stream.linear.gather @!p0 [hbm4b:s19+s21], $0x800, $0x38;
	[tilespmem:$0x1C800] =	vst v63  }
0x23a: {  	s19 =	simm.s32 @!p0 $0x80;
	s20 =	simm.s32 @!p0 $0x200;
	s21 =	simm.s32 @!p0 $0x1B800  }
0x23b: {  	[tilespmem:s21], [sflag:$0x2] =	stream.strided.gather @!p0 [hbm4b:s17+s19], $0x800, s20, s19, $0x38;
	[tilespmem:$0x1C800] =	vst v63  }
0x23c: {  	v12 =	vld [tilespmem:s22+$0x10];
	_ =	sdelay $0x5  }
0x23d: {  	s19 =	simm.s32 $0x1C020  }
0x23e: {  	v2 =	vld [tilespmem:s19+$0x10]  }
0x23f: {  	v4 =	vld.idx.msk [tilespmem:v12+s5+$0x0], $0xffff;
	_ =	sdelay $0x3  }
0x240: {  	s23 =	simm.s32 $0x19020  }
0x241: {  	v3 =	vld [tilespmem:s23+$0x10];
	v2 =	vmul.f32 v2, v4;
	_ =	sdelay $0x1  }
0x242: {  	(xrf2) =	vadd.scan.msk.f32 $0xffff, v2  }
0x243: {  	v4 =	vld [tilespmem:$0x1FFF0]  }
0x244: {  	v17 =	vld [tilespmem:s22+$0x0]  }
0x245: {  	v2 =	vperm.xlane v3, v1;
	_ =	sdelay $0x1  }
0x246: {  	vm15 =	vcmask $0x3F3C;
	vm0 =	vne.s32 v3, v2  }
0x247: {  	vm5 =	vmor vm0, vm15;
	vm2 =	vnez.u8 v4  }
0x248: {  	vm0 =	vmand vm0, vm2  }
0x249: {  	v15 =	vld [tilespmem:s22+$0xFFFFFFE0]  }
0x24a: {  	v16 =	vld [tilespmem:s22+$0xFFFFFFF0]  }
0x24b: {  	v7 =	vld.idx.msk [tilespmem:v17+s5+$0x0], $0xffff;
	v5, _, _ =	vpop (xrf2)  }
0x24c: {  	v4 =	vld [tilespmem:s19+$0x0];
	v6 =	vsub.f32 $0.0e+00, v5  }
0x24d: {  	[tilespmem:v3+s7+$0x0] =	vst.idx.add.f32.msk vm5, v5  }
0x24e: {  	[tilespmem:v2+s7+$0x0] =	vst.idx.add.f32.msk vm0, v6  }
0x24f: {  	v6 =	vld.idx.msk [tilespmem:v12+s26+$0x0], $0xffff  }
0x250: {  	v8 =	vld [tilespmem:s19+$0x10]  }
0x251: {  	v10 =	vld [tilespmem:s19+$0xFFFFFFE0]  }
0x252: {  	s25 =	simm.s32 $0x1A860;
	v5 =	vld [tilespmem:s23+$0x0]  }
0x253: {  	s21 =	simm.s32 $0x1C060;
	v14 =	vld [tilespmem:s25+$0x10];
	v4 =	vmul.f32 v4, v7  }
0x254: {  	v18 =	vld [tilespmem:s21+$0x10]  }
0x255: {  	v9 =	vld.idx.msk [tilespmem:v15+s5+$0x0], $0xffff;
	(xrf2) =	vadd.scan.msk.f32 $0xffff, v4;
	v6 =	vmul.f32 v8, v6  }
0x256: {  	v13 =	vld [tilespmem:s25+$0xFFFFFFE0]  }
0x257: {  	v20 =	vld [tilespmem:s25+$0xFFFFFFF0];
	v7 =	vperm.xlane v5, v1;
	(xrf2) =	vadd.scan.msk.f32 $0xffff, v6  }
0x258: {  	v22 =	vld [tilespmem:s25+$0x0]  }
0x259: {  	v4 =	vld [tilespmem:s23+$0xFFFFFFE0];
	vm1 =	vne.s32 v5, v7  }
0x25a: {  	vm3 =	vmor vm1, vm15;
	v6 =	vmul.f32 v10, v9;
	v9 =	vld.idx.msk [tilespmem:v16+s5+$0x0], $0xffff  }
0x25b: {  	v10 =	vld [tilespmem:s19+$0xFFFFFFF0]  }
0x25c: {  	v24 =	vld [tilespmem:s21+$0x0];
	vm8 =	vmand vm1, vm2  }
0x25d: {  	v63 =	vld [tilespmem:s21+$0xFFFFFFE0];
	(xrf2) =	vadd.scan.msk.f32 $0xffff, v6  }
0x25e: {  	v23 =	vld.idx.msk [tilespmem:v14+s5+$0x0], $0xffff;
	vm4 =	vmmov vm0  }
0x25f: {  	v8 =	vld [tilespmem:s23+$0xFFFFFFF0];
	v19, _, _ =	vpop (xrf2);
	v6 =	vperm.xlane v4, v1  }
0x260: {  	[tilespmem:v5+s7+$0x0] =	vst.idx.add.f32.msk vm3, v19;
	v19 =	vsub.f32 $0.0e+00, v19;
	v9 =	vmul.f32 v10, v9  }
0x261: {  	v29 =	vld.idx.msk [tilespmem:v22+s5+$0x0], $0xffff;
	vm0 =	vne.s32 v4, v6;
	v11, _, _ =	vpop (xrf2)  }
0x262: {  	vm6 =	vmor vm0, vm15;
	[tilespmem:v7+s7+$0x0] =	vst.idx.add.f32.msk vm8, v19;
	(xrf2) =	vadd.scan.msk.f32 $0xffff, v9;
	v10 =	vsub.f32 $0.0e+00, v11  }
0x263: {  	[tilespmem:v3+s8+$0x0] =	vst.idx.add.f32.msk vm5, v11  }
0x264: {  	s22 =	simm.s32 $0x19060;
	vm0 =	vmand vm0, vm2;
	v11 =	vperm.xlane v8, v1;
	[tilespmem:v2+s8+$0x0] =	vst.idx.add.f32.msk vm4, v10  }
0x265: {  	v18 =	vmul.f32 v18, v23;
	v10 =	vld [tilespmem:s22+$0x10]  }
0x266: {  	v19 =	vld [tilespmem:s19+$0x0];
	vm1 =	vne.s32 v8, v11  }
0x267: {  	v25 =	vld.idx.msk [tilespmem:v17+s26+$0x0], $0xffff;
	(xrf2) =	vadd.scan.msk.f32 $0xffff, v18;
	v21, _, _ =	vpop (xrf2);
	vm9 =	vmor vm1, vm15  }
0x268: {  	[tilespmem:v4+s7+$0x0] =	vst.idx.add.f32.msk vm6, v21;
	v21 =	vsub.f32 $0.0e+00, v21  }
0x269: {  	vm10 =	vmand vm1, vm2;
	v26 =	vld.idx.msk [tilespmem:v12+s28+$0x0], $0xffff  }
0x26a: {  	[tilespmem:v6+s7+$0x0] =	vst.idx.add.f32.msk vm0, v21;
	v12 =	vperm.xlane v10, v1  }
0x26b: {  	v21 =	vld [tilespmem:s19+$0xFFFFFFE0]  }
0x26c: {  	v19 =	vmul.f32 v19, v25;
	v30 =	vld.idx.msk [tilespmem:v15+s26+$0x0], $0xffff;
	v23, _, _ =	vpop (xrf2);
	vm1 =	vne.s32 v10, v12  }
0x26d: {  	[tilespmem:v8+s7+$0x0] =	vst.idx.add.f32.msk vm9, v23;
	v18 =	vsub.f32 $0.0e+00, v23;
	vm11 =	vmor vm1, vm15  }
0x26e: {  	(xrf2) =	vadd.scan.msk.f32 $0xffff, v19;
	v23 =	vld [tilespmem:s19+$0x10];
	vm1 =	vmand vm1, vm2  }
0x26f: {  	[tilespmem:v11+s7+$0x0] =	vst.idx.add.f32.msk vm10, v18  }
0x270: {  	v18 =	vld.idx.msk [tilespmem:v16+s26+$0x0], $0xffff  }
0x271: {  	v25, _, _ =	vpop (xrf2);
	v27 =	vld [tilespmem:s19+$0xFFFFFFF0]  }
0x272: {  	v19 =	vld [tilespmem:s22+$0xFFFFFFF0];
	v28 =	vsub.f32 $0.0e+00, v25  }
0x273: {  	vm3 =	vmmov vm3;
	[tilespmem:v10+s7+$0x0] =	vst.idx.add.f32.msk vm11, v25  }
0x274: {  	vm2 =	vmmov vm1;
	v25 =	vimm.s32 $0x0;
	[tilespmem:v12+s7+$0x0] =	vst.idx.add.f32.msk vm1, v28;
	vm1 =	vmmov vm5  }
0x275: {  	v31 =	vld.idx.msk [tilespmem:v13+s5+$0x0], $0xffff;
	v25 =	vsel vm1, $0xFFFFFFFF, v25  }
0x276: {  	v9 =	vld [tilespmem:s22+$0x0];
	[tilespmem:$0x1FFA0] =	vst v25;
	v25 =	vmul.f32 v23, v26;
	v26 =	vmul.f32 v27, v18  }
0x277: {  	v23 =	vld.idx.msk [tilespmem:v14+s26+$0x0], $0xffff  }
0x278: {  	v29 =	vmul.f32 v24, v29;
	vm6 =	vmmov vm6;
	v21 =	vmul.f32 v21, v30;
	v30, _, _ =	vpop (xrf2);
	v28 =	vld [tilespmem:s21+$0x10];
	(xrf2) =	vadd.scan.msk.f32 $0xffff, v26  }
0x279: {  	vm9 =	vmmov vm9;
	vm10 =	vmmov vm10;
	v18 =	vperm.xlane v19, v1;
	[tilespmem:v5+s8+$0x0] =	vst.idx.add.f32.msk vm3, v30  }
0x27a: {  	vm5 =	vmmov vm8;
	vm8 =	vmmov vm4;
	vm4 =	vmmov vm0;
	v26 =	vld.idx.msk [tilespmem:v20+s5+$0x0], $0xffff  }
0x27b: {  	s17 =	simm.s32 $0x40;
	s20 =	simm.s32 $0x1C060;
	s23 =	simm.s32 $0x1A8A0;
	v27 =	vmul.f32 v63, v31;
	v30 =	vsub.f32 $0.0e+00, v30;
	vm12 =	vne.s32 v19, v18;
	(xrf2) =	vadd.scan.msk.f32 $0xffff, v21;
	v21 =	vld [tilespmem:s22+$0xFFFFFFE0]  }
.LBB2_9:
0x27c: {  	_ =	sdelay $0x2  }
0x27d: {  	v24 =	vld [tilespmem:s23+$0x10];
	(xrf2) =	vadd.scan.msk.f32 $0xffff, v29  }
0x27e: {  	s21 =	sadd.s32 $0x40, s21;
	v32 =	vperm.xlane v9, v1;
	[tilespmem:v7+s8+$0x0] =	vst.idx.add.f32.msk vm5, v30  }
0x27f: {  	v29 =	vld [tilespmem:s21+$0x10];
	v28 =	vmul.f32 v28, v23;
	v23 =	vperm.xlane v21, v1  }
0x280: {  	v30 =	vld [tilespmem:s20+$0xFFFFFFF0];
	v31, _, _ =	vpop (xrf2)  }
0x281: {  	vm1 =	vcmask $0x3F3C;
	vm0 =	vne.s32 v9, v32;
	vm14 =	vne.s32 v21, v23;
	[tilespmem:v8+s8+$0x0] =	vst.idx.add.f32.msk vm9, v31  }
0x282: {  	vm13 =	vmor vm14, vm15;
	vm15 =	vmor vm0, vm1;
	(xrf2) =	vadd.scan.msk.f32 $0xffff, v28;
	v33 =	vsub.f32 $0.0e+00, v31;
	v31 =	vld.idx.msk [tilespmem:v17+s28+$0x0], $0xffff  }
0x283: {  	v17 =	vmov v22;
	v22 =	vld [tilespmem:s19+$0x0];
	v28, _, _ =	vpop (xrf2)  }
0x284: {  	[tilespmem:v4+s8+$0x0] =	vst.idx.add.f32.msk vm6, v28  }
0x285: {  	[tilespmem:v11+s8+$0x0] =	vst.idx.add.f32.msk vm10, v33  }
0x286: {  	(xrf2) =	vadd.scan.msk.f32 $0xffff, v27;
	v27 =	vld.idx.msk [tilespmem:v16+s28+$0x0], $0xffff  }
0x287: {  	(xrf2) =	vadd.scan.msk.f32 $0xffff, v25;
	v25, _, _ =	vpop (xrf2);
	v16 =	vmov v20;
	v20 =	vsub.f32 $0.0e+00, v28;
	v28 =	vld [tilespmem:s19+$0xFFFFFFF0]  }
0x288: {  	[tilespmem:v9+s7+$0x0] =	vst.idx.add.f32.msk vm15, v25;
	v31 =	vmul.f32 v22, v31  }
0x289: {  	[tilespmem:v6+s8+$0x0] =	vst.idx.add.f32.msk vm4, v20  }
0x28a: {  	v26 =	vmul.f32 v30, v26;
	(xrf2) =	vadd.scan.msk.f32 $0xffff, v31;
	v31 =	vld [tilespmem:$0x1FFA0]  }
0x28b: {  	v22 =	vld [tilespmem:s19+$0xFFFFFFE0]  }
0x28c: {  	v20, _, _ =	vpop (xrf2);
	(xrf2) =	vadd.scan.msk.f32 $0xffff, v26;
	v26 =	vld [tilespmem:$0x1FFF0]  }
0x28d: {  	v30 =	vld.idx.msk [tilespmem:v15+s28+$0x0], $0xffff  }
0x28e: {  	[tilespmem:v10+s8+$0x0] =	vst.idx.add.f32.msk vm11, v20;
	v20 =	vsub.f32 $0.0e+00, v20  }
0x28f: {  	v15 =	vmov v13;
	v13 =	vld [tilespmem:s23+$0xFFFFFFE0];
	vm1 =	vnez.u8 v31  }
0x290: {  	s22 =	sadd.s32 $0x40, s22;
	[tilespmem:v12+s8+$0x0] =	vst.idx.add.f32.msk vm2, v20  }
0x291: {  	v20 =	vmul.f32 v28, v27;
	v28 =	vld [tilespmem:s22+$0x0];
	vm7 =	vnez.u8 v26  }
0x292: {  	v27 =	vld.idx.msk [tilespmem:v24+s5+$0x0], $0xffff;
	v26, _, _ =	vpop (xrf2);
	vm0 =	vmand vm0, vm7  }
0x293: {  	[tilespmem:v21+s7+$0x0] =	vst.idx.add.f32.msk vm13, v26  }
0x294: {  	v22 =	vmul.f32 v22, v30;
	v30, _, _ =	vpop (xrf2);
	(xrf2) =	vadd.scan.msk.f32 $0xffff, v20;
	v20 =	vld [tilespmem:s23+$0xFFFFFFF0]  }
0x295: {  	[tilespmem:v3+s14+$0x0] =	vst.idx.add.f32.msk vm1, v30;
	v3 =	vmov v10;
	vm1 =	vmmov vm11;
	v10 =	vimm.s32 $0x0  }
0x296: {  	v59 =	vsub.f32 $0.0e+00, v25;
	v10 =	vsel vm1, $0xFFFFFFFF, v10;
	v63 =	vld.idx.msk [tilespmem:v14+s28+$0x0], $0xffff  }
0x297: {  	[tilespmem:$0x1FFA0] =	vst v10;
	v10 =	vld [tilespmem:s22+$0x10]  }
0x298: {  	v25, _, _ =	vpop (xrf2);
	vm1 =	vcmask $0x3F3C;
	[tilespmem:v32+s7+$0x0] =	vst.idx.add.f32.msk vm0, v59  }
0x299: {  	(xrf2) =	vadd.scan.msk.f32 $0xffff, v22;
	v27 =	vmul.f32 v29, v27;
	v22 =	vsub.f32 $0.0e+00, v25;
	vm1 =	vmor vm12, vm1;
	v29 =	vld [tilespmem:s21+$0x0]  }
0x29a: {  	[tilespmem:v5+s14+$0x0] =	vst.idx.add.f32.msk vm3, v25  }
0x29b: {  	s19 =	smov.u32 s20;
	[tilespmem:v7+s14+$0x0] =	vst.idx.add.f32.msk vm5, v22  }
0x29c: {  	v31, _, _ =	vpop (xrf2);
	(xrf2) =	vadd.scan.msk.f32 $0xffff, v27;
	v27 =	vld [tilespmem:s19+$0x0]  }
0x29d: {  	v5 =	vmov v9;
	v9 =	vmov v28;
	v28 =	vld.idx.msk [tilespmem:v17+s26+$0x0], $0xffff  }
0x29e: {  	v22 =	vld [tilespmem:s23+$0x0]  }
0x29f: {  	vm12 =	vmand vm12, vm7;
	v60, _, _ =	vpop (xrf2);
	[tilespmem:v19+s7+$0x0] =	vst.idx.add.f32.msk vm1, v31  }
0x2a0: {  	v34 =	vsub.f32 $0.0e+00, v30;
	[tilespmem:v8+s14+$0x0] =	vst.idx.add.f32.msk vm9, v60  }
0x2a1: {  	v61 =	vsub.f32 $0.0e+00, v60;
	v8 =	vmov v19;
	v19 =	vsub.f32 $0.0e+00, v31;
	v31 =	vld [tilespmem:s19+$0x10]  }
0x2a2: {  	v25 =	vperm.xlane v10, v1;
	[tilespmem:v2+s14+$0x0] =	vst.idx.add.f32.msk vm8, v34  }
0x2a3: {  	vm3 =	vmmov vm15;
	vm15 =	vcmask $0x3F3C;
	v62, _, _ =	vpop (xrf2);
	[tilespmem:v11+s14+$0x0] =	vst.idx.add.f32.msk vm10, v61  }
0x2a4: {  	v14 =	vmovc v24;
	vm5 =	vmmov vm0;
	vm0 =	vne.s32 v10, v25;
	v24 =	vsub.f32 $0.0e+00, v62;
	[tilespmem:v4+s14+$0x0] =	vst.idx.add.f32.msk vm6, v62  }
0x2a5: {  	vm11 =	vmor vm0, vm15;
	[tilespmem:v18+s7+$0x0] =	vst.idx.add.f32.msk vm12, v19  }
0x2a6: {  	vm14 =	vmand vm14, vm7;
	[tilespmem:v6+s14+$0x0] =	vst.idx.add.f32.msk vm4, v24  }
0x2a7: {  	vm0 =	vmand vm0, vm7;
	v11 =	vmovc v18;
	v19 =	vmul.f32 v27, v28;
	v6 =	vmov v23;
	v18 =	vld.idx.msk [tilespmem:v16+s26+$0x0], $0xffff  }
0x2a8: {  	v2 =	vmov v12;
	v12 =	vmov v25;
	v23 =	vld [tilespmem:s19+$0xFFFFFFF0]  }
0x2a9: {  	v30, _, _ =	vpop (xrf2);
	(xrf2) =	vadd.scan.msk.f32 $0xffff, v19;
	v19 =	vld [tilespmem:s22+$0xFFFFFFF0]  }
0x2aa: {  	v26 =	vsub.f32 $0.0e+00, v26;
	v24 =	vld.idx.msk [tilespmem:v22+s5+$0x0], $0xffff  }
0x2ab: {  	v4 =	vmov v21;
	v21 =	vsub.f32 $0.0e+00, v30;
	[tilespmem:v10+s7+$0x0] =	vst.idx.add.f32.msk vm11, v30  }
0x2ac: {  	[tilespmem:v6+s7+$0x0] =	vst.idx.add.f32.msk vm14, v26  }
0x2ad: {  	[tilespmem:v12+s7+$0x0] =	vst.idx.add.f32.msk vm0, v21  }
0x2ae: {  	v26 =	vld [tilespmem:s19+$0xFFFFFFE0]  }
0x2af: {  	v27 =	vld.idx.msk [tilespmem:v15+s26+$0x0], $0xffff  }
0x2b0: {  	s17 =	sadd.s32 $0x40, s17;
	v25 =	vmul.f32 v31, v63;
	v31 =	vld.idx.msk [tilespmem:v13+s5+$0x0], $0xffff  }
0x2b1: {  	p0 =	slt.u32 s17, $0x7C0;
	v7 =	vmov v32;
	v23 =	vmul.f32 v23, v18;
	v32 =	vld [tilespmem:s21+$0xFFFFFFE0]  }
.Ltmp3:
0x2b2: {  	v28 =	vld [tilespmem:s21+$0x10];
	(pc) =	sbr.rel @p0 .LBB2_9-.Ltmp3, $4  }
0x2b3: {  	vm9 =	vmmov vm1;
	vm8 =	vmmov vm2;
	v18 =	vperm.xlane v19, v1;
	(xrf2) =	vadd.scan.msk.f32 $0xffff, v23;
	v23 =	vld.idx.msk [tilespmem:v14+s26+$0x0], $0xffff  }
0x2b4: {  	vm10 =	vmmov vm12;
	v29 =	vmul.f32 v29, v24;
	v21 =	vmul.f32 v26, v27;
	v24, _, _ =	vpop (xrf2);
	v26 =	vld.idx.msk [tilespmem:v20+s5+$0x0], $0xffff  }
0x2b5: {  	vm6 =	vmmov vm13;
	vm2 =	vmmov vm0;
	vm4 =	vmmov vm14;
	[tilespmem:v5+s8+$0x0] =	vst.idx.add.f32.msk vm3, v24  }
0x2b6: {  	s20 =	smov.u32 s21;
	s23 =	sadd.s32 $0x40, s23;
	vm12 =	vne.s32 v19, v18;
	v27 =	vmul.f32 v32, v31;
	v30 =	vsub.f32 $0.0e+00, v24;
	(xrf2) =	vadd.scan.msk.f32 $0xffff, v21;
	v21 =	vld [tilespmem:s22+$0xFFFFFFE0]  }
0x2b7: {  	_ =	sdelay $0x4  }
0x2b8: {  	[tilespmem:v7+s8+$0x0] =	vst.idx.add.f32.msk vm5, v30  }
0x2b9: {  	v17 =	vld.idx.msk [tilespmem:v17+s28+$0x0], $0xffff  }
0x2ba: {  	v24 =	vld [tilespmem:s19+$0x0];
	v54, _, _ =	vpop (xrf2)  }
0x2bb: {  	v53 =	vld [tilespmem:s20+$0xFFFFFFF0];
	v56 =	vsub.f32 $0.0e+00, v54  }
0x2bc: {  	v23 =	vmul.f32 v28, v23;
	[tilespmem:v8+s8+$0x0] =	vst.idx.add.f32.msk vm9, v54  }
0x2bd: {  	(xrf2) =	vadd.scan.msk.f32 $0xffff, v29;
	[tilespmem:v11+s8+$0x0] =	vst.idx.add.f32.msk vm10, v56;
	v57, _, _ =	vpop (xrf2)  }
0x2be: {  	(xrf2) =	vadd.scan.msk.f32 $0xffff, v23;
	[tilespmem:v4+s8+$0x0] =	vst.idx.add.f32.msk vm6, v57  }
0x2bf: {  	(xrf2) =	vadd.scan.msk.f32 $0xffff, v27;
	v17 =	vmul.f32 v24, v17;
	v23 =	vld [tilespmem:$0x1FFF0]  }
0x2c0: {  	v55 =	vmul.f32 v53, v26;
	(xrf2) =	vadd.scan.msk.f32 $0xffff, v25  }
0x2c1: {  	v26 =	vperm.xlane v9, v1;
	(xrf2) =	vadd.scan.msk.f32 $0xffff, v17  }
0x2c2: {  	(xrf2) =	vadd.scan.msk.f32 $0xffff, v55  }
0x2c3: {  	vm1 =	vne.s32 v9, v26  }
0x2c4: {  	vm0 =	vmor vm1, vm15;
	vm7 =	vnez.u8 v23  }
0x2c5: {  	v58 =	vimm.s32 $0x0;
	vm1 =	vmand vm1, vm7  }
0x2c6: {  	v23 =	vsel vm1, $0xFFFFFFFF, v58  }
0x2c7: {  	v16 =	vld.idx.msk [tilespmem:v16+s28+$0x0], $0xffff;
	v17 =	vsub.f32 $0.0e+00, v57;
	v59, _, _ =	vpop (xrf2);
	[tilespmem:$0x1FF50] =	vst v23  }
0x2c8: {  	vm14 =	vmor vm12, vm15;
	v60, _, _ =	vpop (xrf2);
	v23 =	vld [tilespmem:s19+$0xFFFFFFF0]  }
0x2c9: {  	v27, _, _ =	vpop (xrf2);
	vm13 =	vmand vm12, vm7;
	[tilespmem:v6+s8+$0x0] =	vst.idx.add.f32.msk vm4, v17  }
0x2ca: {  	v63, _, _ =	vpop (xrf2);
	[tilespmem:v9+s7+$0x0] =	vst.idx.add.f32.msk vm0, v59  }
0x2cb: {  	v29 =	vperm.xlane v21, v1;
	v62 =	vsub.f32 $0.0e+00, v59;
	v36, _, _ =	vpop (xrf2);
	v61 =	vld [tilespmem:s19+$0xFFFFFFE0]  }
0x2cc: {  	v37, _, _ =	vpop (xrf2);
	v15 =	vld.idx.msk [tilespmem:v15+s28+$0x0], $0xffff  }
0x2cd: {  	vm15 =	vcmask $0x3F3C;
	v30 =	vsub.f32 $0.0e+00, v37;
	[tilespmem:v26+s7+$0x0] =	vst.idx.add.f32.msk vm1, v62;
	vm1 =	vne.s32 v21, v29  }
0x2ce: {  	[tilespmem:v19+s7+$0x0] =	vst.idx.add.f32.msk vm14, v37;
	vm15 =	vmor vm1, vm15  }
0x2cf: {  	[tilespmem:v18+s7+$0x0] =	vst.idx.add.f32.msk vm13, v30;
	vm12 =	vmand vm1, vm7  }
0x2d0: {  	v31 =	vld [tilespmem:s20+$0x0]  }
0x2d1: {  	v32 =	vld.idx.msk [tilespmem:v22+s26+$0x0], $0xffff  }
0x2d2: {  	v30 =	vld.idx.msk [tilespmem:v20+s26+$0x0], $0xffff;
	v16 =	vmul.f32 v23, v16  }
0x2d3: {  	v39 =	vsub.f32 $0.0e+00, v27;
	v38 =	vld [tilespmem:s20+$0xFFFFFFF0]  }
0x2d4: {  	(xrf2) =	vadd.scan.msk.f32 $0xffff, v16;
	[tilespmem:v21+s7+$0x0] =	vst.idx.add.f32.msk vm15, v27  }
0x2d5: {  	[tilespmem:v29+s7+$0x0] =	vst.idx.add.f32.msk vm12, v39  }
0x2d6: {  	v15 =	vmul.f32 v61, v15;
	v41 =	vld [tilespmem:s20+$0xFFFFFFE0]  }
0x2d7: {  	v40 =	vmul.f32 v31, v32;
	v42 =	vld.idx.msk [tilespmem:v13+s26+$0x0], $0xffff  }
0x2d8: {  	(xrf2) =	vadd.scan.msk.f32 $0xffff, v15  }
0x2d9: {  	(xrf2) =	vadd.scan.msk.f32 $0xffff, v40;
	v45 =	vld [tilespmem:$0x1FF50]  }
0x2da: {  	v23 =	vmul.f32 v38, v30;
	_ =	sdelay $0x1  }
0x2db: {  	(xrf2) =	vadd.scan.msk.f32 $0xffff, v23;
	v15 =	vmul.f32 v41, v42;
	_ =	sdelay $0x1  }
0x2dc: {  	v43 =	vimm.s32 $0x0;
	vm1 =	vmmov vm0;
	vm0 =	vnez.u8 v45;
	v47, _, _ =	vpop (xrf2);
	(xrf2) =	vadd.scan.msk.f32 $0xffff, v15  }
0x2dd: {  	v46 =	vimm.s32 $0x0;
	v23 =	vsel vm1, $0xFFFFFFFF, v43;
	vm0 =	vmmov vm0  }
0x2de: {  	[tilespmem:$0x1FF60] =	vst v23;
	v23 =	vsel vm0, $0xFFFFFFFF, v46  }
0x2df: {  	v44 =	vsub.f32 $0.0e+00, v60;
	vm14 =	vmmov vm14;
	[tilespmem:$0x1FF70] =	vst v23  }
0x2e0: {  	v48, _, _ =	vpop (xrf2);
	[tilespmem:v10+s8+$0x0] =	vst.idx.add.f32.msk vm11, v60  }
0x2e1: {  	vm13 =	vmmov vm13;
	v49, _, _ =	vpop (xrf2);
	[tilespmem:v12+s8+$0x0] =	vst.idx.add.f32.msk vm2, v44  }
0x2e2: {  	vm15 =	vmmov vm15;
	[tilespmem:v9+s8+$0x0] =	vst.idx.add.f32.msk vm1, v49  }
0x2e3: {  	vm12 =	vmmov vm12;
	v16 =	vld [tilespmem:s20+$0x10]  }
0x2e4: {  	v50 =	vsub.f32 $0.0e+00, v49;
	v51, _, _ =	vpop (xrf2);
	v14 =	vld.idx.msk [tilespmem:v14+s28+$0x0], $0xffff  }
0x2e5: {  	[tilespmem:v19+s8+$0x0] =	vst.idx.add.f32.msk vm14, v51;
	v23 =	vsub.f32 $0.0e+00, v51  }
0x2e6: {  	[tilespmem:v26+s8+$0x0] =	vst.idx.add.f32.msk vm0, v50;
	v54, _, _ =	vpop (xrf2)  }
0x2e7: {  	[tilespmem:v18+s8+$0x0] =	vst.idx.add.f32.msk vm13, v23;
	v23 =	vsub.f32 $0.0e+00, v54  }
0x2e8: {  	[tilespmem:v21+s8+$0x0] =	vst.idx.add.f32.msk vm15, v54  }
0x2e9: {  	[tilespmem:v29+s8+$0x0] =	vst.idx.add.f32.msk vm12, v23  }
0x2ea: {  	v59 =	vld [tilespmem:$0x1FFA0];
	_ =	sdelay $0x4  }
0x2eb: {  	v52 =	vld.idx.msk [tilespmem:v22+s28+$0x0], $0xffff;
	v14 =	vmul.f32 v16, v14;
	vm0 =	vnez.u8 v59  }
0x2ec: {  	v25 =	vld [tilespmem:s20+$0x0]  }
0x2ed: {  	v53 =	vld.idx.msk [tilespmem:v20+s28+$0x0], $0xffff;
	(xrf2) =	vadd.scan.msk.f32 $0xffff, v14  }
0x2ee: {  	v55 =	vld [tilespmem:s20+$0xFFFFFFF0]  }
0x2ef: {  	v56 =	vld [tilespmem:s20+$0xFFFFFFE0]  }
0x2f0: {  	[tilespmem:v5+s14+$0x0] =	vst.idx.add.f32.msk vm3, v36  }
0x2f1: {  	[tilespmem:v3+s14+$0x0] =	vst.idx.add.f32.msk vm0, v63;
	v3 =	vsub.f32 $0.0e+00, v36  }
0x2f2: {  	v60 =	vsub.f32 $0.0e+00, v63;
	[tilespmem:v8+s14+$0x0] =	vst.idx.add.f32.msk vm9, v47  }
0x2f3: {  	[tilespmem:v7+s14+$0x0] =	vst.idx.add.f32.msk vm5, v3;
	v3 =	vsub.f32 $0.0e+00, v47  }
0x2f4: {  	[tilespmem:v2+s14+$0x0] =	vst.idx.add.f32.msk vm8, v60;
	v2 =	vsub.f32 $0.0e+00, v48  }
0x2f5: {  	[tilespmem:v4+s14+$0x0] =	vst.idx.add.f32.msk vm6, v48  }
0x2f6: {  	[tilespmem:v6+s14+$0x0] =	vst.idx.add.f32.msk vm4, v2  }
0x2f7: {  	v22 =	vmul.f32 v25, v52;
	[tilespmem:v11+s14+$0x0] =	vst.idx.add.f32.msk vm10, v3;
	v3, _, _ =	vpop (xrf2)  }
0x2f8: {  	[tilespmem:v10+s14+$0x0] =	vst.idx.add.f32.msk vm11, v3  }
0x2f9: {  	(xrf2) =	vadd.scan.msk.f32 $0xffff, v22;
	v5 =	vld [tilespmem:$0x1FF60]  }
0x2fa: {  	v57 =	vld.idx.msk [tilespmem:v13+s28+$0x0], $0xffff;
	_ =	sdelay $0x2  }
0x2fb: {  	vm0 =	vmmov vm11  }
0x2fc: {  	v58 =	vmul.f32 v55, v53;
	vm0 =	vnez.u8 v5  }
0x2fd: {  	v13 =	vmul.f32 v56, v57  }
0x2fe: {  	(xrf2) =	vadd.scan.msk.f32 $0xffff, v58  }
0x2ff: {  	(xrf2) =	vadd.scan.msk.f32 $0xffff, v13;
	_ =	sdelay $0x1  }
0x300: {  	v2, _, _ =	vpop (xrf2)  }
0x301: {  	[tilespmem:v9+s14+$0x0] =	vst.idx.add.f32.msk vm0, v2  }
0x302: {  	v62 =	vld [tilespmem:$0x1FF70];
	_ =	sdelay $0x4  }
0x303: {  	s18 =	sadd.s32 $0x1, s18;
	v61 =	vsub.f32 $0.0e+00, v2;
	v2, _, _ =	vpop (xrf2);
	vm11 =	vnez.u8 v62  }
0x304: {  	p0 =	sne.s32 s18, $0xD;
	v63 =	vsub.f32 $0.0e+00, v2;
	[tilespmem:v19+s14+$0x0] =	vst.idx.add.f32.msk vm14, v2;
	v2 =	vsub.f32 $0.0e+00, v3;
	v3, _, _ =	vpop (xrf2)  }
.Ltmp4:
0x305: {  	[tilespmem:v21+s14+$0x0] =	vst.idx.add.f32.msk vm15, v3;
	(pc) =	sbr.rel @p0 .LBB2_4-.Ltmp4, $4  }
0x306: {  	[tilespmem:v12+s14+$0x0] =	vst.idx.add.f32.msk vm2, v2;
	v2 =	vsub.f32 $0.0e+00, v3  }
0x307: {  	[tilespmem:v18+s14+$0x0] =	vst.idx.add.f32.msk vm13, v63  }
0x308: {  	[tilespmem:v29+s14+$0x0] =	vst.idx.add.f32.msk vm12, v2  }
0x309: {  	vm6 =	vmmov vm7;
	vm10 =	vmmov vm2;
	vm15 =	vcmask $0x3F3C;
	[tilespmem:v26+s14+$0x0] =	vst.idx.add.f32.msk vm11, v61  }
0x30a: {  	_ =	swait.ge [sflag:s6], $0x800  }
0x30b: {  	[sflag:s6] =	ssyncset.done $0x0  }
0x30c: {  	[sflag:s6] =	ssyncadd.s32 $0xFFFFF800  }
0x30d: {  	_ =	swait.ge [sflag:s6], $0x800  }
0x30e: {  	[sflag:s6] =	ssyncset.done $0x0  }
0x30f: {  	[sflag:s6] =	ssyncadd.s32 $0xFFFFF800  }
0x310: {  	_ =	swait.ge [sflag:s6], $0x800  }
0x311: {  	[sflag:s6] =	ssyncset.done $0x0  }
0x312: {  	s17 =	simm.s32 $0x19820;
	[sflag:s6] =	ssyncadd.s32 $0xFFFFF800  }
0x313: {  	v12 =	vld [tilespmem:s17+$0x10];
	_ =	sdelay $0x5  }
0x314: {  	s18 =	simm.s32 $0x1B020  }
0x315: {  	v2 =	vld [tilespmem:s18+$0x10]  }
0x316: {  	v4 =	vld.idx.msk [tilespmem:v12+s5+$0x0], $0xffff;
	_ =	sdelay $0x3  }
0x317: {  	s19 =	simm.s32 $0x18020  }
0x318: {  	v3 =	vld [tilespmem:s19+$0x10];
	v2 =	vmul.f32 v2, v4;
	_ =	sdelay $0x1  }
0x319: {  	(xrf2) =	vadd.scan.msk.f32 $0xffff, v2;
	_ =	sdelay $0x1  }
0x31a: {  	v17 =	vld [tilespmem:s17+$0x0]  }
0x31b: {  	v2 =	vperm.xlane v3, v1;
	_ =	sdelay $0x1  }
0x31c: {  	vm0 =	vne.s32 v3, v2  }
0x31d: {  	vm4 =	vmor vm0, vm15  }
0x31e: {  	vm0 =	vmand vm0, vm6;
	_ =	sdelay $0x1  }
0x31f: {  	v15 =	vld [tilespmem:s17+$0xFFFFFFE0]  }
0x320: {  	v7 =	vld.idx.msk [tilespmem:v17+s5+$0x0], $0xffff;
	v5, _, _ =	vpop (xrf2)  }
0x321: {  	v4 =	vld [tilespmem:s18+$0x0];
	v6 =	vsub.f32 $0.0e+00, v5  }
0x322: {  	[tilespmem:v3+s7+$0x0] =	vst.idx.add.f32.msk vm4, v5  }
0x323: {  	[tilespmem:v2+s7+$0x0] =	vst.idx.add.f32.msk vm0, v6  }
0x324: {  	v5 =	vld.idx.msk [tilespmem:v12+s26+$0x0], $0xffff  }
0x325: {  	v8 =	vld [tilespmem:s18+$0x10]  }
0x326: {  	v16 =	vld [tilespmem:s17+$0xFFFFFFF0];
	_ =	sdelay $0x1  }
0x327: {  	v10 =	vld [tilespmem:s18+$0xFFFFFFE0]  }
0x328: {  	v9 =	vld.idx.msk [tilespmem:v15+s5+$0x0], $0xffff;
	v4 =	vmul.f32 v4, v7  }
0x329: {  	s25 =	simm.s32 $0x19860;
	v6 =	vld [tilespmem:s19+$0x0];
	v5 =	vmul.f32 v8, v5  }
0x32a: {  	s20 =	simm.s32 $0x1B060;
	v14 =	vld [tilespmem:s25+$0x10];
	(xrf2) =	vadd.scan.msk.f32 $0xffff, v4  }
0x32b: {  	v18 =	vld [tilespmem:s20+$0x10];
	(xrf2) =	vadd.scan.msk.f32 $0xffff, v5  }
0x32c: {  	v22 =	vld [tilespmem:s25+$0x0]  }
0x32d: {  	v5 =	vmul.f32 v10, v9;
	v9 =	vld.idx.msk [tilespmem:v16+s5+$0x0], $0xffff  }
0x32e: {  	v7 =	vperm.xlane v6, v1;
	v10 =	vld [tilespmem:s18+$0xFFFFFFF0]  }
0x32f: {  	v13 =	vld [tilespmem:s25+$0xFFFFFFE0]  }
0x330: {  	v20 =	vld [tilespmem:s25+$0xFFFFFFF0];
	vm7 =	vmmov vm0;
	vm0 =	vne.s32 v6, v7  }
0x331: {  	v4 =	vld [tilespmem:s19+$0xFFFFFFE0];
	vm3 =	vmor vm0, vm15  }
0x332: {  	v24 =	vld [tilespmem:s20+$0x0]  }
0x333: {  	v8 =	vld [tilespmem:s19+$0xFFFFFFF0];
	vm5 =	vmand vm0, vm6;
	v9 =	vmul.f32 v10, v9  }
0x334: {  	v32 =	vld [tilespmem:s20+$0xFFFFFFE0];
	v19, _, _ =	vpop (xrf2);
	(xrf2) =	vadd.scan.msk.f32 $0xffff, v5  }
0x335: {  	v23 =	vld.idx.msk [tilespmem:v14+s5+$0x0], $0xffff;
	v11, _, _ =	vpop (xrf2);
	(xrf2) =	vadd.scan.msk.f32 $0xffff, v9  }
0x336: {  	v29 =	vld.idx.msk [tilespmem:v22+s5+$0x0], $0xffff;
	v5 =	vperm.xlane v4, v1  }
0x337: {  	[tilespmem:v6+s7+$0x0] =	vst.idx.add.f32.msk vm3, v19;
	v19 =	vsub.f32 $0.0e+00, v19  }
0x338: {  	vm2 =	vne.s32 v4, v5;
	[tilespmem:v3+s8+$0x0] =	vst.idx.add.f32.msk vm4, v11;
	v10 =	vsub.f32 $0.0e+00, v11;
	v11 =	vperm.xlane v8, v1  }
0x339: {  	vm9 =	vmor vm2, vm15;
	[tilespmem:v7+s7+$0x0] =	vst.idx.add.f32.msk vm5, v19  }
0x33a: {  	v19 =	vld [tilespmem:s18+$0x0];
	vm1 =	vne.s32 v8, v11  }
0x33b: {  	s21 =	simm.s32 $0x18060;
	[tilespmem:v2+s8+$0x0] =	vst.idx.add.f32.msk vm7, v10;
	vm0 =	vmor vm1, vm15  }
0x33c: {  	v18 =	vmul.f32 v18, v23;
	v10 =	vld [tilespmem:s21+$0x10];
	vm1 =	vmand vm1, vm6  }
0x33d: {  	v25 =	vld.idx.msk [tilespmem:v17+s26+$0x0], $0xffff  }
0x33e: {  	v31 =	vld.idx.msk [tilespmem:v13+s5+$0x0], $0xffff;
	vm12 =	vmand vm2, vm6;
	(xrf2) =	vadd.scan.msk.f32 $0xffff, v18;
	v21, _, _ =	vpop (xrf2)  }
0x33f: {  	[tilespmem:v4+s7+$0x0] =	vst.idx.add.f32.msk vm9, v21;
	v23, _, _ =	vpop (xrf2)  }
0x340: {  	v27 =	vld.idx.msk [tilespmem:v12+s28+$0x0], $0xffff;
	v18 =	vsub.f32 $0.0e+00, v23  }
0x341: {  	v12 =	vperm.xlane v10, v1;
	[tilespmem:v8+s7+$0x0] =	vst.idx.add.f32.msk vm0, v23  }
0x342: {  	v21 =	vsub.f32 $0.0e+00, v21;
	[tilespmem:v11+s7+$0x0] =	vst.idx.add.f32.msk vm1, v18;
	v18 =	vmul.f32 v19, v25  }
0x343: {  	v26 =	vld [tilespmem:s18+$0x10];
	vm2 =	vne.s32 v10, v12  }
0x344: {  	[tilespmem:v5+s7+$0x0] =	vst.idx.add.f32.msk vm12, v21;
	vm11 =	vmor vm2, vm15;
	vm2 =	vmand vm2, vm6;
	(xrf2) =	vadd.scan.msk.f32 $0xffff, v18  }
0x345: {  	v21 =	vld [tilespmem:s18+$0xFFFFFFE0];
	vm2 =	vmmov vm2  }
0x346: {  	v28 =	vld.idx.msk [tilespmem:v16+s26+$0x0], $0xffff  }
0x347: {  	v19 =	vld [tilespmem:s18+$0xFFFFFFF0]  }
0x348: {  	v30 =	vld.idx.msk [tilespmem:v15+s26+$0x0], $0xffff;
	v23, _, _ =	vpop (xrf2)  }
0x349: {  	v25 =	vsub.f32 $0.0e+00, v23;
	v18 =	vld [tilespmem:s21+$0xFFFFFFF0]  }
0x34a: {  	vm3 =	vmmov vm3;
	vm4 =	vmmov vm4;
	[tilespmem:v10+s7+$0x0] =	vst.idx.add.f32.msk vm11, v23;
	v23 =	vimm.s32 $0x0  }
0x34b: {  	[tilespmem:v12+s7+$0x0] =	vst.idx.add.f32.msk vm2, v25;
	v23 =	vsel vm4, $0xFFFFFFFF, v23  }
0x34c: {  	v9 =	vld [tilespmem:s21+$0x0];
	v25 =	vmul.f32 v26, v27;
	[tilespmem:$0x1FF40] =	vst v23;
	v26 =	vmul.f32 v19, v28  }
0x34d: {  	v23 =	vld.idx.msk [tilespmem:v14+s26+$0x0], $0xffff  }
0x34e: {  	v29 =	vmul.f32 v24, v29;
	vm8 =	vmmov vm7;
	vm9 =	vmmov vm9;
	v28 =	vld [tilespmem:s20+$0x10];
	v33, _, _ =	vpop (xrf2);
	(xrf2) =	vadd.scan.msk.f32 $0xffff, v26  }
0x34f: {  	vm7 =	vmmov vm12;
	v21 =	vmul.f32 v21, v30;
	v19 =	vperm.xlane v18, v1;
	v26 =	vld.idx.msk [tilespmem:v20+s5+$0x0], $0xffff  }
0x350: {  	vm6 =	vmmov vm5;
	vm5 =	vmmov vm1;
	vm4 =	vmmov vm0;
	[tilespmem:v6+s8+$0x0] =	vst.idx.add.f32.msk vm3, v33  }
0x351: {  	s22 =	simm.s32 $0x198A0;
	s17 =	simm.s32 $0x40;
	s19 =	simm.s32 $0x1B060;
	v27 =	vmul.f32 v32, v31;
	vm12 =	vne.s32 v18, v19;
	(xrf2) =	vadd.scan.msk.f32 $0xffff, v21;
	v21 =	vld [tilespmem:s21+$0xFFFFFFE0];
	v30 =	vsub.f32 $0.0e+00, v33  }
.LBB2_12:
0x352: {  	_ =	sdelay $0x2  }
0x353: {  	v24 =	vld [tilespmem:s22+$0x10];
	(xrf2) =	vadd.scan.msk.f32 $0xffff, v29  }
0x354: {  	s20 =	sadd.s32 $0x40, s20;
	v32 =	vperm.xlane v9, v1;
	[tilespmem:v7+s8+$0x0] =	vst.idx.add.f32.msk vm6, v30  }
0x355: {  	v29 =	vld [tilespmem:s20+$0x10];
	v28 =	vmul.f32 v28, v23;
	v23 =	vperm.xlane v21, v1  }
0x356: {  	v30 =	vld [tilespmem:s19+$0xFFFFFFF0];
	v31, _, _ =	vpop (xrf2)  }
0x357: {  	vm1 =	vcmask $0x3F3C;
	vm0 =	vne.s32 v9, v32;
	vm14 =	vne.s32 v21, v23;
	[tilespmem:v8+s8+$0x0] =	vst.idx.add.f32.msk vm4, v31  }
0x358: {  	vm13 =	vmor vm14, vm15;
	vm15 =	vmor vm0, vm1;
	(xrf2) =	vadd.scan.msk.f32 $0xffff, v28;
	v33 =	vsub.f32 $0.0e+00, v31;
	v31 =	vld.idx.msk [tilespmem:v17+s28+$0x0], $0xffff  }
0x359: {  	v17 =	vmov v22;
	v22 =	vld [tilespmem:s18+$0x0];
	v28, _, _ =	vpop (xrf2)  }
0x35a: {  	[tilespmem:v4+s8+$0x0] =	vst.idx.add.f32.msk vm9, v28  }
0x35b: {  	[tilespmem:v11+s8+$0x0] =	vst.idx.add.f32.msk vm5, v33  }
0x35c: {  	(xrf2) =	vadd.scan.msk.f32 $0xffff, v27;
	v27 =	vld.idx.msk [tilespmem:v16+s28+$0x0], $0xffff  }
0x35d: {  	(xrf2) =	vadd.scan.msk.f32 $0xffff, v25;
	v25, _, _ =	vpop (xrf2);
	v16 =	vmov v20;
	v20 =	vsub.f32 $0.0e+00, v28;
	v28 =	vld [tilespmem:s18+$0xFFFFFFF0]  }
0x35e: {  	[tilespmem:v9+s7+$0x0] =	vst.idx.add.f32.msk vm15, v25;
	v31 =	vmul.f32 v22, v31  }
0x35f: {  	[tilespmem:v5+s8+$0x0] =	vst.idx.add.f32.msk vm7, v20  }
0x360: {  	v26 =	vmul.f32 v30, v26;
	(xrf2) =	vadd.scan.msk.f32 $0xffff, v31;
	v31 =	vld [tilespmem:$0x1FF40]  }
0x361: {  	v22 =	vld [tilespmem:s18+$0xFFFFFFE0]  }
0x362: {  	v20, _, _ =	vpop (xrf2);
	(xrf2) =	vadd.scan.msk.f32 $0xffff, v26;
	v26 =	vld [tilespmem:$0x1FFF0]  }
0x363: {  	v30 =	vld.idx.msk [tilespmem:v15+s28+$0x0], $0xffff  }
0x364: {  	[tilespmem:v10+s8+$0x0] =	vst.idx.add.f32.msk vm11, v20;
	v20 =	vsub.f32 $0.0e+00, v20  }
0x365: {  	v15 =	vmov v13;
	v13 =	vld [tilespmem:s22+$0xFFFFFFE0];
	vm1 =	vnez.u8 v31  }
0x366: {  	s21 =	sadd.s32 $0x40, s21;
	[tilespmem:v12+s8+$0x0] =	vst.idx.add.f32.msk vm2, v20  }
0x367: {  	vm10 =	vmmov vm8;
	v20 =	vmul.f32 v28, v27;
	v28 =	vld [tilespmem:s21+$0x0];
	vm8 =	vnez.u8 v26  }
0x368: {  	v27 =	vld.idx.msk [tilespmem:v24+s5+$0x0], $0xffff;
	v26, _, _ =	vpop (xrf2);
	vm0 =	vmand vm0, vm8  }
0x369: {  	[tilespmem:v21+s7+$0x0] =	vst.idx.add.f32.msk vm13, v26  }
0x36a: {  	v22 =	vmul.f32 v22, v30;
	v30, _, _ =	vpop (xrf2);
	(xrf2) =	vadd.scan.msk.f32 $0xffff, v20;
	v20 =	vld [tilespmem:s22+$0xFFFFFFF0]  }
0x36b: {  	[tilespmem:v3+s14+$0x0] =	vst.idx.add.f32.msk vm1, v30;
	v3 =	vmov v10;
	vm1 =	vmmov vm11;
	v10 =	vimm.s32 $0x0  }
0x36c: {  	v59 =	vsub.f32 $0.0e+00, v25;
	v10 =	vsel vm1, $0xFFFFFFFF, v10;
	v63 =	vld.idx.msk [tilespmem:v14+s28+$0x0], $0xffff  }
0x36d: {  	[tilespmem:$0x1FF40] =	vst v10;
	v10 =	vld [tilespmem:s21+$0x10]  }
0x36e: {  	v25, _, _ =	vpop (xrf2);
	vm1 =	vcmask $0x3F3C;
	[tilespmem:v32+s7+$0x0] =	vst.idx.add.f32.msk vm0, v59  }
0x36f: {  	(xrf2) =	vadd.scan.msk.f32 $0xffff, v22;
	v27 =	vmul.f32 v29, v27;
	v22 =	vsub.f32 $0.0e+00, v25;
	vm1 =	vmor vm12, vm1;
	v29 =	vld [tilespmem:s20+$0x0]  }
0x370: {  	[tilespmem:v6+s14+$0x0] =	vst.idx.add.f32.msk vm3, v25  }
0x371: {  	s18 =	smov.u32 s19;
	[tilespmem:v7+s14+$0x0] =	vst.idx.add.f32.msk vm6, v22  }
0x372: {  	v31, _, _ =	vpop (xrf2);
	(xrf2) =	vadd.scan.msk.f32 $0xffff, v27;
	v27 =	vld [tilespmem:s18+$0x0]  }
0x373: {  	v6 =	vmov v9;
	v9 =	vmov v28;
	v28 =	vld.idx.msk [tilespmem:v17+s26+$0x0], $0xffff  }
0x374: {  	v22 =	vld [tilespmem:s22+$0x0]  }
0x375: {  	vm12 =	vmand vm12, vm8;
	v60, _, _ =	vpop (xrf2);
	[tilespmem:v18+s7+$0x0] =	vst.idx.add.f32.msk vm1, v31  }
0x376: {  	v34 =	vsub.f32 $0.0e+00, v30;
	[tilespmem:v8+s14+$0x0] =	vst.idx.add.f32.msk vm4, v60  }
0x377: {  	v61 =	vsub.f32 $0.0e+00, v60;
	v8 =	vmov v18;
	v18 =	vsub.f32 $0.0e+00, v31;
	v31 =	vld [tilespmem:s18+$0x10]  }
0x378: {  	v25 =	vperm.xlane v10, v1;
	[tilespmem:v2+s14+$0x0] =	vst.idx.add.f32.msk vm10, v34  }
0x379: {  	vm3 =	vmmov vm15;
	vm15 =	vcmask $0x3F3C;
	v62, _, _ =	vpop (xrf2);
	[tilespmem:v11+s14+$0x0] =	vst.idx.add.f32.msk vm5, v61  }
0x37a: {  	v14 =	vmovc v24;
	vm6 =	vmmov vm0;
	vm0 =	vne.s32 v10, v25;
	v24 =	vsub.f32 $0.0e+00, v62;
	[tilespmem:v4+s14+$0x0] =	vst.idx.add.f32.msk vm9, v62  }
0x37b: {  	vm11 =	vmor vm0, vm15;
	[tilespmem:v19+s7+$0x0] =	vst.idx.add.f32.msk vm12, v18  }
0x37c: {  	vm14 =	vmand vm14, vm8;
	[tilespmem:v5+s14+$0x0] =	vst.idx.add.f32.msk vm7, v24  }
0x37d: {  	vm0 =	vmand vm0, vm8;
	v11 =	vmovc v19;
	v18 =	vmul.f32 v27, v28;
	v5 =	vmov v23;
	v19 =	vld.idx.msk [tilespmem:v16+s26+$0x0], $0xffff  }
0x37e: {  	v2 =	vmov v12;
	v12 =	vmov v25;
	v23 =	vld [tilespmem:s18+$0xFFFFFFF0]  }
0x37f: {  	v30, _, _ =	vpop (xrf2);
	(xrf2) =	vadd.scan.msk.f32 $0xffff, v18;
	v18 =	vld [tilespmem:s21+$0xFFFFFFF0]  }
0x380: {  	v26 =	vsub.f32 $0.0e+00, v26;
	v24 =	vld.idx.msk [tilespmem:v22+s5+$0x0], $0xffff  }
0x381: {  	v4 =	vmov v21;
	v21 =	vsub.f32 $0.0e+00, v30;
	[tilespmem:v10+s7+$0x0] =	vst.idx.add.f32.msk vm11, v30  }
0x382: {  	[tilespmem:v5+s7+$0x0] =	vst.idx.add.f32.msk vm14, v26  }
0x383: {  	[tilespmem:v12+s7+$0x0] =	vst.idx.add.f32.msk vm0, v21  }
0x384: {  	v26 =	vld [tilespmem:s18+$0xFFFFFFE0]  }
0x385: {  	v27 =	vld.idx.msk [tilespmem:v15+s26+$0x0], $0xffff  }
0x386: {  	s17 =	sadd.s32 $0x40, s17;
	v25 =	vmul.f32 v31, v63;
	v31 =	vld.idx.msk [tilespmem:v13+s5+$0x0], $0xffff  }
0x387: {  	p0 =	slt.u32 s17, $0x7C0;
	v7 =	vmov v32;
	v23 =	vmul.f32 v23, v19;
	v32 =	vld [tilespmem:s20+$0xFFFFFFE0]  }
.Ltmp5:
0x388: {  	v28 =	vld [tilespmem:s20+$0x10];
	(pc) =	sbr.rel @p0 .LBB2_12-.Ltmp5, $4  }
0x389: {  	vm4 =	vmmov vm1;
	vm5 =	vmmov vm12;
	v19 =	vperm.xlane v18, v1;
	(xrf2) =	vadd.scan.msk.f32 $0xffff, v23;
	v23 =	vld.idx.msk [tilespmem:v14+s26+$0x0], $0xffff  }
0x38a: {  	vm8 =	vmmov vm2;
	v29 =	vmul.f32 v29, v24;
	v21 =	vmul.f32 v26, v27;
	v24, _, _ =	vpop (xrf2);
	v26 =	vld.idx.msk [tilespmem:v20+s5+$0x0], $0xffff  }
0x38b: {  	vm9 =	vmmov vm13;
	vm2 =	vmmov vm0;
	vm7 =	vmmov vm14;
	[tilespmem:v6+s8+$0x0] =	vst.idx.add.f32.msk vm3, v24  }
0x38c: {  	s19 =	smov.u32 s20;
	s22 =	sadd.s32 $0x40, s22;
	vm12 =	vne.s32 v18, v19;
	v27 =	vmul.f32 v32, v31;
	v30 =	vsub.f32 $0.0e+00, v24;
	(xrf2) =	vadd.scan.msk.f32 $0xffff, v21;
	v21 =	vld [tilespmem:s21+$0xFFFFFFE0]  }
0x38d: {  	_ =	sdelay $0x4  }
0x38e: {  	[tilespmem:v7+s8+$0x0] =	vst.idx.add.f32.msk vm6, v30  }
0x38f: {  	v17 =	vld.idx.msk [tilespmem:v17+s28+$0x0], $0xffff  }
0x390: {  	v24 =	vld [tilespmem:s18+$0x0];
	_ =	sdelay $0x1  }
0x391: {  	v23 =	vmul.f32 v28, v23;
	_ =	sdelay $0x1  }
0x392: {  	(xrf2) =	vadd.scan.msk.f32 $0xffff, v29  }
0x393: {  	(xrf2) =	vadd.scan.msk.f32 $0xffff, v23;
	v17 =	vmul.f32 v24, v17  }
0x394: {  	(xrf2) =	vadd.scan.msk.f32 $0xffff, v27;
	v23, _, _ =	vpop (xrf2)  }
0x395: {  	v30 =	vld [tilespmem:s19+$0xFFFFFFF0];
	(xrf2) =	vadd.scan.msk.f32 $0xffff, v25;
	v25 =	vsub.f32 $0.0e+00, v23  }
0x396: {  	[tilespmem:v8+s8+$0x0] =	vst.idx.add.f32.msk vm4, v23  }
0x397: {  	(xrf2) =	vadd.scan.msk.f32 $0xffff, v17;
	[tilespmem:v11+s8+$0x0] =	vst.idx.add.f32.msk vm5, v25;
	v17, _, _ =	vpop (xrf2)  }
0x398: {  	[tilespmem:v4+s8+$0x0] =	vst.idx.add.f32.msk vm9, v17  }
0x399: {  	v23 =	vld [tilespmem:$0x1FFF0];
	_ =	sdelay $0x1  }
0x39a: {  	v24 =	vmul.f32 v30, v26;
	v26 =	vperm.xlane v9, v1;
	_ =	sdelay $0x1  }
0x39b: {  	vm1 =	vne.s32 v9, v26  }
0x39c: {  	(xrf2) =	vadd.scan.msk.f32 $0xffff, v24;
	vm0 =	vmor vm1, vm15;
	vm10 =	vnez.u8 v23  }
0x39d: {  	v23 =	vimm.s32 $0x0;
	vm1 =	vmand vm1, vm10  }
0x39e: {  	v17 =	vsub.f32 $0.0e+00, v17;
	v23 =	vsel vm1, $0xFFFFFFFF, v23  }
0x39f: {  	v16 =	vld.idx.msk [tilespmem:v16+s28+$0x0], $0xffff;
	[tilespmem:$0x1FF10] =	vst v23  }
0x3a0: {  	v24, _, _ =	vpop (xrf2);
	v23 =	vld [tilespmem:s18+$0xFFFFFFF0]  }
0x3a1: {  	vm14 =	vmor vm12, vm15;
	v28 =	vsub.f32 $0.0e+00, v24;
	[tilespmem:v5+s8+$0x0] =	vst.idx.add.f32.msk vm7, v17  }
0x3a2: {  	v17, _, _ =	vpop (xrf2);
	[tilespmem:v9+s7+$0x0] =	vst.idx.add.f32.msk vm0, v24  }
0x3a3: {  	vm13 =	vmand vm12, vm10;
	v25 =	vld [tilespmem:s18+$0xFFFFFFE0];
	v27, _, _ =	vpop (xrf2)  }
0x3a4: {  	v15 =	vld.idx.msk [tilespmem:v15+s28+$0x0], $0xffff;
	v24, _, _ =	vpop (xrf2)  }
0x3a5: {  	[tilespmem:v26+s7+$0x0] =	vst.idx.add.f32.msk vm1, v28;
	v28, _, _ =	vpop (xrf2)  }
0x3a6: {  	v30, _, _ =	vpop (xrf2);
	v31 =	vld [tilespmem:s19+$0x0]  }
0x3a7: {  	v29 =	vperm.xlane v21, v1;
	[tilespmem:v18+s7+$0x0] =	vst.idx.add.f32.msk vm14, v30;
	v30 =	vsub.f32 $0.0e+00, v30  }
0x3a8: {  	v32 =	vld.idx.msk [tilespmem:v22+s26+$0x0], $0xffff  }
0x3a9: {  	vm15 =	vcmask $0x3F3C;
	vm1 =	vne.s32 v21, v29;
	[tilespmem:v19+s7+$0x0] =	vst.idx.add.f32.msk vm13, v30  }
0x3aa: {  	vm15 =	vmor vm1, vm15;
	v30 =	vld.idx.msk [tilespmem:v20+s26+$0x0], $0xffff  }
0x3ab: {  	vm12 =	vmand vm1, vm10;
	v16 =	vmul.f32 v23, v16;
	v23 =	vld [tilespmem:s19+$0xFFFFFFF0];
	_ =	sdelay $0x2  }
0x3ac: {  	v15 =	vmul.f32 v25, v15  }
0x3ad: {  	v25 =	vsub.f32 $0.0e+00, v27;
	(xrf2) =	vadd.scan.msk.f32 $0xffff, v16;
	v16 =	vmul.f32 v31, v32  }
0x3ae: {  	(xrf2) =	vadd.scan.msk.f32 $0xffff, v15;
	[tilespmem:v21+s7+$0x0] =	vst.idx.add.f32.msk vm15, v27;
	v23 =	vmul.f32 v23, v30  }
0x3af: {  	[tilespmem:v29+s7+$0x0] =	vst.idx.add.f32.msk vm12, v25;
	(xrf2) =	vadd.scan.msk.f32 $0xffff, v16  }
0x3b0: {  	(xrf2) =	vadd.scan.msk.f32 $0xffff, v23;
	v23 =	vld [tilespmem:$0x1FF10]  }
0x3b1: {  	v15 =	vld [tilespmem:s19+$0xFFFFFFE0]  }
0x3b2: {  	v16 =	vld.idx.msk [tilespmem:v13+s26+$0x0], $0xffff;
	_ =	sdelay $0x2  }
0x3b3: {  	vm10 =	vmmov vm0;
	vm0 =	vnez.u8 v23  }
0x3b4: {  	v23 =	vimm.s32 $0x0;
	vm0 =	vmmov vm0  }
0x3b5: {  	v15 =	vmul.f32 v15, v16;
	v23 =	vsel vm0, $0xFFFFFFFF, v23  }
0x3b6: {  	vm1 =	vmmov vm14;
	v16 =	vsub.f32 $0.0e+00, v17;
	[tilespmem:$0x1FF20] =	vst v23  }
0x3b7: {  	[tilespmem:v10+s8+$0x0] =	vst.idx.add.f32.msk vm11, v17  }
0x3b8: {  	v17, _, _ =	vpop (xrf2);
	[tilespmem:v12+s8+$0x0] =	vst.idx.add.f32.msk vm2, v16  }
0x3b9: {  	(xrf2) =	vadd.scan.msk.f32 $0xffff, v15;
	v15, _, _ =	vpop (xrf2);
	v16 =	vld [tilespmem:s19+$0x10]  }
0x3ba: {  	vm14 =	vmmov vm13;
	v23, _, _ =	vpop (xrf2);
	v14 =	vld.idx.msk [tilespmem:v14+s28+$0x0], $0xffff  }
0x3bb: {  	v25 =	vsub.f32 $0.0e+00, v23;
	[tilespmem:v9+s8+$0x0] =	vst.idx.add.f32.msk vm10, v23;
	v23, _, _ =	vpop (xrf2)  }
0x3bc: {  	[tilespmem:v18+s8+$0x0] =	vst.idx.add.f32.msk vm1, v23  }
0x3bd: {  	[tilespmem:v26+s8+$0x0] =	vst.idx.add.f32.msk vm0, v25  }
0x3be: {  	v23 =	vsub.f32 $0.0e+00, v23;
	v22 =	vld.idx.msk [tilespmem:v22+s28+$0x0], $0xffff  }
0x3bf: {  	v25 =	vld [tilespmem:s19+$0x0]  }
0x3c0: {  	vm13 =	vmmov vm15;
	[tilespmem:v19+s8+$0x0] =	vst.idx.add.f32.msk vm14, v23  }
0x3c1: {  	v20 =	vld.idx.msk [tilespmem:v20+s28+$0x0], $0xffff  }
0x3c2: {  	vm12 =	vmmov vm12;
	v27 =	vld [tilespmem:s19+$0xFFFFFFF0];
	_ =	sdelay $0x2  }
0x3c3: {  	v14 =	vmul.f32 v16, v14;
	v23, _, _ =	vpop (xrf2)  }
0x3c4: {  	[tilespmem:v21+s8+$0x0] =	vst.idx.add.f32.msk vm13, v23;
	v23 =	vsub.f32 $0.0e+00, v23;
	v22 =	vmul.f32 v25, v22  }
0x3c5: {  	(xrf2) =	vadd.scan.msk.f32 $0xffff, v14;
	v14 =	vmul.f32 v27, v20  }
0x3c6: {  	[tilespmem:v29+s8+$0x0] =	vst.idx.add.f32.msk vm12, v23;
	(xrf2) =	vadd.scan.msk.f32 $0xffff, v22  }
0x3c7: {  	(xrf2) =	vadd.scan.msk.f32 $0xffff, v14;
	v14 =	vld [tilespmem:$0x1FF40];
	_ =	sdelay $0x4  }
0x3c8: {  	vm0 =	vmmov vm1;
	vm1 =	vnez.u8 v14;
	_ =	sdelay $0x3  }
0x3c9: {  	v16 =	vld [tilespmem:s19+$0xFFFFFFE0]  }
0x3ca: {  	v13 =	vld.idx.msk [tilespmem:v13+s28+$0x0], $0xffff  }
0x3cb: {  	[tilespmem:v3+s14+$0x0] =	vst.idx.add.f32.msk vm1, v24;
	v3 =	vsub.f32 $0.0e+00, v28  }
0x3cc: {  	[tilespmem:v6+s14+$0x0] =	vst.idx.add.f32.msk vm3, v28  }
0x3cd: {  	[tilespmem:v7+s14+$0x0] =	vst.idx.add.f32.msk vm6, v3;
	v3 =	vsub.f32 $0.0e+00, v17  }
0x3ce: {  	[tilespmem:v8+s14+$0x0] =	vst.idx.add.f32.msk vm4, v17  }
0x3cf: {  	v6 =	vsub.f32 $0.0e+00, v24;
	[tilespmem:v11+s14+$0x0] =	vst.idx.add.f32.msk vm5, v3;
	v3 =	vsub.f32 $0.0e+00, v15  }
0x3d0: {  	[tilespmem:v4+s14+$0x0] =	vst.idx.add.f32.msk vm9, v15  }
0x3d1: {  	[tilespmem:v2+s14+$0x0] =	vst.idx.add.f32.msk vm8, v6;
	v2, _, _ =	vpop (xrf2)  }
0x3d2: {  	[tilespmem:v10+s14+$0x0] =	vst.idx.add.f32.msk vm11, v2  }
0x3d3: {  	[tilespmem:v5+s14+$0x0] =	vst.idx.add.f32.msk vm7, v3;
	v3, _, _ =	vpop (xrf2)  }
0x3d4: {  	[tilespmem:v9+s14+$0x0] =	vst.idx.add.f32.msk vm10, v3  }
0x3d5: {  	v13 =	vmul.f32 v16, v13;
	v5 =	vld [tilespmem:$0x1FF20];
	_ =	sdelay $0x1  }
0x3d6: {  	(xrf2) =	vadd.scan.msk.f32 $0xffff, v13;
	_ =	sdelay $0x1  }
0x3d7: {  	vm1 =	vmmov vm11  }
0x3d8: {  	vm1 =	vnez.u8 v5  }
0x3d9: {  	vm2 =	vmmov vm2;
	_ =	sdelay $0x2  }
0x3da: {  	v4 =	vsub.f32 $0.0e+00, v3;
	v3, _, _ =	vpop (xrf2)  }
0x3db: {  	v2 =	vsub.f32 $0.0e+00, v2;
	[tilespmem:v18+s14+$0x0] =	vst.idx.add.f32.msk vm0, v3  }
0x3dc: {  	[tilespmem:v26+s14+$0x0] =	vst.idx.add.f32.msk vm1, v4;
	v4 =	vsub.f32 $0.0e+00, v3  }
0x3dd: {  	[tilespmem:v12+s14+$0x0] =	vst.idx.add.f32.msk vm2, v2;
	v3, _, _ =	vpop (xrf2)  }
0x3de: {  	[tilespmem:v19+s14+$0x0] =	vst.idx.add.f32.msk vm14, v4;
	v4 =	vsub.f32 $0.0e+00, v3  }
0x3df: {  	[tilespmem:v21+s14+$0x0] =	vst.idx.add.f32.msk vm13, v3  }
0x3e0: {  	[tilespmem:v29+s14+$0x0] =	vst.idx.add.f32.msk vm12, v4  }
0x3e1: {  	_ =	swait.ge [sflag:s15], $0x800  }
0x3e2: {  	[sflag:s15] =	ssyncset.done $0x0  }
0x3e3: {  	[sflag:s15] =	ssyncadd.s32 $0xFFFFF800  }
0x3e4: {  	_ =	swait.ge [sflag:s15], $0x800  }
0x3e5: {  	[sflag:s15] =	ssyncset.done $0x0  }
0x3e6: {  	[sflag:s15] =	ssyncadd.s32 $0xFFFFF800  }
0x3e7: {  	_ =	swait.ge [sflag:s15], $0x800  }
0x3e8: {  	[sflag:s15] =	ssyncset.done $0x0  }
0x3e9: {  	s17 =	simm.s32 $0x1A020;
	[sflag:s15] =	ssyncadd.s32 $0xFFFFF800  }
0x3ea: {  	v12 =	vld [tilespmem:s17+$0x10];
	_ =	sdelay $0x5  }
0x3eb: {  	s18 =	simm.s32 $0x1B820  }
0x3ec: {  	v2 =	vld [tilespmem:s18+$0x10]  }
0x3ed: {  	v4 =	vld.idx.msk [tilespmem:v12+s5+$0x0], $0xffff;
	_ =	sdelay $0x3  }
0x3ee: {  	s23 =	simm.s32 $0x18820  }
0x3ef: {  	v3 =	vld [tilespmem:s23+$0x10];
	v2 =	vmul.f32 v2, v4;
	_ =	sdelay $0x1  }
0x3f0: {  	(xrf2) =	vadd.scan.msk.f32 $0xffff, v2  }
0x3f1: {  	v4 =	vld [tilespmem:$0x1FFF0]  }
0x3f2: {  	v17 =	vld [tilespmem:s17+$0x0]  }
0x3f3: {  	v2 =	vperm.xlane v3, v1;
	_ =	sdelay $0x1  }
0x3f4: {  	vm15 =	vcmask $0x3F3C;
	vm0 =	vne.s32 v3, v2  }
0x3f5: {  	vm5 =	vmor vm0, vm15;
	vm2 =	vnez.u8 v4  }
0x3f6: {  	vm0 =	vmand vm0, vm2  }
0x3f7: {  	v15 =	vld [tilespmem:s17+$0xFFFFFFE0]  }
0x3f8: {  	v16 =	vld [tilespmem:s17+$0xFFFFFFF0]  }
0x3f9: {  	v7 =	vld.idx.msk [tilespmem:v17+s5+$0x0], $0xffff;
	v5, _, _ =	vpop (xrf2)  }
0x3fa: {  	v4 =	vld [tilespmem:s18+$0x0];
	v6 =	vsub.f32 $0.0e+00, v5  }
0x3fb: {  	[tilespmem:v3+s7+$0x0] =	vst.idx.add.f32.msk vm5, v5  }
0x3fc: {  	[tilespmem:v2+s7+$0x0] =	vst.idx.add.f32.msk vm0, v6  }
0x3fd: {  	v6 =	vld.idx.msk [tilespmem:v12+s26+$0x0], $0xffff  }
0x3fe: {  	v8 =	vld [tilespmem:s18+$0x10]  }
0x3ff: {  	v10 =	vld [tilespmem:s18+$0xFFFFFFE0]  }
0x400: {  	s25 =	simm.s32 $0x1A060;
	v5 =	vld [tilespmem:s23+$0x0]  }
0x401: {  	s20 =	simm.s32 $0x1B860;
	v14 =	vld [tilespmem:s25+$0x10];
	v4 =	vmul.f32 v4, v7  }
0x402: {  	v18 =	vld [tilespmem:s20+$0x10]  }
0x403: {  	v9 =	vld.idx.msk [tilespmem:v15+s5+$0x0], $0xffff;
	(xrf2) =	vadd.scan.msk.f32 $0xffff, v4;
	v6 =	vmul.f32 v8, v6  }
0x404: {  	v13 =	vld [tilespmem:s25+$0xFFFFFFE0]  }
0x405: {  	v20 =	vld [tilespmem:s25+$0xFFFFFFF0];
	v7 =	vperm.xlane v5, v1;
	(xrf2) =	vadd.scan.msk.f32 $0xffff, v6  }
0x406: {  	v22 =	vld [tilespmem:s25+$0x0]  }
0x407: {  	v4 =	vld [tilespmem:s23+$0xFFFFFFE0];
	vm1 =	vne.s32 v5, v7  }
0x408: {  	vm3 =	vmor vm1, vm15;
	v6 =	vmul.f32 v10, v9;
	v9 =	vld.idx.msk [tilespmem:v16+s5+$0x0], $0xffff  }
0x409: {  	v10 =	vld [tilespmem:s18+$0xFFFFFFF0]  }
0x40a: {  	v24 =	vld [tilespmem:s20+$0x0];
	vm8 =	vmand vm1, vm2  }
0x40b: {  	v63 =	vld [tilespmem:s20+$0xFFFFFFE0];
	(xrf2) =	vadd.scan.msk.f32 $0xffff, v6  }
0x40c: {  	v23 =	vld.idx.msk [tilespmem:v14+s5+$0x0], $0xffff;
	vm4 =	vmmov vm0  }
0x40d: {  	v8 =	vld [tilespmem:s23+$0xFFFFFFF0];
	v19, _, _ =	vpop (xrf2);
	v6 =	vperm.xlane v4, v1  }
0x40e: {  	[tilespmem:v5+s7+$0x0] =	vst.idx.add.f32.msk vm3, v19;
	v19 =	vsub.f32 $0.0e+00, v19;
	v9 =	vmul.f32 v10, v9  }
0x40f: {  	v29 =	vld.idx.msk [tilespmem:v22+s5+$0x0], $0xffff;
	vm0 =	vne.s32 v4, v6;
	v11, _, _ =	vpop (xrf2)  }
0x410: {  	vm6 =	vmor vm0, vm15;
	[tilespmem:v7+s7+$0x0] =	vst.idx.add.f32.msk vm8, v19;
	(xrf2) =	vadd.scan.msk.f32 $0xffff, v9;
	v10 =	vsub.f32 $0.0e+00, v11  }
0x411: {  	[tilespmem:v3+s8+$0x0] =	vst.idx.add.f32.msk vm5, v11  }
0x412: {  	s21 =	simm.s32 $0x18860;
	vm0 =	vmand vm0, vm2;
	v11 =	vperm.xlane v8, v1;
	[tilespmem:v2+s8+$0x0] =	vst.idx.add.f32.msk vm4, v10  }
0x413: {  	v18 =	vmul.f32 v18, v23;
	v10 =	vld [tilespmem:s21+$0x10]  }
0x414: {  	v19 =	vld [tilespmem:s18+$0x0];
	vm1 =	vne.s32 v8, v11  }
0x415: {  	v25 =	vld.idx.msk [tilespmem:v17+s26+$0x0], $0xffff;
	(xrf2) =	vadd.scan.msk.f32 $0xffff, v18;
	v21, _, _ =	vpop (xrf2);
	vm9 =	vmor vm1, vm15  }
0x416: {  	[tilespmem:v4+s7+$0x0] =	vst.idx.add.f32.msk vm6, v21;
	v21 =	vsub.f32 $0.0e+00, v21  }
0x417: {  	vm10 =	vmand vm1, vm2;
	v26 =	vld.idx.msk [tilespmem:v12+s28+$0x0], $0xffff  }
0x418: {  	[tilespmem:v6+s7+$0x0] =	vst.idx.add.f32.msk vm0, v21;
	v12 =	vperm.xlane v10, v1  }
0x419: {  	v21 =	vld [tilespmem:s18+$0xFFFFFFE0]  }
0x41a: {  	v19 =	vmul.f32 v19, v25;
	v30 =	vld.idx.msk [tilespmem:v15+s26+$0x0], $0xffff;
	v23, _, _ =	vpop (xrf2);
	vm1 =	vne.s32 v10, v12  }
0x41b: {  	[tilespmem:v8+s7+$0x0] =	vst.idx.add.f32.msk vm9, v23;
	v18 =	vsub.f32 $0.0e+00, v23;
	vm11 =	vmor vm1, vm15  }
0x41c: {  	(xrf2) =	vadd.scan.msk.f32 $0xffff, v19;
	v23 =	vld [tilespmem:s18+$0x10];
	vm1 =	vmand vm1, vm2  }
0x41d: {  	[tilespmem:v11+s7+$0x0] =	vst.idx.add.f32.msk vm10, v18  }
0x41e: {  	v18 =	vld.idx.msk [tilespmem:v16+s26+$0x0], $0xffff  }
0x41f: {  	v25, _, _ =	vpop (xrf2);
	v27 =	vld [tilespmem:s18+$0xFFFFFFF0]  }
0x420: {  	v19 =	vld [tilespmem:s21+$0xFFFFFFF0];
	v28 =	vsub.f32 $0.0e+00, v25  }
0x421: {  	vm3 =	vmmov vm3;
	[tilespmem:v10+s7+$0x0] =	vst.idx.add.f32.msk vm11, v25  }
0x422: {  	vm2 =	vmmov vm1;
	v25 =	vimm.s32 $0x0;
	[tilespmem:v12+s7+$0x0] =	vst.idx.add.f32.msk vm1, v28;
	vm1 =	vmmov vm5  }
0x423: {  	v31 =	vld.idx.msk [tilespmem:v13+s5+$0x0], $0xffff;
	v25 =	vsel vm1, $0xFFFFFFFF, v25  }
0x424: {  	v9 =	vld [tilespmem:s21+$0x0];
	[tilespmem:$0x1FF30] =	vst v25;
	v25 =	vmul.f32 v23, v26;
	v26 =	vmul.f32 v27, v18  }
0x425: {  	v23 =	vld.idx.msk [tilespmem:v14+s26+$0x0], $0xffff  }
0x426: {  	v29 =	vmul.f32 v24, v29;
	vm6 =	vmmov vm6;
	v21 =	vmul.f32 v21, v30;
	v30, _, _ =	vpop (xrf2);
	v28 =	vld [tilespmem:s20+$0x10];
	(xrf2) =	vadd.scan.msk.f32 $0xffff, v26  }
0x427: {  	vm9 =	vmmov vm9;
	vm10 =	vmmov vm10;
	v18 =	vperm.xlane v19, v1;
	[tilespmem:v5+s8+$0x0] =	vst.idx.add.f32.msk vm3, v30  }
0x428: {  	vm5 =	vmmov vm8;
	vm8 =	vmmov vm4;
	vm4 =	vmmov vm0;
	v26 =	vld.idx.msk [tilespmem:v20+s5+$0x0], $0xffff  }
0x429: {  	s22 =	simm.s32 $0x1A0A0;
	s19 =	simm.s32 $0x1B860;
	s17 =	simm.s32 $0x40;
	v27 =	vmul.f32 v63, v31;
	v30 =	vsub.f32 $0.0e+00, v30;
	vm12 =	vne.s32 v19, v18;
	(xrf2) =	vadd.scan.msk.f32 $0xffff, v21;
	v21 =	vld [tilespmem:s21+$0xFFFFFFE0]  }
.LBB2_14:
0x42a: {  	_ =	sdelay $0x2  }
0x42b: {  	v24 =	vld [tilespmem:s22+$0x10];
	(xrf2) =	vadd.scan.msk.f32 $0xffff, v29  }
0x42c: {  	s20 =	sadd.s32 $0x40, s20;
	v32 =	vperm.xlane v9, v1;
	[tilespmem:v7+s8+$0x0] =	vst.idx.add.f32.msk vm5, v30  }
0x42d: {  	v29 =	vld [tilespmem:s20+$0x10];
	v28 =	vmul.f32 v28, v23;
	v23 =	vperm.xlane v21, v1  }
0x42e: {  	v30 =	vld [tilespmem:s19+$0xFFFFFFF0];
	v31, _, _ =	vpop (xrf2)  }
0x42f: {  	vm1 =	vcmask $0x3F3C;
	vm0 =	vne.s32 v9, v32;
	vm14 =	vne.s32 v21, v23;
	[tilespmem:v8+s8+$0x0] =	vst.idx.add.f32.msk vm9, v31  }
0x430: {  	vm13 =	vmor vm14, vm15;
	vm15 =	vmor vm0, vm1;
	(xrf2) =	vadd.scan.msk.f32 $0xffff, v28;
	v33 =	vsub.f32 $0.0e+00, v31;
	v31 =	vld.idx.msk [tilespmem:v17+s28+$0x0], $0xffff  }
0x431: {  	v17 =	vmov v22;
	v22 =	vld [tilespmem:s18+$0x0];
	v28, _, _ =	vpop (xrf2)  }
0x432: {  	[tilespmem:v4+s8+$0x0] =	vst.idx.add.f32.msk vm6, v28  }
0x433: {  	[tilespmem:v11+s8+$0x0] =	vst.idx.add.f32.msk vm10, v33  }
0x434: {  	(xrf2) =	vadd.scan.msk.f32 $0xffff, v27;
	v27 =	vld.idx.msk [tilespmem:v16+s28+$0x0], $0xffff  }
0x435: {  	(xrf2) =	vadd.scan.msk.f32 $0xffff, v25;
	v25, _, _ =	vpop (xrf2);
	v16 =	vmov v20;
	v20 =	vsub.f32 $0.0e+00, v28;
	v28 =	vld [tilespmem:s18+$0xFFFFFFF0]  }
0x436: {  	[tilespmem:v9+s7+$0x0] =	vst.idx.add.f32.msk vm15, v25;
	v31 =	vmul.f32 v22, v31  }
0x437: {  	[tilespmem:v6+s8+$0x0] =	vst.idx.add.f32.msk vm4, v20  }
0x438: {  	v26 =	vmul.f32 v30, v26;
	(xrf2) =	vadd.scan.msk.f32 $0xffff, v31;
	v31 =	vld [tilespmem:$0x1FF30]  }
0x439: {  	v22 =	vld [tilespmem:s18+$0xFFFFFFE0]  }
0x43a: {  	v20, _, _ =	vpop (xrf2);
	(xrf2) =	vadd.scan.msk.f32 $0xffff, v26;
	v26 =	vld [tilespmem:$0x1FFF0]  }
0x43b: {  	v30 =	vld.idx.msk [tilespmem:v15+s28+$0x0], $0xffff  }
0x43c: {  	[tilespmem:v10+s8+$0x0] =	vst.idx.add.f32.msk vm11, v20;
	v20 =	vsub.f32 $0.0e+00, v20  }
0x43d: {  	v15 =	vmov v13;
	v13 =	vld [tilespmem:s22+$0xFFFFFFE0];
	vm1 =	vnez.u8 v31  }
0x43e: {  	s21 =	sadd.s32 $0x40, s21;
	[tilespmem:v12+s8+$0x0] =	vst.idx.add.f32.msk vm2, v20  }
0x43f: {  	v20 =	vmul.f32 v28, v27;
	v28 =	vld [tilespmem:s21+$0x0];
	vm7 =	vnez.u8 v26  }
0x440: {  	v27 =	vld.idx.msk [tilespmem:v24+s5+$0x0], $0xffff;
	v26, _, _ =	vpop (xrf2);
	vm0 =	vmand vm0, vm7  }
0x441: {  	[tilespmem:v21+s7+$0x0] =	vst.idx.add.f32.msk vm13, v26  }
0x442: {  	v22 =	vmul.f32 v22, v30;
	v30, _, _ =	vpop (xrf2);
	(xrf2) =	vadd.scan.msk.f32 $0xffff, v20;
	v20 =	vld [tilespmem:s22+$0xFFFFFFF0]  }
0x443: {  	[tilespmem:v3+s14+$0x0] =	vst.idx.add.f32.msk vm1, v30;
	v3 =	vmov v10;
	vm1 =	vmmov vm11;
	v10 =	vimm.s32 $0x0  }
0x444: {  	v59 =	vsub.f32 $0.0e+00, v25;
	v10 =	vsel vm1, $0xFFFFFFFF, v10;
	v63 =	vld.idx.msk [tilespmem:v14+s28+$0x0], $0xffff  }
0x445: {  	[tilespmem:$0x1FF30] =	vst v10;
	v10 =	vld [tilespmem:s21+$0x10]  }
0x446: {  	v25, _, _ =	vpop (xrf2);
	vm1 =	vcmask $0x3F3C;
	[tilespmem:v32+s7+$0x0] =	vst.idx.add.f32.msk vm0, v59  }
0x447: {  	(xrf2) =	vadd.scan.msk.f32 $0xffff, v22;
	v27 =	vmul.f32 v29, v27;
	v22 =	vsub.f32 $0.0e+00, v25;
	vm1 =	vmor vm12, vm1;
	v29 =	vld [tilespmem:s20+$0x0]  }
0x448: {  	[tilespmem:v5+s14+$0x0] =	vst.idx.add.f32.msk vm3, v25  }
0x449: {  	s18 =	smov.u32 s19;
	[tilespmem:v7+s14+$0x0] =	vst.idx.add.f32.msk vm5, v22  }
0x44a: {  	v31, _, _ =	vpop (xrf2);
	(xrf2) =	vadd.scan.msk.f32 $0xffff, v27;
	v27 =	vld [tilespmem:s18+$0x0]  }
0x44b: {  	v5 =	vmov v9;
	v9 =	vmov v28;
	v28 =	vld.idx.msk [tilespmem:v17+s26+$0x0], $0xffff  }
0x44c: {  	v22 =	vld [tilespmem:s22+$0x0]  }
0x44d: {  	vm12 =	vmand vm12, vm7;
	v60, _, _ =	vpop (xrf2);
	[tilespmem:v19+s7+$0x0] =	vst.idx.add.f32.msk vm1, v31  }
0x44e: {  	v34 =	vsub.f32 $0.0e+00, v30;
	[tilespmem:v8+s14+$0x0] =	vst.idx.add.f32.msk vm9, v60  }
0x44f: {  	v61 =	vsub.f32 $0.0e+00, v60;
	v8 =	vmov v19;
	v19 =	vsub.f32 $0.0e+00, v31;
	v31 =	vld [tilespmem:s18+$0x10]  }
0x450: {  	v25 =	vperm.xlane v10, v1;
	[tilespmem:v2+s14+$0x0] =	vst.idx.add.f32.msk vm8, v34  }
0x451: {  	vm3 =	vmmov vm15;
	vm15 =	vcmask $0x3F3C;
	v62, _, _ =	vpop (xrf2);
	[tilespmem:v11+s14+$0x0] =	vst.idx.add.f32.msk vm10, v61  }
0x452: {  	v14 =	vmovc v24;
	vm5 =	vmmov vm0;
	vm0 =	vne.s32 v10, v25;
	v24 =	vsub.f32 $0.0e+00, v62;
	[tilespmem:v4+s14+$0x0] =	vst.idx.add.f32.msk vm6, v62  }
0x453: {  	vm11 =	vmor vm0, vm15;
	[tilespmem:v18+s7+$0x0] =	vst.idx.add.f32.msk vm12, v19  }
0x454: {  	vm14 =	vmand vm14, vm7;
	[tilespmem:v6+s14+$0x0] =	vst.idx.add.f32.msk vm4, v24  }
0x455: {  	vm0 =	vmand vm0, vm7;
	v11 =	vmovc v18;
	v19 =	vmul.f32 v27, v28;
	v6 =	vmov v23;
	v18 =	vld.idx.msk [tilespmem:v16+s26+$0x0], $0xffff  }
0x456: {  	v2 =	vmov v12;
	v12 =	vmov v25;
	v23 =	vld [tilespmem:s18+$0xFFFFFFF0]  }
0x457: {  	v30, _, _ =	vpop (xrf2);
	(xrf2) =	vadd.scan.msk.f32 $0xffff, v19;
	v19 =	vld [tilespmem:s21+$0xFFFFFFF0]  }
0x458: {  	v26 =	vsub.f32 $0.0e+00, v26;
	v24 =	vld.idx.msk [tilespmem:v22+s5+$0x0], $0xffff  }
0x459: {  	v4 =	vmov v21;
	v21 =	vsub.f32 $0.0e+00, v30;
	[tilespmem:v10+s7+$0x0] =	vst.idx.add.f32.msk vm11, v30  }
0x45a: {  	[tilespmem:v6+s7+$0x0] =	vst.idx.add.f32.msk vm14, v26  }
0x45b: {  	[tilespmem:v12+s7+$0x0] =	vst.idx.add.f32.msk vm0, v21  }
0x45c: {  	v26 =	vld [tilespmem:s18+$0xFFFFFFE0]  }
0x45d: {  	v27 =	vld.idx.msk [tilespmem:v15+s26+$0x0], $0xffff  }
0x45e: {  	s17 =	sadd.s32 $0x40, s17;
	v25 =	vmul.f32 v31, v63;
	v31 =	vld.idx.msk [tilespmem:v13+s5+$0x0], $0xffff  }
0x45f: {  	p0 =	slt.u32 s17, $0x7C0;
	v7 =	vmov v32;
	v23 =	vmul.f32 v23, v18;
	v32 =	vld [tilespmem:s20+$0xFFFFFFE0]  }
.Ltmp6:
0x460: {  	v28 =	vld [tilespmem:s20+$0x10];
	(pc) =	sbr.rel @p0 .LBB2_14-.Ltmp6, $4  }
0x461: {  	vm9 =	vmmov vm1;
	vm8 =	vmmov vm2;
	v18 =	vperm.xlane v19, v1;
	(xrf2) =	vadd.scan.msk.f32 $0xffff, v23;
	v23 =	vld.idx.msk [tilespmem:v14+s26+$0x0], $0xffff  }
0x462: {  	vm10 =	vmmov vm12;
	v29 =	vmul.f32 v29, v24;
	v21 =	vmul.f32 v26, v27;
	v24, _, _ =	vpop (xrf2);
	v26 =	vld.idx.msk [tilespmem:v20+s5+$0x0], $0xffff  }
0x463: {  	vm6 =	vmmov vm13;
	vm2 =	vmmov vm0;
	vm4 =	vmmov vm14;
	[tilespmem:v5+s8+$0x0] =	vst.idx.add.f32.msk vm3, v24  }
0x464: {  	s19 =	smov.u32 s20;
	s22 =	sadd.s32 $0x40, s22;
	vm12 =	vne.s32 v19, v18;
	v27 =	vmul.f32 v32, v31;
	v30 =	vsub.f32 $0.0e+00, v24;
	(xrf2) =	vadd.scan.msk.f32 $0xffff, v21;
	v21 =	vld [tilespmem:s21+$0xFFFFFFE0]  }
0x465: {  	_ =	sdelay $0x4  }
0x466: {  	[tilespmem:v7+s8+$0x0] =	vst.idx.add.f32.msk vm5, v30  }
0x467: {  	v17 =	vld.idx.msk [tilespmem:v17+s28+$0x0], $0xffff  }
0x468: {  	v24 =	vld [tilespmem:s18+$0x0];
	v56, _, _ =	vpop (xrf2)  }
0x469: {  	v55 =	vld [tilespmem:s19+$0xFFFFFFF0];
	v58 =	vsub.f32 $0.0e+00, v56  }
0x46a: {  	v23 =	vmul.f32 v28, v23;
	[tilespmem:v8+s8+$0x0] =	vst.idx.add.f32.msk vm9, v56  }
0x46b: {  	(xrf2) =	vadd.scan.msk.f32 $0xffff, v29;
	[tilespmem:v11+s8+$0x0] =	vst.idx.add.f32.msk vm10, v58;
	v59, _, _ =	vpop (xrf2)  }
0x46c: {  	(xrf2) =	vadd.scan.msk.f32 $0xffff, v23;
	[tilespmem:v4+s8+$0x0] =	vst.idx.add.f32.msk vm6, v59  }
0x46d: {  	(xrf2) =	vadd.scan.msk.f32 $0xffff, v27;
	v17 =	vmul.f32 v24, v17;
	v23 =	vld [tilespmem:$0x1FFF0]  }
0x46e: {  	v57 =	vmul.f32 v55, v26;
	(xrf2) =	vadd.scan.msk.f32 $0xffff, v25  }
0x46f: {  	v26 =	vperm.xlane v9, v1;
	(xrf2) =	vadd.scan.msk.f32 $0xffff, v17  }
0x470: {  	(xrf2) =	vadd.scan.msk.f32 $0xffff, v57  }
0x471: {  	vm1 =	vne.s32 v9, v26  }
0x472: {  	vm0 =	vmor vm1, vm15;
	vm7 =	vnez.u8 v23  }
0x473: {  	v60 =	vimm.s32 $0x0;
	vm1 =	vmand vm1, vm7  }
0x474: {  	v23 =	vsel vm1, $0xFFFFFFFF, v60  }
0x475: {  	v16 =	vld.idx.msk [tilespmem:v16+s28+$0x0], $0xffff;
	v17 =	vsub.f32 $0.0e+00, v59;
	v61, _, _ =	vpop (xrf2);
	[tilespmem:$0x1FF00] =	vst v23  }
0x476: {  	vm14 =	vmor vm12, vm15;
	v62, _, _ =	vpop (xrf2);
	v23 =	vld [tilespmem:s18+$0xFFFFFFF0]  }
0x477: {  	v27, _, _ =	vpop (xrf2);
	vm13 =	vmand vm12, vm7;
	[tilespmem:v6+s8+$0x0] =	vst.idx.add.f32.msk vm4, v17  }
0x478: {  	v38, _, _ =	vpop (xrf2);
	[tilespmem:v9+s7+$0x0] =	vst.idx.add.f32.msk vm0, v61  }
0x479: {  	v37 =	vperm.xlane v21, v1;
	v36 =	vsub.f32 $0.0e+00, v61;
	v39, _, _ =	vpop (xrf2);
	v63 =	vld [tilespmem:s18+$0xFFFFFFE0]  }
0x47a: {  	v40, _, _ =	vpop (xrf2);
	v15 =	vld.idx.msk [tilespmem:v15+s28+$0x0], $0xffff  }
0x47b: {  	v30 =	vsub.f32 $0.0e+00, v40;
	[tilespmem:v26+s7+$0x0] =	vst.idx.add.f32.msk vm1, v36;
	vm1 =	vne.s32 v21, v37  }
0x47c: {  	[tilespmem:v19+s7+$0x0] =	vst.idx.add.f32.msk vm14, v40;
	vm12 =	vmor vm1, vm15  }
0x47d: {  	[tilespmem:v18+s7+$0x0] =	vst.idx.add.f32.msk vm13, v30;
	vm1 =	vmand vm1, vm7  }
0x47e: {  	v31 =	vld [tilespmem:s19+$0x0]  }
0x47f: {  	v32 =	vld.idx.msk [tilespmem:v22+s26+$0x0], $0xffff  }
0x480: {  	v30 =	vld.idx.msk [tilespmem:v20+s26+$0x0], $0xffff;
	v16 =	vmul.f32 v23, v16  }
0x481: {  	v42 =	vsub.f32 $0.0e+00, v27;
	v41 =	vld [tilespmem:s19+$0xFFFFFFF0]  }
0x482: {  	(xrf2) =	vadd.scan.msk.f32 $0xffff, v16;
	[tilespmem:v21+s7+$0x0] =	vst.idx.add.f32.msk vm12, v27  }
0x483: {  	[tilespmem:v37+s7+$0x0] =	vst.idx.add.f32.msk vm1, v42  }
0x484: {  	v15 =	vmul.f32 v63, v15;
	v44 =	vld [tilespmem:s19+$0xFFFFFFE0]  }
0x485: {  	v43 =	vmul.f32 v31, v32;
	v45 =	vld.idx.msk [tilespmem:v13+s26+$0x0], $0xffff  }
0x486: {  	(xrf2) =	vadd.scan.msk.f32 $0xffff, v15;
	v23 =	vmul.f32 v41, v30  }
0x487: {  	(xrf2) =	vadd.scan.msk.f32 $0xffff, v43  }
0x488: {  	(xrf2) =	vadd.scan.msk.f32 $0xffff, v23;
	v47 =	vld [tilespmem:$0x1FF00];
	_ =	sdelay $0x1  }
0x489: {  	v15 =	vmul.f32 v44, v45;
	_ =	sdelay $0x1  }
0x48a: {  	vm0 =	vmmov vm0;
	v48, _, _ =	vpop (xrf2);
	(xrf2) =	vadd.scan.msk.f32 $0xffff, v15  }
0x48b: {  	v46 =	vsub.f32 $0.0e+00, v62;
	vm14 =	vmmov vm14;
	vm15 =	vnez.u8 v47  }
0x48c: {  	[tilespmem:v10+s8+$0x0] =	vst.idx.add.f32.msk vm11, v62;
	vm15 =	vmmov vm15  }
0x48d: {  	[tilespmem:v12+s8+$0x0] =	vst.idx.add.f32.msk vm2, v46  }
0x48e: {  	v16 =	vld [tilespmem:s19+$0x10];
	v49, _, _ =	vpop (xrf2)  }
0x48f: {  	vm7 =	vmmov vm13;
	v14 =	vld.idx.msk [tilespmem:v14+s28+$0x0], $0xffff;
	v50, _, _ =	vpop (xrf2)  }
0x490: {  	vm13 =	vmmov vm12;
	v51 =	vsub.f32 $0.0e+00, v50;
	[tilespmem:v9+s8+$0x0] =	vst.idx.add.f32.msk vm0, v50;
	v52, _, _ =	vpop (xrf2)  }
0x491: {  	[tilespmem:v19+s8+$0x0] =	vst.idx.add.f32.msk vm14, v52  }
0x492: {  	[tilespmem:v26+s8+$0x0] =	vst.idx.add.f32.msk vm15, v51  }
0x493: {  	v23 =	vsub.f32 $0.0e+00, v52;
	v53 =	vld.idx.msk [tilespmem:v22+s28+$0x0], $0xffff  }
0x494: {  	v25 =	vld [tilespmem:s19+$0x0];
	v55, _, _ =	vpop (xrf2)  }
0x495: {  	[tilespmem:v18+s8+$0x0] =	vst.idx.add.f32.msk vm7, v23;
	v23 =	vsub.f32 $0.0e+00, v55  }
0x496: {  	[tilespmem:v21+s8+$0x0] =	vst.idx.add.f32.msk vm13, v55  }
0x497: {  	[tilespmem:v37+s8+$0x0] =	vst.idx.add.f32.msk vm1, v23  }
0x498: {  	v60 =	vld [tilespmem:$0x1FF30]  }
0x499: {  	v54 =	vld.idx.msk [tilespmem:v20+s28+$0x0], $0xffff  }
0x49a: {  	v56 =	vld [tilespmem:s19+$0xFFFFFFF0]  }
0x49b: {  	v57 =	vld [tilespmem:s19+$0xFFFFFFE0]  }
0x49c: {  	v58 =	vld.idx.msk [tilespmem:v13+s28+$0x0], $0xffff  }
0x49d: {  	vm12 =	vmmov vm1;
	v14 =	vmul.f32 v16, v14;
	vm1 =	vnez.u8 v60  }
0x49e: {  	v22 =	vmul.f32 v25, v53  }
0x49f: {  	(xrf2) =	vadd.scan.msk.f32 $0xffff, v14;
	v59 =	vmul.f32 v56, v54  }
0x4a0: {  	(xrf2) =	vadd.scan.msk.f32 $0xffff, v22  }
0x4a1: {  	(xrf2) =	vadd.scan.msk.f32 $0xffff, v59;
	v13 =	vmul.f32 v57, v58  }
0x4a2: {  	[tilespmem:v5+s14+$0x0] =	vst.idx.add.f32.msk vm3, v39  }
0x4a3: {  	(xrf2) =	vadd.scan.msk.f32 $0xffff, v13;
	[tilespmem:v3+s14+$0x0] =	vst.idx.add.f32.msk vm1, v38;
	v3 =	vsub.f32 $0.0e+00, v39  }
0x4a4: {  	v61 =	vsub.f32 $0.0e+00, v38;
	[tilespmem:v8+s14+$0x0] =	vst.idx.add.f32.msk vm9, v48  }
0x4a5: {  	[tilespmem:v7+s14+$0x0] =	vst.idx.add.f32.msk vm5, v3;
	v3 =	vsub.f32 $0.0e+00, v48  }
0x4a6: {  	[tilespmem:v2+s14+$0x0] =	vst.idx.add.f32.msk vm8, v61;
	v2 =	vsub.f32 $0.0e+00, v49  }
0x4a7: {  	[tilespmem:v4+s14+$0x0] =	vst.idx.add.f32.msk vm6, v49  }
0x4a8: {  	[tilespmem:v6+s14+$0x0] =	vst.idx.add.f32.msk vm4, v2  }
0x4a9: {  	[tilespmem:v11+s14+$0x0] =	vst.idx.add.f32.msk vm10, v3;
	vm10 =	vmmov vm2;
	v3, _, _ =	vpop (xrf2)  }
0x4aa: {  	v2, _, _ =	vpop (xrf2);
	[tilespmem:v10+s14+$0x0] =	vst.idx.add.f32.msk vm11, v3  }
0x4ab: {  	v62 =	vsub.f32 $0.0e+00, v2;
	[tilespmem:v9+s14+$0x0] =	vst.idx.add.f32.msk vm0, v2;
	v2, _, _ =	vpop (xrf2)  }
0x4ac: {  	[tilespmem:v19+s14+$0x0] =	vst.idx.add.f32.msk vm14, v2  }
0x4ad: {  	v63 =	vsub.f32 $0.0e+00, v2;
	v2 =	vsub.f32 $0.0e+00, v3;
	v3, _, _ =	vpop (xrf2);
	[tilespmem:v26+s14+$0x0] =	vst.idx.add.f32.msk vm15, v62  }
0x4ae: {  	[tilespmem:v21+s14+$0x0] =	vst.idx.add.f32.msk vm13, v3  }
0x4af: {  	[tilespmem:v12+s14+$0x0] =	vst.idx.add.f32.msk vm10, v2;
	v2 =	vsub.f32 $0.0e+00, v3  }
0x4b0: {  	[tilespmem:v18+s14+$0x0] =	vst.idx.add.f32.msk vm7, v63  }
0x4b1: {  	[tilespmem:v37+s14+$0x0] =	vst.idx.add.f32.msk vm12, v2  }
0x4b2: {  	s18 =	simm.s32 $0x4;
	s17 =	rddreg [dreg:$0xe]  }
0x4b3: {  	[hbm4b:s17+s5] =	stream.linear.scatter [tilespmem:s7], [sflag:$0x4], $0x4000, $0x38;
	[tilespmem:$0x1C800] =	vst v63  }
0x4b4: {  	_ =	swait.ge [sflag:s18], $0x4000  }
0x4b5: {  	[sflag:s18] =	ssyncset.done $0x0  }
0x4b6: {  	s21 =	rddreg [dreg:$0xf];
	[sflag:s18] =	ssyncadd.s32 $0xFFFFC000  }
0x4b7: {  	[hbm4b:s21+s5] =	stream.linear.scatter [tilespmem:s8], [sflag:$0x4], $0x4000, $0x38;
	[tilespmem:$0x1C800] =	vst v63  }
0x4b8: {  	_ =	swait.ge [sflag:s18], $0x4000  }
0x4b9: {  	[sflag:s18] =	ssyncset.done $0x0  }
0x4ba: {  	s22 =	rddreg [dreg:$0x10];
	[sflag:s18] =	ssyncadd.s32 $0xFFFFC000  }
0x4bb: {  	[hbm4b:s22+s5] =	stream.linear.scatter [tilespmem:s14], [sflag:$0x4], $0x4000, $0x38;
	[tilespmem:$0x1C800] =	vst v63  }
0x4bc: {  	_ =	swait.ge [sflag:s18], $0x4000  }
0x4bd: {  	s23 =	rddreg [dreg:$0x12]  }
0x4be: {  	s25 =	rddreg [dreg:$0x11];
	s19 =	sadd.s32 $0x1, s23  }
0x4bf: {  	p0 =	sne.s32 s19, s25  }
.Ltmp7:
0x4c0: {  	_ = 	snop;
	(pc) =	sbr.rel @p0 .LBB2_1-.Ltmp7, $3  }
0x4c1: {  	_ =	sdelay $0x1  }
0x4c2: {  	[sflag:s18] =	ssyncset.done $0x0  }
0x4c3: {  	vm5 =	vmmov vm11;
	[sflag:s18] =	ssyncadd.s32 $0xFFFFC000  }
0x4c4: {  	_ =	sfence.sel $0x180000  }
0x4c5: {  	[bflag:$0x0] =	sbarrier.arrive $0xFFFF  }
0x4c6: {  	_ =	strace $0x9000004A  }
0x4c7: {  	s0 =	stileid.u32;
	[bflag:$0x2] =	sbarrier.arrive $0xFFFF  }
0x4c8: {  	p0 =	sne.s32 s0, $0x0;
	s0 =	rddreg [dreg:$0x5]  }
0x4c9: {  	s0 =	sadd.s32 @!p0 $0x100000, s0  }
0x4ca: {  	[sflag:s0] =	ssyncadd.tile.s32 @!p0 $0x1;
	_ =	shalt  }
.Lfunc_end2:
_tile_overlayer_lowered:
.L_overlay_start_2:
0x4cb: {  	(tag) =	ssettag $0x2  }
0x4cc: {  	s0 =	rddreg [dreg:$0x0];
	s2 =	stileid.u32  }
0x4cd: {  	s1 =	rddreg [dreg:$0x1];
	p0 =	sne.s32 s2, $0x0  }
0x4ce: {  	s3 =	rddreg [dreg:$0x2];
	[bflag:$0x3] =	sbarrier.arrive $0xFFFF;
	s2 =	simm.s32 @!p0 $0x1C04  }
0x4cf: {  	[timem:s3], [sflag:s2] =	dma.local @!p0 [hbm:s0], s1  }
0x4d0: {  	s0 =	simm.s32 @!p0 $0x4  }
0x4d1: {  	_ =	swait.ge @!p0 [sflag:s0], s1  }
0x4d2: {  	s1 =	ssub.s32 @!p0 $0x0, s1;
	[sflag:s0] =	ssyncset.done @!p0 $0x0  }
0x4d3: {  	[sflag:s0] =	ssyncadd.s32 @!p0 s1  }
0x4d4: {  	[bflag:$0x3] =	sbarrier.arrive $0xFFFF  }
0x4d5: {  	_ =	shalt  }

</sc_bundles>
